<compile_context>
chip_gen: v7x
topology: tpu7x:2x2x1
jax: 0.10.2.dev20260603
libtpu: 0.0.44.dev20260713+nightly
codegen_flags: <defaults>
</compile_context>

<pallas_src>
import jax
import jax.numpy as jnp
from jax import lax
from jax.experimental import pallas as pl
from jax.experimental.pallas import tpu as pltpu
from jax.experimental.pallas import tpu_sc as plsc

_BSZ = 4
_SEQ = 4096
_DIM = 1024
_NC = 2
_NS = 16
_NW = _NC * _NS
_CHUNK = 32
_NRING = 3
_SEQ_PER_W = _SEQ // _NW
_N_SUB = _SEQ_PER_W // _CHUNK
_L = 16


def _body(inp_hbm, w_hbm, out_hbm, wbufs, tokbuf, cidx, ridx, rowsbuf,
          load_sem, scat_sem, tok_sem, gat_sem, rare_sem):
    wid = lax.axis_index("s") * _NC + lax.axis_index("c")
    base0 = wid * _SEQ_PER_W

    for b in range(_BSZ):
        pltpu.make_async_copy(
            inp_hbm.at[pl.ds(b * _SEQ + base0, _SEQ_PER_W)],
            tokbuf.at[b], tok_sem).start()

    def start_gather(s):
        slot = s % _NRING
        for g in range(_CHUNK // _L):
            iota = lax.broadcasted_iota(jnp.int32, (_L,), 0)
            cidx[slot, pl.ds(g * _L, _L)] = (
                base0 + s * _CHUNK + 1 + g * _L + iota)
        pltpu.make_async_copy(w_hbm.at[cidx.at[slot]], wbufs.at[slot],
                              load_sem).start()

    start_gather(0)
    start_gather(1)

    for b in range(_BSZ):
        pltpu.make_async_copy(
            inp_hbm.at[pl.ds(0, _SEQ_PER_W)], tokbuf.at[0], tok_sem).wait()

    out_slot = out_hbm.at[pl.ds(0, _CHUNK)]
    out_half = out_hbm.at[pl.ds(0, _L)]
    commons = []
    for s in range(_N_SUB):
        wbuf = wbufs.at[s % _NRING]

        pltpu.make_async_copy(w_hbm.at[cidx.at[s % _NRING]], wbuf,
                              load_sem).wait()

        off = s * _CHUNK
        base = base0 + off
        common = []
        for b in range(_BSZ):
            npad = jnp.int32(0)
            for g in range(_CHUNK // _L):
                tok = tokbuf[b, pl.ds(off + g * _L, _L)]
                npad = npad + jnp.sum(jnp.where(tok == 0, 1, 0))
            is_common = npad == 0
            common.append(is_common)
            flat = b * _SEQ + base

            @pl.when(is_common)
            def _():
                pltpu.make_async_copy(wbuf, out_hbm.at[pl.ds(flat, _CHUNK)],
                                      scat_sem).start()

            @pl.when(jnp.logical_not(is_common))
            def _():
                for h in range(_CHUNK // _L):
                    tok = tokbuf[b, pl.ds(off + h * _L, _L)]
                    iota = lax.broadcasted_iota(jnp.int32, (_L,), 0)
                    ridx[...] = jnp.where(
                        tok == 0, 0, base + 1 + h * _L + iota)
                    pltpu.make_async_copy(w_hbm.at[ridx], rowsbuf,
                                          gat_sem).start()
                    pltpu.make_async_copy(w_hbm.at[ridx], rowsbuf,
                                          gat_sem).wait()
                    pltpu.make_async_copy(
                        rowsbuf, out_hbm.at[pl.ds(flat + h * _L, _L)],
                        rare_sem).start()
                    pltpu.make_async_copy(rowsbuf, out_half, rare_sem).wait()

        commons.append(common)

        if s + 2 < _N_SUB:
            if s >= 1:
                for b in range(_BSZ):
                    @pl.when(commons[s - 1][b])
                    def _():
                        pltpu.make_async_copy(wbufs.at[(s - 1) % _NRING],
                                              out_slot, scat_sem).wait()
            start_gather(s + 2)

    for s in range(max(0, _N_SUB - 3), _N_SUB):
        for b in range(_BSZ):
            @pl.when(commons[s][b])
            def _():
                pltpu.make_async_copy(wbufs.at[s % _NRING], out_slot,
                                      scat_sem).wait()


@jax.jit
def _sc_embed(inp_flat, weights):
    mesh = plsc.VectorSubcoreMesh(
        core_axis_name="c", subcore_axis_name="s",
        num_cores=_NC, num_subcores=_NS,
    )
    return pl.kernel(
        _body,
        out_type=jax.ShapeDtypeStruct((_BSZ * _SEQ, _DIM), jnp.float32),
        mesh=mesh,
        scratch_types=[
            pltpu.VMEM((_NRING, _CHUNK, _DIM), jnp.float32),
            pltpu.VMEM((_BSZ, _SEQ_PER_W), jnp.int32),
            pltpu.VMEM((_NRING, _CHUNK), jnp.int32),
            pltpu.VMEM((_L,), jnp.int32),
            pltpu.VMEM((_L, _DIM), jnp.float32),
            pltpu.SemaphoreType.DMA,
            pltpu.SemaphoreType.DMA,
            pltpu.SemaphoreType.DMA,
            pltpu.SemaphoreType.DMA,
            pltpu.SemaphoreType.DMA,
        ],
        compiler_params=pltpu.CompilerParams(
            needs_layout_passes=False, skip_device_barrier=True
        ),
    )(inp_flat, weights)


def kernel(input, weights):
    out = _sc_embed(input.reshape(-1), weights)
    return out.reshape(_BSZ, _SEQ, _DIM)

# --- scband reference (transcript-rebuilt; emitter-appended) ---
"""Pipeline reference for scband-sinusoidal-positional-embedding-14972255994257 (READ-ONLY COPY).

The authoritative reference and input builder live on the scoring server;
editing this copy changes nothing except your own understanding.
"""

import math
import jax, jax.numpy as jnp
import numpy as np

EMBEDDING_DIM = 1024
PADDING_IDX = 0
LEFT_PAD = False
INIT_SIZE = 8192
BSZ = 4
SEQ_LEN = 4096
VOCAB = 32000


def get_embedding(num_embeddings, embedding_dim, padding_idx=None):
    half_dim = embedding_dim // 2
    scale = math.log(10000) / (half_dim - 1)
    emb = jnp.exp(jnp.arange(half_dim, dtype=jnp.float32) * -scale)
    emb = jnp.arange(num_embeddings, dtype=jnp.float32)[:, None] * emb[None, :]
    emb = jnp.concatenate([jnp.sin(emb), jnp.cos(emb)], axis=1).reshape(num_embeddings, -1)
    if embedding_dim % 2 == 1:
        emb = jnp.concatenate([emb, jnp.zeros((num_embeddings, 1), dtype=jnp.float32)], axis=1)
    if padding_idx is not None:
        emb = emb.at[padding_idx, :].set(0.0)
    return emb


def setup_inputs(seed: int = 0) -> dict:
    key = jax.random.key(seed)
    inp = jax.random.randint(key, (BSZ, SEQ_LEN), 0, VOCAB, dtype=jnp.int32)
    weights = get_embedding(INIT_SIZE, EMBEDDING_DIM, PADDING_IDX)
    return {"input": inp, "weights": weights}


def make_positions(tensor, padding_idx, left_pad):
    seq_len = tensor.shape[1]
    pos_range = jnp.arange(padding_idx + 1, padding_idx + 1 + seq_len, dtype=tensor.dtype)
    mask = tensor != padding_idx
    positions = jnp.broadcast_to(pos_range[None, :], tensor.shape)
    if left_pad:
        positions = positions - seq_len + jnp.sum(mask.astype(tensor.dtype), axis=1, keepdims=True)
    # masked_scatter_: keep original value (== padding_idx) where padded,
    # write position numbers where non-padding.
    return jnp.where(mask, positions, tensor)


def reference(input, weights):
    bsz, seq_len = input.shape
    positions = make_positions(input, PADDING_IDX, LEFT_PAD)
    out = jnp.take(weights, positions.reshape(-1), axis=0)
    return out.reshape(bsz, seq_len, -1)

if __name__ == "__main__":
    import jax
    _d = setup_inputs()
    print(jax.jit(kernel)(*tuple(_d.values())))

</pallas_src>

<mosaic_0001>
#map = affine_map<(d0, d1) -> (0)>
#map1 = affine_map<(d0, d1) -> (0, 0)>
module attributes {stable_mosaic.version = 14 : i64} {
  func.func @_body(%arg0: i32, %arg1: i32, %arg2: memref<16384xi32, #tpu.memory_space<hbm>>, %arg3: memref<8192x1024xf32, #tpu.memory_space<hbm>>, %arg4: memref<16384x1024xf32, #tpu.memory_space<hbm>>, %arg5: memref<3x32x1024xf32, #tpu.memory_space<vmem>>, %arg6: memref<4x128xi32, #tpu.memory_space<vmem>>, %arg7: memref<3x32xi32, #tpu.memory_space<vmem>>, %arg8: memref<16xi32, #tpu.memory_space<vmem>>, %arg9: memref<16x1024xf32, #tpu.memory_space<vmem>>, %arg10: memref<!tpu.dma_semaphore, #tpu.memory_space<semaphore_mem>>, %arg11: memref<!tpu.dma_semaphore, #tpu.memory_space<semaphore_mem>>, %arg12: memref<!tpu.dma_semaphore, #tpu.memory_space<semaphore_mem>>, %arg13: memref<!tpu.dma_semaphore, #tpu.memory_space<semaphore_mem>>, %arg14: memref<!tpu.dma_semaphore, #tpu.memory_space<semaphore_mem>>) attributes {dimension_semantics = [#tpu.dimension_semantics<core_parallel>, #tpu.dimension_semantics<subcore_parallel>], iteration_bounds = array<i64: 2, 16>, scalar_prefetch = 0 : i64, scratch_operands = 10 : i64, tpu.core_type = #tpu.core_type<sc_vector_subcore>, window_params = [{transform_indices = #map}, {transform_indices = #map1}, {transform_indices = #map1}]} {
    %mul3A = arith.constant 2 : i32
    %mul3A_0 = arith.muli %arg1, %mul3A : i32
    %add3A = arith.addi %mul3A_0, %arg0 : i32
    %mul3A_1 = arith.constant 128 : i32
    %mul3A_2 = arith.muli %add3A, %mul3A_1 : i32
    %add3A_3 = arith.constant 0 : i32
    %add3A_4 = arith.addi %add3A_3, %mul3A_2 : i32
    %dma_start3A = arith.constant 0 : i32
    %dma_start3A_5 = arith.constant 0 : i32
    %dma_start3A_6 = tpu.memref_slice %arg6[%dma_start3A, %dma_start3A_5] : memref<4x128xi32, #tpu.memory_space<vmem>> -> memref<1x128xi32, #tpu.memory_space<vmem>>
    %dma_start3A_7 = tpu.memref_squeeze %dma_start3A_6 : memref<1x128xi32, #tpu.memory_space<vmem>> -> memref<128xi32, #tpu.memory_space<vmem>>
    %dma_start3A_8 = tpu.memref_slice %arg2[%add3A_4] : memref<16384xi32, #tpu.memory_space<hbm>> -> memref<128xi32, #tpu.memory_space<hbm>>
    %dma_start3A_9 = arith.constant 0 : i32
    %dma_start3A_10 = tpu.memref_slice %arg6[%dma_start3A, %dma_start3A_9] : memref<4x128xi32, #tpu.memory_space<vmem>> -> memref<1x128xi32, #tpu.memory_space<vmem>>
    %dma_start3A_11 = tpu.memref_squeeze %dma_start3A_10 : memref<1x128xi32, #tpu.memory_space<vmem>> -> memref<128xi32, #tpu.memory_space<vmem>>
    %dma_start3A_12 = tpu.memref_slice %arg2[%add3A_4] : memref<16384xi32, #tpu.memory_space<hbm>> -> memref<128xi32, #tpu.memory_space<hbm>>
    tpu.enqueue_dma source(%dma_start3A_12 : memref<128xi32, #tpu.memory_space<hbm>>) target(%dma_start3A_11 : memref<128xi32, #tpu.memory_space<vmem>>) target_semaphore(%arg12 : memref<!tpu.dma_semaphore, #tpu.memory_space<semaphore_mem>>)
    %add3A_13 = arith.constant 4096 : i32
    %add3A_14 = arith.addi %add3A_13, %mul3A_2 : i32
    %dma_start3A_15 = arith.constant 1 : i32
    %dma_start3A_16 = arith.constant 0 : i32
    %dma_start3A_17 = tpu.memref_slice %arg6[%dma_start3A_15, %dma_start3A_16] : memref<4x128xi32, #tpu.memory_space<vmem>> -> memref<1x128xi32, #tpu.memory_space<vmem>>
    %dma_start3A_18 = tpu.memref_squeeze %dma_start3A_17 : memref<1x128xi32, #tpu.memory_space<vmem>> -> memref<128xi32, #tpu.memory_space<vmem>>
    %dma_start3A_19 = tpu.memref_slice %arg2[%add3A_14] : memref<16384xi32, #tpu.memory_space<hbm>> -> memref<128xi32, #tpu.memory_space<hbm>>
    %dma_start3A_20 = arith.constant 0 : i32
    %dma_start3A_21 = tpu.memref_slice %arg6[%dma_start3A_15, %dma_start3A_20] : memref<4x128xi32, #tpu.memory_space<vmem>> -> memref<1x128xi32, #tpu.memory_space<vmem>>
    %dma_start3A_22 = tpu.memref_squeeze %dma_start3A_21 : memref<1x128xi32, #tpu.memory_space<vmem>> -> memref<128xi32, #tpu.memory_space<vmem>>
    %dma_start3A_23 = tpu.memref_slice %arg2[%add3A_14] : memref<16384xi32, #tpu.memory_space<hbm>> -> memref<128xi32, #tpu.memory_space<hbm>>
    tpu.enqueue_dma source(%dma_start3A_23 : memref<128xi32, #tpu.memory_space<hbm>>) target(%dma_start3A_22 : memref<128xi32, #tpu.memory_space<vmem>>) target_semaphore(%arg12 : memref<!tpu.dma_semaphore, #tpu.memory_space<semaphore_mem>>)
    %add3A_24 = arith.constant 8192 : i32
    %add3A_25 = arith.addi %add3A_24, %mul3A_2 : i32
    %dma_start3A_26 = arith.constant 2 : i32
    %dma_start3A_27 = arith.constant 0 : i32
    %dma_start3A_28 = tpu.memref_slice %arg6[%dma_start3A_26, %dma_start3A_27] : memref<4x128xi32, #tpu.memory_space<vmem>> -> memref<1x128xi32, #tpu.memory_space<vmem>>
    %dma_start3A_29 = tpu.memref_squeeze %dma_start3A_28 : memref<1x128xi32, #tpu.memory_space<vmem>> -> memref<128xi32, #tpu.memory_space<vmem>>
    %dma_start3A_30 = tpu.memref_slice %arg2[%add3A_25] : memref<16384xi32, #tpu.memory_space<hbm>> -> memref<128xi32, #tpu.memory_space<hbm>>
    %dma_start3A_31 = arith.constant 0 : i32
    %dma_start3A_32 = tpu.memref_slice %arg6[%dma_start3A_26, %dma_start3A_31] : memref<4x128xi32, #tpu.memory_space<vmem>> -> memref<1x128xi32, #tpu.memory_space<vmem>>
    %dma_start3A_33 = tpu.memref_squeeze %dma_start3A_32 : memref<1x128xi32, #tpu.memory_space<vmem>> -> memref<128xi32, #tpu.memory_space<vmem>>
    %dma_start3A_34 = tpu.memref_slice %arg2[%add3A_25] : memref<16384xi32, #tpu.memory_space<hbm>> -> memref<128xi32, #tpu.memory_space<hbm>>
    tpu.enqueue_dma source(%dma_start3A_34 : memref<128xi32, #tpu.memory_space<hbm>>) target(%dma_start3A_33 : memref<128xi32, #tpu.memory_space<vmem>>) target_semaphore(%arg12 : memref<!tpu.dma_semaphore, #tpu.memory_space<semaphore_mem>>)
    %add3A_35 = arith.constant 12288 : i32
    %add3A_36 = arith.addi %add3A_35, %mul3A_2 : i32
    %dma_start3A_37 = arith.constant 3 : i32
    %dma_start3A_38 = arith.constant 0 : i32
    %dma_start3A_39 = tpu.memref_slice %arg6[%dma_start3A_37, %dma_start3A_38] : memref<4x128xi32, #tpu.memory_space<vmem>> -> memref<1x128xi32, #tpu.memory_space<vmem>>
    %dma_start3A_40 = tpu.memref_squeeze %dma_start3A_39 : memref<1x128xi32, #tpu.memory_space<vmem>> -> memref<128xi32, #tpu.memory_space<vmem>>
    %dma_start3A_41 = tpu.memref_slice %arg2[%add3A_36] : memref<16384xi32, #tpu.memory_space<hbm>> -> memref<128xi32, #tpu.memory_space<hbm>>
    %dma_start3A_42 = arith.constant 0 : i32
    %dma_start3A_43 = tpu.memref_slice %arg6[%dma_start3A_37, %dma_start3A_42] : memref<4x128xi32, #tpu.memory_space<vmem>> -> memref<1x128xi32, #tpu.memory_space<vmem>>
    %dma_start3A_44 = tpu.memref_squeeze %dma_start3A_43 : memref<1x128xi32, #tpu.memory_space<vmem>> -> memref<128xi32, #tpu.memory_space<vmem>>
    %dma_start3A_45 = tpu.memref_slice %arg2[%add3A_36] : memref<16384xi32, #tpu.memory_space<hbm>> -> memref<128xi32, #tpu.memory_space<hbm>>
    tpu.enqueue_dma source(%dma_start3A_45 : memref<128xi32, #tpu.memory_space<hbm>>) target(%dma_start3A_44 : memref<128xi32, #tpu.memory_space<vmem>>) target_semaphore(%arg12 : memref<!tpu.dma_semaphore, #tpu.memory_space<semaphore_mem>>)
    %iota3A = tpu.iota {dimensions = array<i32: 0>} : vector<16xi32>
    %add3A_46 = arith.constant 0 : i32
    %add3A_47 = arith.addi %mul3A_2, %add3A_46 : i32
    %add3A_48 = arith.constant 1 : i32
    %add3A_49 = arith.addi %add3A_47, %add3A_48 : i32
    %add3A_50 = arith.constant 0 : i32
    %add3A_51 = arith.addi %add3A_49, %add3A_50 : i32
    %add3A_52 = vector.broadcast %add3A_51 : i32 to vector<16xi32>
    %add3A_53 = arith.addi %add3A_52, %iota3A : vector<16xi32>
    %swap3A = arith.constant 0 : i32
    %swap3A_54 = arith.index_cast %swap3A : i32 to index
    %swap3A_55 = arith.constant 0 : index
    %swap3A_56 = tpu.vector_load %arg7[%swap3A_54, %swap3A_55] {strides = array<i32>} : memref<3x32xi32, #tpu.memory_space<vmem>>, vector<16xi32>,
    tpu.vector_store %arg7[%swap3A_54, %swap3A_55], %add3A_53 {strides = array<i32>} : memref<3x32xi32, #tpu.memory_space<vmem>>, vector<16xi32>,
    %iota3A_57 = tpu.iota {dimensions = array<i32: 0>} : vector<16xi32>
    %add3A_58 = arith.constant 0 : i32
    %add3A_59 = arith.addi %mul3A_2, %add3A_58 : i32
    %add3A_60 = arith.constant 1 : i32
    %add3A_61 = arith.addi %add3A_59, %add3A_60 : i32
    %add3A_62 = arith.constant 16 : i32
    %add3A_63 = arith.addi %add3A_61, %add3A_62 : i32
    %add3A_64 = vector.broadcast %add3A_63 : i32 to vector<16xi32>
    %add3A_65 = arith.addi %add3A_64, %iota3A_57 : vector<16xi32>
    %swap3A_66 = arith.constant 0 : i32
    %swap3A_67 = arith.index_cast %swap3A_66 : i32 to index
    %swap3A_68 = arith.constant 16 : index
    %swap3A_69 = tpu.vector_load %arg7[%swap3A_67, %swap3A_68] {strides = array<i32>} : memref<3x32xi32, #tpu.memory_space<vmem>>, vector<16xi32>,
    tpu.vector_store %arg7[%swap3A_67, %swap3A_68], %add3A_65 {strides = array<i32>} : memref<3x32xi32, #tpu.memory_space<vmem>>, vector<16xi32>,
    %dma_start3A_70 = arith.constant 0 : i32
    %dma_start3A_71 = arith.constant 0 : i32
    %dma_start3A_72 = arith.constant 0 : i32
    %dma_start3A_73 = arith.constant 0 : i32
    %dma_start3A_74 = tpu.memref_slice %arg5[%dma_start3A_71, %dma_start3A_72, %dma_start3A_73] : memref<3x32x1024xf32, #tpu.memory_space<vmem>> -> memref<1x32x1024xf32, #tpu.memory_space<vmem>>
    %dma_start3A_75 = tpu.memref_squeeze %dma_start3A_74 : memref<1x32x1024xf32, #tpu.memory_space<vmem>> -> memref<32x1024xf32, #tpu.memory_space<vmem>>
    %dma_start3A_76 = arith.constant 0 : i32
    %dma_start3A_77 = tpu.memref_slice %arg7[%dma_start3A_70, %dma_start3A_76] : memref<3x32xi32, #tpu.memory_space<vmem>> -> memref<1x32xi32, #tpu.memory_space<vmem>>
    %dma_start3A_78 = tpu.memref_squeeze %dma_start3A_77 : memref<1x32xi32, #tpu.memory_space<vmem>> -> memref<32xi32, #tpu.memory_space<vmem>>
    %dma_start3A_79 = arith.constant 0 : i32
    %dma_start3A_80 = arith.constant 0 : i32
    %dma_start3A_81 = tpu.memref_slice %arg3[%dma_start3A_79, %dma_start3A_80] : memref<8192x1024xf32, #tpu.memory_space<hbm>> -> memref<8192x1024xf32, #tpu.memory_space<hbm>>
    tpu.enqueue_indirect_dma source(%dma_start3A_81 : memref<8192x1024xf32, #tpu.memory_space<hbm>>) target(%dma_start3A_75 : memref<32x1024xf32, #tpu.memory_space<vmem>>) offsets(%dma_start3A_78 : memref<32xi32, #tpu.memory_space<vmem>>) semaphore(%arg10 : memref<!tpu.dma_semaphore, #tpu.memory_space<semaphore_mem>>)
    %iota3A_82 = tpu.iota {dimensions = array<i32: 0>} : vector<16xi32>
    %add3A_83 = arith.constant 32 : i32
    %add3A_84 = arith.addi %mul3A_2, %add3A_83 : i32
    %add3A_85 = arith.constant 1 : i32
    %add3A_86 = arith.addi %add3A_84, %add3A_85 : i32
    %add3A_87 = arith.constant 0 : i32
    %add3A_88 = arith.addi %add3A_86, %add3A_87 : i32
    %add3A_89 = vector.broadcast %add3A_88 : i32 to vector<16xi32>
    %add3A_90 = arith.addi %add3A_89, %iota3A_82 : vector<16xi32>
    %swap3A_91 = arith.constant 1 : i32
    %swap3A_92 = arith.index_cast %swap3A_91 : i32 to index
    %swap3A_93 = arith.constant 0 : index
    %swap3A_94 = tpu.vector_load %arg7[%swap3A_92, %swap3A_93] {strides = array<i32>} : memref<3x32xi32, #tpu.memory_space<vmem>>, vector<16xi32>,
    tpu.vector_store %arg7[%swap3A_92, %swap3A_93], %add3A_90 {strides = array<i32>} : memref<3x32xi32, #tpu.memory_space<vmem>>, vector<16xi32>,
    %iota3A_95 = tpu.iota {dimensions = array<i32: 0>} : vector<16xi32>
    %add3A_96 = arith.constant 32 : i32
    %add3A_97 = arith.addi %mul3A_2, %add3A_96 : i32
    %add3A_98 = arith.constant 1 : i32
    %add3A_99 = arith.addi %add3A_97, %add3A_98 : i32
    %add3A_100 = arith.constant 16 : i32
    %add3A_101 = arith.addi %add3A_99, %add3A_100 : i32
    %add3A_102 = vector.broadcast %add3A_101 : i32 to vector<16xi32>
    %add3A_103 = arith.addi %add3A_102, %iota3A_95 : vector<16xi32>
    %swap3A_104 = arith.constant 1 : i32
    %swap3A_105 = arith.index_cast %swap3A_104 : i32 to index
    %swap3A_106 = arith.constant 16 : index
    %swap3A_107 = tpu.vector_load %arg7[%swap3A_105, %swap3A_106] {strides = array<i32>} : memref<3x32xi32, #tpu.memory_space<vmem>>, vector<16xi32>,
    tpu.vector_store %arg7[%swap3A_105, %swap3A_106], %add3A_103 {strides = array<i32>} : memref<3x32xi32, #tpu.memory_space<vmem>>, vector<16xi32>,
    %dma_start3A_108 = arith.constant 1 : i32
    %dma_start3A_109 = arith.constant 1 : i32
    %dma_start3A_110 = arith.constant 0 : i32
    %dma_start3A_111 = arith.constant 0 : i32
    %dma_start3A_112 = tpu.memref_slice %arg5[%dma_start3A_109, %dma_start3A_110, %dma_start3A_111] : memref<3x32x1024xf32, #tpu.memory_space<vmem>> -> memref<1x32x1024xf32, #tpu.memory_space<vmem>>
    %dma_start3A_113 = tpu.memref_squeeze %dma_start3A_112 : memref<1x32x1024xf32, #tpu.memory_space<vmem>> -> memref<32x1024xf32, #tpu.memory_space<vmem>>
    %dma_start3A_114 = arith.constant 0 : i32
    %dma_start3A_115 = tpu.memref_slice %arg7[%dma_start3A_108, %dma_start3A_114] : memref<3x32xi32, #tpu.memory_space<vmem>> -> memref<1x32xi32, #tpu.memory_space<vmem>>
    %dma_start3A_116 = tpu.memref_squeeze %dma_start3A_115 : memref<1x32xi32, #tpu.memory_space<vmem>> -> memref<32xi32, #tpu.memory_space<vmem>>
    %dma_start3A_117 = arith.constant 0 : i32
    %dma_start3A_118 = arith.constant 0 : i32
    %dma_start3A_119 = tpu.memref_slice %arg3[%dma_start3A_117, %dma_start3A_118] : memref<8192x1024xf32, #tpu.memory_space<hbm>> -> memref<8192x1024xf32, #tpu.memory_space<hbm>>
    tpu.enqueue_indirect_dma source(%dma_start3A_119 : memref<8192x1024xf32, #tpu.memory_space<hbm>>) target(%dma_start3A_113 : memref<32x1024xf32, #tpu.memory_space<vmem>>) offsets(%dma_start3A_116 : memref<32xi32, #tpu.memory_space<vmem>>) semaphore(%arg10 : memref<!tpu.dma_semaphore, #tpu.memory_space<semaphore_mem>>)
    %dma_wait3A = arith.constant 0 : i32
    %dma_wait3A_120 = arith.constant 0 : i32
    %dma_wait3A_121 = tpu.memref_slice %arg6[%dma_wait3A, %dma_wait3A_120] : memref<4x128xi32, #tpu.memory_space<vmem>> -> memref<1x128xi32, #tpu.memory_space<vmem>>
    %dma_wait3A_122 = tpu.memref_squeeze %dma_wait3A_121 : memref<1x128xi32, #tpu.memory_space<vmem>> -> memref<128xi32, #tpu.memory_space<vmem>>
    %dma_wait3A_123 = arith.constant 0 : i32
    %dma_wait3A_124 = tpu.memref_slice %arg2[%dma_wait3A_123] : memref<16384xi32, #tpu.memory_space<hbm>> -> memref<128xi32, #tpu.memory_space<hbm>>
    %dma_wait3A_125 = arith.constant 0 : i32
    %dma_wait3A_126 = tpu.memref_slice %arg6[%dma_wait3A, %dma_wait3A_125] : memref<4x128xi32, #tpu.memory_space<vmem>> -> memref<1x128xi32, #tpu.memory_space<vmem>>
    %dma_wait3A_127 = tpu.memref_squeeze %dma_wait3A_126 : memref<1x128xi32, #tpu.memory_space<vmem>> -> memref<128xi32, #tpu.memory_space<vmem>>
    %dma_wait3A_128 = arith.constant 0 : i32
    %dma_wait3A_129 = tpu.memref_slice %arg2[%dma_wait3A_128] : memref<16384xi32, #tpu.memory_space<hbm>> -> memref<128xi32, #tpu.memory_space<hbm>>
    tpu.wait_dma2 semaphore(%arg12 : memref<!tpu.dma_semaphore, #tpu.memory_space<semaphore_mem>>) src(%dma_wait3A_129 : memref<128xi32, #tpu.memory_space<hbm>>) dst(%dma_wait3A_127 : memref<128xi32, #tpu.memory_space<vmem>>)
    %dma_wait3A_130 = arith.constant 0 : i32
    %dma_wait3A_131 = arith.constant 0 : i32
    %dma_wait3A_132 = tpu.memref_slice %arg6[%dma_wait3A_130, %dma_wait3A_131] : memref<4x128xi32, #tpu.memory_space<vmem>> -> memref<1x128xi32, #tpu.memory_space<vmem>>
    %dma_wait3A_133 = tpu.memref_squeeze %dma_wait3A_132 : memref<1x128xi32, #tpu.memory_space<vmem>> -> memref<128xi32, #tpu.memory_space<vmem>>
    %dma_wait3A_134 = arith.constant 0 : i32
    %dma_wait3A_135 = tpu.memref_slice %arg2[%dma_wait3A_134] : memref<16384xi32, #tpu.memory_space<hbm>> -> memref<128xi32, #tpu.memory_space<hbm>>
    %dma_wait3A_136 = arith.constant 0 : i32
    %dma_wait3A_137 = tpu.memref_slice %arg6[%dma_wait3A_130, %dma_wait3A_136] : memref<4x128xi32, #tpu.memory_space<vmem>> -> memref<1x128xi32, #tpu.memory_space<vmem>>
    %dma_wait3A_138 = tpu.memref_squeeze %dma_wait3A_137 : memref<1x128xi32, #tpu.memory_space<vmem>> -> memref<128xi32, #tpu.memory_space<vmem>>
    %dma_wait3A_139 = arith.constant 0 : i32
    %dma_wait3A_140 = tpu.memref_slice %arg2[%dma_wait3A_139] : memref<16384xi32, #tpu.memory_space<hbm>> -> memref<128xi32, #tpu.memory_space<hbm>>
    tpu.wait_dma2 semaphore(%arg12 : memref<!tpu.dma_semaphore, #tpu.memory_space<semaphore_mem>>) src(%dma_wait3A_140 : memref<128xi32, #tpu.memory_space<hbm>>) dst(%dma_wait3A_138 : memref<128xi32, #tpu.memory_space<vmem>>)
    %dma_wait3A_141 = arith.constant 0 : i32
    %dma_wait3A_142 = arith.constant 0 : i32
    %dma_wait3A_143 = tpu.memref_slice %arg6[%dma_wait3A_141, %dma_wait3A_142] : memref<4x128xi32, #tpu.memory_space<vmem>> -> memref<1x128xi32, #tpu.memory_space<vmem>>
    %dma_wait3A_144 = tpu.memref_squeeze %dma_wait3A_143 : memref<1x128xi32, #tpu.memory_space<vmem>> -> memref<128xi32, #tpu.memory_space<vmem>>
    %dma_wait3A_145 = arith.constant 0 : i32
    %dma_wait3A_146 = tpu.memref_slice %arg2[%dma_wait3A_145] : memref<16384xi32, #tpu.memory_space<hbm>> -> memref<128xi32, #tpu.memory_space<hbm>>
    %dma_wait3A_147 = arith.constant 0 : i32
    %dma_wait3A_148 = tpu.memref_slice %arg6[%dma_wait3A_141, %dma_wait3A_147] : memref<4x128xi32, #tpu.memory_space<vmem>> -> memref<1x128xi32, #tpu.memory_space<vmem>>
    %dma_wait3A_149 = tpu.memref_squeeze %dma_wait3A_148 : memref<1x128xi32, #tpu.memory_space<vmem>> -> memref<128xi32, #tpu.memory_space<vmem>>
    %dma_wait3A_150 = arith.constant 0 : i32
    %dma_wait3A_151 = tpu.memref_slice %arg2[%dma_wait3A_150] : memref<16384xi32, #tpu.memory_space<hbm>> -> memref<128xi32, #tpu.memory_space<hbm>>
    tpu.wait_dma2 semaphore(%arg12 : memref<!tpu.dma_semaphore, #tpu.memory_space<semaphore_mem>>) src(%dma_wait3A_151 : memref<128xi32, #tpu.memory_space<hbm>>) dst(%dma_wait3A_149 : memref<128xi32, #tpu.memory_space<vmem>>)
    %dma_wait3A_152 = arith.constant 0 : i32
    %dma_wait3A_153 = arith.constant 0 : i32
    %dma_wait3A_154 = tpu.memref_slice %arg6[%dma_wait3A_152, %dma_wait3A_153] : memref<4x128xi32, #tpu.memory_space<vmem>> -> memref<1x128xi32, #tpu.memory_space<vmem>>
    %dma_wait3A_155 = tpu.memref_squeeze %dma_wait3A_154 : memref<1x128xi32, #tpu.memory_space<vmem>> -> memref<128xi32, #tpu.memory_space<vmem>>
    %dma_wait3A_156 = arith.constant 0 : i32
    %dma_wait3A_157 = tpu.memref_slice %arg2[%dma_wait3A_156] : memref<16384xi32, #tpu.memory_space<hbm>> -> memref<128xi32, #tpu.memory_space<hbm>>
    %dma_wait3A_158 = arith.constant 0 : i32
    %dma_wait3A_159 = tpu.memref_slice %arg6[%dma_wait3A_152, %dma_wait3A_158] : memref<4x128xi32, #tpu.memory_space<vmem>> -> memref<1x128xi32, #tpu.memory_space<vmem>>
    %dma_wait3A_160 = tpu.memref_squeeze %dma_wait3A_159 : memref<1x128xi32, #tpu.memory_space<vmem>> -> memref<128xi32, #tpu.memory_space<vmem>>
    %dma_wait3A_161 = arith.constant 0 : i32
    %dma_wait3A_162 = tpu.memref_slice %arg2[%dma_wait3A_161] : memref<16384xi32, #tpu.memory_space<hbm>> -> memref<128xi32, #tpu.memory_space<hbm>>
    tpu.wait_dma2 semaphore(%arg12 : memref<!tpu.dma_semaphore, #tpu.memory_space<semaphore_mem>>) src(%dma_wait3A_162 : memref<128xi32, #tpu.memory_space<hbm>>) dst(%dma_wait3A_160 : memref<128xi32, #tpu.memory_space<vmem>>)
    %dma_wait3A_163 = arith.constant 0 : i32
    %dma_wait3A_164 = arith.constant 0 : i32
    %dma_wait3A_165 = arith.constant 0 : i32
    %dma_wait3A_166 = arith.constant 0 : i32
    %dma_wait3A_167 = tpu.memref_slice %arg5[%dma_wait3A_164, %dma_wait3A_165, %dma_wait3A_166] : memref<3x32x1024xf32, #tpu.memory_space<vmem>> -> memref<1x32x1024xf32, #tpu.memory_space<vmem>>
    %dma_wait3A_168 = tpu.memref_squeeze %dma_wait3A_167 : memref<1x32x1024xf32, #tpu.memory_space<vmem>> -> memref<32x1024xf32, #tpu.memory_space<vmem>>
    %dma_wait3A_169 = arith.constant 0 : i32
    %dma_wait3A_170 = tpu.memref_slice %arg7[%dma_wait3A_163, %dma_wait3A_169] : memref<3x32xi32, #tpu.memory_space<vmem>> -> memref<1x32xi32, #tpu.memory_space<vmem>>
    %dma_wait3A_171 = tpu.memref_squeeze %dma_wait3A_170 : memref<1x32xi32, #tpu.memory_space<vmem>> -> memref<32xi32, #tpu.memory_space<vmem>>
    %dma_wait3A_172 = arith.constant 0 : i32
    %dma_wait3A_173 = arith.constant 0 : i32
    %dma_wait3A_174 = tpu.memref_slice %arg3[%dma_wait3A_172, %dma_wait3A_173] : memref<8192x1024xf32, #tpu.memory_space<hbm>> -> memref<8192x1024xf32, #tpu.memory_space<hbm>>
    tpu.wait_indirect_dma semaphore(%arg10 : memref<!tpu.dma_semaphore, #tpu.memory_space<semaphore_mem>>) src(%dma_wait3A_174 : memref<8192x1024xf32, #tpu.memory_space<hbm>>) dst(%dma_wait3A_168 : memref<32x1024xf32, #tpu.memory_space<vmem>>)
    %add3A_175 = arith.constant 0 : i32
    %add3A_176 = arith.addi %mul3A_2, %add3A_175 : i32
    %get3A = arith.constant 0 : i32
    %get3A_177 = arith.index_cast %get3A : i32 to index
    %get3A_178 = arith.constant 0 : index
    %get3A_179 = tpu.vector_load %arg6[%get3A_177, %get3A_178] {strides = array<i32>} : memref<4x128xi32, #tpu.memory_space<vmem>>, vector<16xi32>,
    %eq3A = arith.constant 0 : i32
    %eq3A_180 = vector.broadcast %eq3A : i32 to vector<16xi32>
    %eq3A_181 = arith.cmpi eq, %get3A_179, %eq3A_180 : vector<16xi32>
    %jit3A = arith.constant 1 : i32
    %jit3A_182 = arith.constant 0 : i32
    %broadcast_in_dim3A = vector.broadcast %jit3A : i32 to vector<16xi32>
    %broadcast_in_dim3A_183 = vector.broadcast %jit3A_182 : i32 to vector<16xi32>
    %select_n3A = arith.select %eq3A_181, %broadcast_in_dim3A, %broadcast_in_dim3A_183 : vector<16xi1>, vector<16xi32>
    %reduce_sum3A = arith.constant true
    %reduce_sum3A_184 = vector.broadcast %reduce_sum3A : i1 to vector<16xi1>
    %reduce_sum3A_185 = tpu.scan <sum>, %select_n3A masked %reduce_sum3A_184 : vector<16xi32>, vector<16xi1> -> vector<16xi32>
    %reduce_sum3A_186 = vector.extract %reduce_sum3A_185[15] : i32 from vector<16xi32>
    %add3A_187 = arith.constant 0 : i32
    %add3A_188 = arith.addi %add3A_187, %reduce_sum3A_186 : i32
    %get3A_189 = arith.constant 0 : i32
    %get3A_190 = arith.index_cast %get3A_189 : i32 to index
    %get3A_191 = arith.constant 16 : index
    %get3A_192 = tpu.vector_load %arg6[%get3A_190, %get3A_191] {strides = array<i32>} : memref<4x128xi32, #tpu.memory_space<vmem>>, vector<16xi32>,
    %eq3A_193 = arith.constant 0 : i32
    %eq3A_194 = vector.broadcast %eq3A_193 : i32 to vector<16xi32>
    %eq3A_195 = arith.cmpi eq, %get3A_192, %eq3A_194 : vector<16xi32>
    %jit3A_196 = arith.constant 1 : i32
    %jit3A_197 = arith.constant 0 : i32
    %broadcast_in_dim3A_198 = vector.broadcast %jit3A_196 : i32 to vector<16xi32>
    %broadcast_in_dim3A_199 = vector.broadcast %jit3A_197 : i32 to vector<16xi32>
    %select_n3A_200 = arith.select %eq3A_195, %broadcast_in_dim3A_198, %broadcast_in_dim3A_199 : vector<16xi1>, vector<16xi32>
    %reduce_sum3A_201 = arith.constant true
    %reduce_sum3A_202 = vector.broadcast %reduce_sum3A_201 : i1 to vector<16xi1>
    %reduce_sum3A_203 = tpu.scan <sum>, %select_n3A_200 masked %reduce_sum3A_202 : vector<16xi32>, vector<16xi1> -> vector<16xi32>
    %reduce_sum3A_204 = vector.extract %reduce_sum3A_203[15] : i32 from vector<16xi32>
    %add3A_205 = arith.addi %add3A_188, %reduce_sum3A_204 : i32
    %eq3A_206 = arith.constant 0 : i32
    %eq3A_207 = arith.cmpi eq, %add3A_205, %eq3A_206 : i32
    %add3A_208 = arith.constant 0 : i32
    %add3A_209 = arith.addi %add3A_208, %add3A_176 : i32
    %convert_element_type3A = arith.extui %eq3A_207 : i1 to i32
    %cond3A = arith.constant 0 : i32
    %cond3A_210 = arith.constant 0 : i32
    %cond3A_211 = arith.cmpi ne, %convert_element_type3A, %cond3A_210 : i32
    scf.if %cond3A_211 {
      %dma_start3A_1102 = arith.constant 0 : i32
      %dma_start3A_1103 = arith.constant 0 : i32
      %dma_start3A_1104 = tpu.memref_slice %arg5[%cond3A, %dma_start3A_1102, %dma_start3A_1103] : memref<3x32x1024xf32, #tpu.memory_space<vmem>> -> memref<1x32x1024xf32, #tpu.memory_space<vmem>>
      %dma_start3A_1105 = tpu.memref_squeeze %dma_start3A_1104 : memref<1x32x1024xf32, #tpu.memory_space<vmem>> -> memref<32x1024xf32, #tpu.memory_space<vmem>>
      %dma_start3A_1106 = arith.constant 0 : i32
      %dma_start3A_1107 = tpu.memref_slice %arg4[%add3A_209, %dma_start3A_1106] : memref<16384x1024xf32, #tpu.memory_space<hbm>> -> memref<32x1024xf32, #tpu.memory_space<hbm>>
      %dma_start3A_1108 = arith.constant 0 : i32
      %dma_start3A_1109 = tpu.memref_slice %arg4[%add3A_209, %dma_start3A_1108] : memref<16384x1024xf32, #tpu.memory_space<hbm>> -> memref<32x1024xf32, #tpu.memory_space<hbm>>
      %dma_start3A_1110 = arith.constant 0 : i32
      %dma_start3A_1111 = arith.constant 0 : i32
      %dma_start3A_1112 = tpu.memref_slice %arg5[%cond3A, %dma_start3A_1110, %dma_start3A_1111] : memref<3x32x1024xf32, #tpu.memory_space<vmem>> -> memref<1x32x1024xf32, #tpu.memory_space<vmem>>
      %dma_start3A_1113 = tpu.memref_squeeze %dma_start3A_1112 : memref<1x32x1024xf32, #tpu.memory_space<vmem>> -> memref<32x1024xf32, #tpu.memory_space<vmem>>
      tpu.enqueue_dma source(%dma_start3A_1113 : memref<32x1024xf32, #tpu.memory_space<vmem>>) target(%dma_start3A_1109 : memref<32x1024xf32, #tpu.memory_space<hbm>>) target_semaphore(%arg11 : memref<!tpu.dma_semaphore, #tpu.memory_space<semaphore_mem>>)
    } else {
    }
    %not3A = arith.constant true
    %not3A_212 = arith.xori %eq3A_207, %not3A : i1
    %convert_element_type3A_213 = arith.extui %not3A_212 : i1 to i32
    %cond3A_214 = arith.constant 0 : i32
    %cond3A_215 = arith.cmpi ne, %convert_element_type3A_213, %cond3A_214 : i32
    scf.if %cond3A_215 {
      %get3A_1102 = arith.constant 0 : i32
      %get3A_1103 = arith.index_cast %get3A_1102 : i32 to index
      %get3A_1104 = arith.constant 0 : index
      %get3A_1105 = tpu.vector_load %arg6[%get3A_1103, %get3A_1104] {strides = array<i32>} : memref<4x128xi32, #tpu.memory_space<vmem>>, vector<16xi32>,
      %iota3A_1106 = tpu.iota {dimensions = array<i32: 0>} : vector<16xi32>
      %eq3A_1107 = arith.constant 0 : i32
      %eq3A_1108 = vector.broadcast %eq3A_1107 : i32 to vector<16xi32>
      %eq3A_1109 = arith.cmpi eq, %get3A_1105, %eq3A_1108 : vector<16xi32>
      %add3A_1110 = arith.constant 1 : i32
      %add3A_1111 = arith.addi %add3A_176, %add3A_1110 : i32
      %add3A_1112 = arith.constant 0 : i32
      %add3A_1113 = arith.addi %add3A_1111, %add3A_1112 : i32
      %add3A_1114 = vector.broadcast %add3A_1113 : i32 to vector<16xi32>
      %add3A_1115 = arith.addi %add3A_1114, %iota3A_1106 : vector<16xi32>
      %jit3A_1116 = arith.constant 0 : i32
      %broadcast_in_dim3A_1117 = vector.broadcast %jit3A_1116 : i32 to vector<16xi32>
      %select_n3A_1118 = arith.select %eq3A_1109, %broadcast_in_dim3A_1117, %add3A_1115 : vector<16xi1>, vector<16xi32>
      %swap3A_1119 = arith.constant 0 : index
      %swap3A_1120 = tpu.vector_load %arg8[%swap3A_1119] {strides = array<i32>} : memref<16xi32, #tpu.memory_space<vmem>>, vector<16xi32>,
      tpu.vector_store %arg8[%swap3A_1119], %select_n3A_1118 {strides = array<i32>} : memref<16xi32, #tpu.memory_space<vmem>>, vector<16xi32>,
      %dma_start3A_1121 = arith.constant 0 : i32
      %dma_start3A_1122 = arith.constant 0 : i32
      %dma_start3A_1123 = tpu.memref_slice %arg3[%dma_start3A_1121, %dma_start3A_1122] : memref<8192x1024xf32, #tpu.memory_space<hbm>> -> memref<8192x1024xf32, #tpu.memory_space<hbm>>
      tpu.enqueue_indirect_dma source(%dma_start3A_1123 : memref<8192x1024xf32, #tpu.memory_space<hbm>>) target(%arg9 : memref<16x1024xf32, #tpu.memory_space<vmem>>) offsets(%arg8 : memref<16xi32, #tpu.memory_space<vmem>>) semaphore(%arg13 : memref<!tpu.dma_semaphore, #tpu.memory_space<semaphore_mem>>)
      %dma_wait3A_1124 = arith.constant 0 : i32
      %dma_wait3A_1125 = arith.constant 0 : i32
      %dma_wait3A_1126 = tpu.memref_slice %arg3[%dma_wait3A_1124, %dma_wait3A_1125] : memref<8192x1024xf32, #tpu.memory_space<hbm>> -> memref<8192x1024xf32, #tpu.memory_space<hbm>>
      tpu.wait_indirect_dma semaphore(%arg13 : memref<!tpu.dma_semaphore, #tpu.memory_space<semaphore_mem>>) src(%dma_wait3A_1126 : memref<8192x1024xf32, #tpu.memory_space<hbm>>) dst(%arg9 : memref<16x1024xf32, #tpu.memory_space<vmem>>)
      %add3A_1127 = arith.constant 0 : i32
      %add3A_1128 = arith.addi %add3A_209, %add3A_1127 : i32
      %dma_start3A_1129 = arith.constant 0 : i32
      %dma_start3A_1130 = tpu.memref_slice %arg4[%add3A_1128, %dma_start3A_1129] : memref<16384x1024xf32, #tpu.memory_space<hbm>> -> memref<16x1024xf32, #tpu.memory_space<hbm>>
      %dma_start3A_1131 = arith.constant 0 : i32
      %dma_start3A_1132 = tpu.memref_slice %arg4[%add3A_1128, %dma_start3A_1131] : memref<16384x1024xf32, #tpu.memory_space<hbm>> -> memref<16x1024xf32, #tpu.memory_space<hbm>>
      tpu.enqueue_dma source(%arg9 : memref<16x1024xf32, #tpu.memory_space<vmem>>) target(%dma_start3A_1132 : memref<16x1024xf32, #tpu.memory_space<hbm>>) target_semaphore(%arg14 : memref<!tpu.dma_semaphore, #tpu.memory_space<semaphore_mem>>)
      %dma_wait3A_1133 = arith.constant 0 : i32
      %dma_wait3A_1134 = arith.constant 0 : i32
      %dma_wait3A_1135 = tpu.memref_slice %arg4[%dma_wait3A_1133, %dma_wait3A_1134] : memref<16384x1024xf32, #tpu.memory_space<hbm>> -> memref<16x1024xf32, #tpu.memory_space<hbm>>
      %dma_wait3A_1136 = arith.constant 0 : i32
      %dma_wait3A_1137 = arith.constant 0 : i32
      %dma_wait3A_1138 = tpu.memref_slice %arg4[%dma_wait3A_1136, %dma_wait3A_1137] : memref<16384x1024xf32, #tpu.memory_space<hbm>> -> memref<16x1024xf32, #tpu.memory_space<hbm>>
      tpu.wait_dma2 semaphore(%arg14 : memref<!tpu.dma_semaphore, #tpu.memory_space<semaphore_mem>>) src(%arg9 : memref<16x1024xf32, #tpu.memory_space<vmem>>) dst(%dma_wait3A_1138 : memref<16x1024xf32, #tpu.memory_space<hbm>>)
      %get3A_1139 = arith.constant 0 : i32
      %get3A_1140 = arith.index_cast %get3A_1139 : i32 to index
      %get3A_1141 = arith.constant 16 : index
      %get3A_1142 = tpu.vector_load %arg6[%get3A_1140, %get3A_1141] {strides = array<i32>} : memref<4x128xi32, #tpu.memory_space<vmem>>, vector<16xi32>,
      %iota3A_1143 = tpu.iota {dimensions = array<i32: 0>} : vector<16xi32>
      %eq3A_1144 = arith.constant 0 : i32
      %eq3A_1145 = vector.broadcast %eq3A_1144 : i32 to vector<16xi32>
      %eq3A_1146 = arith.cmpi eq, %get3A_1142, %eq3A_1145 : vector<16xi32>
      %add3A_1147 = arith.constant 1 : i32
      %add3A_1148 = arith.addi %add3A_176, %add3A_1147 : i32
      %add3A_1149 = arith.constant 16 : i32
      %add3A_1150 = arith.addi %add3A_1148, %add3A_1149 : i32
      %add3A_1151 = vector.broadcast %add3A_1150 : i32 to vector<16xi32>
      %add3A_1152 = arith.addi %add3A_1151, %iota3A_1143 : vector<16xi32>
      %jit3A_1153 = arith.constant 0 : i32
      %broadcast_in_dim3A_1154 = vector.broadcast %jit3A_1153 : i32 to vector<16xi32>
      %select_n3A_1155 = arith.select %eq3A_1146, %broadcast_in_dim3A_1154, %add3A_1152 : vector<16xi1>, vector<16xi32>
      %swap3A_1156 = arith.constant 0 : index
      %swap3A_1157 = tpu.vector_load %arg8[%swap3A_1156] {strides = array<i32>} : memref<16xi32, #tpu.memory_space<vmem>>, vector<16xi32>,
      tpu.vector_store %arg8[%swap3A_1156], %select_n3A_1155 {strides = array<i32>} : memref<16xi32, #tpu.memory_space<vmem>>, vector<16xi32>,
      %dma_start3A_1158 = arith.constant 0 : i32
      %dma_start3A_1159 = arith.constant 0 : i32
      %dma_start3A_1160 = tpu.memref_slice %arg3[%dma_start3A_1158, %dma_start3A_1159] : memref<8192x1024xf32, #tpu.memory_space<hbm>> -> memref<8192x1024xf32, #tpu.memory_space<hbm>>
      tpu.enqueue_indirect_dma source(%dma_start3A_1160 : memref<8192x1024xf32, #tpu.memory_space<hbm>>) target(%arg9 : memref<16x1024xf32, #tpu.memory_space<vmem>>) offsets(%arg8 : memref<16xi32, #tpu.memory_space<vmem>>) semaphore(%arg13 : memref<!tpu.dma_semaphore, #tpu.memory_space<semaphore_mem>>)
      %dma_wait3A_1161 = arith.constant 0 : i32
      %dma_wait3A_1162 = arith.constant 0 : i32
      %dma_wait3A_1163 = tpu.memref_slice %arg3[%dma_wait3A_1161, %dma_wait3A_1162] : memref<8192x1024xf32, #tpu.memory_space<hbm>> -> memref<8192x1024xf32, #tpu.memory_space<hbm>>
      tpu.wait_indirect_dma semaphore(%arg13 : memref<!tpu.dma_semaphore, #tpu.memory_space<semaphore_mem>>) src(%dma_wait3A_1163 : memref<8192x1024xf32, #tpu.memory_space<hbm>>) dst(%arg9 : memref<16x1024xf32, #tpu.memory_space<vmem>>)
      %add3A_1164 = arith.constant 16 : i32
      %add3A_1165 = arith.addi %add3A_209, %add3A_1164 : i32
      %dma_start3A_1166 = arith.constant 0 : i32
      %dma_start3A_1167 = tpu.memref_slice %arg4[%add3A_1165, %dma_start3A_1166] : memref<16384x1024xf32, #tpu.memory_space<hbm>> -> memref<16x1024xf32, #tpu.memory_space<hbm>>
      %dma_start3A_1168 = arith.constant 0 : i32
      %dma_start3A_1169 = tpu.memref_slice %arg4[%add3A_1165, %dma_start3A_1168] : memref<16384x1024xf32, #tpu.memory_space<hbm>> -> memref<16x1024xf32, #tpu.memory_space<hbm>>
      tpu.enqueue_dma source(%arg9 : memref<16x1024xf32, #tpu.memory_space<vmem>>) target(%dma_start3A_1169 : memref<16x1024xf32, #tpu.memory_space<hbm>>) target_semaphore(%arg14 : memref<!tpu.dma_semaphore, #tpu.memory_space<semaphore_mem>>)
      %dma_wait3A_1170 = arith.constant 0 : i32
      %dma_wait3A_1171 = arith.constant 0 : i32
      %dma_wait3A_1172 = tpu.memref_slice %arg4[%dma_wait3A_1170, %dma_wait3A_1171] : memref<16384x1024xf32, #tpu.memory_space<hbm>> -> memref<16x1024xf32, #tpu.memory_space<hbm>>
      %dma_wait3A_1173 = arith.constant 0 : i32
      %dma_wait3A_1174 = arith.constant 0 : i32
      %dma_wait3A_1175 = tpu.memref_slice %arg4[%dma_wait3A_1173, %dma_wait3A_1174] : memref<16384x1024xf32, #tpu.memory_space<hbm>> -> memref<16x1024xf32, #tpu.memory_space<hbm>>
      tpu.wait_dma2 semaphore(%arg14 : memref<!tpu.dma_semaphore, #tpu.memory_space<semaphore_mem>>) src(%arg9 : memref<16x1024xf32, #tpu.memory_space<vmem>>) dst(%dma_wait3A_1175 : memref<16x1024xf32, #tpu.memory_space<hbm>>)
    } else {
    }
    %get3A_216 = arith.constant 1 : i32
    %get3A_217 = arith.index_cast %get3A_216 : i32 to index
    %get3A_218 = arith.constant 0 : index
    %get3A_219 = tpu.vector_load %arg6[%get3A_217, %get3A_218] {strides = array<i32>} : memref<4x128xi32, #tpu.memory_space<vmem>>, vector<16xi32>,
    %eq3A_220 = arith.constant 0 : i32
    %eq3A_221 = vector.broadcast %eq3A_220 : i32 to vector<16xi32>
    %eq3A_222 = arith.cmpi eq, %get3A_219, %eq3A_221 : vector<16xi32>
    %jit3A_223 = arith.constant 1 : i32
    %jit3A_224 = arith.constant 0 : i32
    %broadcast_in_dim3A_225 = vector.broadcast %jit3A_223 : i32 to vector<16xi32>
    %broadcast_in_dim3A_226 = vector.broadcast %jit3A_224 : i32 to vector<16xi32>
    %select_n3A_227 = arith.select %eq3A_222, %broadcast_in_dim3A_225, %broadcast_in_dim3A_226 : vector<16xi1>, vector<16xi32>
    %reduce_sum3A_228 = arith.constant true
    %reduce_sum3A_229 = vector.broadcast %reduce_sum3A_228 : i1 to vector<16xi1>
    %reduce_sum3A_230 = tpu.scan <sum>, %select_n3A_227 masked %reduce_sum3A_229 : vector<16xi32>, vector<16xi1> -> vector<16xi32>
    %reduce_sum3A_231 = vector.extract %reduce_sum3A_230[15] : i32 from vector<16xi32>
    %add3A_232 = arith.constant 0 : i32
    %add3A_233 = arith.addi %add3A_232, %reduce_sum3A_231 : i32
    %get3A_234 = arith.constant 1 : i32
    %get3A_235 = arith.index_cast %get3A_234 : i32 to index
    %get3A_236 = arith.constant 16 : index
    %get3A_237 = tpu.vector_load %arg6[%get3A_235, %get3A_236] {strides = array<i32>} : memref<4x128xi32, #tpu.memory_space<vmem>>, vector<16xi32>,
    %eq3A_238 = arith.constant 0 : i32
    %eq3A_239 = vector.broadcast %eq3A_238 : i32 to vector<16xi32>
    %eq3A_240 = arith.cmpi eq, %get3A_237, %eq3A_239 : vector<16xi32>
    %jit3A_241 = arith.constant 1 : i32
    %jit3A_242 = arith.constant 0 : i32
    %broadcast_in_dim3A_243 = vector.broadcast %jit3A_241 : i32 to vector<16xi32>
    %broadcast_in_dim3A_244 = vector.broadcast %jit3A_242 : i32 to vector<16xi32>
    %select_n3A_245 = arith.select %eq3A_240, %broadcast_in_dim3A_243, %broadcast_in_dim3A_244 : vector<16xi1>, vector<16xi32>
    %reduce_sum3A_246 = arith.constant true
    %reduce_sum3A_247 = vector.broadcast %reduce_sum3A_246 : i1 to vector<16xi1>
    %reduce_sum3A_248 = tpu.scan <sum>, %select_n3A_245 masked %reduce_sum3A_247 : vector<16xi32>, vector<16xi1> -> vector<16xi32>
    %reduce_sum3A_249 = vector.extract %reduce_sum3A_248[15] : i32 from vector<16xi32>
    %add3A_250 = arith.addi %add3A_233, %reduce_sum3A_249 : i32
    %eq3A_251 = arith.constant 0 : i32
    %eq3A_252 = arith.cmpi eq, %add3A_250, %eq3A_251 : i32
    %add3A_253 = arith.constant 4096 : i32
    %add3A_254 = arith.addi %add3A_253, %add3A_176 : i32
    %convert_element_type3A_255 = arith.extui %eq3A_252 : i1 to i32
    %cond3A_256 = arith.constant 0 : i32
    %cond3A_257 = arith.constant 0 : i32
    %cond3A_258 = arith.cmpi ne, %convert_element_type3A_255, %cond3A_257 : i32
    scf.if %cond3A_258 {
      %dma_start3A_1102 = arith.constant 0 : i32
      %dma_start3A_1103 = arith.constant 0 : i32
      %dma_start3A_1104 = tpu.memref_slice %arg5[%cond3A_256, %dma_start3A_1102, %dma_start3A_1103] : memref<3x32x1024xf32, #tpu.memory_space<vmem>> -> memref<1x32x1024xf32, #tpu.memory_space<vmem>>
      %dma_start3A_1105 = tpu.memref_squeeze %dma_start3A_1104 : memref<1x32x1024xf32, #tpu.memory_space<vmem>> -> memref<32x1024xf32, #tpu.memory_space<vmem>>
      %dma_start3A_1106 = arith.constant 0 : i32
      %dma_start3A_1107 = tpu.memref_slice %arg4[%add3A_254, %dma_start3A_1106] : memref<16384x1024xf32, #tpu.memory_space<hbm>> -> memref<32x1024xf32, #tpu.memory_space<hbm>>
      %dma_start3A_1108 = arith.constant 0 : i32
      %dma_start3A_1109 = tpu.memref_slice %arg4[%add3A_254, %dma_start3A_1108] : memref<16384x1024xf32, #tpu.memory_space<hbm>> -> memref<32x1024xf32, #tpu.memory_space<hbm>>
      %dma_start3A_1110 = arith.constant 0 : i32
      %dma_start3A_1111 = arith.constant 0 : i32
      %dma_start3A_1112 = tpu.memref_slice %arg5[%cond3A_256, %dma_start3A_1110, %dma_start3A_1111] : memref<3x32x1024xf32, #tpu.memory_space<vmem>> -> memref<1x32x1024xf32, #tpu.memory_space<vmem>>
      %dma_start3A_1113 = tpu.memref_squeeze %dma_start3A_1112 : memref<1x32x1024xf32, #tpu.memory_space<vmem>> -> memref<32x1024xf32, #tpu.memory_space<vmem>>
      tpu.enqueue_dma source(%dma_start3A_1113 : memref<32x1024xf32, #tpu.memory_space<vmem>>) target(%dma_start3A_1109 : memref<32x1024xf32, #tpu.memory_space<hbm>>) target_semaphore(%arg11 : memref<!tpu.dma_semaphore, #tpu.memory_space<semaphore_mem>>)
    } else {
    }
    %not3A_259 = arith.constant true
    %not3A_260 = arith.xori %eq3A_252, %not3A_259 : i1
    %convert_element_type3A_261 = arith.extui %not3A_260 : i1 to i32
    %cond3A_262 = arith.constant 0 : i32
    %cond3A_263 = arith.cmpi ne, %convert_element_type3A_261, %cond3A_262 : i32
    scf.if %cond3A_263 {
      %get3A_1102 = arith.constant 1 : i32
      %get3A_1103 = arith.index_cast %get3A_1102 : i32 to index
      %get3A_1104 = arith.constant 0 : index
      %get3A_1105 = tpu.vector_load %arg6[%get3A_1103, %get3A_1104] {strides = array<i32>} : memref<4x128xi32, #tpu.memory_space<vmem>>, vector<16xi32>,
      %iota3A_1106 = tpu.iota {dimensions = array<i32: 0>} : vector<16xi32>
      %eq3A_1107 = arith.constant 0 : i32
      %eq3A_1108 = vector.broadcast %eq3A_1107 : i32 to vector<16xi32>
      %eq3A_1109 = arith.cmpi eq, %get3A_1105, %eq3A_1108 : vector<16xi32>
      %add3A_1110 = arith.constant 1 : i32
      %add3A_1111 = arith.addi %add3A_176, %add3A_1110 : i32
      %add3A_1112 = arith.constant 0 : i32
      %add3A_1113 = arith.addi %add3A_1111, %add3A_1112 : i32
      %add3A_1114 = vector.broadcast %add3A_1113 : i32 to vector<16xi32>
      %add3A_1115 = arith.addi %add3A_1114, %iota3A_1106 : vector<16xi32>
      %jit3A_1116 = arith.constant 0 : i32
      %broadcast_in_dim3A_1117 = vector.broadcast %jit3A_1116 : i32 to vector<16xi32>
      %select_n3A_1118 = arith.select %eq3A_1109, %broadcast_in_dim3A_1117, %add3A_1115 : vector<16xi1>, vector<16xi32>
      %swap3A_1119 = arith.constant 0 : index
      %swap3A_1120 = tpu.vector_load %arg8[%swap3A_1119] {strides = array<i32>} : memref<16xi32, #tpu.memory_space<vmem>>, vector<16xi32>,
      tpu.vector_store %arg8[%swap3A_1119], %select_n3A_1118 {strides = array<i32>} : memref<16xi32, #tpu.memory_space<vmem>>, vector<16xi32>,
      %dma_start3A_1121 = arith.constant 0 : i32
      %dma_start3A_1122 = arith.constant 0 : i32
      %dma_start3A_1123 = tpu.memref_slice %arg3[%dma_start3A_1121, %dma_start3A_1122] : memref<8192x1024xf32, #tpu.memory_space<hbm>> -> memref<8192x1024xf32, #tpu.memory_space<hbm>>
      tpu.enqueue_indirect_dma source(%dma_start3A_1123 : memref<8192x1024xf32, #tpu.memory_space<hbm>>) target(%arg9 : memref<16x1024xf32, #tpu.memory_space<vmem>>) offsets(%arg8 : memref<16xi32, #tpu.memory_space<vmem>>) semaphore(%arg13 : memref<!tpu.dma_semaphore, #tpu.memory_space<semaphore_mem>>)
      %dma_wait3A_1124 = arith.constant 0 : i32
      %dma_wait3A_1125 = arith.constant 0 : i32
      %dma_wait3A_1126 = tpu.memref_slice %arg3[%dma_wait3A_1124, %dma_wait3A_1125] : memref<8192x1024xf32, #tpu.memory_space<hbm>> -> memref<8192x1024xf32, #tpu.memory_space<hbm>>
      tpu.wait_indirect_dma semaphore(%arg13 : memref<!tpu.dma_semaphore, #tpu.memory_space<semaphore_mem>>) src(%dma_wait3A_1126 : memref<8192x1024xf32, #tpu.memory_space<hbm>>) dst(%arg9 : memref<16x1024xf32, #tpu.memory_space<vmem>>)
      %add3A_1127 = arith.constant 0 : i32
      %add3A_1128 = arith.addi %add3A_254, %add3A_1127 : i32
      %dma_start3A_1129 = arith.constant 0 : i32
      %dma_start3A_1130 = tpu.memref_slice %arg4[%add3A_1128, %dma_start3A_1129] : memref<16384x1024xf32, #tpu.memory_space<hbm>> -> memref<16x1024xf32, #tpu.memory_space<hbm>>
      %dma_start3A_1131 = arith.constant 0 : i32
      %dma_start3A_1132 = tpu.memref_slice %arg4[%add3A_1128, %dma_start3A_1131] : memref<16384x1024xf32, #tpu.memory_space<hbm>> -> memref<16x1024xf32, #tpu.memory_space<hbm>>
      tpu.enqueue_dma source(%arg9 : memref<16x1024xf32, #tpu.memory_space<vmem>>) target(%dma_start3A_1132 : memref<16x1024xf32, #tpu.memory_space<hbm>>) target_semaphore(%arg14 : memref<!tpu.dma_semaphore, #tpu.memory_space<semaphore_mem>>)
      %dma_wait3A_1133 = arith.constant 0 : i32
      %dma_wait3A_1134 = arith.constant 0 : i32
      %dma_wait3A_1135 = tpu.memref_slice %arg4[%dma_wait3A_1133, %dma_wait3A_1134] : memref<16384x1024xf32, #tpu.memory_space<hbm>> -> memref<16x1024xf32, #tpu.memory_space<hbm>>
      %dma_wait3A_1136 = arith.constant 0 : i32
      %dma_wait3A_1137 = arith.constant 0 : i32
      %dma_wait3A_1138 = tpu.memref_slice %arg4[%dma_wait3A_1136, %dma_wait3A_1137] : memref<16384x1024xf32, #tpu.memory_space<hbm>> -> memref<16x1024xf32, #tpu.memory_space<hbm>>
      tpu.wait_dma2 semaphore(%arg14 : memref<!tpu.dma_semaphore, #tpu.memory_space<semaphore_mem>>) src(%arg9 : memref<16x1024xf32, #tpu.memory_space<vmem>>) dst(%dma_wait3A_1138 : memref<16x1024xf32, #tpu.memory_space<hbm>>)
      %get3A_1139 = arith.constant 1 : i32
      %get3A_1140 = arith.index_cast %get3A_1139 : i32 to index
      %get3A_1141 = arith.constant 16 : index
      %get3A_1142 = tpu.vector_load %arg6[%get3A_1140, %get3A_1141] {strides = array<i32>} : memref<4x128xi32, #tpu.memory_space<vmem>>, vector<16xi32>,
      %iota3A_1143 = tpu.iota {dimensions = array<i32: 0>} : vector<16xi32>
      %eq3A_1144 = arith.constant 0 : i32
      %eq3A_1145 = vector.broadcast %eq3A_1144 : i32 to vector<16xi32>
      %eq3A_1146 = arith.cmpi eq, %get3A_1142, %eq3A_1145 : vector<16xi32>
      %add3A_1147 = arith.constant 1 : i32
      %add3A_1148 = arith.addi %add3A_176, %add3A_1147 : i32
      %add3A_1149 = arith.constant 16 : i32
      %add3A_1150 = arith.addi %add3A_1148, %add3A_1149 : i32
      %add3A_1151 = vector.broadcast %add3A_1150 : i32 to vector<16xi32>
      %add3A_1152 = arith.addi %add3A_1151, %iota3A_1143 : vector<16xi32>
      %jit3A_1153 = arith.constant 0 : i32
      %broadcast_in_dim3A_1154 = vector.broadcast %jit3A_1153 : i32 to vector<16xi32>
      %select_n3A_1155 = arith.select %eq3A_1146, %broadcast_in_dim3A_1154, %add3A_1152 : vector<16xi1>, vector<16xi32>
      %swap3A_1156 = arith.constant 0 : index
      %swap3A_1157 = tpu.vector_load %arg8[%swap3A_1156] {strides = array<i32>} : memref<16xi32, #tpu.memory_space<vmem>>, vector<16xi32>,
      tpu.vector_store %arg8[%swap3A_1156], %select_n3A_1155 {strides = array<i32>} : memref<16xi32, #tpu.memory_space<vmem>>, vector<16xi32>,
      %dma_start3A_1158 = arith.constant 0 : i32
      %dma_start3A_1159 = arith.constant 0 : i32
      %dma_start3A_1160 = tpu.memref_slice %arg3[%dma_start3A_1158, %dma_start3A_1159] : memref<8192x1024xf32, #tpu.memory_space<hbm>> -> memref<8192x1024xf32, #tpu.memory_space<hbm>>
      tpu.enqueue_indirect_dma source(%dma_start3A_1160 : memref<8192x1024xf32, #tpu.memory_space<hbm>>) target(%arg9 : memref<16x1024xf32, #tpu.memory_space<vmem>>) offsets(%arg8 : memref<16xi32, #tpu.memory_space<vmem>>) semaphore(%arg13 : memref<!tpu.dma_semaphore, #tpu.memory_space<semaphore_mem>>)
      %dma_wait3A_1161 = arith.constant 0 : i32
      %dma_wait3A_1162 = arith.constant 0 : i32
      %dma_wait3A_1163 = tpu.memref_slice %arg3[%dma_wait3A_1161, %dma_wait3A_1162] : memref<8192x1024xf32, #tpu.memory_space<hbm>> -> memref<8192x1024xf32, #tpu.memory_space<hbm>>
      tpu.wait_indirect_dma semaphore(%arg13 : memref<!tpu.dma_semaphore, #tpu.memory_space<semaphore_mem>>) src(%dma_wait3A_1163 : memref<8192x1024xf32, #tpu.memory_space<hbm>>) dst(%arg9 : memref<16x1024xf32, #tpu.memory_space<vmem>>)
      %add3A_1164 = arith.constant 16 : i32
      %add3A_1165 = arith.addi %add3A_254, %add3A_1164 : i32
      %dma_start3A_1166 = arith.constant 0 : i32
      %dma_start3A_1167 = tpu.memref_slice %arg4[%add3A_1165, %dma_start3A_1166] : memref<16384x1024xf32, #tpu.memory_space<hbm>> -> memref<16x1024xf32, #tpu.memory_space<hbm>>
      %dma_start3A_1168 = arith.constant 0 : i32
      %dma_start3A_1169 = tpu.memref_slice %arg4[%add3A_1165, %dma_start3A_1168] : memref<16384x1024xf32, #tpu.memory_space<hbm>> -> memref<16x1024xf32, #tpu.memory_space<hbm>>
      tpu.enqueue_dma source(%arg9 : memref<16x1024xf32, #tpu.memory_space<vmem>>) target(%dma_start3A_1169 : memref<16x1024xf32, #tpu.memory_space<hbm>>) target_semaphore(%arg14 : memref<!tpu.dma_semaphore, #tpu.memory_space<semaphore_mem>>)
      %dma_wait3A_1170 = arith.constant 0 : i32
      %dma_wait3A_1171 = arith.constant 0 : i32
      %dma_wait3A_1172 = tpu.memref_slice %arg4[%dma_wait3A_1170, %dma_wait3A_1171] : memref<16384x1024xf32, #tpu.memory_space<hbm>> -> memref<16x1024xf32, #tpu.memory_space<hbm>>
      %dma_wait3A_1173 = arith.constant 0 : i32
      %dma_wait3A_1174 = arith.constant 0 : i32
      %dma_wait3A_1175 = tpu.memref_slice %arg4[%dma_wait3A_1173, %dma_wait3A_1174] : memref<16384x1024xf32, #tpu.memory_space<hbm>> -> memref<16x1024xf32, #tpu.memory_space<hbm>>
      tpu.wait_dma2 semaphore(%arg14 : memref<!tpu.dma_semaphore, #tpu.memory_space<semaphore_mem>>) src(%arg9 : memref<16x1024xf32, #tpu.memory_space<vmem>>) dst(%dma_wait3A_1175 : memref<16x1024xf32, #tpu.memory_space<hbm>>)
    } else {
    }
    %get3A_264 = arith.constant 2 : i32
    %get3A_265 = arith.index_cast %get3A_264 : i32 to index
    %get3A_266 = arith.constant 0 : index
    %get3A_267 = tpu.vector_load %arg6[%get3A_265, %get3A_266] {strides = array<i32>} : memref<4x128xi32, #tpu.memory_space<vmem>>, vector<16xi32>,
    %eq3A_268 = arith.constant 0 : i32
    %eq3A_269 = vector.broadcast %eq3A_268 : i32 to vector<16xi32>
    %eq3A_270 = arith.cmpi eq, %get3A_267, %eq3A_269 : vector<16xi32>
    %jit3A_271 = arith.constant 1 : i32
    %jit3A_272 = arith.constant 0 : i32
    %broadcast_in_dim3A_273 = vector.broadcast %jit3A_271 : i32 to vector<16xi32>
    %broadcast_in_dim3A_274 = vector.broadcast %jit3A_272 : i32 to vector<16xi32>
    %select_n3A_275 = arith.select %eq3A_270, %broadcast_in_dim3A_273, %broadcast_in_dim3A_274 : vector<16xi1>, vector<16xi32>
    %reduce_sum3A_276 = arith.constant true
    %reduce_sum3A_277 = vector.broadcast %reduce_sum3A_276 : i1 to vector<16xi1>
    %reduce_sum3A_278 = tpu.scan <sum>, %select_n3A_275 masked %reduce_sum3A_277 : vector<16xi32>, vector<16xi1> -> vector<16xi32>
    %reduce_sum3A_279 = vector.extract %reduce_sum3A_278[15] : i32 from vector<16xi32>
    %add3A_280 = arith.constant 0 : i32
    %add3A_281 = arith.addi %add3A_280, %reduce_sum3A_279 : i32
    %get3A_282 = arith.constant 2 : i32
    %get3A_283 = arith.index_cast %get3A_282 : i32 to index
    %get3A_284 = arith.constant 16 : index
    %get3A_285 = tpu.vector_load %arg6[%get3A_283, %get3A_284] {strides = array<i32>} : memref<4x128xi32, #tpu.memory_space<vmem>>, vector<16xi32>,
    %eq3A_286 = arith.constant 0 : i32
    %eq3A_287 = vector.broadcast %eq3A_286 : i32 to vector<16xi32>
    %eq3A_288 = arith.cmpi eq, %get3A_285, %eq3A_287 : vector<16xi32>
    %jit3A_289 = arith.constant 1 : i32
    %jit3A_290 = arith.constant 0 : i32
    %broadcast_in_dim3A_291 = vector.broadcast %jit3A_289 : i32 to vector<16xi32>
    %broadcast_in_dim3A_292 = vector.broadcast %jit3A_290 : i32 to vector<16xi32>
    %select_n3A_293 = arith.select %eq3A_288, %broadcast_in_dim3A_291, %broadcast_in_dim3A_292 : vector<16xi1>, vector<16xi32>
    %reduce_sum3A_294 = arith.constant true
    %reduce_sum3A_295 = vector.broadcast %reduce_sum3A_294 : i1 to vector<16xi1>
    %reduce_sum3A_296 = tpu.scan <sum>, %select_n3A_293 masked %reduce_sum3A_295 : vector<16xi32>, vector<16xi1> -> vector<16xi32>
    %reduce_sum3A_297 = vector.extract %reduce_sum3A_296[15] : i32 from vector<16xi32>
    %add3A_298 = arith.addi %add3A_281, %reduce_sum3A_297 : i32
    %eq3A_299 = arith.constant 0 : i32
    %eq3A_300 = arith.cmpi eq, %add3A_298, %eq3A_299 : i32
    %add3A_301 = arith.constant 8192 : i32
    %add3A_302 = arith.addi %add3A_301, %add3A_176 : i32
    %convert_element_type3A_303 = arith.extui %eq3A_300 : i1 to i32
    %cond3A_304 = arith.constant 0 : i32
    %cond3A_305 = arith.constant 0 : i32
    %cond3A_306 = arith.cmpi ne, %convert_element_type3A_303, %cond3A_305 : i32
    scf.if %cond3A_306 {
      %dma_start3A_1102 = arith.constant 0 : i32
      %dma_start3A_1103 = arith.constant 0 : i32
      %dma_start3A_1104 = tpu.memref_slice %arg5[%cond3A_304, %dma_start3A_1102, %dma_start3A_1103] : memref<3x32x1024xf32, #tpu.memory_space<vmem>> -> memref<1x32x1024xf32, #tpu.memory_space<vmem>>
      %dma_start3A_1105 = tpu.memref_squeeze %dma_start3A_1104 : memref<1x32x1024xf32, #tpu.memory_space<vmem>> -> memref<32x1024xf32, #tpu.memory_space<vmem>>
      %dma_start3A_1106 = arith.constant 0 : i32
      %dma_start3A_1107 = tpu.memref_slice %arg4[%add3A_302, %dma_start3A_1106] : memref<16384x1024xf32, #tpu.memory_space<hbm>> -> memref<32x1024xf32, #tpu.memory_space<hbm>>
      %dma_start3A_1108 = arith.constant 0 : i32
      %dma_start3A_1109 = tpu.memref_slice %arg4[%add3A_302, %dma_start3A_1108] : memref<16384x1024xf32, #tpu.memory_space<hbm>> -> memref<32x1024xf32, #tpu.memory_space<hbm>>
      %dma_start3A_1110 = arith.constant 0 : i32
      %dma_start3A_1111 = arith.constant 0 : i32
      %dma_start3A_1112 = tpu.memref_slice %arg5[%cond3A_304, %dma_start3A_1110, %dma_start3A_1111] : memref<3x32x1024xf32, #tpu.memory_space<vmem>> -> memref<1x32x1024xf32, #tpu.memory_space<vmem>>
      %dma_start3A_1113 = tpu.memref_squeeze %dma_start3A_1112 : memref<1x32x1024xf32, #tpu.memory_space<vmem>> -> memref<32x1024xf32, #tpu.memory_space<vmem>>
      tpu.enqueue_dma source(%dma_start3A_1113 : memref<32x1024xf32, #tpu.memory_space<vmem>>) target(%dma_start3A_1109 : memref<32x1024xf32, #tpu.memory_space<hbm>>) target_semaphore(%arg11 : memref<!tpu.dma_semaphore, #tpu.memory_space<semaphore_mem>>)
    } else {
    }
    %not3A_307 = arith.constant true
    %not3A_308 = arith.xori %eq3A_300, %not3A_307 : i1
    %convert_element_type3A_309 = arith.extui %not3A_308 : i1 to i32
    %cond3A_310 = arith.constant 0 : i32
    %cond3A_311 = arith.cmpi ne, %convert_element_type3A_309, %cond3A_310 : i32
    scf.if %cond3A_311 {
      %get3A_1102 = arith.constant 2 : i32
      %get3A_1103 = arith.index_cast %get3A_1102 : i32 to index
      %get3A_1104 = arith.constant 0 : index
      %get3A_1105 = tpu.vector_load %arg6[%get3A_1103, %get3A_1104] {strides = array<i32>} : memref<4x128xi32, #tpu.memory_space<vmem>>, vector<16xi32>,
      %iota3A_1106 = tpu.iota {dimensions = array<i32: 0>} : vector<16xi32>
      %eq3A_1107 = arith.constant 0 : i32
      %eq3A_1108 = vector.broadcast %eq3A_1107 : i32 to vector<16xi32>
      %eq3A_1109 = arith.cmpi eq, %get3A_1105, %eq3A_1108 : vector<16xi32>
      %add3A_1110 = arith.constant 1 : i32
      %add3A_1111 = arith.addi %add3A_176, %add3A_1110 : i32
      %add3A_1112 = arith.constant 0 : i32
      %add3A_1113 = arith.addi %add3A_1111, %add3A_1112 : i32
      %add3A_1114 = vector.broadcast %add3A_1113 : i32 to vector<16xi32>
      %add3A_1115 = arith.addi %add3A_1114, %iota3A_1106 : vector<16xi32>
      %jit3A_1116 = arith.constant 0 : i32
      %broadcast_in_dim3A_1117 = vector.broadcast %jit3A_1116 : i32 to vector<16xi32>
      %select_n3A_1118 = arith.select %eq3A_1109, %broadcast_in_dim3A_1117, %add3A_1115 : vector<16xi1>, vector<16xi32>
      %swap3A_1119 = arith.constant 0 : index
      %swap3A_1120 = tpu.vector_load %arg8[%swap3A_1119] {strides = array<i32>} : memref<16xi32, #tpu.memory_space<vmem>>, vector<16xi32>,
      tpu.vector_store %arg8[%swap3A_1119], %select_n3A_1118 {strides = array<i32>} : memref<16xi32, #tpu.memory_space<vmem>>, vector<16xi32>,
      %dma_start3A_1121 = arith.constant 0 : i32
      %dma_start3A_1122 = arith.constant 0 : i32
      %dma_start3A_1123 = tpu.memref_slice %arg3[%dma_start3A_1121, %dma_start3A_1122] : memref<8192x1024xf32, #tpu.memory_space<hbm>> -> memref<8192x1024xf32, #tpu.memory_space<hbm>>
      tpu.enqueue_indirect_dma source(%dma_start3A_1123 : memref<8192x1024xf32, #tpu.memory_space<hbm>>) target(%arg9 : memref<16x1024xf32, #tpu.memory_space<vmem>>) offsets(%arg8 : memref<16xi32, #tpu.memory_space<vmem>>) semaphore(%arg13 : memref<!tpu.dma_semaphore, #tpu.memory_space<semaphore_mem>>)
      %dma_wait3A_1124 = arith.constant 0 : i32
      %dma_wait3A_1125 = arith.constant 0 : i32
      %dma_wait3A_1126 = tpu.memref_slice %arg3[%dma_wait3A_1124, %dma_wait3A_1125] : memref<8192x1024xf32, #tpu.memory_space<hbm>> -> memref<8192x1024xf32, #tpu.memory_space<hbm>>
      tpu.wait_indirect_dma semaphore(%arg13 : memref<!tpu.dma_semaphore, #tpu.memory_space<semaphore_mem>>) src(%dma_wait3A_1126 : memref<8192x1024xf32, #tpu.memory_space<hbm>>) dst(%arg9 : memref<16x1024xf32, #tpu.memory_space<vmem>>)
      %add3A_1127 = arith.constant 0 : i32
      %add3A_1128 = arith.addi %add3A_302, %add3A_1127 : i32
      %dma_start3A_1129 = arith.constant 0 : i32
      %dma_start3A_1130 = tpu.memref_slice %arg4[%add3A_1128, %dma_start3A_1129] : memref<16384x1024xf32, #tpu.memory_space<hbm>> -> memref<16x1024xf32, #tpu.memory_space<hbm>>
      %dma_start3A_1131 = arith.constant 0 : i32
      %dma_start3A_1132 = tpu.memref_slice %arg4[%add3A_1128, %dma_start3A_1131] : memref<16384x1024xf32, #tpu.memory_space<hbm>> -> memref<16x1024xf32, #tpu.memory_space<hbm>>
      tpu.enqueue_dma source(%arg9 : memref<16x1024xf32, #tpu.memory_space<vmem>>) target(%dma_start3A_1132 : memref<16x1024xf32, #tpu.memory_space<hbm>>) target_semaphore(%arg14 : memref<!tpu.dma_semaphore, #tpu.memory_space<semaphore_mem>>)
      %dma_wait3A_1133 = arith.constant 0 : i32
      %dma_wait3A_1134 = arith.constant 0 : i32
      %dma_wait3A_1135 = tpu.memref_slice %arg4[%dma_wait3A_1133, %dma_wait3A_1134] : memref<16384x1024xf32, #tpu.memory_space<hbm>> -> memref<16x1024xf32, #tpu.memory_space<hbm>>
      %dma_wait3A_1136 = arith.constant 0 : i32
      %dma_wait3A_1137 = arith.constant 0 : i32
      %dma_wait3A_1138 = tpu.memref_slice %arg4[%dma_wait3A_1136, %dma_wait3A_1137] : memref<16384x1024xf32, #tpu.memory_space<hbm>> -> memref<16x1024xf32, #tpu.memory_space<hbm>>
      tpu.wait_dma2 semaphore(%arg14 : memref<!tpu.dma_semaphore, #tpu.memory_space<semaphore_mem>>) src(%arg9 : memref<16x1024xf32, #tpu.memory_space<vmem>>) dst(%dma_wait3A_1138 : memref<16x1024xf32, #tpu.memory_space<hbm>>)
      %get3A_1139 = arith.constant 2 : i32
      %get3A_1140 = arith.index_cast %get3A_1139 : i32 to index
      %get3A_1141 = arith.constant 16 : index
      %get3A_1142 = tpu.vector_load %arg6[%get3A_1140, %get3A_1141] {strides = array<i32>} : memref<4x128xi32, #tpu.memory_space<vmem>>, vector<16xi32>,
      %iota3A_1143 = tpu.iota {dimensions = array<i32: 0>} : vector<16xi32>
      %eq3A_1144 = arith.constant 0 : i32
      %eq3A_1145 = vector.broadcast %eq3A_1144 : i32 to vector<16xi32>
      %eq3A_1146 = arith.cmpi eq, %get3A_1142, %eq3A_1145 : vector<16xi32>
      %add3A_1147 = arith.constant 1 : i32
      %add3A_1148 = arith.addi %add3A_176, %add3A_1147 : i32
      %add3A_1149 = arith.constant 16 : i32
      %add3A_1150 = arith.addi %add3A_1148, %add3A_1149 : i32
      %add3A_1151 = vector.broadcast %add3A_1150 : i32 to vector<16xi32>
      %add3A_1152 = arith.addi %add3A_1151, %iota3A_1143 : vector<16xi32>
      %jit3A_1153 = arith.constant 0 : i32
      %broadcast_in_dim3A_1154 = vector.broadcast %jit3A_1153 : i32 to vector<16xi32>
      %select_n3A_1155 = arith.select %eq3A_1146, %broadcast_in_dim3A_1154, %add3A_1152 : vector<16xi1>, vector<16xi32>
      %swap3A_1156 = arith.constant 0 : index
      %swap3A_1157 = tpu.vector_load %arg8[%swap3A_1156] {strides = array<i32>} : memref<16xi32, #tpu.memory_space<vmem>>, vector<16xi32>,
      tpu.vector_store %arg8[%swap3A_1156], %select_n3A_1155 {strides = array<i32>} : memref<16xi32, #tpu.memory_space<vmem>>, vector<16xi32>,
      %dma_start3A_1158 = arith.constant 0 : i32
      %dma_start3A_1159 = arith.constant 0 : i32
      %dma_start3A_1160 = tpu.memref_slice %arg3[%dma_start3A_1158, %dma_start3A_1159] : memref<8192x1024xf32, #tpu.memory_space<hbm>> -> memref<8192x1024xf32, #tpu.memory_space<hbm>>
      tpu.enqueue_indirect_dma source(%dma_start3A_1160 : memref<8192x1024xf32, #tpu.memory_space<hbm>>) target(%arg9 : memref<16x1024xf32, #tpu.memory_space<vmem>>) offsets(%arg8 : memref<16xi32, #tpu.memory_space<vmem>>) semaphore(%arg13 : memref<!tpu.dma_semaphore, #tpu.memory_space<semaphore_mem>>)
      %dma_wait3A_1161 = arith.constant 0 : i32
      %dma_wait3A_1162 = arith.constant 0 : i32
      %dma_wait3A_1163 = tpu.memref_slice %arg3[%dma_wait3A_1161, %dma_wait3A_1162] : memref<8192x1024xf32, #tpu.memory_space<hbm>> -> memref<8192x1024xf32, #tpu.memory_space<hbm>>
      tpu.wait_indirect_dma semaphore(%arg13 : memref<!tpu.dma_semaphore, #tpu.memory_space<semaphore_mem>>) src(%dma_wait3A_1163 : memref<8192x1024xf32, #tpu.memory_space<hbm>>) dst(%arg9 : memref<16x1024xf32, #tpu.memory_space<vmem>>)
      %add3A_1164 = arith.constant 16 : i32
      %add3A_1165 = arith.addi %add3A_302, %add3A_1164 : i32
      %dma_start3A_1166 = arith.constant 0 : i32
      %dma_start3A_1167 = tpu.memref_slice %arg4[%add3A_1165, %dma_start3A_1166] : memref<16384x1024xf32, #tpu.memory_space<hbm>> -> memref<16x1024xf32, #tpu.memory_space<hbm>>
      %dma_start3A_1168 = arith.constant 0 : i32
      %dma_start3A_1169 = tpu.memref_slice %arg4[%add3A_1165, %dma_start3A_1168] : memref<16384x1024xf32, #tpu.memory_space<hbm>> -> memref<16x1024xf32, #tpu.memory_space<hbm>>
      tpu.enqueue_dma source(%arg9 : memref<16x1024xf32, #tpu.memory_space<vmem>>) target(%dma_start3A_1169 : memref<16x1024xf32, #tpu.memory_space<hbm>>) target_semaphore(%arg14 : memref<!tpu.dma_semaphore, #tpu.memory_space<semaphore_mem>>)
      %dma_wait3A_1170 = arith.constant 0 : i32
      %dma_wait3A_1171 = arith.constant 0 : i32
      %dma_wait3A_1172 = tpu.memref_slice %arg4[%dma_wait3A_1170, %dma_wait3A_1171] : memref<16384x1024xf32, #tpu.memory_space<hbm>> -> memref<16x1024xf32, #tpu.memory_space<hbm>>
      %dma_wait3A_1173 = arith.constant 0 : i32
      %dma_wait3A_1174 = arith.constant 0 : i32
      %dma_wait3A_1175 = tpu.memref_slice %arg4[%dma_wait3A_1173, %dma_wait3A_1174] : memref<16384x1024xf32, #tpu.memory_space<hbm>> -> memref<16x1024xf32, #tpu.memory_space<hbm>>
      tpu.wait_dma2 semaphore(%arg14 : memref<!tpu.dma_semaphore, #tpu.memory_space<semaphore_mem>>) src(%arg9 : memref<16x1024xf32, #tpu.memory_space<vmem>>) dst(%dma_wait3A_1175 : memref<16x1024xf32, #tpu.memory_space<hbm>>)
    } else {
    }
    %get3A_312 = arith.constant 3 : i32
    %get3A_313 = arith.index_cast %get3A_312 : i32 to index
    %get3A_314 = arith.constant 0 : index
    %get3A_315 = tpu.vector_load %arg6[%get3A_313, %get3A_314] {strides = array<i32>} : memref<4x128xi32, #tpu.memory_space<vmem>>, vector<16xi32>,
    %eq3A_316 = arith.constant 0 : i32
    %eq3A_317 = vector.broadcast %eq3A_316 : i32 to vector<16xi32>
    %eq3A_318 = arith.cmpi eq, %get3A_315, %eq3A_317 : vector<16xi32>
    %jit3A_319 = arith.constant 1 : i32
    %jit3A_320 = arith.constant 0 : i32
    %broadcast_in_dim3A_321 = vector.broadcast %jit3A_319 : i32 to vector<16xi32>
    %broadcast_in_dim3A_322 = vector.broadcast %jit3A_320 : i32 to vector<16xi32>
    %select_n3A_323 = arith.select %eq3A_318, %broadcast_in_dim3A_321, %broadcast_in_dim3A_322 : vector<16xi1>, vector<16xi32>
    %reduce_sum3A_324 = arith.constant true
    %reduce_sum3A_325 = vector.broadcast %reduce_sum3A_324 : i1 to vector<16xi1>
    %reduce_sum3A_326 = tpu.scan <sum>, %select_n3A_323 masked %reduce_sum3A_325 : vector<16xi32>, vector<16xi1> -> vector<16xi32>
    %reduce_sum3A_327 = vector.extract %reduce_sum3A_326[15] : i32 from vector<16xi32>
    %add3A_328 = arith.constant 0 : i32
    %add3A_329 = arith.addi %add3A_328, %reduce_sum3A_327 : i32
    %get3A_330 = arith.constant 3 : i32
    %get3A_331 = arith.index_cast %get3A_330 : i32 to index
    %get3A_332 = arith.constant 16 : index
    %get3A_333 = tpu.vector_load %arg6[%get3A_331, %get3A_332] {strides = array<i32>} : memref<4x128xi32, #tpu.memory_space<vmem>>, vector<16xi32>,
    %eq3A_334 = arith.constant 0 : i32
    %eq3A_335 = vector.broadcast %eq3A_334 : i32 to vector<16xi32>
    %eq3A_336 = arith.cmpi eq, %get3A_333, %eq3A_335 : vector<16xi32>
    %jit3A_337 = arith.constant 1 : i32
    %jit3A_338 = arith.constant 0 : i32
    %broadcast_in_dim3A_339 = vector.broadcast %jit3A_337 : i32 to vector<16xi32>
    %broadcast_in_dim3A_340 = vector.broadcast %jit3A_338 : i32 to vector<16xi32>
    %select_n3A_341 = arith.select %eq3A_336, %broadcast_in_dim3A_339, %broadcast_in_dim3A_340 : vector<16xi1>, vector<16xi32>
    %reduce_sum3A_342 = arith.constant true
    %reduce_sum3A_343 = vector.broadcast %reduce_sum3A_342 : i1 to vector<16xi1>
    %reduce_sum3A_344 = tpu.scan <sum>, %select_n3A_341 masked %reduce_sum3A_343 : vector<16xi32>, vector<16xi1> -> vector<16xi32>
    %reduce_sum3A_345 = vector.extract %reduce_sum3A_344[15] : i32 from vector<16xi32>
    %add3A_346 = arith.addi %add3A_329, %reduce_sum3A_345 : i32
    %eq3A_347 = arith.constant 0 : i32
    %eq3A_348 = arith.cmpi eq, %add3A_346, %eq3A_347 : i32
    %add3A_349 = arith.constant 12288 : i32
    %add3A_350 = arith.addi %add3A_349, %add3A_176 : i32
    %convert_element_type3A_351 = arith.extui %eq3A_348 : i1 to i32
    %cond3A_352 = arith.constant 0 : i32
    %cond3A_353 = arith.constant 0 : i32
    %cond3A_354 = arith.cmpi ne, %convert_element_type3A_351, %cond3A_353 : i32
    scf.if %cond3A_354 {
      %dma_start3A_1102 = arith.constant 0 : i32
      %dma_start3A_1103 = arith.constant 0 : i32
      %dma_start3A_1104 = tpu.memref_slice %arg5[%cond3A_352, %dma_start3A_1102, %dma_start3A_1103] : memref<3x32x1024xf32, #tpu.memory_space<vmem>> -> memref<1x32x1024xf32, #tpu.memory_space<vmem>>
      %dma_start3A_1105 = tpu.memref_squeeze %dma_start3A_1104 : memref<1x32x1024xf32, #tpu.memory_space<vmem>> -> memref<32x1024xf32, #tpu.memory_space<vmem>>
      %dma_start3A_1106 = arith.constant 0 : i32
      %dma_start3A_1107 = tpu.memref_slice %arg4[%add3A_350, %dma_start3A_1106] : memref<16384x1024xf32, #tpu.memory_space<hbm>> -> memref<32x1024xf32, #tpu.memory_space<hbm>>
      %dma_start3A_1108 = arith.constant 0 : i32
      %dma_start3A_1109 = tpu.memref_slice %arg4[%add3A_350, %dma_start3A_1108] : memref<16384x1024xf32, #tpu.memory_space<hbm>> -> memref<32x1024xf32, #tpu.memory_space<hbm>>
      %dma_start3A_1110 = arith.constant 0 : i32
      %dma_start3A_1111 = arith.constant 0 : i32
      %dma_start3A_1112 = tpu.memref_slice %arg5[%cond3A_352, %dma_start3A_1110, %dma_start3A_1111] : memref<3x32x1024xf32, #tpu.memory_space<vmem>> -> memref<1x32x1024xf32, #tpu.memory_space<vmem>>
      %dma_start3A_1113 = tpu.memref_squeeze %dma_start3A_1112 : memref<1x32x1024xf32, #tpu.memory_space<vmem>> -> memref<32x1024xf32, #tpu.memory_space<vmem>>
      tpu.enqueue_dma source(%dma_start3A_1113 : memref<32x1024xf32, #tpu.memory_space<vmem>>) target(%dma_start3A_1109 : memref<32x1024xf32, #tpu.memory_space<hbm>>) target_semaphore(%arg11 : memref<!tpu.dma_semaphore, #tpu.memory_space<semaphore_mem>>)
    } else {
    }
    %not3A_355 = arith.constant true
    %not3A_356 = arith.xori %eq3A_348, %not3A_355 : i1
    %convert_element_type3A_357 = arith.extui %not3A_356 : i1 to i32
    %cond3A_358 = arith.constant 0 : i32
    %cond3A_359 = arith.cmpi ne, %convert_element_type3A_357, %cond3A_358 : i32
    scf.if %cond3A_359 {
      %get3A_1102 = arith.constant 3 : i32
      %get3A_1103 = arith.index_cast %get3A_1102 : i32 to index
      %get3A_1104 = arith.constant 0 : index
      %get3A_1105 = tpu.vector_load %arg6[%get3A_1103, %get3A_1104] {strides = array<i32>} : memref<4x128xi32, #tpu.memory_space<vmem>>, vector<16xi32>,
      %iota3A_1106 = tpu.iota {dimensions = array<i32: 0>} : vector<16xi32>
      %eq3A_1107 = arith.constant 0 : i32
      %eq3A_1108 = vector.broadcast %eq3A_1107 : i32 to vector<16xi32>
      %eq3A_1109 = arith.cmpi eq, %get3A_1105, %eq3A_1108 : vector<16xi32>
      %add3A_1110 = arith.constant 1 : i32
      %add3A_1111 = arith.addi %add3A_176, %add3A_1110 : i32
      %add3A_1112 = arith.constant 0 : i32
      %add3A_1113 = arith.addi %add3A_1111, %add3A_1112 : i32
      %add3A_1114 = vector.broadcast %add3A_1113 : i32 to vector<16xi32>
      %add3A_1115 = arith.addi %add3A_1114, %iota3A_1106 : vector<16xi32>
      %jit3A_1116 = arith.constant 0 : i32
      %broadcast_in_dim3A_1117 = vector.broadcast %jit3A_1116 : i32 to vector<16xi32>
      %select_n3A_1118 = arith.select %eq3A_1109, %broadcast_in_dim3A_1117, %add3A_1115 : vector<16xi1>, vector<16xi32>
      %swap3A_1119 = arith.constant 0 : index
      %swap3A_1120 = tpu.vector_load %arg8[%swap3A_1119] {strides = array<i32>} : memref<16xi32, #tpu.memory_space<vmem>>, vector<16xi32>,
      tpu.vector_store %arg8[%swap3A_1119], %select_n3A_1118 {strides = array<i32>} : memref<16xi32, #tpu.memory_space<vmem>>, vector<16xi32>,
      %dma_start3A_1121 = arith.constant 0 : i32
      %dma_start3A_1122 = arith.constant 0 : i32
      %dma_start3A_1123 = tpu.memref_slice %arg3[%dma_start3A_1121, %dma_start3A_1122] : memref<8192x1024xf32, #tpu.memory_space<hbm>> -> memref<8192x1024xf32, #tpu.memory_space<hbm>>
      tpu.enqueue_indirect_dma source(%dma_start3A_1123 : memref<8192x1024xf32, #tpu.memory_space<hbm>>) target(%arg9 : memref<16x1024xf32, #tpu.memory_space<vmem>>) offsets(%arg8 : memref<16xi32, #tpu.memory_space<vmem>>) semaphore(%arg13 : memref<!tpu.dma_semaphore, #tpu.memory_space<semaphore_mem>>)
      %dma_wait3A_1124 = arith.constant 0 : i32
      %dma_wait3A_1125 = arith.constant 0 : i32
      %dma_wait3A_1126 = tpu.memref_slice %arg3[%dma_wait3A_1124, %dma_wait3A_1125] : memref<8192x1024xf32, #tpu.memory_space<hbm>> -> memref<8192x1024xf32, #tpu.memory_space<hbm>>
      tpu.wait_indirect_dma semaphore(%arg13 : memref<!tpu.dma_semaphore, #tpu.memory_space<semaphore_mem>>) src(%dma_wait3A_1126 : memref<8192x1024xf32, #tpu.memory_space<hbm>>) dst(%arg9 : memref<16x1024xf32, #tpu.memory_space<vmem>>)
      %add3A_1127 = arith.constant 0 : i32
      %add3A_1128 = arith.addi %add3A_350, %add3A_1127 : i32
      %dma_start3A_1129 = arith.constant 0 : i32
      %dma_start3A_1130 = tpu.memref_slice %arg4[%add3A_1128, %dma_start3A_1129] : memref<16384x1024xf32, #tpu.memory_space<hbm>> -> memref<16x1024xf32, #tpu.memory_space<hbm>>
      %dma_start3A_1131 = arith.constant 0 : i32
      %dma_start3A_1132 = tpu.memref_slice %arg4[%add3A_1128, %dma_start3A_1131] : memref<16384x1024xf32, #tpu.memory_space<hbm>> -> memref<16x1024xf32, #tpu.memory_space<hbm>>
      tpu.enqueue_dma source(%arg9 : memref<16x1024xf32, #tpu.memory_space<vmem>>) target(%dma_start3A_1132 : memref<16x1024xf32, #tpu.memory_space<hbm>>) target_semaphore(%arg14 : memref<!tpu.dma_semaphore, #tpu.memory_space<semaphore_mem>>)
      %dma_wait3A_1133 = arith.constant 0 : i32
      %dma_wait3A_1134 = arith.constant 0 : i32
      %dma_wait3A_1135 = tpu.memref_slice %arg4[%dma_wait3A_1133, %dma_wait3A_1134] : memref<16384x1024xf32, #tpu.memory_space<hbm>> -> memref<16x1024xf32, #tpu.memory_space<hbm>>
      %dma_wait3A_1136 = arith.constant 0 : i32
      %dma_wait3A_1137 = arith.constant 0 : i32
      %dma_wait3A_1138 = tpu.memref_slice %arg4[%dma_wait3A_1136, %dma_wait3A_1137] : memref<16384x1024xf32, #tpu.memory_space<hbm>> -> memref<16x1024xf32, #tpu.memory_space<hbm>>
      tpu.wait_dma2 semaphore(%arg14 : memref<!tpu.dma_semaphore, #tpu.memory_space<semaphore_mem>>) src(%arg9 : memref<16x1024xf32, #tpu.memory_space<vmem>>) dst(%dma_wait3A_1138 : memref<16x1024xf32, #tpu.memory_space<hbm>>)
      %get3A_1139 = arith.constant 3 : i32
      %get3A_1140 = arith.index_cast %get3A_1139 : i32 to index
      %get3A_1141 = arith.constant 16 : index
      %get3A_1142 = tpu.vector_load %arg6[%get3A_1140, %get3A_1141] {strides = array<i32>} : memref<4x128xi32, #tpu.memory_space<vmem>>, vector<16xi32>,
      %iota3A_1143 = tpu.iota {dimensions = array<i32: 0>} : vector<16xi32>
      %eq3A_1144 = arith.constant 0 : i32
      %eq3A_1145 = vector.broadcast %eq3A_1144 : i32 to vector<16xi32>
      %eq3A_1146 = arith.cmpi eq, %get3A_1142, %eq3A_1145 : vector<16xi32>
      %add3A_1147 = arith.constant 1 : i32
      %add3A_1148 = arith.addi %add3A_176, %add3A_1147 : i32
      %add3A_1149 = arith.constant 16 : i32
      %add3A_1150 = arith.addi %add3A_1148, %add3A_1149 : i32
      %add3A_1151 = vector.broadcast %add3A_1150 : i32 to vector<16xi32>
      %add3A_1152 = arith.addi %add3A_1151, %iota3A_1143 : vector<16xi32>
      %jit3A_1153 = arith.constant 0 : i32
      %broadcast_in_dim3A_1154 = vector.broadcast %jit3A_1153 : i32 to vector<16xi32>
      %select_n3A_1155 = arith.select %eq3A_1146, %broadcast_in_dim3A_1154, %add3A_1152 : vector<16xi1>, vector<16xi32>
      %swap3A_1156 = arith.constant 0 : index
      %swap3A_1157 = tpu.vector_load %arg8[%swap3A_1156] {strides = array<i32>} : memref<16xi32, #tpu.memory_space<vmem>>, vector<16xi32>,
      tpu.vector_store %arg8[%swap3A_1156], %select_n3A_1155 {strides = array<i32>} : memref<16xi32, #tpu.memory_space<vmem>>, vector<16xi32>,
      %dma_start3A_1158 = arith.constant 0 : i32
      %dma_start3A_1159 = arith.constant 0 : i32
      %dma_start3A_1160 = tpu.memref_slice %arg3[%dma_start3A_1158, %dma_start3A_1159] : memref<8192x1024xf32, #tpu.memory_space<hbm>> -> memref<8192x1024xf32, #tpu.memory_space<hbm>>
      tpu.enqueue_indirect_dma source(%dma_start3A_1160 : memref<8192x1024xf32, #tpu.memory_space<hbm>>) target(%arg9 : memref<16x1024xf32, #tpu.memory_space<vmem>>) offsets(%arg8 : memref<16xi32, #tpu.memory_space<vmem>>) semaphore(%arg13 : memref<!tpu.dma_semaphore, #tpu.memory_space<semaphore_mem>>)
      %dma_wait3A_1161 = arith.constant 0 : i32
      %dma_wait3A_1162 = arith.constant 0 : i32
      %dma_wait3A_1163 = tpu.memref_slice %arg3[%dma_wait3A_1161, %dma_wait3A_1162] : memref<8192x1024xf32, #tpu.memory_space<hbm>> -> memref<8192x1024xf32, #tpu.memory_space<hbm>>
      tpu.wait_indirect_dma semaphore(%arg13 : memref<!tpu.dma_semaphore, #tpu.memory_space<semaphore_mem>>) src(%dma_wait3A_1163 : memref<8192x1024xf32, #tpu.memory_space<hbm>>) dst(%arg9 : memref<16x1024xf32, #tpu.memory_space<vmem>>)
      %add3A_1164 = arith.constant 16 : i32
      %add3A_1165 = arith.addi %add3A_350, %add3A_1164 : i32
      %dma_start3A_1166 = arith.constant 0 : i32
      %dma_start3A_1167 = tpu.memref_slice %arg4[%add3A_1165, %dma_start3A_1166] : memref<16384x1024xf32, #tpu.memory_space<hbm>> -> memref<16x1024xf32, #tpu.memory_space<hbm>>
      %dma_start3A_1168 = arith.constant 0 : i32
      %dma_start3A_1169 = tpu.memref_slice %arg4[%add3A_1165, %dma_start3A_1168] : memref<16384x1024xf32, #tpu.memory_space<hbm>> -> memref<16x1024xf32, #tpu.memory_space<hbm>>
      tpu.enqueue_dma source(%arg9 : memref<16x1024xf32, #tpu.memory_space<vmem>>) target(%dma_start3A_1169 : memref<16x1024xf32, #tpu.memory_space<hbm>>) target_semaphore(%arg14 : memref<!tpu.dma_semaphore, #tpu.memory_space<semaphore_mem>>)
      %dma_wait3A_1170 = arith.constant 0 : i32
      %dma_wait3A_1171 = arith.constant 0 : i32
      %dma_wait3A_1172 = tpu.memref_slice %arg4[%dma_wait3A_1170, %dma_wait3A_1171] : memref<16384x1024xf32, #tpu.memory_space<hbm>> -> memref<16x1024xf32, #tpu.memory_space<hbm>>
      %dma_wait3A_1173 = arith.constant 0 : i32
      %dma_wait3A_1174 = arith.constant 0 : i32
      %dma_wait3A_1175 = tpu.memref_slice %arg4[%dma_wait3A_1173, %dma_wait3A_1174] : memref<16384x1024xf32, #tpu.memory_space<hbm>> -> memref<16x1024xf32, #tpu.memory_space<hbm>>
      tpu.wait_dma2 semaphore(%arg14 : memref<!tpu.dma_semaphore, #tpu.memory_space<semaphore_mem>>) src(%arg9 : memref<16x1024xf32, #tpu.memory_space<vmem>>) dst(%dma_wait3A_1175 : memref<16x1024xf32, #tpu.memory_space<hbm>>)
    } else {
    }
    %iota3A_360 = tpu.iota {dimensions = array<i32: 0>} : vector<16xi32>
    %add3A_361 = arith.constant 64 : i32
    %add3A_362 = arith.addi %mul3A_2, %add3A_361 : i32
    %add3A_363 = arith.constant 1 : i32
    %add3A_364 = arith.addi %add3A_362, %add3A_363 : i32
    %add3A_365 = arith.constant 0 : i32
    %add3A_366 = arith.addi %add3A_364, %add3A_365 : i32
    %add3A_367 = vector.broadcast %add3A_366 : i32 to vector<16xi32>
    %add3A_368 = arith.addi %add3A_367, %iota3A_360 : vector<16xi32>
    %swap3A_369 = arith.constant 2 : i32
    %swap3A_370 = arith.index_cast %swap3A_369 : i32 to index
    %swap3A_371 = arith.constant 0 : index
    %swap3A_372 = tpu.vector_load %arg7[%swap3A_370, %swap3A_371] {strides = array<i32>} : memref<3x32xi32, #tpu.memory_space<vmem>>, vector<16xi32>,
    tpu.vector_store %arg7[%swap3A_370, %swap3A_371], %add3A_368 {strides = array<i32>} : memref<3x32xi32, #tpu.memory_space<vmem>>, vector<16xi32>,
    %iota3A_373 = tpu.iota {dimensions = array<i32: 0>} : vector<16xi32>
    %add3A_374 = arith.constant 64 : i32
    %add3A_375 = arith.addi %mul3A_2, %add3A_374 : i32
    %add3A_376 = arith.constant 1 : i32
    %add3A_377 = arith.addi %add3A_375, %add3A_376 : i32
    %add3A_378 = arith.constant 16 : i32
    %add3A_379 = arith.addi %add3A_377, %add3A_378 : i32
    %add3A_380 = vector.broadcast %add3A_379 : i32 to vector<16xi32>
    %add3A_381 = arith.addi %add3A_380, %iota3A_373 : vector<16xi32>
    %swap3A_382 = arith.constant 2 : i32
    %swap3A_383 = arith.index_cast %swap3A_382 : i32 to index
    %swap3A_384 = arith.constant 16 : index
    %swap3A_385 = tpu.vector_load %arg7[%swap3A_383, %swap3A_384] {strides = array<i32>} : memref<3x32xi32, #tpu.memory_space<vmem>>, vector<16xi32>,
    tpu.vector_store %arg7[%swap3A_383, %swap3A_384], %add3A_381 {strides = array<i32>} : memref<3x32xi32, #tpu.memory_space<vmem>>, vector<16xi32>,
    %dma_start3A_386 = arith.constant 2 : i32
    %dma_start3A_387 = arith.constant 2 : i32
    %dma_start3A_388 = arith.constant 0 : i32
    %dma_start3A_389 = arith.constant 0 : i32
    %dma_start3A_390 = tpu.memref_slice %arg5[%dma_start3A_387, %dma_start3A_388, %dma_start3A_389] : memref<3x32x1024xf32, #tpu.memory_space<vmem>> -> memref<1x32x1024xf32, #tpu.memory_space<vmem>>
    %dma_start3A_391 = tpu.memref_squeeze %dma_start3A_390 : memref<1x32x1024xf32, #tpu.memory_space<vmem>> -> memref<32x1024xf32, #tpu.memory_space<vmem>>
    %dma_start3A_392 = arith.constant 0 : i32
    %dma_start3A_393 = tpu.memref_slice %arg7[%dma_start3A_386, %dma_start3A_392] : memref<3x32xi32, #tpu.memory_space<vmem>> -> memref<1x32xi32, #tpu.memory_space<vmem>>
    %dma_start3A_394 = tpu.memref_squeeze %dma_start3A_393 : memref<1x32xi32, #tpu.memory_space<vmem>> -> memref<32xi32, #tpu.memory_space<vmem>>
    %dma_start3A_395 = arith.constant 0 : i32
    %dma_start3A_396 = arith.constant 0 : i32
    %dma_start3A_397 = tpu.memref_slice %arg3[%dma_start3A_395, %dma_start3A_396] : memref<8192x1024xf32, #tpu.memory_space<hbm>> -> memref<8192x1024xf32, #tpu.memory_space<hbm>>
    tpu.enqueue_indirect_dma source(%dma_start3A_397 : memref<8192x1024xf32, #tpu.memory_space<hbm>>) target(%dma_start3A_391 : memref<32x1024xf32, #tpu.memory_space<vmem>>) offsets(%dma_start3A_394 : memref<32xi32, #tpu.memory_space<vmem>>) semaphore(%arg10 : memref<!tpu.dma_semaphore, #tpu.memory_space<semaphore_mem>>)
    %dma_wait3A_398 = arith.constant 1 : i32
    %dma_wait3A_399 = arith.constant 1 : i32
    %dma_wait3A_400 = arith.constant 0 : i32
    %dma_wait3A_401 = arith.constant 0 : i32
    %dma_wait3A_402 = tpu.memref_slice %arg5[%dma_wait3A_399, %dma_wait3A_400, %dma_wait3A_401] : memref<3x32x1024xf32, #tpu.memory_space<vmem>> -> memref<1x32x1024xf32, #tpu.memory_space<vmem>>
    %dma_wait3A_403 = tpu.memref_squeeze %dma_wait3A_402 : memref<1x32x1024xf32, #tpu.memory_space<vmem>> -> memref<32x1024xf32, #tpu.memory_space<vmem>>
    %dma_wait3A_404 = arith.constant 0 : i32
    %dma_wait3A_405 = tpu.memref_slice %arg7[%dma_wait3A_398, %dma_wait3A_404] : memref<3x32xi32, #tpu.memory_space<vmem>> -> memref<1x32xi32, #tpu.memory_space<vmem>>
    %dma_wait3A_406 = tpu.memref_squeeze %dma_wait3A_405 : memref<1x32xi32, #tpu.memory_space<vmem>> -> memref<32xi32, #tpu.memory_space<vmem>>
    %dma_wait3A_407 = arith.constant 0 : i32
    %dma_wait3A_408 = arith.constant 0 : i32
    %dma_wait3A_409 = tpu.memref_slice %arg3[%dma_wait3A_407, %dma_wait3A_408] : memref<8192x1024xf32, #tpu.memory_space<hbm>> -> memref<8192x1024xf32, #tpu.memory_space<hbm>>
    tpu.wait_indirect_dma semaphore(%arg10 : memref<!tpu.dma_semaphore, #tpu.memory_space<semaphore_mem>>) src(%dma_wait3A_409 : memref<8192x1024xf32, #tpu.memory_space<hbm>>) dst(%dma_wait3A_403 : memref<32x1024xf32, #tpu.memory_space<vmem>>)
    %add3A_410 = arith.constant 32 : i32
    %add3A_411 = arith.addi %mul3A_2, %add3A_410 : i32
    %get3A_412 = arith.constant 0 : i32
    %get3A_413 = arith.index_cast %get3A_412 : i32 to index
    %get3A_414 = arith.constant 32 : index
    %get3A_415 = tpu.vector_load %arg6[%get3A_413, %get3A_414] {strides = array<i32>} : memref<4x128xi32, #tpu.memory_space<vmem>>, vector<16xi32>,
    %eq3A_416 = arith.constant 0 : i32
    %eq3A_417 = vector.broadcast %eq3A_416 : i32 to vector<16xi32>
    %eq3A_418 = arith.cmpi eq, %get3A_415, %eq3A_417 : vector<16xi32>
    %jit3A_419 = arith.constant 1 : i32
    %jit3A_420 = arith.constant 0 : i32
    %broadcast_in_dim3A_421 = vector.broadcast %jit3A_419 : i32 to vector<16xi32>
    %broadcast_in_dim3A_422 = vector.broadcast %jit3A_420 : i32 to vector<16xi32>
    %select_n3A_423 = arith.select %eq3A_418, %broadcast_in_dim3A_421, %broadcast_in_dim3A_422 : vector<16xi1>, vector<16xi32>
    %reduce_sum3A_424 = arith.constant true
    %reduce_sum3A_425 = vector.broadcast %reduce_sum3A_424 : i1 to vector<16xi1>
    %reduce_sum3A_426 = tpu.scan <sum>, %select_n3A_423 masked %reduce_sum3A_425 : vector<16xi32>, vector<16xi1> -> vector<16xi32>
    %reduce_sum3A_427 = vector.extract %reduce_sum3A_426[15] : i32 from vector<16xi32>
    %add3A_428 = arith.constant 0 : i32
    %add3A_429 = arith.addi %add3A_428, %reduce_sum3A_427 : i32
    %get3A_430 = arith.constant 0 : i32
    %get3A_431 = arith.index_cast %get3A_430 : i32 to index
    %get3A_432 = arith.constant 48 : index
    %get3A_433 = tpu.vector_load %arg6[%get3A_431, %get3A_432] {strides = array<i32>} : memref<4x128xi32, #tpu.memory_space<vmem>>, vector<16xi32>,
    %eq3A_434 = arith.constant 0 : i32
    %eq3A_435 = vector.broadcast %eq3A_434 : i32 to vector<16xi32>
    %eq3A_436 = arith.cmpi eq, %get3A_433, %eq3A_435 : vector<16xi32>
    %jit3A_437 = arith.constant 1 : i32
    %jit3A_438 = arith.constant 0 : i32
    %broadcast_in_dim3A_439 = vector.broadcast %jit3A_437 : i32 to vector<16xi32>
    %broadcast_in_dim3A_440 = vector.broadcast %jit3A_438 : i32 to vector<16xi32>
    %select_n3A_441 = arith.select %eq3A_436, %broadcast_in_dim3A_439, %broadcast_in_dim3A_440 : vector<16xi1>, vector<16xi32>
    %reduce_sum3A_442 = arith.constant true
    %reduce_sum3A_443 = vector.broadcast %reduce_sum3A_442 : i1 to vector<16xi1>
    %reduce_sum3A_444 = tpu.scan <sum>, %select_n3A_441 masked %reduce_sum3A_443 : vector<16xi32>, vector<16xi1> -> vector<16xi32>
    %reduce_sum3A_445 = vector.extract %reduce_sum3A_444[15] : i32 from vector<16xi32>
    %add3A_446 = arith.addi %add3A_429, %reduce_sum3A_445 : i32
    %eq3A_447 = arith.constant 0 : i32
    %eq3A_448 = arith.cmpi eq, %add3A_446, %eq3A_447 : i32
    %add3A_449 = arith.constant 0 : i32
    %add3A_450 = arith.addi %add3A_449, %add3A_411 : i32
    %convert_element_type3A_451 = arith.extui %eq3A_448 : i1 to i32
    %cond3A_452 = arith.constant 1 : i32
    %cond3A_453 = arith.constant 0 : i32
    %cond3A_454 = arith.cmpi ne, %convert_element_type3A_451, %cond3A_453 : i32
    scf.if %cond3A_454 {
      %dma_start3A_1102 = arith.constant 0 : i32
      %dma_start3A_1103 = arith.constant 0 : i32
      %dma_start3A_1104 = tpu.memref_slice %arg5[%cond3A_452, %dma_start3A_1102, %dma_start3A_1103] : memref<3x32x1024xf32, #tpu.memory_space<vmem>> -> memref<1x32x1024xf32, #tpu.memory_space<vmem>>
      %dma_start3A_1105 = tpu.memref_squeeze %dma_start3A_1104 : memref<1x32x1024xf32, #tpu.memory_space<vmem>> -> memref<32x1024xf32, #tpu.memory_space<vmem>>
      %dma_start3A_1106 = arith.constant 0 : i32
      %dma_start3A_1107 = tpu.memref_slice %arg4[%add3A_450, %dma_start3A_1106] : memref<16384x1024xf32, #tpu.memory_space<hbm>> -> memref<32x1024xf32, #tpu.memory_space<hbm>>
      %dma_start3A_1108 = arith.constant 0 : i32
      %dma_start3A_1109 = tpu.memref_slice %arg4[%add3A_450, %dma_start3A_1108] : memref<16384x1024xf32, #tpu.memory_space<hbm>> -> memref<32x1024xf32, #tpu.memory_space<hbm>>
      %dma_start3A_1110 = arith.constant 0 : i32
      %dma_start3A_1111 = arith.constant 0 : i32
      %dma_start3A_1112 = tpu.memref_slice %arg5[%cond3A_452, %dma_start3A_1110, %dma_start3A_1111] : memref<3x32x1024xf32, #tpu.memory_space<vmem>> -> memref<1x32x1024xf32, #tpu.memory_space<vmem>>
      %dma_start3A_1113 = tpu.memref_squeeze %dma_start3A_1112 : memref<1x32x1024xf32, #tpu.memory_space<vmem>> -> memref<32x1024xf32, #tpu.memory_space<vmem>>
      tpu.enqueue_dma source(%dma_start3A_1113 : memref<32x1024xf32, #tpu.memory_space<vmem>>) target(%dma_start3A_1109 : memref<32x1024xf32, #tpu.memory_space<hbm>>) target_semaphore(%arg11 : memref<!tpu.dma_semaphore, #tpu.memory_space<semaphore_mem>>)
    } else {
    }
    %not3A_455 = arith.constant true
    %not3A_456 = arith.xori %eq3A_448, %not3A_455 : i1
    %convert_element_type3A_457 = arith.extui %not3A_456 : i1 to i32
    %cond3A_458 = arith.constant 0 : i32
    %cond3A_459 = arith.cmpi ne, %convert_element_type3A_457, %cond3A_458 : i32
    scf.if %cond3A_459 {
      %get3A_1102 = arith.constant 0 : i32
      %get3A_1103 = arith.index_cast %get3A_1102 : i32 to index
      %get3A_1104 = arith.constant 32 : index
      %get3A_1105 = tpu.vector_load %arg6[%get3A_1103, %get3A_1104] {strides = array<i32>} : memref<4x128xi32, #tpu.memory_space<vmem>>, vector<16xi32>,
      %iota3A_1106 = tpu.iota {dimensions = array<i32: 0>} : vector<16xi32>
      %eq3A_1107 = arith.constant 0 : i32
      %eq3A_1108 = vector.broadcast %eq3A_1107 : i32 to vector<16xi32>
      %eq3A_1109 = arith.cmpi eq, %get3A_1105, %eq3A_1108 : vector<16xi32>
      %add3A_1110 = arith.constant 1 : i32
      %add3A_1111 = arith.addi %add3A_411, %add3A_1110 : i32
      %add3A_1112 = arith.constant 0 : i32
      %add3A_1113 = arith.addi %add3A_1111, %add3A_1112 : i32
      %add3A_1114 = vector.broadcast %add3A_1113 : i32 to vector<16xi32>
      %add3A_1115 = arith.addi %add3A_1114, %iota3A_1106 : vector<16xi32>
      %jit3A_1116 = arith.constant 0 : i32
      %broadcast_in_dim3A_1117 = vector.broadcast %jit3A_1116 : i32 to vector<16xi32>
      %select_n3A_1118 = arith.select %eq3A_1109, %broadcast_in_dim3A_1117, %add3A_1115 : vector<16xi1>, vector<16xi32>
      %swap3A_1119 = arith.constant 0 : index
      %swap3A_1120 = tpu.vector_load %arg8[%swap3A_1119] {strides = array<i32>} : memref<16xi32, #tpu.memory_space<vmem>>, vector<16xi32>,
      tpu.vector_store %arg8[%swap3A_1119], %select_n3A_1118 {strides = array<i32>} : memref<16xi32, #tpu.memory_space<vmem>>, vector<16xi32>,
      %dma_start3A_1121 = arith.constant 0 : i32
      %dma_start3A_1122 = arith.constant 0 : i32
      %dma_start3A_1123 = tpu.memref_slice %arg3[%dma_start3A_1121, %dma_start3A_1122] : memref<8192x1024xf32, #tpu.memory_space<hbm>> -> memref<8192x1024xf32, #tpu.memory_space<hbm>>
      tpu.enqueue_indirect_dma source(%dma_start3A_1123 : memref<8192x1024xf32, #tpu.memory_space<hbm>>) target(%arg9 : memref<16x1024xf32, #tpu.memory_space<vmem>>) offsets(%arg8 : memref<16xi32, #tpu.memory_space<vmem>>) semaphore(%arg13 : memref<!tpu.dma_semaphore, #tpu.memory_space<semaphore_mem>>)
      %dma_wait3A_1124 = arith.constant 0 : i32
      %dma_wait3A_1125 = arith.constant 0 : i32
      %dma_wait3A_1126 = tpu.memref_slice %arg3[%dma_wait3A_1124, %dma_wait3A_1125] : memref<8192x1024xf32, #tpu.memory_space<hbm>> -> memref<8192x1024xf32, #tpu.memory_space<hbm>>
      tpu.wait_indirect_dma semaphore(%arg13 : memref<!tpu.dma_semaphore, #tpu.memory_space<semaphore_mem>>) src(%dma_wait3A_1126 : memref<8192x1024xf32, #tpu.memory_space<hbm>>) dst(%arg9 : memref<16x1024xf32, #tpu.memory_space<vmem>>)
      %add3A_1127 = arith.constant 0 : i32
      %add3A_1128 = arith.addi %add3A_450, %add3A_1127 : i32
      %dma_start3A_1129 = arith.constant 0 : i32
      %dma_start3A_1130 = tpu.memref_slice %arg4[%add3A_1128, %dma_start3A_1129] : memref<16384x1024xf32, #tpu.memory_space<hbm>> -> memref<16x1024xf32, #tpu.memory_space<hbm>>
      %dma_start3A_1131 = arith.constant 0 : i32
      %dma_start3A_1132 = tpu.memref_slice %arg4[%add3A_1128, %dma_start3A_1131] : memref<16384x1024xf32, #tpu.memory_space<hbm>> -> memref<16x1024xf32, #tpu.memory_space<hbm>>
      tpu.enqueue_dma source(%arg9 : memref<16x1024xf32, #tpu.memory_space<vmem>>) target(%dma_start3A_1132 : memref<16x1024xf32, #tpu.memory_space<hbm>>) target_semaphore(%arg14 : memref<!tpu.dma_semaphore, #tpu.memory_space<semaphore_mem>>)
      %dma_wait3A_1133 = arith.constant 0 : i32
      %dma_wait3A_1134 = arith.constant 0 : i32
      %dma_wait3A_1135 = tpu.memref_slice %arg4[%dma_wait3A_1133, %dma_wait3A_1134] : memref<16384x1024xf32, #tpu.memory_space<hbm>> -> memref<16x1024xf32, #tpu.memory_space<hbm>>
      %dma_wait3A_1136 = arith.constant 0 : i32
      %dma_wait3A_1137 = arith.constant 0 : i32
      %dma_wait3A_1138 = tpu.memref_slice %arg4[%dma_wait3A_1136, %dma_wait3A_1137] : memref<16384x1024xf32, #tpu.memory_space<hbm>> -> memref<16x1024xf32, #tpu.memory_space<hbm>>
      tpu.wait_dma2 semaphore(%arg14 : memref<!tpu.dma_semaphore, #tpu.memory_space<semaphore_mem>>) src(%arg9 : memref<16x1024xf32, #tpu.memory_space<vmem>>) dst(%dma_wait3A_1138 : memref<16x1024xf32, #tpu.memory_space<hbm>>)
      %get3A_1139 = arith.constant 0 : i32
      %get3A_1140 = arith.index_cast %get3A_1139 : i32 to index
      %get3A_1141 = arith.constant 48 : index
      %get3A_1142 = tpu.vector_load %arg6[%get3A_1140, %get3A_1141] {strides = array<i32>} : memref<4x128xi32, #tpu.memory_space<vmem>>, vector<16xi32>,
      %iota3A_1143 = tpu.iota {dimensions = array<i32: 0>} : vector<16xi32>
      %eq3A_1144 = arith.constant 0 : i32
      %eq3A_1145 = vector.broadcast %eq3A_1144 : i32 to vector<16xi32>
      %eq3A_1146 = arith.cmpi eq, %get3A_1142, %eq3A_1145 : vector<16xi32>
      %add3A_1147 = arith.constant 1 : i32
      %add3A_1148 = arith.addi %add3A_411, %add3A_1147 : i32
      %add3A_1149 = arith.constant 16 : i32
      %add3A_1150 = arith.addi %add3A_1148, %add3A_1149 : i32
      %add3A_1151 = vector.broadcast %add3A_1150 : i32 to vector<16xi32>
      %add3A_1152 = arith.addi %add3A_1151, %iota3A_1143 : vector<16xi32>
      %jit3A_1153 = arith.constant 0 : i32
      %broadcast_in_dim3A_1154 = vector.broadcast %jit3A_1153 : i32 to vector<16xi32>
      %select_n3A_1155 = arith.select %eq3A_1146, %broadcast_in_dim3A_1154, %add3A_1152 : vector<16xi1>, vector<16xi32>
      %swap3A_1156 = arith.constant 0 : index
      %swap3A_1157 = tpu.vector_load %arg8[%swap3A_1156] {strides = array<i32>} : memref<16xi32, #tpu.memory_space<vmem>>, vector<16xi32>,
      tpu.vector_store %arg8[%swap3A_1156], %select_n3A_1155 {strides = array<i32>} : memref<16xi32, #tpu.memory_space<vmem>>, vector<16xi32>,
      %dma_start3A_1158 = arith.constant 0 : i32
      %dma_start3A_1159 = arith.constant 0 : i32
      %dma_start3A_1160 = tpu.memref_slice %arg3[%dma_start3A_1158, %dma_start3A_1159] : memref<8192x1024xf32, #tpu.memory_space<hbm>> -> memref<8192x1024xf32, #tpu.memory_space<hbm>>
      tpu.enqueue_indirect_dma source(%dma_start3A_1160 : memref<8192x1024xf32, #tpu.memory_space<hbm>>) target(%arg9 : memref<16x1024xf32, #tpu.memory_space<vmem>>) offsets(%arg8 : memref<16xi32, #tpu.memory_space<vmem>>) semaphore(%arg13 : memref<!tpu.dma_semaphore, #tpu.memory_space<semaphore_mem>>)
      %dma_wait3A_1161 = arith.constant 0 : i32
      %dma_wait3A_1162 = arith.constant 0 : i32
      %dma_wait3A_1163 = tpu.memref_slice %arg3[%dma_wait3A_1161, %dma_wait3A_1162] : memref<8192x1024xf32, #tpu.memory_space<hbm>> -> memref<8192x1024xf32, #tpu.memory_space<hbm>>
      tpu.wait_indirect_dma semaphore(%arg13 : memref<!tpu.dma_semaphore, #tpu.memory_space<semaphore_mem>>) src(%dma_wait3A_1163 : memref<8192x1024xf32, #tpu.memory_space<hbm>>) dst(%arg9 : memref<16x1024xf32, #tpu.memory_space<vmem>>)
      %add3A_1164 = arith.constant 16 : i32
      %add3A_1165 = arith.addi %add3A_450, %add3A_1164 : i32
      %dma_start3A_1166 = arith.constant 0 : i32
      %dma_start3A_1167 = tpu.memref_slice %arg4[%add3A_1165, %dma_start3A_1166] : memref<16384x1024xf32, #tpu.memory_space<hbm>> -> memref<16x1024xf32, #tpu.memory_space<hbm>>
      %dma_start3A_1168 = arith.constant 0 : i32
      %dma_start3A_1169 = tpu.memref_slice %arg4[%add3A_1165, %dma_start3A_1168] : memref<16384x1024xf32, #tpu.memory_space<hbm>> -> memref<16x1024xf32, #tpu.memory_space<hbm>>
      tpu.enqueue_dma source(%arg9 : memref<16x1024xf32, #tpu.memory_space<vmem>>) target(%dma_start3A_1169 : memref<16x1024xf32, #tpu.memory_space<hbm>>) target_semaphore(%arg14 : memref<!tpu.dma_semaphore, #tpu.memory_space<semaphore_mem>>)
      %dma_wait3A_1170 = arith.constant 0 : i32
      %dma_wait3A_1171 = arith.constant 0 : i32
      %dma_wait3A_1172 = tpu.memref_slice %arg4[%dma_wait3A_1170, %dma_wait3A_1171] : memref<16384x1024xf32, #tpu.memory_space<hbm>> -> memref<16x1024xf32, #tpu.memory_space<hbm>>
      %dma_wait3A_1173 = arith.constant 0 : i32
      %dma_wait3A_1174 = arith.constant 0 : i32
      %dma_wait3A_1175 = tpu.memref_slice %arg4[%dma_wait3A_1173, %dma_wait3A_1174] : memref<16384x1024xf32, #tpu.memory_space<hbm>> -> memref<16x1024xf32, #tpu.memory_space<hbm>>
      tpu.wait_dma2 semaphore(%arg14 : memref<!tpu.dma_semaphore, #tpu.memory_space<semaphore_mem>>) src(%arg9 : memref<16x1024xf32, #tpu.memory_space<vmem>>) dst(%dma_wait3A_1175 : memref<16x1024xf32, #tpu.memory_space<hbm>>)
    } else {
    }
    %get3A_460 = arith.constant 1 : i32
    %get3A_461 = arith.index_cast %get3A_460 : i32 to index
    %get3A_462 = arith.constant 32 : index
    %get3A_463 = tpu.vector_load %arg6[%get3A_461, %get3A_462] {strides = array<i32>} : memref<4x128xi32, #tpu.memory_space<vmem>>, vector<16xi32>,
    %eq3A_464 = arith.constant 0 : i32
    %eq3A_465 = vector.broadcast %eq3A_464 : i32 to vector<16xi32>
    %eq3A_466 = arith.cmpi eq, %get3A_463, %eq3A_465 : vector<16xi32>
    %jit3A_467 = arith.constant 1 : i32
    %jit3A_468 = arith.constant 0 : i32
    %broadcast_in_dim3A_469 = vector.broadcast %jit3A_467 : i32 to vector<16xi32>
    %broadcast_in_dim3A_470 = vector.broadcast %jit3A_468 : i32 to vector<16xi32>
    %select_n3A_471 = arith.select %eq3A_466, %broadcast_in_dim3A_469, %broadcast_in_dim3A_470 : vector<16xi1>, vector<16xi32>
    %reduce_sum3A_472 = arith.constant true
    %reduce_sum3A_473 = vector.broadcast %reduce_sum3A_472 : i1 to vector<16xi1>
    %reduce_sum3A_474 = tpu.scan <sum>, %select_n3A_471 masked %reduce_sum3A_473 : vector<16xi32>, vector<16xi1> -> vector<16xi32>
    %reduce_sum3A_475 = vector.extract %reduce_sum3A_474[15] : i32 from vector<16xi32>
    %add3A_476 = arith.constant 0 : i32
    %add3A_477 = arith.addi %add3A_476, %reduce_sum3A_475 : i32
    %get3A_478 = arith.constant 1 : i32
    %get3A_479 = arith.index_cast %get3A_478 : i32 to index
    %get3A_480 = arith.constant 48 : index
    %get3A_481 = tpu.vector_load %arg6[%get3A_479, %get3A_480] {strides = array<i32>} : memref<4x128xi32, #tpu.memory_space<vmem>>, vector<16xi32>,
    %eq3A_482 = arith.constant 0 : i32
    %eq3A_483 = vector.broadcast %eq3A_482 : i32 to vector<16xi32>
    %eq3A_484 = arith.cmpi eq, %get3A_481, %eq3A_483 : vector<16xi32>
    %jit3A_485 = arith.constant 1 : i32
    %jit3A_486 = arith.constant 0 : i32
    %broadcast_in_dim3A_487 = vector.broadcast %jit3A_485 : i32 to vector<16xi32>
    %broadcast_in_dim3A_488 = vector.broadcast %jit3A_486 : i32 to vector<16xi32>
    %select_n3A_489 = arith.select %eq3A_484, %broadcast_in_dim3A_487, %broadcast_in_dim3A_488 : vector<16xi1>, vector<16xi32>
    %reduce_sum3A_490 = arith.constant true
    %reduce_sum3A_491 = vector.broadcast %reduce_sum3A_490 : i1 to vector<16xi1>
    %reduce_sum3A_492 = tpu.scan <sum>, %select_n3A_489 masked %reduce_sum3A_491 : vector<16xi32>, vector<16xi1> -> vector<16xi32>
    %reduce_sum3A_493 = vector.extract %reduce_sum3A_492[15] : i32 from vector<16xi32>
    %add3A_494 = arith.addi %add3A_477, %reduce_sum3A_493 : i32
    %eq3A_495 = arith.constant 0 : i32
    %eq3A_496 = arith.cmpi eq, %add3A_494, %eq3A_495 : i32
    %add3A_497 = arith.constant 4096 : i32
    %add3A_498 = arith.addi %add3A_497, %add3A_411 : i32
    %convert_element_type3A_499 = arith.extui %eq3A_496 : i1 to i32
    %cond3A_500 = arith.constant 1 : i32
    %cond3A_501 = arith.constant 0 : i32
    %cond3A_502 = arith.cmpi ne, %convert_element_type3A_499, %cond3A_501 : i32
    scf.if %cond3A_502 {
      %dma_start3A_1102 = arith.constant 0 : i32
      %dma_start3A_1103 = arith.constant 0 : i32
      %dma_start3A_1104 = tpu.memref_slice %arg5[%cond3A_500, %dma_start3A_1102, %dma_start3A_1103] : memref<3x32x1024xf32, #tpu.memory_space<vmem>> -> memref<1x32x1024xf32, #tpu.memory_space<vmem>>
      %dma_start3A_1105 = tpu.memref_squeeze %dma_start3A_1104 : memref<1x32x1024xf32, #tpu.memory_space<vmem>> -> memref<32x1024xf32, #tpu.memory_space<vmem>>
      %dma_start3A_1106 = arith.constant 0 : i32
      %dma_start3A_1107 = tpu.memref_slice %arg4[%add3A_498, %dma_start3A_1106] : memref<16384x1024xf32, #tpu.memory_space<hbm>> -> memref<32x1024xf32, #tpu.memory_space<hbm>>
      %dma_start3A_1108 = arith.constant 0 : i32
      %dma_start3A_1109 = tpu.memref_slice %arg4[%add3A_498, %dma_start3A_1108] : memref<16384x1024xf32, #tpu.memory_space<hbm>> -> memref<32x1024xf32, #tpu.memory_space<hbm>>
      %dma_start3A_1110 = arith.constant 0 : i32
      %dma_start3A_1111 = arith.constant 0 : i32
      %dma_start3A_1112 = tpu.memref_slice %arg5[%cond3A_500, %dma_start3A_1110, %dma_start3A_1111] : memref<3x32x1024xf32, #tpu.memory_space<vmem>> -> memref<1x32x1024xf32, #tpu.memory_space<vmem>>
      %dma_start3A_1113 = tpu.memref_squeeze %dma_start3A_1112 : memref<1x32x1024xf32, #tpu.memory_space<vmem>> -> memref<32x1024xf32, #tpu.memory_space<vmem>>
      tpu.enqueue_dma source(%dma_start3A_1113 : memref<32x1024xf32, #tpu.memory_space<vmem>>) target(%dma_start3A_1109 : memref<32x1024xf32, #tpu.memory_space<hbm>>) target_semaphore(%arg11 : memref<!tpu.dma_semaphore, #tpu.memory_space<semaphore_mem>>)
    } else {
    }
    %not3A_503 = arith.constant true
    %not3A_504 = arith.xori %eq3A_496, %not3A_503 : i1
    %convert_element_type3A_505 = arith.extui %not3A_504 : i1 to i32
    %cond3A_506 = arith.constant 0 : i32
    %cond3A_507 = arith.cmpi ne, %convert_element_type3A_505, %cond3A_506 : i32
    scf.if %cond3A_507 {
      %get3A_1102 = arith.constant 1 : i32
      %get3A_1103 = arith.index_cast %get3A_1102 : i32 to index
      %get3A_1104 = arith.constant 32 : index
      %get3A_1105 = tpu.vector_load %arg6[%get3A_1103, %get3A_1104] {strides = array<i32>} : memref<4x128xi32, #tpu.memory_space<vmem>>, vector<16xi32>,
      %iota3A_1106 = tpu.iota {dimensions = array<i32: 0>} : vector<16xi32>
      %eq3A_1107 = arith.constant 0 : i32
      %eq3A_1108 = vector.broadcast %eq3A_1107 : i32 to vector<16xi32>
      %eq3A_1109 = arith.cmpi eq, %get3A_1105, %eq3A_1108 : vector<16xi32>
      %add3A_1110 = arith.constant 1 : i32
      %add3A_1111 = arith.addi %add3A_411, %add3A_1110 : i32
      %add3A_1112 = arith.constant 0 : i32
      %add3A_1113 = arith.addi %add3A_1111, %add3A_1112 : i32
      %add3A_1114 = vector.broadcast %add3A_1113 : i32 to vector<16xi32>
      %add3A_1115 = arith.addi %add3A_1114, %iota3A_1106 : vector<16xi32>
      %jit3A_1116 = arith.constant 0 : i32
      %broadcast_in_dim3A_1117 = vector.broadcast %jit3A_1116 : i32 to vector<16xi32>
      %select_n3A_1118 = arith.select %eq3A_1109, %broadcast_in_dim3A_1117, %add3A_1115 : vector<16xi1>, vector<16xi32>
      %swap3A_1119 = arith.constant 0 : index
      %swap3A_1120 = tpu.vector_load %arg8[%swap3A_1119] {strides = array<i32>} : memref<16xi32, #tpu.memory_space<vmem>>, vector<16xi32>,
      tpu.vector_store %arg8[%swap3A_1119], %select_n3A_1118 {strides = array<i32>} : memref<16xi32, #tpu.memory_space<vmem>>, vector<16xi32>,
      %dma_start3A_1121 = arith.constant 0 : i32
      %dma_start3A_1122 = arith.constant 0 : i32
      %dma_start3A_1123 = tpu.memref_slice %arg3[%dma_start3A_1121, %dma_start3A_1122] : memref<8192x1024xf32, #tpu.memory_space<hbm>> -> memref<8192x1024xf32, #tpu.memory_space<hbm>>
      tpu.enqueue_indirect_dma source(%dma_start3A_1123 : memref<8192x1024xf32, #tpu.memory_space<hbm>>) target(%arg9 : memref<16x1024xf32, #tpu.memory_space<vmem>>) offsets(%arg8 : memref<16xi32, #tpu.memory_space<vmem>>) semaphore(%arg13 : memref<!tpu.dma_semaphore, #tpu.memory_space<semaphore_mem>>)
      %dma_wait3A_1124 = arith.constant 0 : i32
      %dma_wait3A_1125 = arith.constant 0 : i32
      %dma_wait3A_1126 = tpu.memref_slice %arg3[%dma_wait3A_1124, %dma_wait3A_1125] : memref<8192x1024xf32, #tpu.memory_space<hbm>> -> memref<8192x1024xf32, #tpu.memory_space<hbm>>
      tpu.wait_indirect_dma semaphore(%arg13 : memref<!tpu.dma_semaphore, #tpu.memory_space<semaphore_mem>>) src(%dma_wait3A_1126 : memref<8192x1024xf32, #tpu.memory_space<hbm>>) dst(%arg9 : memref<16x1024xf32, #tpu.memory_space<vmem>>)
      %add3A_1127 = arith.constant 0 : i32
      %add3A_1128 = arith.addi %add3A_498, %add3A_1127 : i32
      %dma_start3A_1129 = arith.constant 0 : i32
      %dma_start3A_1130 = tpu.memref_slice %arg4[%add3A_1128, %dma_start3A_1129] : memref<16384x1024xf32, #tpu.memory_space<hbm>> -> memref<16x1024xf32, #tpu.memory_space<hbm>>
      %dma_start3A_1131 = arith.constant 0 : i32
      %dma_start3A_1132 = tpu.memref_slice %arg4[%add3A_1128, %dma_start3A_1131] : memref<16384x1024xf32, #tpu.memory_space<hbm>> -> memref<16x1024xf32, #tpu.memory_space<hbm>>
      tpu.enqueue_dma source(%arg9 : memref<16x1024xf32, #tpu.memory_space<vmem>>) target(%dma_start3A_1132 : memref<16x1024xf32, #tpu.memory_space<hbm>>) target_semaphore(%arg14 : memref<!tpu.dma_semaphore, #tpu.memory_space<semaphore_mem>>)
      %dma_wait3A_1133 = arith.constant 0 : i32
      %dma_wait3A_1134 = arith.constant 0 : i32
      %dma_wait3A_1135 = tpu.memref_slice %arg4[%dma_wait3A_1133, %dma_wait3A_1134] : memref<16384x1024xf32, #tpu.memory_space<hbm>> -> memref<16x1024xf32, #tpu.memory_space<hbm>>
      %dma_wait3A_1136 = arith.constant 0 : i32
      %dma_wait3A_1137 = arith.constant 0 : i32
      %dma_wait3A_1138 = tpu.memref_slice %arg4[%dma_wait3A_1136, %dma_wait3A_1137] : memref<16384x1024xf32, #tpu.memory_space<hbm>> -> memref<16x1024xf32, #tpu.memory_space<hbm>>
      tpu.wait_dma2 semaphore(%arg14 : memref<!tpu.dma_semaphore, #tpu.memory_space<semaphore_mem>>) src(%arg9 : memref<16x1024xf32, #tpu.memory_space<vmem>>) dst(%dma_wait3A_1138 : memref<16x1024xf32, #tpu.memory_space<hbm>>)
      %get3A_1139 = arith.constant 1 : i32
      %get3A_1140 = arith.index_cast %get3A_1139 : i32 to index
      %get3A_1141 = arith.constant 48 : index
      %get3A_1142 = tpu.vector_load %arg6[%get3A_1140, %get3A_1141] {strides = array<i32>} : memref<4x128xi32, #tpu.memory_space<vmem>>, vector<16xi32>,
      %iota3A_1143 = tpu.iota {dimensions = array<i32: 0>} : vector<16xi32>
      %eq3A_1144 = arith.constant 0 : i32
      %eq3A_1145 = vector.broadcast %eq3A_1144 : i32 to vector<16xi32>
      %eq3A_1146 = arith.cmpi eq, %get3A_1142, %eq3A_1145 : vector<16xi32>
      %add3A_1147 = arith.constant 1 : i32
      %add3A_1148 = arith.addi %add3A_411, %add3A_1147 : i32
      %add3A_1149 = arith.constant 16 : i32
      %add3A_1150 = arith.addi %add3A_1148, %add3A_1149 : i32
      %add3A_1151 = vector.broadcast %add3A_1150 : i32 to vector<16xi32>
      %add3A_1152 = arith.addi %add3A_1151, %iota3A_1143 : vector<16xi32>
      %jit3A_1153 = arith.constant 0 : i32
      %broadcast_in_dim3A_1154 = vector.broadcast %jit3A_1153 : i32 to vector<16xi32>
      %select_n3A_1155 = arith.select %eq3A_1146, %broadcast_in_dim3A_1154, %add3A_1152 : vector<16xi1>, vector<16xi32>
      %swap3A_1156 = arith.constant 0 : index
      %swap3A_1157 = tpu.vector_load %arg8[%swap3A_1156] {strides = array<i32>} : memref<16xi32, #tpu.memory_space<vmem>>, vector<16xi32>,
      tpu.vector_store %arg8[%swap3A_1156], %select_n3A_1155 {strides = array<i32>} : memref<16xi32, #tpu.memory_space<vmem>>, vector<16xi32>,
      %dma_start3A_1158 = arith.constant 0 : i32
      %dma_start3A_1159 = arith.constant 0 : i32
      %dma_start3A_1160 = tpu.memref_slice %arg3[%dma_start3A_1158, %dma_start3A_1159] : memref<8192x1024xf32, #tpu.memory_space<hbm>> -> memref<8192x1024xf32, #tpu.memory_space<hbm>>
      tpu.enqueue_indirect_dma source(%dma_start3A_1160 : memref<8192x1024xf32, #tpu.memory_space<hbm>>) target(%arg9 : memref<16x1024xf32, #tpu.memory_space<vmem>>) offsets(%arg8 : memref<16xi32, #tpu.memory_space<vmem>>) semaphore(%arg13 : memref<!tpu.dma_semaphore, #tpu.memory_space<semaphore_mem>>)
      %dma_wait3A_1161 = arith.constant 0 : i32
      %dma_wait3A_1162 = arith.constant 0 : i32
      %dma_wait3A_1163 = tpu.memref_slice %arg3[%dma_wait3A_1161, %dma_wait3A_1162] : memref<8192x1024xf32, #tpu.memory_space<hbm>> -> memref<8192x1024xf32, #tpu.memory_space<hbm>>
      tpu.wait_indirect_dma semaphore(%arg13 : memref<!tpu.dma_semaphore, #tpu.memory_space<semaphore_mem>>) src(%dma_wait3A_1163 : memref<8192x1024xf32, #tpu.memory_space<hbm>>) dst(%arg9 : memref<16x1024xf32, #tpu.memory_space<vmem>>)
      %add3A_1164 = arith.constant 16 : i32
      %add3A_1165 = arith.addi %add3A_498, %add3A_1164 : i32
      %dma_start3A_1166 = arith.constant 0 : i32
      %dma_start3A_1167 = tpu.memref_slice %arg4[%add3A_1165, %dma_start3A_1166] : memref<16384x1024xf32, #tpu.memory_space<hbm>> -> memref<16x1024xf32, #tpu.memory_space<hbm>>
      %dma_start3A_1168 = arith.constant 0 : i32
      %dma_start3A_1169 = tpu.memref_slice %arg4[%add3A_1165, %dma_start3A_1168] : memref<16384x1024xf32, #tpu.memory_space<hbm>> -> memref<16x1024xf32, #tpu.memory_space<hbm>>
      tpu.enqueue_dma source(%arg9 : memref<16x1024xf32, #tpu.memory_space<vmem>>) target(%dma_start3A_1169 : memref<16x1024xf32, #tpu.memory_space<hbm>>) target_semaphore(%arg14 : memref<!tpu.dma_semaphore, #tpu.memory_space<semaphore_mem>>)
      %dma_wait3A_1170 = arith.constant 0 : i32
      %dma_wait3A_1171 = arith.constant 0 : i32
      %dma_wait3A_1172 = tpu.memref_slice %arg4[%dma_wait3A_1170, %dma_wait3A_1171] : memref<16384x1024xf32, #tpu.memory_space<hbm>> -> memref<16x1024xf32, #tpu.memory_space<hbm>>
      %dma_wait3A_1173 = arith.constant 0 : i32
      %dma_wait3A_1174 = arith.constant 0 : i32
      %dma_wait3A_1175 = tpu.memref_slice %arg4[%dma_wait3A_1173, %dma_wait3A_1174] : memref<16384x1024xf32, #tpu.memory_space<hbm>> -> memref<16x1024xf32, #tpu.memory_space<hbm>>
      tpu.wait_dma2 semaphore(%arg14 : memref<!tpu.dma_semaphore, #tpu.memory_space<semaphore_mem>>) src(%arg9 : memref<16x1024xf32, #tpu.memory_space<vmem>>) dst(%dma_wait3A_1175 : memref<16x1024xf32, #tpu.memory_space<hbm>>)
    } else {
    }
    %get3A_508 = arith.constant 2 : i32
    %get3A_509 = arith.index_cast %get3A_508 : i32 to index
    %get3A_510 = arith.constant 32 : index
    %get3A_511 = tpu.vector_load %arg6[%get3A_509, %get3A_510] {strides = array<i32>} : memref<4x128xi32, #tpu.memory_space<vmem>>, vector<16xi32>,
    %eq3A_512 = arith.constant 0 : i32
    %eq3A_513 = vector.broadcast %eq3A_512 : i32 to vector<16xi32>
    %eq3A_514 = arith.cmpi eq, %get3A_511, %eq3A_513 : vector<16xi32>
    %jit3A_515 = arith.constant 1 : i32
    %jit3A_516 = arith.constant 0 : i32
    %broadcast_in_dim3A_517 = vector.broadcast %jit3A_515 : i32 to vector<16xi32>
    %broadcast_in_dim3A_518 = vector.broadcast %jit3A_516 : i32 to vector<16xi32>
    %select_n3A_519 = arith.select %eq3A_514, %broadcast_in_dim3A_517, %broadcast_in_dim3A_518 : vector<16xi1>, vector<16xi32>
    %reduce_sum3A_520 = arith.constant true
    %reduce_sum3A_521 = vector.broadcast %reduce_sum3A_520 : i1 to vector<16xi1>
    %reduce_sum3A_522 = tpu.scan <sum>, %select_n3A_519 masked %reduce_sum3A_521 : vector<16xi32>, vector<16xi1> -> vector<16xi32>
    %reduce_sum3A_523 = vector.extract %reduce_sum3A_522[15] : i32 from vector<16xi32>
    %add3A_524 = arith.constant 0 : i32
    %add3A_525 = arith.addi %add3A_524, %reduce_sum3A_523 : i32
    %get3A_526 = arith.constant 2 : i32
    %get3A_527 = arith.index_cast %get3A_526 : i32 to index
    %get3A_528 = arith.constant 48 : index
    %get3A_529 = tpu.vector_load %arg6[%get3A_527, %get3A_528] {strides = array<i32>} : memref<4x128xi32, #tpu.memory_space<vmem>>, vector<16xi32>,
    %eq3A_530 = arith.constant 0 : i32
    %eq3A_531 = vector.broadcast %eq3A_530 : i32 to vector<16xi32>
    %eq3A_532 = arith.cmpi eq, %get3A_529, %eq3A_531 : vector<16xi32>
    %jit3A_533 = arith.constant 1 : i32
    %jit3A_534 = arith.constant 0 : i32
    %broadcast_in_dim3A_535 = vector.broadcast %jit3A_533 : i32 to vector<16xi32>
    %broadcast_in_dim3A_536 = vector.broadcast %jit3A_534 : i32 to vector<16xi32>
    %select_n3A_537 = arith.select %eq3A_532, %broadcast_in_dim3A_535, %broadcast_in_dim3A_536 : vector<16xi1>, vector<16xi32>
    %reduce_sum3A_538 = arith.constant true
    %reduce_sum3A_539 = vector.broadcast %reduce_sum3A_538 : i1 to vector<16xi1>
    %reduce_sum3A_540 = tpu.scan <sum>, %select_n3A_537 masked %reduce_sum3A_539 : vector<16xi32>, vector<16xi1> -> vector<16xi32>
    %reduce_sum3A_541 = vector.extract %reduce_sum3A_540[15] : i32 from vector<16xi32>
    %add3A_542 = arith.addi %add3A_525, %reduce_sum3A_541 : i32
    %eq3A_543 = arith.constant 0 : i32
    %eq3A_544 = arith.cmpi eq, %add3A_542, %eq3A_543 : i32
    %add3A_545 = arith.constant 8192 : i32
    %add3A_546 = arith.addi %add3A_545, %add3A_411 : i32
    %convert_element_type3A_547 = arith.extui %eq3A_544 : i1 to i32
    %cond3A_548 = arith.constant 1 : i32
    %cond3A_549 = arith.constant 0 : i32
    %cond3A_550 = arith.cmpi ne, %convert_element_type3A_547, %cond3A_549 : i32
    scf.if %cond3A_550 {
      %dma_start3A_1102 = arith.constant 0 : i32
      %dma_start3A_1103 = arith.constant 0 : i32
      %dma_start3A_1104 = tpu.memref_slice %arg5[%cond3A_548, %dma_start3A_1102, %dma_start3A_1103] : memref<3x32x1024xf32, #tpu.memory_space<vmem>> -> memref<1x32x1024xf32, #tpu.memory_space<vmem>>
      %dma_start3A_1105 = tpu.memref_squeeze %dma_start3A_1104 : memref<1x32x1024xf32, #tpu.memory_space<vmem>> -> memref<32x1024xf32, #tpu.memory_space<vmem>>
      %dma_start3A_1106 = arith.constant 0 : i32
      %dma_start3A_1107 = tpu.memref_slice %arg4[%add3A_546, %dma_start3A_1106] : memref<16384x1024xf32, #tpu.memory_space<hbm>> -> memref<32x1024xf32, #tpu.memory_space<hbm>>
      %dma_start3A_1108 = arith.constant 0 : i32
      %dma_start3A_1109 = tpu.memref_slice %arg4[%add3A_546, %dma_start3A_1108] : memref<16384x1024xf32, #tpu.memory_space<hbm>> -> memref<32x1024xf32, #tpu.memory_space<hbm>>
      %dma_start3A_1110 = arith.constant 0 : i32
      %dma_start3A_1111 = arith.constant 0 : i32
      %dma_start3A_1112 = tpu.memref_slice %arg5[%cond3A_548, %dma_start3A_1110, %dma_start3A_1111] : memref<3x32x1024xf32, #tpu.memory_space<vmem>> -> memref<1x32x1024xf32, #tpu.memory_space<vmem>>
      %dma_start3A_1113 = tpu.memref_squeeze %dma_start3A_1112 : memref<1x32x1024xf32, #tpu.memory_space<vmem>> -> memref<32x1024xf32, #tpu.memory_space<vmem>>
      tpu.enqueue_dma source(%dma_start3A_1113 : memref<32x1024xf32, #tpu.memory_space<vmem>>) target(%dma_start3A_1109 : memref<32x1024xf32, #tpu.memory_space<hbm>>) target_semaphore(%arg11 : memref<!tpu.dma_semaphore, #tpu.memory_space<semaphore_mem>>)
    } else {
    }
    %not3A_551 = arith.constant true
    %not3A_552 = arith.xori %eq3A_544, %not3A_551 : i1
    %convert_element_type3A_553 = arith.extui %not3A_552 : i1 to i32
    %cond3A_554 = arith.constant 0 : i32
    %cond3A_555 = arith.cmpi ne, %convert_element_type3A_553, %cond3A_554 : i32
    scf.if %cond3A_555 {
      %get3A_1102 = arith.constant 2 : i32
      %get3A_1103 = arith.index_cast %get3A_1102 : i32 to index
      %get3A_1104 = arith.constant 32 : index
      %get3A_1105 = tpu.vector_load %arg6[%get3A_1103, %get3A_1104] {strides = array<i32>} : memref<4x128xi32, #tpu.memory_space<vmem>>, vector<16xi32>,
      %iota3A_1106 = tpu.iota {dimensions = array<i32: 0>} : vector<16xi32>
      %eq3A_1107 = arith.constant 0 : i32
      %eq3A_1108 = vector.broadcast %eq3A_1107 : i32 to vector<16xi32>
      %eq3A_1109 = arith.cmpi eq, %get3A_1105, %eq3A_1108 : vector<16xi32>
      %add3A_1110 = arith.constant 1 : i32
      %add3A_1111 = arith.addi %add3A_411, %add3A_1110 : i32
      %add3A_1112 = arith.constant 0 : i32
      %add3A_1113 = arith.addi %add3A_1111, %add3A_1112 : i32
      %add3A_1114 = vector.broadcast %add3A_1113 : i32 to vector<16xi32>
      %add3A_1115 = arith.addi %add3A_1114, %iota3A_1106 : vector<16xi32>
      %jit3A_1116 = arith.constant 0 : i32
      %broadcast_in_dim3A_1117 = vector.broadcast %jit3A_1116 : i32 to vector<16xi32>
      %select_n3A_1118 = arith.select %eq3A_1109, %broadcast_in_dim3A_1117, %add3A_1115 : vector<16xi1>, vector<16xi32>
      %swap3A_1119 = arith.constant 0 : index
      %swap3A_1120 = tpu.vector_load %arg8[%swap3A_1119] {strides = array<i32>} : memref<16xi32, #tpu.memory_space<vmem>>, vector<16xi32>,
      tpu.vector_store %arg8[%swap3A_1119], %select_n3A_1118 {strides = array<i32>} : memref<16xi32, #tpu.memory_space<vmem>>, vector<16xi32>,
      %dma_start3A_1121 = arith.constant 0 : i32
      %dma_start3A_1122 = arith.constant 0 : i32
      %dma_start3A_1123 = tpu.memref_slice %arg3[%dma_start3A_1121, %dma_start3A_1122] : memref<8192x1024xf32, #tpu.memory_space<hbm>> -> memref<8192x1024xf32, #tpu.memory_space<hbm>>
      tpu.enqueue_indirect_dma source(%dma_start3A_1123 : memref<8192x1024xf32, #tpu.memory_space<hbm>>) target(%arg9 : memref<16x1024xf32, #tpu.memory_space<vmem>>) offsets(%arg8 : memref<16xi32, #tpu.memory_space<vmem>>) semaphore(%arg13 : memref<!tpu.dma_semaphore, #tpu.memory_space<semaphore_mem>>)
      %dma_wait3A_1124 = arith.constant 0 : i32
      %dma_wait3A_1125 = arith.constant 0 : i32
      %dma_wait3A_1126 = tpu.memref_slice %arg3[%dma_wait3A_1124, %dma_wait3A_1125] : memref<8192x1024xf32, #tpu.memory_space<hbm>> -> memref<8192x1024xf32, #tpu.memory_space<hbm>>
      tpu.wait_indirect_dma semaphore(%arg13 : memref<!tpu.dma_semaphore, #tpu.memory_space<semaphore_mem>>) src(%dma_wait3A_1126 : memref<8192x1024xf32, #tpu.memory_space<hbm>>) dst(%arg9 : memref<16x1024xf32, #tpu.memory_space<vmem>>)
      %add3A_1127 = arith.constant 0 : i32
      %add3A_1128 = arith.addi %add3A_546, %add3A_1127 : i32
      %dma_start3A_1129 = arith.constant 0 : i32
      %dma_start3A_1130 = tpu.memref_slice %arg4[%add3A_1128, %dma_start3A_1129] : memref<16384x1024xf32, #tpu.memory_space<hbm>> -> memref<16x1024xf32, #tpu.memory_space<hbm>>
      %dma_start3A_1131 = arith.constant 0 : i32
      %dma_start3A_1132 = tpu.memref_slice %arg4[%add3A_1128, %dma_start3A_1131] : memref<16384x1024xf32, #tpu.memory_space<hbm>> -> memref<16x1024xf32, #tpu.memory_space<hbm>>
      tpu.enqueue_dma source(%arg9 : memref<16x1024xf32, #tpu.memory_space<vmem>>) target(%dma_start3A_1132 : memref<16x1024xf32, #tpu.memory_space<hbm>>) target_semaphore(%arg14 : memref<!tpu.dma_semaphore, #tpu.memory_space<semaphore_mem>>)
      %dma_wait3A_1133 = arith.constant 0 : i32
      %dma_wait3A_1134 = arith.constant 0 : i32
      %dma_wait3A_1135 = tpu.memref_slice %arg4[%dma_wait3A_1133, %dma_wait3A_1134] : memref<16384x1024xf32, #tpu.memory_space<hbm>> -> memref<16x1024xf32, #tpu.memory_space<hbm>>
      %dma_wait3A_1136 = arith.constant 0 : i32
      %dma_wait3A_1137 = arith.constant 0 : i32
      %dma_wait3A_1138 = tpu.memref_slice %arg4[%dma_wait3A_1136, %dma_wait3A_1137] : memref<16384x1024xf32, #tpu.memory_space<hbm>> -> memref<16x1024xf32, #tpu.memory_space<hbm>>
      tpu.wait_dma2 semaphore(%arg14 : memref<!tpu.dma_semaphore, #tpu.memory_space<semaphore_mem>>) src(%arg9 : memref<16x1024xf32, #tpu.memory_space<vmem>>) dst(%dma_wait3A_1138 : memref<16x1024xf32, #tpu.memory_space<hbm>>)
      %get3A_1139 = arith.constant 2 : i32
      %get3A_1140 = arith.index_cast %get3A_1139 : i32 to index
      %get3A_1141 = arith.constant 48 : index
      %get3A_1142 = tpu.vector_load %arg6[%get3A_1140, %get3A_1141] {strides = array<i32>} : memref<4x128xi32, #tpu.memory_space<vmem>>, vector<16xi32>,
      %iota3A_1143 = tpu.iota {dimensions = array<i32: 0>} : vector<16xi32>
      %eq3A_1144 = arith.constant 0 : i32
      %eq3A_1145 = vector.broadcast %eq3A_1144 : i32 to vector<16xi32>
      %eq3A_1146 = arith.cmpi eq, %get3A_1142, %eq3A_1145 : vector<16xi32>
      %add3A_1147 = arith.constant 1 : i32
      %add3A_1148 = arith.addi %add3A_411, %add3A_1147 : i32
      %add3A_1149 = arith.constant 16 : i32
      %add3A_1150 = arith.addi %add3A_1148, %add3A_1149 : i32
      %add3A_1151 = vector.broadcast %add3A_1150 : i32 to vector<16xi32>
      %add3A_1152 = arith.addi %add3A_1151, %iota3A_1143 : vector<16xi32>
      %jit3A_1153 = arith.constant 0 : i32
      %broadcast_in_dim3A_1154 = vector.broadcast %jit3A_1153 : i32 to vector<16xi32>
      %select_n3A_1155 = arith.select %eq3A_1146, %broadcast_in_dim3A_1154, %add3A_1152 : vector<16xi1>, vector<16xi32>
      %swap3A_1156 = arith.constant 0 : index
      %swap3A_1157 = tpu.vector_load %arg8[%swap3A_1156] {strides = array<i32>} : memref<16xi32, #tpu.memory_space<vmem>>, vector<16xi32>,
      tpu.vector_store %arg8[%swap3A_1156], %select_n3A_1155 {strides = array<i32>} : memref<16xi32, #tpu.memory_space<vmem>>, vector<16xi32>,
      %dma_start3A_1158 = arith.constant 0 : i32
      %dma_start3A_1159 = arith.constant 0 : i32
      %dma_start3A_1160 = tpu.memref_slice %arg3[%dma_start3A_1158, %dma_start3A_1159] : memref<8192x1024xf32, #tpu.memory_space<hbm>> -> memref<8192x1024xf32, #tpu.memory_space<hbm>>
      tpu.enqueue_indirect_dma source(%dma_start3A_1160 : memref<8192x1024xf32, #tpu.memory_space<hbm>>) target(%arg9 : memref<16x1024xf32, #tpu.memory_space<vmem>>) offsets(%arg8 : memref<16xi32, #tpu.memory_space<vmem>>) semaphore(%arg13 : memref<!tpu.dma_semaphore, #tpu.memory_space<semaphore_mem>>)
      %dma_wait3A_1161 = arith.constant 0 : i32
      %dma_wait3A_1162 = arith.constant 0 : i32
      %dma_wait3A_1163 = tpu.memref_slice %arg3[%dma_wait3A_1161, %dma_wait3A_1162] : memref<8192x1024xf32, #tpu.memory_space<hbm>> -> memref<8192x1024xf32, #tpu.memory_space<hbm>>
      tpu.wait_indirect_dma semaphore(%arg13 : memref<!tpu.dma_semaphore, #tpu.memory_space<semaphore_mem>>) src(%dma_wait3A_1163 : memref<8192x1024xf32, #tpu.memory_space<hbm>>) dst(%arg9 : memref<16x1024xf32, #tpu.memory_space<vmem>>)
      %add3A_1164 = arith.constant 16 : i32
      %add3A_1165 = arith.addi %add3A_546, %add3A_1164 : i32
      %dma_start3A_1166 = arith.constant 0 : i32
      %dma_start3A_1167 = tpu.memref_slice %arg4[%add3A_1165, %dma_start3A_1166] : memref<16384x1024xf32, #tpu.memory_space<hbm>> -> memref<16x1024xf32, #tpu.memory_space<hbm>>
      %dma_start3A_1168 = arith.constant 0 : i32
      %dma_start3A_1169 = tpu.memref_slice %arg4[%add3A_1165, %dma_start3A_1168] : memref<16384x1024xf32, #tpu.memory_space<hbm>> -> memref<16x1024xf32, #tpu.memory_space<hbm>>
      tpu.enqueue_dma source(%arg9 : memref<16x1024xf32, #tpu.memory_space<vmem>>) target(%dma_start3A_1169 : memref<16x1024xf32, #tpu.memory_space<hbm>>) target_semaphore(%arg14 : memref<!tpu.dma_semaphore, #tpu.memory_space<semaphore_mem>>)
      %dma_wait3A_1170 = arith.constant 0 : i32
      %dma_wait3A_1171 = arith.constant 0 : i32
      %dma_wait3A_1172 = tpu.memref_slice %arg4[%dma_wait3A_1170, %dma_wait3A_1171] : memref<16384x1024xf32, #tpu.memory_space<hbm>> -> memref<16x1024xf32, #tpu.memory_space<hbm>>
      %dma_wait3A_1173 = arith.constant 0 : i32
      %dma_wait3A_1174 = arith.constant 0 : i32
      %dma_wait3A_1175 = tpu.memref_slice %arg4[%dma_wait3A_1173, %dma_wait3A_1174] : memref<16384x1024xf32, #tpu.memory_space<hbm>> -> memref<16x1024xf32, #tpu.memory_space<hbm>>
      tpu.wait_dma2 semaphore(%arg14 : memref<!tpu.dma_semaphore, #tpu.memory_space<semaphore_mem>>) src(%arg9 : memref<16x1024xf32, #tpu.memory_space<vmem>>) dst(%dma_wait3A_1175 : memref<16x1024xf32, #tpu.memory_space<hbm>>)
    } else {
    }
    %get3A_556 = arith.constant 3 : i32
    %get3A_557 = arith.index_cast %get3A_556 : i32 to index
    %get3A_558 = arith.constant 32 : index
    %get3A_559 = tpu.vector_load %arg6[%get3A_557, %get3A_558] {strides = array<i32>} : memref<4x128xi32, #tpu.memory_space<vmem>>, vector<16xi32>,
    %eq3A_560 = arith.constant 0 : i32
    %eq3A_561 = vector.broadcast %eq3A_560 : i32 to vector<16xi32>
    %eq3A_562 = arith.cmpi eq, %get3A_559, %eq3A_561 : vector<16xi32>
    %jit3A_563 = arith.constant 1 : i32
    %jit3A_564 = arith.constant 0 : i32
    %broadcast_in_dim3A_565 = vector.broadcast %jit3A_563 : i32 to vector<16xi32>
    %broadcast_in_dim3A_566 = vector.broadcast %jit3A_564 : i32 to vector<16xi32>
    %select_n3A_567 = arith.select %eq3A_562, %broadcast_in_dim3A_565, %broadcast_in_dim3A_566 : vector<16xi1>, vector<16xi32>
    %reduce_sum3A_568 = arith.constant true
    %reduce_sum3A_569 = vector.broadcast %reduce_sum3A_568 : i1 to vector<16xi1>
    %reduce_sum3A_570 = tpu.scan <sum>, %select_n3A_567 masked %reduce_sum3A_569 : vector<16xi32>, vector<16xi1> -> vector<16xi32>
    %reduce_sum3A_571 = vector.extract %reduce_sum3A_570[15] : i32 from vector<16xi32>
    %add3A_572 = arith.constant 0 : i32
    %add3A_573 = arith.addi %add3A_572, %reduce_sum3A_571 : i32
    %get3A_574 = arith.constant 3 : i32
    %get3A_575 = arith.index_cast %get3A_574 : i32 to index
    %get3A_576 = arith.constant 48 : index
    %get3A_577 = tpu.vector_load %arg6[%get3A_575, %get3A_576] {strides = array<i32>} : memref<4x128xi32, #tpu.memory_space<vmem>>, vector<16xi32>,
    %eq3A_578 = arith.constant 0 : i32
    %eq3A_579 = vector.broadcast %eq3A_578 : i32 to vector<16xi32>
    %eq3A_580 = arith.cmpi eq, %get3A_577, %eq3A_579 : vector<16xi32>
    %jit3A_581 = arith.constant 1 : i32
    %jit3A_582 = arith.constant 0 : i32
    %broadcast_in_dim3A_583 = vector.broadcast %jit3A_581 : i32 to vector<16xi32>
    %broadcast_in_dim3A_584 = vector.broadcast %jit3A_582 : i32 to vector<16xi32>
    %select_n3A_585 = arith.select %eq3A_580, %broadcast_in_dim3A_583, %broadcast_in_dim3A_584 : vector<16xi1>, vector<16xi32>
    %reduce_sum3A_586 = arith.constant true
    %reduce_sum3A_587 = vector.broadcast %reduce_sum3A_586 : i1 to vector<16xi1>
    %reduce_sum3A_588 = tpu.scan <sum>, %select_n3A_585 masked %reduce_sum3A_587 : vector<16xi32>, vector<16xi1> -> vector<16xi32>
    %reduce_sum3A_589 = vector.extract %reduce_sum3A_588[15] : i32 from vector<16xi32>
    %add3A_590 = arith.addi %add3A_573, %reduce_sum3A_589 : i32
    %eq3A_591 = arith.constant 0 : i32
    %eq3A_592 = arith.cmpi eq, %add3A_590, %eq3A_591 : i32
    %add3A_593 = arith.constant 12288 : i32
    %add3A_594 = arith.addi %add3A_593, %add3A_411 : i32
    %convert_element_type3A_595 = arith.extui %eq3A_592 : i1 to i32
    %cond3A_596 = arith.constant 1 : i32
    %cond3A_597 = arith.constant 0 : i32
    %cond3A_598 = arith.cmpi ne, %convert_element_type3A_595, %cond3A_597 : i32
    scf.if %cond3A_598 {
      %dma_start3A_1102 = arith.constant 0 : i32
      %dma_start3A_1103 = arith.constant 0 : i32
      %dma_start3A_1104 = tpu.memref_slice %arg5[%cond3A_596, %dma_start3A_1102, %dma_start3A_1103] : memref<3x32x1024xf32, #tpu.memory_space<vmem>> -> memref<1x32x1024xf32, #tpu.memory_space<vmem>>
      %dma_start3A_1105 = tpu.memref_squeeze %dma_start3A_1104 : memref<1x32x1024xf32, #tpu.memory_space<vmem>> -> memref<32x1024xf32, #tpu.memory_space<vmem>>
      %dma_start3A_1106 = arith.constant 0 : i32
      %dma_start3A_1107 = tpu.memref_slice %arg4[%add3A_594, %dma_start3A_1106] : memref<16384x1024xf32, #tpu.memory_space<hbm>> -> memref<32x1024xf32, #tpu.memory_space<hbm>>
      %dma_start3A_1108 = arith.constant 0 : i32
      %dma_start3A_1109 = tpu.memref_slice %arg4[%add3A_594, %dma_start3A_1108] : memref<16384x1024xf32, #tpu.memory_space<hbm>> -> memref<32x1024xf32, #tpu.memory_space<hbm>>
      %dma_start3A_1110 = arith.constant 0 : i32
      %dma_start3A_1111 = arith.constant 0 : i32
      %dma_start3A_1112 = tpu.memref_slice %arg5[%cond3A_596, %dma_start3A_1110, %dma_start3A_1111] : memref<3x32x1024xf32, #tpu.memory_space<vmem>> -> memref<1x32x1024xf32, #tpu.memory_space<vmem>>
      %dma_start3A_1113 = tpu.memref_squeeze %dma_start3A_1112 : memref<1x32x1024xf32, #tpu.memory_space<vmem>> -> memref<32x1024xf32, #tpu.memory_space<vmem>>
      tpu.enqueue_dma source(%dma_start3A_1113 : memref<32x1024xf32, #tpu.memory_space<vmem>>) target(%dma_start3A_1109 : memref<32x1024xf32, #tpu.memory_space<hbm>>) target_semaphore(%arg11 : memref<!tpu.dma_semaphore, #tpu.memory_space<semaphore_mem>>)
    } else {
    }
    %not3A_599 = arith.constant true
    %not3A_600 = arith.xori %eq3A_592, %not3A_599 : i1
    %convert_element_type3A_601 = arith.extui %not3A_600 : i1 to i32
    %cond3A_602 = arith.constant 0 : i32
    %cond3A_603 = arith.cmpi ne, %convert_element_type3A_601, %cond3A_602 : i32
    scf.if %cond3A_603 {
      %get3A_1102 = arith.constant 3 : i32
      %get3A_1103 = arith.index_cast %get3A_1102 : i32 to index
      %get3A_1104 = arith.constant 32 : index
      %get3A_1105 = tpu.vector_load %arg6[%get3A_1103, %get3A_1104] {strides = array<i32>} : memref<4x128xi32, #tpu.memory_space<vmem>>, vector<16xi32>,
      %iota3A_1106 = tpu.iota {dimensions = array<i32: 0>} : vector<16xi32>
      %eq3A_1107 = arith.constant 0 : i32
      %eq3A_1108 = vector.broadcast %eq3A_1107 : i32 to vector<16xi32>
      %eq3A_1109 = arith.cmpi eq, %get3A_1105, %eq3A_1108 : vector<16xi32>
      %add3A_1110 = arith.constant 1 : i32
      %add3A_1111 = arith.addi %add3A_411, %add3A_1110 : i32
      %add3A_1112 = arith.constant 0 : i32
      %add3A_1113 = arith.addi %add3A_1111, %add3A_1112 : i32
      %add3A_1114 = vector.broadcast %add3A_1113 : i32 to vector<16xi32>
      %add3A_1115 = arith.addi %add3A_1114, %iota3A_1106 : vector<16xi32>
      %jit3A_1116 = arith.constant 0 : i32
      %broadcast_in_dim3A_1117 = vector.broadcast %jit3A_1116 : i32 to vector<16xi32>
      %select_n3A_1118 = arith.select %eq3A_1109, %broadcast_in_dim3A_1117, %add3A_1115 : vector<16xi1>, vector<16xi32>
      %swap3A_1119 = arith.constant 0 : index
      %swap3A_1120 = tpu.vector_load %arg8[%swap3A_1119] {strides = array<i32>} : memref<16xi32, #tpu.memory_space<vmem>>, vector<16xi32>,
      tpu.vector_store %arg8[%swap3A_1119], %select_n3A_1118 {strides = array<i32>} : memref<16xi32, #tpu.memory_space<vmem>>, vector<16xi32>,
      %dma_start3A_1121 = arith.constant 0 : i32
      %dma_start3A_1122 = arith.constant 0 : i32
      %dma_start3A_1123 = tpu.memref_slice %arg3[%dma_start3A_1121, %dma_start3A_1122] : memref<8192x1024xf32, #tpu.memory_space<hbm>> -> memref<8192x1024xf32, #tpu.memory_space<hbm>>
      tpu.enqueue_indirect_dma source(%dma_start3A_1123 : memref<8192x1024xf32, #tpu.memory_space<hbm>>) target(%arg9 : memref<16x1024xf32, #tpu.memory_space<vmem>>) offsets(%arg8 : memref<16xi32, #tpu.memory_space<vmem>>) semaphore(%arg13 : memref<!tpu.dma_semaphore, #tpu.memory_space<semaphore_mem>>)
      %dma_wait3A_1124 = arith.constant 0 : i32
      %dma_wait3A_1125 = arith.constant 0 : i32
      %dma_wait3A_1126 = tpu.memref_slice %arg3[%dma_wait3A_1124, %dma_wait3A_1125] : memref<8192x1024xf32, #tpu.memory_space<hbm>> -> memref<8192x1024xf32, #tpu.memory_space<hbm>>
      tpu.wait_indirect_dma semaphore(%arg13 : memref<!tpu.dma_semaphore, #tpu.memory_space<semaphore_mem>>) src(%dma_wait3A_1126 : memref<8192x1024xf32, #tpu.memory_space<hbm>>) dst(%arg9 : memref<16x1024xf32, #tpu.memory_space<vmem>>)
      %add3A_1127 = arith.constant 0 : i32
      %add3A_1128 = arith.addi %add3A_594, %add3A_1127 : i32
      %dma_start3A_1129 = arith.constant 0 : i32
      %dma_start3A_1130 = tpu.memref_slice %arg4[%add3A_1128, %dma_start3A_1129] : memref<16384x1024xf32, #tpu.memory_space<hbm>> -> memref<16x1024xf32, #tpu.memory_space<hbm>>
      %dma_start3A_1131 = arith.constant 0 : i32
      %dma_start3A_1132 = tpu.memref_slice %arg4[%add3A_1128, %dma_start3A_1131] : memref<16384x1024xf32, #tpu.memory_space<hbm>> -> memref<16x1024xf32, #tpu.memory_space<hbm>>
      tpu.enqueue_dma source(%arg9 : memref<16x1024xf32, #tpu.memory_space<vmem>>) target(%dma_start3A_1132 : memref<16x1024xf32, #tpu.memory_space<hbm>>) target_semaphore(%arg14 : memref<!tpu.dma_semaphore, #tpu.memory_space<semaphore_mem>>)
      %dma_wait3A_1133 = arith.constant 0 : i32
      %dma_wait3A_1134 = arith.constant 0 : i32
      %dma_wait3A_1135 = tpu.memref_slice %arg4[%dma_wait3A_1133, %dma_wait3A_1134] : memref<16384x1024xf32, #tpu.memory_space<hbm>> -> memref<16x1024xf32, #tpu.memory_space<hbm>>
      %dma_wait3A_1136 = arith.constant 0 : i32
      %dma_wait3A_1137 = arith.constant 0 : i32
      %dma_wait3A_1138 = tpu.memref_slice %arg4[%dma_wait3A_1136, %dma_wait3A_1137] : memref<16384x1024xf32, #tpu.memory_space<hbm>> -> memref<16x1024xf32, #tpu.memory_space<hbm>>
      tpu.wait_dma2 semaphore(%arg14 : memref<!tpu.dma_semaphore, #tpu.memory_space<semaphore_mem>>) src(%arg9 : memref<16x1024xf32, #tpu.memory_space<vmem>>) dst(%dma_wait3A_1138 : memref<16x1024xf32, #tpu.memory_space<hbm>>)
      %get3A_1139 = arith.constant 3 : i32
      %get3A_1140 = arith.index_cast %get3A_1139 : i32 to index
      %get3A_1141 = arith.constant 48 : index
      %get3A_1142 = tpu.vector_load %arg6[%get3A_1140, %get3A_1141] {strides = array<i32>} : memref<4x128xi32, #tpu.memory_space<vmem>>, vector<16xi32>,
      %iota3A_1143 = tpu.iota {dimensions = array<i32: 0>} : vector<16xi32>
      %eq3A_1144 = arith.constant 0 : i32
      %eq3A_1145 = vector.broadcast %eq3A_1144 : i32 to vector<16xi32>
      %eq3A_1146 = arith.cmpi eq, %get3A_1142, %eq3A_1145 : vector<16xi32>
      %add3A_1147 = arith.constant 1 : i32
      %add3A_1148 = arith.addi %add3A_411, %add3A_1147 : i32
      %add3A_1149 = arith.constant 16 : i32
      %add3A_1150 = arith.addi %add3A_1148, %add3A_1149 : i32
      %add3A_1151 = vector.broadcast %add3A_1150 : i32 to vector<16xi32>
      %add3A_1152 = arith.addi %add3A_1151, %iota3A_1143 : vector<16xi32>
      %jit3A_1153 = arith.constant 0 : i32
      %broadcast_in_dim3A_1154 = vector.broadcast %jit3A_1153 : i32 to vector<16xi32>
      %select_n3A_1155 = arith.select %eq3A_1146, %broadcast_in_dim3A_1154, %add3A_1152 : vector<16xi1>, vector<16xi32>
      %swap3A_1156 = arith.constant 0 : index
      %swap3A_1157 = tpu.vector_load %arg8[%swap3A_1156] {strides = array<i32>} : memref<16xi32, #tpu.memory_space<vmem>>, vector<16xi32>,
      tpu.vector_store %arg8[%swap3A_1156], %select_n3A_1155 {strides = array<i32>} : memref<16xi32, #tpu.memory_space<vmem>>, vector<16xi32>,
      %dma_start3A_1158 = arith.constant 0 : i32
      %dma_start3A_1159 = arith.constant 0 : i32
      %dma_start3A_1160 = tpu.memref_slice %arg3[%dma_start3A_1158, %dma_start3A_1159] : memref<8192x1024xf32, #tpu.memory_space<hbm>> -> memref<8192x1024xf32, #tpu.memory_space<hbm>>
      tpu.enqueue_indirect_dma source(%dma_start3A_1160 : memref<8192x1024xf32, #tpu.memory_space<hbm>>) target(%arg9 : memref<16x1024xf32, #tpu.memory_space<vmem>>) offsets(%arg8 : memref<16xi32, #tpu.memory_space<vmem>>) semaphore(%arg13 : memref<!tpu.dma_semaphore, #tpu.memory_space<semaphore_mem>>)
      %dma_wait3A_1161 = arith.constant 0 : i32
      %dma_wait3A_1162 = arith.constant 0 : i32
      %dma_wait3A_1163 = tpu.memref_slice %arg3[%dma_wait3A_1161, %dma_wait3A_1162] : memref<8192x1024xf32, #tpu.memory_space<hbm>> -> memref<8192x1024xf32, #tpu.memory_space<hbm>>
      tpu.wait_indirect_dma semaphore(%arg13 : memref<!tpu.dma_semaphore, #tpu.memory_space<semaphore_mem>>) src(%dma_wait3A_1163 : memref<8192x1024xf32, #tpu.memory_space<hbm>>) dst(%arg9 : memref<16x1024xf32, #tpu.memory_space<vmem>>)
      %add3A_1164 = arith.constant 16 : i32
      %add3A_1165 = arith.addi %add3A_594, %add3A_1164 : i32
      %dma_start3A_1166 = arith.constant 0 : i32
      %dma_start3A_1167 = tpu.memref_slice %arg4[%add3A_1165, %dma_start3A_1166] : memref<16384x1024xf32, #tpu.memory_space<hbm>> -> memref<16x1024xf32, #tpu.memory_space<hbm>>
      %dma_start3A_1168 = arith.constant 0 : i32
      %dma_start3A_1169 = tpu.memref_slice %arg4[%add3A_1165, %dma_start3A_1168] : memref<16384x1024xf32, #tpu.memory_space<hbm>> -> memref<16x1024xf32, #tpu.memory_space<hbm>>
      tpu.enqueue_dma source(%arg9 : memref<16x1024xf32, #tpu.memory_space<vmem>>) target(%dma_start3A_1169 : memref<16x1024xf32, #tpu.memory_space<hbm>>) target_semaphore(%arg14 : memref<!tpu.dma_semaphore, #tpu.memory_space<semaphore_mem>>)
      %dma_wait3A_1170 = arith.constant 0 : i32
      %dma_wait3A_1171 = arith.constant 0 : i32
      %dma_wait3A_1172 = tpu.memref_slice %arg4[%dma_wait3A_1170, %dma_wait3A_1171] : memref<16384x1024xf32, #tpu.memory_space<hbm>> -> memref<16x1024xf32, #tpu.memory_space<hbm>>
      %dma_wait3A_1173 = arith.constant 0 : i32
      %dma_wait3A_1174 = arith.constant 0 : i32
      %dma_wait3A_1175 = tpu.memref_slice %arg4[%dma_wait3A_1173, %dma_wait3A_1174] : memref<16384x1024xf32, #tpu.memory_space<hbm>> -> memref<16x1024xf32, #tpu.memory_space<hbm>>
      tpu.wait_dma2 semaphore(%arg14 : memref<!tpu.dma_semaphore, #tpu.memory_space<semaphore_mem>>) src(%arg9 : memref<16x1024xf32, #tpu.memory_space<vmem>>) dst(%dma_wait3A_1175 : memref<16x1024xf32, #tpu.memory_space<hbm>>)
    } else {
    }
    %convert_element_type3A_604 = arith.extui %eq3A_207 : i1 to i32
    %cond3A_605 = arith.constant 0 : i32
    %cond3A_606 = arith.cmpi ne, %convert_element_type3A_604, %cond3A_605 : i32
    scf.if %cond3A_606 {
      %dma_wait3A_1102 = arith.constant 0 : i32
      %dma_wait3A_1103 = arith.constant 0 : i32
      %dma_wait3A_1104 = arith.constant 0 : i32
      %dma_wait3A_1105 = tpu.memref_slice %arg5[%dma_wait3A_1102, %dma_wait3A_1103, %dma_wait3A_1104] : memref<3x32x1024xf32, #tpu.memory_space<vmem>> -> memref<1x32x1024xf32, #tpu.memory_space<vmem>>
      %dma_wait3A_1106 = tpu.memref_squeeze %dma_wait3A_1105 : memref<1x32x1024xf32, #tpu.memory_space<vmem>> -> memref<32x1024xf32, #tpu.memory_space<vmem>>
      %dma_wait3A_1107 = arith.constant 0 : i32
      %dma_wait3A_1108 = arith.constant 0 : i32
      %dma_wait3A_1109 = tpu.memref_slice %arg4[%dma_wait3A_1107, %dma_wait3A_1108] : memref<16384x1024xf32, #tpu.memory_space<hbm>> -> memref<32x1024xf32, #tpu.memory_space<hbm>>
      %dma_wait3A_1110 = arith.constant 0 : i32
      %dma_wait3A_1111 = arith.constant 0 : i32
      %dma_wait3A_1112 = tpu.memref_slice %arg4[%dma_wait3A_1110, %dma_wait3A_1111] : memref<16384x1024xf32, #tpu.memory_space<hbm>> -> memref<32x1024xf32, #tpu.memory_space<hbm>>
      %dma_wait3A_1113 = arith.constant 0 : i32
      %dma_wait3A_1114 = arith.constant 0 : i32
      %dma_wait3A_1115 = tpu.memref_slice %arg5[%dma_wait3A_1102, %dma_wait3A_1113, %dma_wait3A_1114] : memref<3x32x1024xf32, #tpu.memory_space<vmem>> -> memref<1x32x1024xf32, #tpu.memory_space<vmem>>
      %dma_wait3A_1116 = tpu.memref_squeeze %dma_wait3A_1115 : memref<1x32x1024xf32, #tpu.memory_space<vmem>> -> memref<32x1024xf32, #tpu.memory_space<vmem>>
      tpu.wait_dma2 semaphore(%arg11 : memref<!tpu.dma_semaphore, #tpu.memory_space<semaphore_mem>>) src(%dma_wait3A_1116 : memref<32x1024xf32, #tpu.memory_space<vmem>>) dst(%dma_wait3A_1112 : memref<32x1024xf32, #tpu.memory_space<hbm>>)
    } else {
    }
    %convert_element_type3A_607 = arith.extui %eq3A_252 : i1 to i32
    %cond3A_608 = arith.constant 0 : i32
    %cond3A_609 = arith.cmpi ne, %convert_element_type3A_607, %cond3A_608 : i32
    scf.if %cond3A_609 {
      %dma_wait3A_1102 = arith.constant 0 : i32
      %dma_wait3A_1103 = arith.constant 0 : i32
      %dma_wait3A_1104 = arith.constant 0 : i32
      %dma_wait3A_1105 = tpu.memref_slice %arg5[%dma_wait3A_1102, %dma_wait3A_1103, %dma_wait3A_1104] : memref<3x32x1024xf32, #tpu.memory_space<vmem>> -> memref<1x32x1024xf32, #tpu.memory_space<vmem>>
      %dma_wait3A_1106 = tpu.memref_squeeze %dma_wait3A_1105 : memref<1x32x1024xf32, #tpu.memory_space<vmem>> -> memref<32x1024xf32, #tpu.memory_space<vmem>>
      %dma_wait3A_1107 = arith.constant 0 : i32
      %dma_wait3A_1108 = arith.constant 0 : i32
      %dma_wait3A_1109 = tpu.memref_slice %arg4[%dma_wait3A_1107, %dma_wait3A_1108] : memref<16384x1024xf32, #tpu.memory_space<hbm>> -> memref<32x1024xf32, #tpu.memory_space<hbm>>
      %dma_wait3A_1110 = arith.constant 0 : i32
      %dma_wait3A_1111 = arith.constant 0 : i32
      %dma_wait3A_1112 = tpu.memref_slice %arg4[%dma_wait3A_1110, %dma_wait3A_1111] : memref<16384x1024xf32, #tpu.memory_space<hbm>> -> memref<32x1024xf32, #tpu.memory_space<hbm>>
      %dma_wait3A_1113 = arith.constant 0 : i32
      %dma_wait3A_1114 = arith.constant 0 : i32
      %dma_wait3A_1115 = tpu.memref_slice %arg5[%dma_wait3A_1102, %dma_wait3A_1113, %dma_wait3A_1114] : memref<3x32x1024xf32, #tpu.memory_space<vmem>> -> memref<1x32x1024xf32, #tpu.memory_space<vmem>>
      %dma_wait3A_1116 = tpu.memref_squeeze %dma_wait3A_1115 : memref<1x32x1024xf32, #tpu.memory_space<vmem>> -> memref<32x1024xf32, #tpu.memory_space<vmem>>
      tpu.wait_dma2 semaphore(%arg11 : memref<!tpu.dma_semaphore, #tpu.memory_space<semaphore_mem>>) src(%dma_wait3A_1116 : memref<32x1024xf32, #tpu.memory_space<vmem>>) dst(%dma_wait3A_1112 : memref<32x1024xf32, #tpu.memory_space<hbm>>)
    } else {
    }
    %convert_element_type3A_610 = arith.extui %eq3A_300 : i1 to i32
    %cond3A_611 = arith.constant 0 : i32
    %cond3A_612 = arith.cmpi ne, %convert_element_type3A_610, %cond3A_611 : i32
    scf.if %cond3A_612 {
      %dma_wait3A_1102 = arith.constant 0 : i32
      %dma_wait3A_1103 = arith.constant 0 : i32
      %dma_wait3A_1104 = arith.constant 0 : i32
      %dma_wait3A_1105 = tpu.memref_slice %arg5[%dma_wait3A_1102, %dma_wait3A_1103, %dma_wait3A_1104] : memref<3x32x1024xf32, #tpu.memory_space<vmem>> -> memref<1x32x1024xf32, #tpu.memory_space<vmem>>
      %dma_wait3A_1106 = tpu.memref_squeeze %dma_wait3A_1105 : memref<1x32x1024xf32, #tpu.memory_space<vmem>> -> memref<32x1024xf32, #tpu.memory_space<vmem>>
      %dma_wait3A_1107 = arith.constant 0 : i32
      %dma_wait3A_1108 = arith.constant 0 : i32
      %dma_wait3A_1109 = tpu.memref_slice %arg4[%dma_wait3A_1107, %dma_wait3A_1108] : memref<16384x1024xf32, #tpu.memory_space<hbm>> -> memref<32x1024xf32, #tpu.memory_space<hbm>>
      %dma_wait3A_1110 = arith.constant 0 : i32
      %dma_wait3A_1111 = arith.constant 0 : i32
      %dma_wait3A_1112 = tpu.memref_slice %arg4[%dma_wait3A_1110, %dma_wait3A_1111] : memref<16384x1024xf32, #tpu.memory_space<hbm>> -> memref<32x1024xf32, #tpu.memory_space<hbm>>
      %dma_wait3A_1113 = arith.constant 0 : i32
      %dma_wait3A_1114 = arith.constant 0 : i32
      %dma_wait3A_1115 = tpu.memref_slice %arg5[%dma_wait3A_1102, %dma_wait3A_1113, %dma_wait3A_1114] : memref<3x32x1024xf32, #tpu.memory_space<vmem>> -> memref<1x32x1024xf32, #tpu.memory_space<vmem>>
      %dma_wait3A_1116 = tpu.memref_squeeze %dma_wait3A_1115 : memref<1x32x1024xf32, #tpu.memory_space<vmem>> -> memref<32x1024xf32, #tpu.memory_space<vmem>>
      tpu.wait_dma2 semaphore(%arg11 : memref<!tpu.dma_semaphore, #tpu.memory_space<semaphore_mem>>) src(%dma_wait3A_1116 : memref<32x1024xf32, #tpu.memory_space<vmem>>) dst(%dma_wait3A_1112 : memref<32x1024xf32, #tpu.memory_space<hbm>>)
    } else {
    }
    %convert_element_type3A_613 = arith.extui %eq3A_348 : i1 to i32
    %cond3A_614 = arith.constant 0 : i32
    %cond3A_615 = arith.cmpi ne, %convert_element_type3A_613, %cond3A_614 : i32
    scf.if %cond3A_615 {
      %dma_wait3A_1102 = arith.constant 0 : i32
      %dma_wait3A_1103 = arith.constant 0 : i32
      %dma_wait3A_1104 = arith.constant 0 : i32
      %dma_wait3A_1105 = tpu.memref_slice %arg5[%dma_wait3A_1102, %dma_wait3A_1103, %dma_wait3A_1104] : memref<3x32x1024xf32, #tpu.memory_space<vmem>> -> memref<1x32x1024xf32, #tpu.memory_space<vmem>>
      %dma_wait3A_1106 = tpu.memref_squeeze %dma_wait3A_1105 : memref<1x32x1024xf32, #tpu.memory_space<vmem>> -> memref<32x1024xf32, #tpu.memory_space<vmem>>
      %dma_wait3A_1107 = arith.constant 0 : i32
      %dma_wait3A_1108 = arith.constant 0 : i32
      %dma_wait3A_1109 = tpu.memref_slice %arg4[%dma_wait3A_1107, %dma_wait3A_1108] : memref<16384x1024xf32, #tpu.memory_space<hbm>> -> memref<32x1024xf32, #tpu.memory_space<hbm>>
      %dma_wait3A_1110 = arith.constant 0 : i32
      %dma_wait3A_1111 = arith.constant 0 : i32
      %dma_wait3A_1112 = tpu.memref_slice %arg4[%dma_wait3A_1110, %dma_wait3A_1111] : memref<16384x1024xf32, #tpu.memory_space<hbm>> -> memref<32x1024xf32, #tpu.memory_space<hbm>>
      %dma_wait3A_1113 = arith.constant 0 : i32
      %dma_wait3A_1114 = arith.constant 0 : i32
      %dma_wait3A_1115 = tpu.memref_slice %arg5[%dma_wait3A_1102, %dma_wait3A_1113, %dma_wait3A_1114] : memref<3x32x1024xf32, #tpu.memory_space<vmem>> -> memref<1x32x1024xf32, #tpu.memory_space<vmem>>
      %dma_wait3A_1116 = tpu.memref_squeeze %dma_wait3A_1115 : memref<1x32x1024xf32, #tpu.memory_space<vmem>> -> memref<32x1024xf32, #tpu.memory_space<vmem>>
      tpu.wait_dma2 semaphore(%arg11 : memref<!tpu.dma_semaphore, #tpu.memory_space<semaphore_mem>>) src(%dma_wait3A_1116 : memref<32x1024xf32, #tpu.memory_space<vmem>>) dst(%dma_wait3A_1112 : memref<32x1024xf32, #tpu.memory_space<hbm>>)
    } else {
    }
    %iota3A_616 = tpu.iota {dimensions = array<i32: 0>} : vector<16xi32>
    %add3A_617 = arith.constant 96 : i32
    %add3A_618 = arith.addi %mul3A_2, %add3A_617 : i32
    %add3A_619 = arith.constant 1 : i32
    %add3A_620 = arith.addi %add3A_618, %add3A_619 : i32
    %add3A_621 = arith.constant 0 : i32
    %add3A_622 = arith.addi %add3A_620, %add3A_621 : i32
    %add3A_623 = vector.broadcast %add3A_622 : i32 to vector<16xi32>
    %add3A_624 = arith.addi %add3A_623, %iota3A_616 : vector<16xi32>
    %swap3A_625 = arith.constant 0 : i32
    %swap3A_626 = arith.index_cast %swap3A_625 : i32 to index
    %swap3A_627 = arith.constant 0 : index
    %swap3A_628 = tpu.vector_load %arg7[%swap3A_626, %swap3A_627] {strides = array<i32>} : memref<3x32xi32, #tpu.memory_space<vmem>>, vector<16xi32>,
    tpu.vector_store %arg7[%swap3A_626, %swap3A_627], %add3A_624 {strides = array<i32>} : memref<3x32xi32, #tpu.memory_space<vmem>>, vector<16xi32>,
    %iota3A_629 = tpu.iota {dimensions = array<i32: 0>} : vector<16xi32>
    %add3A_630 = arith.constant 96 : i32
    %add3A_631 = arith.addi %mul3A_2, %add3A_630 : i32
    %add3A_632 = arith.constant 1 : i32
    %add3A_633 = arith.addi %add3A_631, %add3A_632 : i32
    %add3A_634 = arith.constant 16 : i32
    %add3A_635 = arith.addi %add3A_633, %add3A_634 : i32
    %add3A_636 = vector.broadcast %add3A_635 : i32 to vector<16xi32>
    %add3A_637 = arith.addi %add3A_636, %iota3A_629 : vector<16xi32>
    %swap3A_638 = arith.constant 0 : i32
    %swap3A_639 = arith.index_cast %swap3A_638 : i32 to index
    %swap3A_640 = arith.constant 16 : index
    %swap3A_641 = tpu.vector_load %arg7[%swap3A_639, %swap3A_640] {strides = array<i32>} : memref<3x32xi32, #tpu.memory_space<vmem>>, vector<16xi32>,
    tpu.vector_store %arg7[%swap3A_639, %swap3A_640], %add3A_637 {strides = array<i32>} : memref<3x32xi32, #tpu.memory_space<vmem>>, vector<16xi32>,
    %dma_start3A_642 = arith.constant 0 : i32
    %dma_start3A_643 = arith.constant 0 : i32
    %dma_start3A_644 = arith.constant 0 : i32
    %dma_start3A_645 = arith.constant 0 : i32
    %dma_start3A_646 = tpu.memref_slice %arg5[%dma_start3A_643, %dma_start3A_644, %dma_start3A_645] : memref<3x32x1024xf32, #tpu.memory_space<vmem>> -> memref<1x32x1024xf32, #tpu.memory_space<vmem>>
    %dma_start3A_647 = tpu.memref_squeeze %dma_start3A_646 : memref<1x32x1024xf32, #tpu.memory_space<vmem>> -> memref<32x1024xf32, #tpu.memory_space<vmem>>
    %dma_start3A_648 = arith.constant 0 : i32
    %dma_start3A_649 = tpu.memref_slice %arg7[%dma_start3A_642, %dma_start3A_648] : memref<3x32xi32, #tpu.memory_space<vmem>> -> memref<1x32xi32, #tpu.memory_space<vmem>>
    %dma_start3A_650 = tpu.memref_squeeze %dma_start3A_649 : memref<1x32xi32, #tpu.memory_space<vmem>> -> memref<32xi32, #tpu.memory_space<vmem>>
    %dma_start3A_651 = arith.constant 0 : i32
    %dma_start3A_652 = arith.constant 0 : i32
    %dma_start3A_653 = tpu.memref_slice %arg3[%dma_start3A_651, %dma_start3A_652] : memref<8192x1024xf32, #tpu.memory_space<hbm>> -> memref<8192x1024xf32, #tpu.memory_space<hbm>>
    tpu.enqueue_indirect_dma source(%dma_start3A_653 : memref<8192x1024xf32, #tpu.memory_space<hbm>>) target(%dma_start3A_647 : memref<32x1024xf32, #tpu.memory_space<vmem>>) offsets(%dma_start3A_650 : memref<32xi32, #tpu.memory_space<vmem>>) semaphore(%arg10 : memref<!tpu.dma_semaphore, #tpu.memory_space<semaphore_mem>>)
    %dma_wait3A_654 = arith.constant 2 : i32
    %dma_wait3A_655 = arith.constant 2 : i32
    %dma_wait3A_656 = arith.constant 0 : i32
    %dma_wait3A_657 = arith.constant 0 : i32
    %dma_wait3A_658 = tpu.memref_slice %arg5[%dma_wait3A_655, %dma_wait3A_656, %dma_wait3A_657] : memref<3x32x1024xf32, #tpu.memory_space<vmem>> -> memref<1x32x1024xf32, #tpu.memory_space<vmem>>
    %dma_wait3A_659 = tpu.memref_squeeze %dma_wait3A_658 : memref<1x32x1024xf32, #tpu.memory_space<vmem>> -> memref<32x1024xf32, #tpu.memory_space<vmem>>
    %dma_wait3A_660 = arith.constant 0 : i32
    %dma_wait3A_661 = tpu.memref_slice %arg7[%dma_wait3A_654, %dma_wait3A_660] : memref<3x32xi32, #tpu.memory_space<vmem>> -> memref<1x32xi32, #tpu.memory_space<vmem>>
    %dma_wait3A_662 = tpu.memref_squeeze %dma_wait3A_661 : memref<1x32xi32, #tpu.memory_space<vmem>> -> memref<32xi32, #tpu.memory_space<vmem>>
    %dma_wait3A_663 = arith.constant 0 : i32
    %dma_wait3A_664 = arith.constant 0 : i32
    %dma_wait3A_665 = tpu.memref_slice %arg3[%dma_wait3A_663, %dma_wait3A_664] : memref<8192x1024xf32, #tpu.memory_space<hbm>> -> memref<8192x1024xf32, #tpu.memory_space<hbm>>
    tpu.wait_indirect_dma semaphore(%arg10 : memref<!tpu.dma_semaphore, #tpu.memory_space<semaphore_mem>>) src(%dma_wait3A_665 : memref<8192x1024xf32, #tpu.memory_space<hbm>>) dst(%dma_wait3A_659 : memref<32x1024xf32, #tpu.memory_space<vmem>>)
    %add3A_666 = arith.constant 64 : i32
    %add3A_667 = arith.addi %mul3A_2, %add3A_666 : i32
    %get3A_668 = arith.constant 0 : i32
    %get3A_669 = arith.index_cast %get3A_668 : i32 to index
    %get3A_670 = arith.constant 64 : index
    %get3A_671 = tpu.vector_load %arg6[%get3A_669, %get3A_670] {strides = array<i32>} : memref<4x128xi32, #tpu.memory_space<vmem>>, vector<16xi32>,
    %eq3A_672 = arith.constant 0 : i32
    %eq3A_673 = vector.broadcast %eq3A_672 : i32 to vector<16xi32>
    %eq3A_674 = arith.cmpi eq, %get3A_671, %eq3A_673 : vector<16xi32>
    %jit3A_675 = arith.constant 1 : i32
    %jit3A_676 = arith.constant 0 : i32
    %broadcast_in_dim3A_677 = vector.broadcast %jit3A_675 : i32 to vector<16xi32>
    %broadcast_in_dim3A_678 = vector.broadcast %jit3A_676 : i32 to vector<16xi32>
    %select_n3A_679 = arith.select %eq3A_674, %broadcast_in_dim3A_677, %broadcast_in_dim3A_678 : vector<16xi1>, vector<16xi32>
    %reduce_sum3A_680 = arith.constant true
    %reduce_sum3A_681 = vector.broadcast %reduce_sum3A_680 : i1 to vector<16xi1>
    %reduce_sum3A_682 = tpu.scan <sum>, %select_n3A_679 masked %reduce_sum3A_681 : vector<16xi32>, vector<16xi1> -> vector<16xi32>
    %reduce_sum3A_683 = vector.extract %reduce_sum3A_682[15] : i32 from vector<16xi32>
    %add3A_684 = arith.constant 0 : i32
    %add3A_685 = arith.addi %add3A_684, %reduce_sum3A_683 : i32
    %get3A_686 = arith.constant 0 : i32
    %get3A_687 = arith.index_cast %get3A_686 : i32 to index
    %get3A_688 = arith.constant 80 : index
    %get3A_689 = tpu.vector_load %arg6[%get3A_687, %get3A_688] {strides = array<i32>} : memref<4x128xi32, #tpu.memory_space<vmem>>, vector<16xi32>,
    %eq3A_690 = arith.constant 0 : i32
    %eq3A_691 = vector.broadcast %eq3A_690 : i32 to vector<16xi32>
    %eq3A_692 = arith.cmpi eq, %get3A_689, %eq3A_691 : vector<16xi32>
    %jit3A_693 = arith.constant 1 : i32
    %jit3A_694 = arith.constant 0 : i32
    %broadcast_in_dim3A_695 = vector.broadcast %jit3A_693 : i32 to vector<16xi32>
    %broadcast_in_dim3A_696 = vector.broadcast %jit3A_694 : i32 to vector<16xi32>
    %select_n3A_697 = arith.select %eq3A_692, %broadcast_in_dim3A_695, %broadcast_in_dim3A_696 : vector<16xi1>, vector<16xi32>
    %reduce_sum3A_698 = arith.constant true
    %reduce_sum3A_699 = vector.broadcast %reduce_sum3A_698 : i1 to vector<16xi1>
    %reduce_sum3A_700 = tpu.scan <sum>, %select_n3A_697 masked %reduce_sum3A_699 : vector<16xi32>, vector<16xi1> -> vector<16xi32>
    %reduce_sum3A_701 = vector.extract %reduce_sum3A_700[15] : i32 from vector<16xi32>
    %add3A_702 = arith.addi %add3A_685, %reduce_sum3A_701 : i32
    %eq3A_703 = arith.constant 0 : i32
    %eq3A_704 = arith.cmpi eq, %add3A_702, %eq3A_703 : i32
    %add3A_705 = arith.constant 0 : i32
    %add3A_706 = arith.addi %add3A_705, %add3A_667 : i32
    %convert_element_type3A_707 = arith.extui %eq3A_704 : i1 to i32
    %cond3A_708 = arith.constant 2 : i32
    %cond3A_709 = arith.constant 0 : i32
    %cond3A_710 = arith.cmpi ne, %convert_element_type3A_707, %cond3A_709 : i32
    scf.if %cond3A_710 {
      %dma_start3A_1102 = arith.constant 0 : i32
      %dma_start3A_1103 = arith.constant 0 : i32
      %dma_start3A_1104 = tpu.memref_slice %arg5[%cond3A_708, %dma_start3A_1102, %dma_start3A_1103] : memref<3x32x1024xf32, #tpu.memory_space<vmem>> -> memref<1x32x1024xf32, #tpu.memory_space<vmem>>
      %dma_start3A_1105 = tpu.memref_squeeze %dma_start3A_1104 : memref<1x32x1024xf32, #tpu.memory_space<vmem>> -> memref<32x1024xf32, #tpu.memory_space<vmem>>
      %dma_start3A_1106 = arith.constant 0 : i32
      %dma_start3A_1107 = tpu.memref_slice %arg4[%add3A_706, %dma_start3A_1106] : memref<16384x1024xf32, #tpu.memory_space<hbm>> -> memref<32x1024xf32, #tpu.memory_space<hbm>>
      %dma_start3A_1108 = arith.constant 0 : i32
      %dma_start3A_1109 = tpu.memref_slice %arg4[%add3A_706, %dma_start3A_1108] : memref<16384x1024xf32, #tpu.memory_space<hbm>> -> memref<32x1024xf32, #tpu.memory_space<hbm>>
      %dma_start3A_1110 = arith.constant 0 : i32
      %dma_start3A_1111 = arith.constant 0 : i32
      %dma_start3A_1112 = tpu.memref_slice %arg5[%cond3A_708, %dma_start3A_1110, %dma_start3A_1111] : memref<3x32x1024xf32, #tpu.memory_space<vmem>> -> memref<1x32x1024xf32, #tpu.memory_space<vmem>>
      %dma_start3A_1113 = tpu.memref_squeeze %dma_start3A_1112 : memref<1x32x1024xf32, #tpu.memory_space<vmem>> -> memref<32x1024xf32, #tpu.memory_space<vmem>>
      tpu.enqueue_dma source(%dma_start3A_1113 : memref<32x1024xf32, #tpu.memory_space<vmem>>) target(%dma_start3A_1109 : memref<32x1024xf32, #tpu.memory_space<hbm>>) target_semaphore(%arg11 : memref<!tpu.dma_semaphore, #tpu.memory_space<semaphore_mem>>)
    } else {
    }
    %not3A_711 = arith.constant true
    %not3A_712 = arith.xori %eq3A_704, %not3A_711 : i1
    %convert_element_type3A_713 = arith.extui %not3A_712 : i1 to i32
    %cond3A_714 = arith.constant 0 : i32
    %cond3A_715 = arith.cmpi ne, %convert_element_type3A_713, %cond3A_714 : i32
    scf.if %cond3A_715 {
      %get3A_1102 = arith.constant 0 : i32
      %get3A_1103 = arith.index_cast %get3A_1102 : i32 to index
      %get3A_1104 = arith.constant 64 : index
      %get3A_1105 = tpu.vector_load %arg6[%get3A_1103, %get3A_1104] {strides = array<i32>} : memref<4x128xi32, #tpu.memory_space<vmem>>, vector<16xi32>,
      %iota3A_1106 = tpu.iota {dimensions = array<i32: 0>} : vector<16xi32>
      %eq3A_1107 = arith.constant 0 : i32
      %eq3A_1108 = vector.broadcast %eq3A_1107 : i32 to vector<16xi32>
      %eq3A_1109 = arith.cmpi eq, %get3A_1105, %eq3A_1108 : vector<16xi32>
      %add3A_1110 = arith.constant 1 : i32
      %add3A_1111 = arith.addi %add3A_667, %add3A_1110 : i32
      %add3A_1112 = arith.constant 0 : i32
      %add3A_1113 = arith.addi %add3A_1111, %add3A_1112 : i32
      %add3A_1114 = vector.broadcast %add3A_1113 : i32 to vector<16xi32>
      %add3A_1115 = arith.addi %add3A_1114, %iota3A_1106 : vector<16xi32>
      %jit3A_1116 = arith.constant 0 : i32
      %broadcast_in_dim3A_1117 = vector.broadcast %jit3A_1116 : i32 to vector<16xi32>
      %select_n3A_1118 = arith.select %eq3A_1109, %broadcast_in_dim3A_1117, %add3A_1115 : vector<16xi1>, vector<16xi32>
      %swap3A_1119 = arith.constant 0 : index
      %swap3A_1120 = tpu.vector_load %arg8[%swap3A_1119] {strides = array<i32>} : memref<16xi32, #tpu.memory_space<vmem>>, vector<16xi32>,
      tpu.vector_store %arg8[%swap3A_1119], %select_n3A_1118 {strides = array<i32>} : memref<16xi32, #tpu.memory_space<vmem>>, vector<16xi32>,
      %dma_start3A_1121 = arith.constant 0 : i32
      %dma_start3A_1122 = arith.constant 0 : i32
      %dma_start3A_1123 = tpu.memref_slice %arg3[%dma_start3A_1121, %dma_start3A_1122] : memref<8192x1024xf32, #tpu.memory_space<hbm>> -> memref<8192x1024xf32, #tpu.memory_space<hbm>>
      tpu.enqueue_indirect_dma source(%dma_start3A_1123 : memref<8192x1024xf32, #tpu.memory_space<hbm>>) target(%arg9 : memref<16x1024xf32, #tpu.memory_space<vmem>>) offsets(%arg8 : memref<16xi32, #tpu.memory_space<vmem>>) semaphore(%arg13 : memref<!tpu.dma_semaphore, #tpu.memory_space<semaphore_mem>>)
      %dma_wait3A_1124 = arith.constant 0 : i32
      %dma_wait3A_1125 = arith.constant 0 : i32
      %dma_wait3A_1126 = tpu.memref_slice %arg3[%dma_wait3A_1124, %dma_wait3A_1125] : memref<8192x1024xf32, #tpu.memory_space<hbm>> -> memref<8192x1024xf32, #tpu.memory_space<hbm>>
      tpu.wait_indirect_dma semaphore(%arg13 : memref<!tpu.dma_semaphore, #tpu.memory_space<semaphore_mem>>) src(%dma_wait3A_1126 : memref<8192x1024xf32, #tpu.memory_space<hbm>>) dst(%arg9 : memref<16x1024xf32, #tpu.memory_space<vmem>>)
      %add3A_1127 = arith.constant 0 : i32
      %add3A_1128 = arith.addi %add3A_706, %add3A_1127 : i32
      %dma_start3A_1129 = arith.constant 0 : i32
      %dma_start3A_1130 = tpu.memref_slice %arg4[%add3A_1128, %dma_start3A_1129] : memref<16384x1024xf32, #tpu.memory_space<hbm>> -> memref<16x1024xf32, #tpu.memory_space<hbm>>
      %dma_start3A_1131 = arith.constant 0 : i32
      %dma_start3A_1132 = tpu.memref_slice %arg4[%add3A_1128, %dma_start3A_1131] : memref<16384x1024xf32, #tpu.memory_space<hbm>> -> memref<16x1024xf32, #tpu.memory_space<hbm>>
      tpu.enqueue_dma source(%arg9 : memref<16x1024xf32, #tpu.memory_space<vmem>>) target(%dma_start3A_1132 : memref<16x1024xf32, #tpu.memory_space<hbm>>) target_semaphore(%arg14 : memref<!tpu.dma_semaphore, #tpu.memory_space<semaphore_mem>>)
      %dma_wait3A_1133 = arith.constant 0 : i32
      %dma_wait3A_1134 = arith.constant 0 : i32
      %dma_wait3A_1135 = tpu.memref_slice %arg4[%dma_wait3A_1133, %dma_wait3A_1134] : memref<16384x1024xf32, #tpu.memory_space<hbm>> -> memref<16x1024xf32, #tpu.memory_space<hbm>>
      %dma_wait3A_1136 = arith.constant 0 : i32
      %dma_wait3A_1137 = arith.constant 0 : i32
      %dma_wait3A_1138 = tpu.memref_slice %arg4[%dma_wait3A_1136, %dma_wait3A_1137] : memref<16384x1024xf32, #tpu.memory_space<hbm>> -> memref<16x1024xf32, #tpu.memory_space<hbm>>
      tpu.wait_dma2 semaphore(%arg14 : memref<!tpu.dma_semaphore, #tpu.memory_space<semaphore_mem>>) src(%arg9 : memref<16x1024xf32, #tpu.memory_space<vmem>>) dst(%dma_wait3A_1138 : memref<16x1024xf32, #tpu.memory_space<hbm>>)
      %get3A_1139 = arith.constant 0 : i32
      %get3A_1140 = arith.index_cast %get3A_1139 : i32 to index
      %get3A_1141 = arith.constant 80 : index
      %get3A_1142 = tpu.vector_load %arg6[%get3A_1140, %get3A_1141] {strides = array<i32>} : memref<4x128xi32, #tpu.memory_space<vmem>>, vector<16xi32>,
      %iota3A_1143 = tpu.iota {dimensions = array<i32: 0>} : vector<16xi32>
      %eq3A_1144 = arith.constant 0 : i32
      %eq3A_1145 = vector.broadcast %eq3A_1144 : i32 to vector<16xi32>
      %eq3A_1146 = arith.cmpi eq, %get3A_1142, %eq3A_1145 : vector<16xi32>
      %add3A_1147 = arith.constant 1 : i32
      %add3A_1148 = arith.addi %add3A_667, %add3A_1147 : i32
      %add3A_1149 = arith.constant 16 : i32
      %add3A_1150 = arith.addi %add3A_1148, %add3A_1149 : i32
      %add3A_1151 = vector.broadcast %add3A_1150 : i32 to vector<16xi32>
      %add3A_1152 = arith.addi %add3A_1151, %iota3A_1143 : vector<16xi32>
      %jit3A_1153 = arith.constant 0 : i32
      %broadcast_in_dim3A_1154 = vector.broadcast %jit3A_1153 : i32 to vector<16xi32>
      %select_n3A_1155 = arith.select %eq3A_1146, %broadcast_in_dim3A_1154, %add3A_1152 : vector<16xi1>, vector<16xi32>
      %swap3A_1156 = arith.constant 0 : index
      %swap3A_1157 = tpu.vector_load %arg8[%swap3A_1156] {strides = array<i32>} : memref<16xi32, #tpu.memory_space<vmem>>, vector<16xi32>,
      tpu.vector_store %arg8[%swap3A_1156], %select_n3A_1155 {strides = array<i32>} : memref<16xi32, #tpu.memory_space<vmem>>, vector<16xi32>,
      %dma_start3A_1158 = arith.constant 0 : i32
      %dma_start3A_1159 = arith.constant 0 : i32
      %dma_start3A_1160 = tpu.memref_slice %arg3[%dma_start3A_1158, %dma_start3A_1159] : memref<8192x1024xf32, #tpu.memory_space<hbm>> -> memref<8192x1024xf32, #tpu.memory_space<hbm>>
      tpu.enqueue_indirect_dma source(%dma_start3A_1160 : memref<8192x1024xf32, #tpu.memory_space<hbm>>) target(%arg9 : memref<16x1024xf32, #tpu.memory_space<vmem>>) offsets(%arg8 : memref<16xi32, #tpu.memory_space<vmem>>) semaphore(%arg13 : memref<!tpu.dma_semaphore, #tpu.memory_space<semaphore_mem>>)
      %dma_wait3A_1161 = arith.constant 0 : i32
      %dma_wait3A_1162 = arith.constant 0 : i32
      %dma_wait3A_1163 = tpu.memref_slice %arg3[%dma_wait3A_1161, %dma_wait3A_1162] : memref<8192x1024xf32, #tpu.memory_space<hbm>> -> memref<8192x1024xf32, #tpu.memory_space<hbm>>
      tpu.wait_indirect_dma semaphore(%arg13 : memref<!tpu.dma_semaphore, #tpu.memory_space<semaphore_mem>>) src(%dma_wait3A_1163 : memref<8192x1024xf32, #tpu.memory_space<hbm>>) dst(%arg9 : memref<16x1024xf32, #tpu.memory_space<vmem>>)
      %add3A_1164 = arith.constant 16 : i32
      %add3A_1165 = arith.addi %add3A_706, %add3A_1164 : i32
      %dma_start3A_1166 = arith.constant 0 : i32
      %dma_start3A_1167 = tpu.memref_slice %arg4[%add3A_1165, %dma_start3A_1166] : memref<16384x1024xf32, #tpu.memory_space<hbm>> -> memref<16x1024xf32, #tpu.memory_space<hbm>>
      %dma_start3A_1168 = arith.constant 0 : i32
      %dma_start3A_1169 = tpu.memref_slice %arg4[%add3A_1165, %dma_start3A_1168] : memref<16384x1024xf32, #tpu.memory_space<hbm>> -> memref<16x1024xf32, #tpu.memory_space<hbm>>
      tpu.enqueue_dma source(%arg9 : memref<16x1024xf32, #tpu.memory_space<vmem>>) target(%dma_start3A_1169 : memref<16x1024xf32, #tpu.memory_space<hbm>>) target_semaphore(%arg14 : memref<!tpu.dma_semaphore, #tpu.memory_space<semaphore_mem>>)
      %dma_wait3A_1170 = arith.constant 0 : i32
      %dma_wait3A_1171 = arith.constant 0 : i32
      %dma_wait3A_1172 = tpu.memref_slice %arg4[%dma_wait3A_1170, %dma_wait3A_1171] : memref<16384x1024xf32, #tpu.memory_space<hbm>> -> memref<16x1024xf32, #tpu.memory_space<hbm>>
      %dma_wait3A_1173 = arith.constant 0 : i32
      %dma_wait3A_1174 = arith.constant 0 : i32
      %dma_wait3A_1175 = tpu.memref_slice %arg4[%dma_wait3A_1173, %dma_wait3A_1174] : memref<16384x1024xf32, #tpu.memory_space<hbm>> -> memref<16x1024xf32, #tpu.memory_space<hbm>>
      tpu.wait_dma2 semaphore(%arg14 : memref<!tpu.dma_semaphore, #tpu.memory_space<semaphore_mem>>) src(%arg9 : memref<16x1024xf32, #tpu.memory_space<vmem>>) dst(%dma_wait3A_1175 : memref<16x1024xf32, #tpu.memory_space<hbm>>)
    } else {
    }
    %get3A_716 = arith.constant 1 : i32
    %get3A_717 = arith.index_cast %get3A_716 : i32 to index
    %get3A_718 = arith.constant 64 : index
    %get3A_719 = tpu.vector_load %arg6[%get3A_717, %get3A_718] {strides = array<i32>} : memref<4x128xi32, #tpu.memory_space<vmem>>, vector<16xi32>,
    %eq3A_720 = arith.constant 0 : i32
    %eq3A_721 = vector.broadcast %eq3A_720 : i32 to vector<16xi32>
    %eq3A_722 = arith.cmpi eq, %get3A_719, %eq3A_721 : vector<16xi32>
    %jit3A_723 = arith.constant 1 : i32
    %jit3A_724 = arith.constant 0 : i32
    %broadcast_in_dim3A_725 = vector.broadcast %jit3A_723 : i32 to vector<16xi32>
    %broadcast_in_dim3A_726 = vector.broadcast %jit3A_724 : i32 to vector<16xi32>
    %select_n3A_727 = arith.select %eq3A_722, %broadcast_in_dim3A_725, %broadcast_in_dim3A_726 : vector<16xi1>, vector<16xi32>
    %reduce_sum3A_728 = arith.constant true
    %reduce_sum3A_729 = vector.broadcast %reduce_sum3A_728 : i1 to vector<16xi1>
    %reduce_sum3A_730 = tpu.scan <sum>, %select_n3A_727 masked %reduce_sum3A_729 : vector<16xi32>, vector<16xi1> -> vector<16xi32>
    %reduce_sum3A_731 = vector.extract %reduce_sum3A_730[15] : i32 from vector<16xi32>
    %add3A_732 = arith.constant 0 : i32
    %add3A_733 = arith.addi %add3A_732, %reduce_sum3A_731 : i32
    %get3A_734 = arith.constant 1 : i32
    %get3A_735 = arith.index_cast %get3A_734 : i32 to index
    %get3A_736 = arith.constant 80 : index
    %get3A_737 = tpu.vector_load %arg6[%get3A_735, %get3A_736] {strides = array<i32>} : memref<4x128xi32, #tpu.memory_space<vmem>>, vector<16xi32>,
    %eq3A_738 = arith.constant 0 : i32
    %eq3A_739 = vector.broadcast %eq3A_738 : i32 to vector<16xi32>
    %eq3A_740 = arith.cmpi eq, %get3A_737, %eq3A_739 : vector<16xi32>
    %jit3A_741 = arith.constant 1 : i32
    %jit3A_742 = arith.constant 0 : i32
    %broadcast_in_dim3A_743 = vector.broadcast %jit3A_741 : i32 to vector<16xi32>
    %broadcast_in_dim3A_744 = vector.broadcast %jit3A_742 : i32 to vector<16xi32>
    %select_n3A_745 = arith.select %eq3A_740, %broadcast_in_dim3A_743, %broadcast_in_dim3A_744 : vector<16xi1>, vector<16xi32>
    %reduce_sum3A_746 = arith.constant true
    %reduce_sum3A_747 = vector.broadcast %reduce_sum3A_746 : i1 to vector<16xi1>
    %reduce_sum3A_748 = tpu.scan <sum>, %select_n3A_745 masked %reduce_sum3A_747 : vector<16xi32>, vector<16xi1> -> vector<16xi32>
    %reduce_sum3A_749 = vector.extract %reduce_sum3A_748[15] : i32 from vector<16xi32>
    %add3A_750 = arith.addi %add3A_733, %reduce_sum3A_749 : i32
    %eq3A_751 = arith.constant 0 : i32
    %eq3A_752 = arith.cmpi eq, %add3A_750, %eq3A_751 : i32
    %add3A_753 = arith.constant 4096 : i32
    %add3A_754 = arith.addi %add3A_753, %add3A_667 : i32
    %convert_element_type3A_755 = arith.extui %eq3A_752 : i1 to i32
    %cond3A_756 = arith.constant 2 : i32
    %cond3A_757 = arith.constant 0 : i32
    %cond3A_758 = arith.cmpi ne, %convert_element_type3A_755, %cond3A_757 : i32
    scf.if %cond3A_758 {
      %dma_start3A_1102 = arith.constant 0 : i32
      %dma_start3A_1103 = arith.constant 0 : i32
      %dma_start3A_1104 = tpu.memref_slice %arg5[%cond3A_756, %dma_start3A_1102, %dma_start3A_1103] : memref<3x32x1024xf32, #tpu.memory_space<vmem>> -> memref<1x32x1024xf32, #tpu.memory_space<vmem>>
      %dma_start3A_1105 = tpu.memref_squeeze %dma_start3A_1104 : memref<1x32x1024xf32, #tpu.memory_space<vmem>> -> memref<32x1024xf32, #tpu.memory_space<vmem>>
      %dma_start3A_1106 = arith.constant 0 : i32
      %dma_start3A_1107 = tpu.memref_slice %arg4[%add3A_754, %dma_start3A_1106] : memref<16384x1024xf32, #tpu.memory_space<hbm>> -> memref<32x1024xf32, #tpu.memory_space<hbm>>
      %dma_start3A_1108 = arith.constant 0 : i32
      %dma_start3A_1109 = tpu.memref_slice %arg4[%add3A_754, %dma_start3A_1108] : memref<16384x1024xf32, #tpu.memory_space<hbm>> -> memref<32x1024xf32, #tpu.memory_space<hbm>>
      %dma_start3A_1110 = arith.constant 0 : i32
      %dma_start3A_1111 = arith.constant 0 : i32
      %dma_start3A_1112 = tpu.memref_slice %arg5[%cond3A_756, %dma_start3A_1110, %dma_start3A_1111] : memref<3x32x1024xf32, #tpu.memory_space<vmem>> -> memref<1x32x1024xf32, #tpu.memory_space<vmem>>
      %dma_start3A_1113 = tpu.memref_squeeze %dma_start3A_1112 : memref<1x32x1024xf32, #tpu.memory_space<vmem>> -> memref<32x1024xf32, #tpu.memory_space<vmem>>
      tpu.enqueue_dma source(%dma_start3A_1113 : memref<32x1024xf32, #tpu.memory_space<vmem>>) target(%dma_start3A_1109 : memref<32x1024xf32, #tpu.memory_space<hbm>>) target_semaphore(%arg11 : memref<!tpu.dma_semaphore, #tpu.memory_space<semaphore_mem>>)
    } else {
    }
    %not3A_759 = arith.constant true
    %not3A_760 = arith.xori %eq3A_752, %not3A_759 : i1
    %convert_element_type3A_761 = arith.extui %not3A_760 : i1 to i32
    %cond3A_762 = arith.constant 0 : i32
    %cond3A_763 = arith.cmpi ne, %convert_element_type3A_761, %cond3A_762 : i32
    scf.if %cond3A_763 {
      %get3A_1102 = arith.constant 1 : i32
      %get3A_1103 = arith.index_cast %get3A_1102 : i32 to index
      %get3A_1104 = arith.constant 64 : index
      %get3A_1105 = tpu.vector_load %arg6[%get3A_1103, %get3A_1104] {strides = array<i32>} : memref<4x128xi32, #tpu.memory_space<vmem>>, vector<16xi32>,
      %iota3A_1106 = tpu.iota {dimensions = array<i32: 0>} : vector<16xi32>
      %eq3A_1107 = arith.constant 0 : i32
      %eq3A_1108 = vector.broadcast %eq3A_1107 : i32 to vector<16xi32>
      %eq3A_1109 = arith.cmpi eq, %get3A_1105, %eq3A_1108 : vector<16xi32>
      %add3A_1110 = arith.constant 1 : i32
      %add3A_1111 = arith.addi %add3A_667, %add3A_1110 : i32
      %add3A_1112 = arith.constant 0 : i32
      %add3A_1113 = arith.addi %add3A_1111, %add3A_1112 : i32
      %add3A_1114 = vector.broadcast %add3A_1113 : i32 to vector<16xi32>
      %add3A_1115 = arith.addi %add3A_1114, %iota3A_1106 : vector<16xi32>
      %jit3A_1116 = arith.constant 0 : i32
      %broadcast_in_dim3A_1117 = vector.broadcast %jit3A_1116 : i32 to vector<16xi32>
      %select_n3A_1118 = arith.select %eq3A_1109, %broadcast_in_dim3A_1117, %add3A_1115 : vector<16xi1>, vector<16xi32>
      %swap3A_1119 = arith.constant 0 : index
      %swap3A_1120 = tpu.vector_load %arg8[%swap3A_1119] {strides = array<i32>} : memref<16xi32, #tpu.memory_space<vmem>>, vector<16xi32>,
      tpu.vector_store %arg8[%swap3A_1119], %select_n3A_1118 {strides = array<i32>} : memref<16xi32, #tpu.memory_space<vmem>>, vector<16xi32>,
      %dma_start3A_1121 = arith.constant 0 : i32
      %dma_start3A_1122 = arith.constant 0 : i32
      %dma_start3A_1123 = tpu.memref_slice %arg3[%dma_start3A_1121, %dma_start3A_1122] : memref<8192x1024xf32, #tpu.memory_space<hbm>> -> memref<8192x1024xf32, #tpu.memory_space<hbm>>
      tpu.enqueue_indirect_dma source(%dma_start3A_1123 : memref<8192x1024xf32, #tpu.memory_space<hbm>>) target(%arg9 : memref<16x1024xf32, #tpu.memory_space<vmem>>) offsets(%arg8 : memref<16xi32, #tpu.memory_space<vmem>>) semaphore(%arg13 : memref<!tpu.dma_semaphore, #tpu.memory_space<semaphore_mem>>)
      %dma_wait3A_1124 = arith.constant 0 : i32
      %dma_wait3A_1125 = arith.constant 0 : i32
      %dma_wait3A_1126 = tpu.memref_slice %arg3[%dma_wait3A_1124, %dma_wait3A_1125] : memref<8192x1024xf32, #tpu.memory_space<hbm>> -> memref<8192x1024xf32, #tpu.memory_space<hbm>>
      tpu.wait_indirect_dma semaphore(%arg13 : memref<!tpu.dma_semaphore, #tpu.memory_space<semaphore_mem>>) src(%dma_wait3A_1126 : memref<8192x1024xf32, #tpu.memory_space<hbm>>) dst(%arg9 : memref<16x1024xf32, #tpu.memory_space<vmem>>)
      %add3A_1127 = arith.constant 0 : i32
      %add3A_1128 = arith.addi %add3A_754, %add3A_1127 : i32
      %dma_start3A_1129 = arith.constant 0 : i32
      %dma_start3A_1130 = tpu.memref_slice %arg4[%add3A_1128, %dma_start3A_1129] : memref<16384x1024xf32, #tpu.memory_space<hbm>> -> memref<16x1024xf32, #tpu.memory_space<hbm>>
      %dma_start3A_1131 = arith.constant 0 : i32
      %dma_start3A_1132 = tpu.memref_slice %arg4[%add3A_1128, %dma_start3A_1131] : memref<16384x1024xf32, #tpu.memory_space<hbm>> -> memref<16x1024xf32, #tpu.memory_space<hbm>>
      tpu.enqueue_dma source(%arg9 : memref<16x1024xf32, #tpu.memory_space<vmem>>) target(%dma_start3A_1132 : memref<16x1024xf32, #tpu.memory_space<hbm>>) target_semaphore(%arg14 : memref<!tpu.dma_semaphore, #tpu.memory_space<semaphore_mem>>)
      %dma_wait3A_1133 = arith.constant 0 : i32
      %dma_wait3A_1134 = arith.constant 0 : i32
      %dma_wait3A_1135 = tpu.memref_slice %arg4[%dma_wait3A_1133, %dma_wait3A_1134] : memref<16384x1024xf32, #tpu.memory_space<hbm>> -> memref<16x1024xf32, #tpu.memory_space<hbm>>
      %dma_wait3A_1136 = arith.constant 0 : i32
      %dma_wait3A_1137 = arith.constant 0 : i32
      %dma_wait3A_1138 = tpu.memref_slice %arg4[%dma_wait3A_1136, %dma_wait3A_1137] : memref<16384x1024xf32, #tpu.memory_space<hbm>> -> memref<16x1024xf32, #tpu.memory_space<hbm>>
      tpu.wait_dma2 semaphore(%arg14 : memref<!tpu.dma_semaphore, #tpu.memory_space<semaphore_mem>>) src(%arg9 : memref<16x1024xf32, #tpu.memory_space<vmem>>) dst(%dma_wait3A_1138 : memref<16x1024xf32, #tpu.memory_space<hbm>>)
      %get3A_1139 = arith.constant 1 : i32
      %get3A_1140 = arith.index_cast %get3A_1139 : i32 to index
      %get3A_1141 = arith.constant 80 : index
      %get3A_1142 = tpu.vector_load %arg6[%get3A_1140, %get3A_1141] {strides = array<i32>} : memref<4x128xi32, #tpu.memory_space<vmem>>, vector<16xi32>,
      %iota3A_1143 = tpu.iota {dimensions = array<i32: 0>} : vector<16xi32>
      %eq3A_1144 = arith.constant 0 : i32
      %eq3A_1145 = vector.broadcast %eq3A_1144 : i32 to vector<16xi32>
      %eq3A_1146 = arith.cmpi eq, %get3A_1142, %eq3A_1145 : vector<16xi32>
      %add3A_1147 = arith.constant 1 : i32
      %add3A_1148 = arith.addi %add3A_667, %add3A_1147 : i32
      %add3A_1149 = arith.constant 16 : i32
      %add3A_1150 = arith.addi %add3A_1148, %add3A_1149 : i32
      %add3A_1151 = vector.broadcast %add3A_1150 : i32 to vector<16xi32>
      %add3A_1152 = arith.addi %add3A_1151, %iota3A_1143 : vector<16xi32>
      %jit3A_1153 = arith.constant 0 : i32
      %broadcast_in_dim3A_1154 = vector.broadcast %jit3A_1153 : i32 to vector<16xi32>
      %select_n3A_1155 = arith.select %eq3A_1146, %broadcast_in_dim3A_1154, %add3A_1152 : vector<16xi1>, vector<16xi32>
      %swap3A_1156 = arith.constant 0 : index
      %swap3A_1157 = tpu.vector_load %arg8[%swap3A_1156] {strides = array<i32>} : memref<16xi32, #tpu.memory_space<vmem>>, vector<16xi32>,
      tpu.vector_store %arg8[%swap3A_1156], %select_n3A_1155 {strides = array<i32>} : memref<16xi32, #tpu.memory_space<vmem>>, vector<16xi32>,
      %dma_start3A_1158 = arith.constant 0 : i32
      %dma_start3A_1159 = arith.constant 0 : i32
      %dma_start3A_1160 = tpu.memref_slice %arg3[%dma_start3A_1158, %dma_start3A_1159] : memref<8192x1024xf32, #tpu.memory_space<hbm>> -> memref<8192x1024xf32, #tpu.memory_space<hbm>>
      tpu.enqueue_indirect_dma source(%dma_start3A_1160 : memref<8192x1024xf32, #tpu.memory_space<hbm>>) target(%arg9 : memref<16x1024xf32, #tpu.memory_space<vmem>>) offsets(%arg8 : memref<16xi32, #tpu.memory_space<vmem>>) semaphore(%arg13 : memref<!tpu.dma_semaphore, #tpu.memory_space<semaphore_mem>>)
      %dma_wait3A_1161 = arith.constant 0 : i32
      %dma_wait3A_1162 = arith.constant 0 : i32
      %dma_wait3A_1163 = tpu.memref_slice %arg3[%dma_wait3A_1161, %dma_wait3A_1162] : memref<8192x1024xf32, #tpu.memory_space<hbm>> -> memref<8192x1024xf32, #tpu.memory_space<hbm>>
      tpu.wait_indirect_dma semaphore(%arg13 : memref<!tpu.dma_semaphore, #tpu.memory_space<semaphore_mem>>) src(%dma_wait3A_1163 : memref<8192x1024xf32, #tpu.memory_space<hbm>>) dst(%arg9 : memref<16x1024xf32, #tpu.memory_space<vmem>>)
      %add3A_1164 = arith.constant 16 : i32
      %add3A_1165 = arith.addi %add3A_754, %add3A_1164 : i32
      %dma_start3A_1166 = arith.constant 0 : i32
      %dma_start3A_1167 = tpu.memref_slice %arg4[%add3A_1165, %dma_start3A_1166] : memref<16384x1024xf32, #tpu.memory_space<hbm>> -> memref<16x1024xf32, #tpu.memory_space<hbm>>
      %dma_start3A_1168 = arith.constant 0 : i32
      %dma_start3A_1169 = tpu.memref_slice %arg4[%add3A_1165, %dma_start3A_1168] : memref<16384x1024xf32, #tpu.memory_space<hbm>> -> memref<16x1024xf32, #tpu.memory_space<hbm>>
      tpu.enqueue_dma source(%arg9 : memref<16x1024xf32, #tpu.memory_space<vmem>>) target(%dma_start3A_1169 : memref<16x1024xf32, #tpu.memory_space<hbm>>) target_semaphore(%arg14 : memref<!tpu.dma_semaphore, #tpu.memory_space<semaphore_mem>>)
      %dma_wait3A_1170 = arith.constant 0 : i32
      %dma_wait3A_1171 = arith.constant 0 : i32
      %dma_wait3A_1172 = tpu.memref_slice %arg4[%dma_wait3A_1170, %dma_wait3A_1171] : memref<16384x1024xf32, #tpu.memory_space<hbm>> -> memref<16x1024xf32, #tpu.memory_space<hbm>>
      %dma_wait3A_1173 = arith.constant 0 : i32
      %dma_wait3A_1174 = arith.constant 0 : i32
      %dma_wait3A_1175 = tpu.memref_slice %arg4[%dma_wait3A_1173, %dma_wait3A_1174] : memref<16384x1024xf32, #tpu.memory_space<hbm>> -> memref<16x1024xf32, #tpu.memory_space<hbm>>
      tpu.wait_dma2 semaphore(%arg14 : memref<!tpu.dma_semaphore, #tpu.memory_space<semaphore_mem>>) src(%arg9 : memref<16x1024xf32, #tpu.memory_space<vmem>>) dst(%dma_wait3A_1175 : memref<16x1024xf32, #tpu.memory_space<hbm>>)
    } else {
    }
    %get3A_764 = arith.constant 2 : i32
    %get3A_765 = arith.index_cast %get3A_764 : i32 to index
    %get3A_766 = arith.constant 64 : index
    %get3A_767 = tpu.vector_load %arg6[%get3A_765, %get3A_766] {strides = array<i32>} : memref<4x128xi32, #tpu.memory_space<vmem>>, vector<16xi32>,
    %eq3A_768 = arith.constant 0 : i32
    %eq3A_769 = vector.broadcast %eq3A_768 : i32 to vector<16xi32>
    %eq3A_770 = arith.cmpi eq, %get3A_767, %eq3A_769 : vector<16xi32>
    %jit3A_771 = arith.constant 1 : i32
    %jit3A_772 = arith.constant 0 : i32
    %broadcast_in_dim3A_773 = vector.broadcast %jit3A_771 : i32 to vector<16xi32>
    %broadcast_in_dim3A_774 = vector.broadcast %jit3A_772 : i32 to vector<16xi32>
    %select_n3A_775 = arith.select %eq3A_770, %broadcast_in_dim3A_773, %broadcast_in_dim3A_774 : vector<16xi1>, vector<16xi32>
    %reduce_sum3A_776 = arith.constant true
    %reduce_sum3A_777 = vector.broadcast %reduce_sum3A_776 : i1 to vector<16xi1>
    %reduce_sum3A_778 = tpu.scan <sum>, %select_n3A_775 masked %reduce_sum3A_777 : vector<16xi32>, vector<16xi1> -> vector<16xi32>
    %reduce_sum3A_779 = vector.extract %reduce_sum3A_778[15] : i32 from vector<16xi32>
    %add3A_780 = arith.constant 0 : i32
    %add3A_781 = arith.addi %add3A_780, %reduce_sum3A_779 : i32
    %get3A_782 = arith.constant 2 : i32
    %get3A_783 = arith.index_cast %get3A_782 : i32 to index
    %get3A_784 = arith.constant 80 : index
    %get3A_785 = tpu.vector_load %arg6[%get3A_783, %get3A_784] {strides = array<i32>} : memref<4x128xi32, #tpu.memory_space<vmem>>, vector<16xi32>,
    %eq3A_786 = arith.constant 0 : i32
    %eq3A_787 = vector.broadcast %eq3A_786 : i32 to vector<16xi32>
    %eq3A_788 = arith.cmpi eq, %get3A_785, %eq3A_787 : vector<16xi32>
    %jit3A_789 = arith.constant 1 : i32
    %jit3A_790 = arith.constant 0 : i32
    %broadcast_in_dim3A_791 = vector.broadcast %jit3A_789 : i32 to vector<16xi32>
    %broadcast_in_dim3A_792 = vector.broadcast %jit3A_790 : i32 to vector<16xi32>
    %select_n3A_793 = arith.select %eq3A_788, %broadcast_in_dim3A_791, %broadcast_in_dim3A_792 : vector<16xi1>, vector<16xi32>
    %reduce_sum3A_794 = arith.constant true
    %reduce_sum3A_795 = vector.broadcast %reduce_sum3A_794 : i1 to vector<16xi1>
    %reduce_sum3A_796 = tpu.scan <sum>, %select_n3A_793 masked %reduce_sum3A_795 : vector<16xi32>, vector<16xi1> -> vector<16xi32>
    %reduce_sum3A_797 = vector.extract %reduce_sum3A_796[15] : i32 from vector<16xi32>
    %add3A_798 = arith.addi %add3A_781, %reduce_sum3A_797 : i32
    %eq3A_799 = arith.constant 0 : i32
    %eq3A_800 = arith.cmpi eq, %add3A_798, %eq3A_799 : i32
    %add3A_801 = arith.constant 8192 : i32
    %add3A_802 = arith.addi %add3A_801, %add3A_667 : i32
    %convert_element_type3A_803 = arith.extui %eq3A_800 : i1 to i32
    %cond3A_804 = arith.constant 2 : i32
    %cond3A_805 = arith.constant 0 : i32
    %cond3A_806 = arith.cmpi ne, %convert_element_type3A_803, %cond3A_805 : i32
    scf.if %cond3A_806 {
      %dma_start3A_1102 = arith.constant 0 : i32
      %dma_start3A_1103 = arith.constant 0 : i32
      %dma_start3A_1104 = tpu.memref_slice %arg5[%cond3A_804, %dma_start3A_1102, %dma_start3A_1103] : memref<3x32x1024xf32, #tpu.memory_space<vmem>> -> memref<1x32x1024xf32, #tpu.memory_space<vmem>>
      %dma_start3A_1105 = tpu.memref_squeeze %dma_start3A_1104 : memref<1x32x1024xf32, #tpu.memory_space<vmem>> -> memref<32x1024xf32, #tpu.memory_space<vmem>>
      %dma_start3A_1106 = arith.constant 0 : i32
      %dma_start3A_1107 = tpu.memref_slice %arg4[%add3A_802, %dma_start3A_1106] : memref<16384x1024xf32, #tpu.memory_space<hbm>> -> memref<32x1024xf32, #tpu.memory_space<hbm>>
      %dma_start3A_1108 = arith.constant 0 : i32
      %dma_start3A_1109 = tpu.memref_slice %arg4[%add3A_802, %dma_start3A_1108] : memref<16384x1024xf32, #tpu.memory_space<hbm>> -> memref<32x1024xf32, #tpu.memory_space<hbm>>
      %dma_start3A_1110 = arith.constant 0 : i32
      %dma_start3A_1111 = arith.constant 0 : i32
      %dma_start3A_1112 = tpu.memref_slice %arg5[%cond3A_804, %dma_start3A_1110, %dma_start3A_1111] : memref<3x32x1024xf32, #tpu.memory_space<vmem>> -> memref<1x32x1024xf32, #tpu.memory_space<vmem>>
      %dma_start3A_1113 = tpu.memref_squeeze %dma_start3A_1112 : memref<1x32x1024xf32, #tpu.memory_space<vmem>> -> memref<32x1024xf32, #tpu.memory_space<vmem>>
      tpu.enqueue_dma source(%dma_start3A_1113 : memref<32x1024xf32, #tpu.memory_space<vmem>>) target(%dma_start3A_1109 : memref<32x1024xf32, #tpu.memory_space<hbm>>) target_semaphore(%arg11 : memref<!tpu.dma_semaphore, #tpu.memory_space<semaphore_mem>>)
    } else {
    }
    %not3A_807 = arith.constant true
    %not3A_808 = arith.xori %eq3A_800, %not3A_807 : i1
    %convert_element_type3A_809 = arith.extui %not3A_808 : i1 to i32
    %cond3A_810 = arith.constant 0 : i32
    %cond3A_811 = arith.cmpi ne, %convert_element_type3A_809, %cond3A_810 : i32
    scf.if %cond3A_811 {
      %get3A_1102 = arith.constant 2 : i32
      %get3A_1103 = arith.index_cast %get3A_1102 : i32 to index
      %get3A_1104 = arith.constant 64 : index
      %get3A_1105 = tpu.vector_load %arg6[%get3A_1103, %get3A_1104] {strides = array<i32>} : memref<4x128xi32, #tpu.memory_space<vmem>>, vector<16xi32>,
      %iota3A_1106 = tpu.iota {dimensions = array<i32: 0>} : vector<16xi32>
      %eq3A_1107 = arith.constant 0 : i32
      %eq3A_1108 = vector.broadcast %eq3A_1107 : i32 to vector<16xi32>
      %eq3A_1109 = arith.cmpi eq, %get3A_1105, %eq3A_1108 : vector<16xi32>
      %add3A_1110 = arith.constant 1 : i32
      %add3A_1111 = arith.addi %add3A_667, %add3A_1110 : i32
      %add3A_1112 = arith.constant 0 : i32
      %add3A_1113 = arith.addi %add3A_1111, %add3A_1112 : i32
      %add3A_1114 = vector.broadcast %add3A_1113 : i32 to vector<16xi32>
      %add3A_1115 = arith.addi %add3A_1114, %iota3A_1106 : vector<16xi32>
      %jit3A_1116 = arith.constant 0 : i32
      %broadcast_in_dim3A_1117 = vector.broadcast %jit3A_1116 : i32 to vector<16xi32>
      %select_n3A_1118 = arith.select %eq3A_1109, %broadcast_in_dim3A_1117, %add3A_1115 : vector<16xi1>, vector<16xi32>
      %swap3A_1119 = arith.constant 0 : index
      %swap3A_1120 = tpu.vector_load %arg8[%swap3A_1119] {strides = array<i32>} : memref<16xi32, #tpu.memory_space<vmem>>, vector<16xi32>,
      tpu.vector_store %arg8[%swap3A_1119], %select_n3A_1118 {strides = array<i32>} : memref<16xi32, #tpu.memory_space<vmem>>, vector<16xi32>,
      %dma_start3A_1121 = arith.constant 0 : i32
      %dma_start3A_1122 = arith.constant 0 : i32
      %dma_start3A_1123 = tpu.memref_slice %arg3[%dma_start3A_1121, %dma_start3A_1122] : memref<8192x1024xf32, #tpu.memory_space<hbm>> -> memref<8192x1024xf32, #tpu.memory_space<hbm>>
      tpu.enqueue_indirect_dma source(%dma_start3A_1123 : memref<8192x1024xf32, #tpu.memory_space<hbm>>) target(%arg9 : memref<16x1024xf32, #tpu.memory_space<vmem>>) offsets(%arg8 : memref<16xi32, #tpu.memory_space<vmem>>) semaphore(%arg13 : memref<!tpu.dma_semaphore, #tpu.memory_space<semaphore_mem>>)
      %dma_wait3A_1124 = arith.constant 0 : i32
      %dma_wait3A_1125 = arith.constant 0 : i32
      %dma_wait3A_1126 = tpu.memref_slice %arg3[%dma_wait3A_1124, %dma_wait3A_1125] : memref<8192x1024xf32, #tpu.memory_space<hbm>> -> memref<8192x1024xf32, #tpu.memory_space<hbm>>
      tpu.wait_indirect_dma semaphore(%arg13 : memref<!tpu.dma_semaphore, #tpu.memory_space<semaphore_mem>>) src(%dma_wait3A_1126 : memref<8192x1024xf32, #tpu.memory_space<hbm>>) dst(%arg9 : memref<16x1024xf32, #tpu.memory_space<vmem>>)
      %add3A_1127 = arith.constant 0 : i32
      %add3A_1128 = arith.addi %add3A_802, %add3A_1127 : i32
      %dma_start3A_1129 = arith.constant 0 : i32
      %dma_start3A_1130 = tpu.memref_slice %arg4[%add3A_1128, %dma_start3A_1129] : memref<16384x1024xf32, #tpu.memory_space<hbm>> -> memref<16x1024xf32, #tpu.memory_space<hbm>>
      %dma_start3A_1131 = arith.constant 0 : i32
      %dma_start3A_1132 = tpu.memref_slice %arg4[%add3A_1128, %dma_start3A_1131] : memref<16384x1024xf32, #tpu.memory_space<hbm>> -> memref<16x1024xf32, #tpu.memory_space<hbm>>
      tpu.enqueue_dma source(%arg9 : memref<16x1024xf32, #tpu.memory_space<vmem>>) target(%dma_start3A_1132 : memref<16x1024xf32, #tpu.memory_space<hbm>>) target_semaphore(%arg14 : memref<!tpu.dma_semaphore, #tpu.memory_space<semaphore_mem>>)
      %dma_wait3A_1133 = arith.constant 0 : i32
      %dma_wait3A_1134 = arith.constant 0 : i32
      %dma_wait3A_1135 = tpu.memref_slice %arg4[%dma_wait3A_1133, %dma_wait3A_1134] : memref<16384x1024xf32, #tpu.memory_space<hbm>> -> memref<16x1024xf32, #tpu.memory_space<hbm>>
      %dma_wait3A_1136 = arith.constant 0 : i32
      %dma_wait3A_1137 = arith.constant 0 : i32
      %dma_wait3A_1138 = tpu.memref_slice %arg4[%dma_wait3A_1136, %dma_wait3A_1137] : memref<16384x1024xf32, #tpu.memory_space<hbm>> -> memref<16x1024xf32, #tpu.memory_space<hbm>>
      tpu.wait_dma2 semaphore(%arg14 : memref<!tpu.dma_semaphore, #tpu.memory_space<semaphore_mem>>) src(%arg9 : memref<16x1024xf32, #tpu.memory_space<vmem>>) dst(%dma_wait3A_1138 : memref<16x1024xf32, #tpu.memory_space<hbm>>)
      %get3A_1139 = arith.constant 2 : i32
      %get3A_1140 = arith.index_cast %get3A_1139 : i32 to index
      %get3A_1141 = arith.constant 80 : index
      %get3A_1142 = tpu.vector_load %arg6[%get3A_1140, %get3A_1141] {strides = array<i32>} : memref<4x128xi32, #tpu.memory_space<vmem>>, vector<16xi32>,
      %iota3A_1143 = tpu.iota {dimensions = array<i32: 0>} : vector<16xi32>
      %eq3A_1144 = arith.constant 0 : i32
      %eq3A_1145 = vector.broadcast %eq3A_1144 : i32 to vector<16xi32>
      %eq3A_1146 = arith.cmpi eq, %get3A_1142, %eq3A_1145 : vector<16xi32>
      %add3A_1147 = arith.constant 1 : i32
      %add3A_1148 = arith.addi %add3A_667, %add3A_1147 : i32
      %add3A_1149 = arith.constant 16 : i32
      %add3A_1150 = arith.addi %add3A_1148, %add3A_1149 : i32
      %add3A_1151 = vector.broadcast %add3A_1150 : i32 to vector<16xi32>
      %add3A_1152 = arith.addi %add3A_1151, %iota3A_1143 : vector<16xi32>
      %jit3A_1153 = arith.constant 0 : i32
      %broadcast_in_dim3A_1154 = vector.broadcast %jit3A_1153 : i32 to vector<16xi32>
      %select_n3A_1155 = arith.select %eq3A_1146, %broadcast_in_dim3A_1154, %add3A_1152 : vector<16xi1>, vector<16xi32>
      %swap3A_1156 = arith.constant 0 : index
      %swap3A_1157 = tpu.vector_load %arg8[%swap3A_1156] {strides = array<i32>} : memref<16xi32, #tpu.memory_space<vmem>>, vector<16xi32>,
      tpu.vector_store %arg8[%swap3A_1156], %select_n3A_1155 {strides = array<i32>} : memref<16xi32, #tpu.memory_space<vmem>>, vector<16xi32>,
      %dma_start3A_1158 = arith.constant 0 : i32
      %dma_start3A_1159 = arith.constant 0 : i32
      %dma_start3A_1160 = tpu.memref_slice %arg3[%dma_start3A_1158, %dma_start3A_1159] : memref<8192x1024xf32, #tpu.memory_space<hbm>> -> memref<8192x1024xf32, #tpu.memory_space<hbm>>
      tpu.enqueue_indirect_dma source(%dma_start3A_1160 : memref<8192x1024xf32, #tpu.memory_space<hbm>>) target(%arg9 : memref<16x1024xf32, #tpu.memory_space<vmem>>) offsets(%arg8 : memref<16xi32, #tpu.memory_space<vmem>>) semaphore(%arg13 : memref<!tpu.dma_semaphore, #tpu.memory_space<semaphore_mem>>)
      %dma_wait3A_1161 = arith.constant 0 : i32
      %dma_wait3A_1162 = arith.constant 0 : i32
      %dma_wait3A_1163 = tpu.memref_slice %arg3[%dma_wait3A_1161, %dma_wait3A_1162] : memref<8192x1024xf32, #tpu.memory_space<hbm>> -> memref<8192x1024xf32, #tpu.memory_space<hbm>>
      tpu.wait_indirect_dma semaphore(%arg13 : memref<!tpu.dma_semaphore, #tpu.memory_space<semaphore_mem>>) src(%dma_wait3A_1163 : memref<8192x1024xf32, #tpu.memory_space<hbm>>) dst(%arg9 : memref<16x1024xf32, #tpu.memory_space<vmem>>)
      %add3A_1164 = arith.constant 16 : i32
      %add3A_1165 = arith.addi %add3A_802, %add3A_1164 : i32
      %dma_start3A_1166 = arith.constant 0 : i32
      %dma_start3A_1167 = tpu.memref_slice %arg4[%add3A_1165, %dma_start3A_1166] : memref<16384x1024xf32, #tpu.memory_space<hbm>> -> memref<16x1024xf32, #tpu.memory_space<hbm>>
      %dma_start3A_1168 = arith.constant 0 : i32
      %dma_start3A_1169 = tpu.memref_slice %arg4[%add3A_1165, %dma_start3A_1168] : memref<16384x1024xf32, #tpu.memory_space<hbm>> -> memref<16x1024xf32, #tpu.memory_space<hbm>>
      tpu.enqueue_dma source(%arg9 : memref<16x1024xf32, #tpu.memory_space<vmem>>) target(%dma_start3A_1169 : memref<16x1024xf32, #tpu.memory_space<hbm>>) target_semaphore(%arg14 : memref<!tpu.dma_semaphore, #tpu.memory_space<semaphore_mem>>)
      %dma_wait3A_1170 = arith.constant 0 : i32
      %dma_wait3A_1171 = arith.constant 0 : i32
      %dma_wait3A_1172 = tpu.memref_slice %arg4[%dma_wait3A_1170, %dma_wait3A_1171] : memref<16384x1024xf32, #tpu.memory_space<hbm>> -> memref<16x1024xf32, #tpu.memory_space<hbm>>
      %dma_wait3A_1173 = arith.constant 0 : i32
      %dma_wait3A_1174 = arith.constant 0 : i32
      %dma_wait3A_1175 = tpu.memref_slice %arg4[%dma_wait3A_1173, %dma_wait3A_1174] : memref<16384x1024xf32, #tpu.memory_space<hbm>> -> memref<16x1024xf32, #tpu.memory_space<hbm>>
      tpu.wait_dma2 semaphore(%arg14 : memref<!tpu.dma_semaphore, #tpu.memory_space<semaphore_mem>>) src(%arg9 : memref<16x1024xf32, #tpu.memory_space<vmem>>) dst(%dma_wait3A_1175 : memref<16x1024xf32, #tpu.memory_space<hbm>>)
    } else {
    }
    %get3A_812 = arith.constant 3 : i32
    %get3A_813 = arith.index_cast %get3A_812 : i32 to index
    %get3A_814 = arith.constant 64 : index
    %get3A_815 = tpu.vector_load %arg6[%get3A_813, %get3A_814] {strides = array<i32>} : memref<4x128xi32, #tpu.memory_space<vmem>>, vector<16xi32>,
    %eq3A_816 = arith.constant 0 : i32
    %eq3A_817 = vector.broadcast %eq3A_816 : i32 to vector<16xi32>
    %eq3A_818 = arith.cmpi eq, %get3A_815, %eq3A_817 : vector<16xi32>
    %jit3A_819 = arith.constant 1 : i32
    %jit3A_820 = arith.constant 0 : i32
    %broadcast_in_dim3A_821 = vector.broadcast %jit3A_819 : i32 to vector<16xi32>
    %broadcast_in_dim3A_822 = vector.broadcast %jit3A_820 : i32 to vector<16xi32>
    %select_n3A_823 = arith.select %eq3A_818, %broadcast_in_dim3A_821, %broadcast_in_dim3A_822 : vector<16xi1>, vector<16xi32>
    %reduce_sum3A_824 = arith.constant true
    %reduce_sum3A_825 = vector.broadcast %reduce_sum3A_824 : i1 to vector<16xi1>
    %reduce_sum3A_826 = tpu.scan <sum>, %select_n3A_823 masked %reduce_sum3A_825 : vector<16xi32>, vector<16xi1> -> vector<16xi32>
    %reduce_sum3A_827 = vector.extract %reduce_sum3A_826[15] : i32 from vector<16xi32>
    %add3A_828 = arith.constant 0 : i32
    %add3A_829 = arith.addi %add3A_828, %reduce_sum3A_827 : i32
    %get3A_830 = arith.constant 3 : i32
    %get3A_831 = arith.index_cast %get3A_830 : i32 to index
    %get3A_832 = arith.constant 80 : index
    %get3A_833 = tpu.vector_load %arg6[%get3A_831, %get3A_832] {strides = array<i32>} : memref<4x128xi32, #tpu.memory_space<vmem>>, vector<16xi32>,
    %eq3A_834 = arith.constant 0 : i32
    %eq3A_835 = vector.broadcast %eq3A_834 : i32 to vector<16xi32>
    %eq3A_836 = arith.cmpi eq, %get3A_833, %eq3A_835 : vector<16xi32>
    %jit3A_837 = arith.constant 1 : i32
    %jit3A_838 = arith.constant 0 : i32
    %broadcast_in_dim3A_839 = vector.broadcast %jit3A_837 : i32 to vector<16xi32>
    %broadcast_in_dim3A_840 = vector.broadcast %jit3A_838 : i32 to vector<16xi32>
    %select_n3A_841 = arith.select %eq3A_836, %broadcast_in_dim3A_839, %broadcast_in_dim3A_840 : vector<16xi1>, vector<16xi32>
    %reduce_sum3A_842 = arith.constant true
    %reduce_sum3A_843 = vector.broadcast %reduce_sum3A_842 : i1 to vector<16xi1>
    %reduce_sum3A_844 = tpu.scan <sum>, %select_n3A_841 masked %reduce_sum3A_843 : vector<16xi32>, vector<16xi1> -> vector<16xi32>
    %reduce_sum3A_845 = vector.extract %reduce_sum3A_844[15] : i32 from vector<16xi32>
    %add3A_846 = arith.addi %add3A_829, %reduce_sum3A_845 : i32
    %eq3A_847 = arith.constant 0 : i32
    %eq3A_848 = arith.cmpi eq, %add3A_846, %eq3A_847 : i32
    %add3A_849 = arith.constant 12288 : i32
    %add3A_850 = arith.addi %add3A_849, %add3A_667 : i32
    %convert_element_type3A_851 = arith.extui %eq3A_848 : i1 to i32
    %cond3A_852 = arith.constant 2 : i32
    %cond3A_853 = arith.constant 0 : i32
    %cond3A_854 = arith.cmpi ne, %convert_element_type3A_851, %cond3A_853 : i32
    scf.if %cond3A_854 {
      %dma_start3A_1102 = arith.constant 0 : i32
      %dma_start3A_1103 = arith.constant 0 : i32
      %dma_start3A_1104 = tpu.memref_slice %arg5[%cond3A_852, %dma_start3A_1102, %dma_start3A_1103] : memref<3x32x1024xf32, #tpu.memory_space<vmem>> -> memref<1x32x1024xf32, #tpu.memory_space<vmem>>
      %dma_start3A_1105 = tpu.memref_squeeze %dma_start3A_1104 : memref<1x32x1024xf32, #tpu.memory_space<vmem>> -> memref<32x1024xf32, #tpu.memory_space<vmem>>
      %dma_start3A_1106 = arith.constant 0 : i32
      %dma_start3A_1107 = tpu.memref_slice %arg4[%add3A_850, %dma_start3A_1106] : memref<16384x1024xf32, #tpu.memory_space<hbm>> -> memref<32x1024xf32, #tpu.memory_space<hbm>>
      %dma_start3A_1108 = arith.constant 0 : i32
      %dma_start3A_1109 = tpu.memref_slice %arg4[%add3A_850, %dma_start3A_1108] : memref<16384x1024xf32, #tpu.memory_space<hbm>> -> memref<32x1024xf32, #tpu.memory_space<hbm>>
      %dma_start3A_1110 = arith.constant 0 : i32
      %dma_start3A_1111 = arith.constant 0 : i32
      %dma_start3A_1112 = tpu.memref_slice %arg5[%cond3A_852, %dma_start3A_1110, %dma_start3A_1111] : memref<3x32x1024xf32, #tpu.memory_space<vmem>> -> memref<1x32x1024xf32, #tpu.memory_space<vmem>>
      %dma_start3A_1113 = tpu.memref_squeeze %dma_start3A_1112 : memref<1x32x1024xf32, #tpu.memory_space<vmem>> -> memref<32x1024xf32, #tpu.memory_space<vmem>>
      tpu.enqueue_dma source(%dma_start3A_1113 : memref<32x1024xf32, #tpu.memory_space<vmem>>) target(%dma_start3A_1109 : memref<32x1024xf32, #tpu.memory_space<hbm>>) target_semaphore(%arg11 : memref<!tpu.dma_semaphore, #tpu.memory_space<semaphore_mem>>)
    } else {
    }
    %not3A_855 = arith.constant true
    %not3A_856 = arith.xori %eq3A_848, %not3A_855 : i1
    %convert_element_type3A_857 = arith.extui %not3A_856 : i1 to i32
    %cond3A_858 = arith.constant 0 : i32
    %cond3A_859 = arith.cmpi ne, %convert_element_type3A_857, %cond3A_858 : i32
    scf.if %cond3A_859 {
      %get3A_1102 = arith.constant 3 : i32
      %get3A_1103 = arith.index_cast %get3A_1102 : i32 to index
      %get3A_1104 = arith.constant 64 : index
      %get3A_1105 = tpu.vector_load %arg6[%get3A_1103, %get3A_1104] {strides = array<i32>} : memref<4x128xi32, #tpu.memory_space<vmem>>, vector<16xi32>,
      %iota3A_1106 = tpu.iota {dimensions = array<i32: 0>} : vector<16xi32>
      %eq3A_1107 = arith.constant 0 : i32
      %eq3A_1108 = vector.broadcast %eq3A_1107 : i32 to vector<16xi32>
      %eq3A_1109 = arith.cmpi eq, %get3A_1105, %eq3A_1108 : vector<16xi32>
      %add3A_1110 = arith.constant 1 : i32
      %add3A_1111 = arith.addi %add3A_667, %add3A_1110 : i32
      %add3A_1112 = arith.constant 0 : i32
      %add3A_1113 = arith.addi %add3A_1111, %add3A_1112 : i32
      %add3A_1114 = vector.broadcast %add3A_1113 : i32 to vector<16xi32>
      %add3A_1115 = arith.addi %add3A_1114, %iota3A_1106 : vector<16xi32>
      %jit3A_1116 = arith.constant 0 : i32
      %broadcast_in_dim3A_1117 = vector.broadcast %jit3A_1116 : i32 to vector<16xi32>
      %select_n3A_1118 = arith.select %eq3A_1109, %broadcast_in_dim3A_1117, %add3A_1115 : vector<16xi1>, vector<16xi32>
      %swap3A_1119 = arith.constant 0 : index
      %swap3A_1120 = tpu.vector_load %arg8[%swap3A_1119] {strides = array<i32>} : memref<16xi32, #tpu.memory_space<vmem>>, vector<16xi32>,
      tpu.vector_store %arg8[%swap3A_1119], %select_n3A_1118 {strides = array<i32>} : memref<16xi32, #tpu.memory_space<vmem>>, vector<16xi32>,
      %dma_start3A_1121 = arith.constant 0 : i32
      %dma_start3A_1122 = arith.constant 0 : i32
      %dma_start3A_1123 = tpu.memref_slice %arg3[%dma_start3A_1121, %dma_start3A_1122] : memref<8192x1024xf32, #tpu.memory_space<hbm>> -> memref<8192x1024xf32, #tpu.memory_space<hbm>>
      tpu.enqueue_indirect_dma source(%dma_start3A_1123 : memref<8192x1024xf32, #tpu.memory_space<hbm>>) target(%arg9 : memref<16x1024xf32, #tpu.memory_space<vmem>>) offsets(%arg8 : memref<16xi32, #tpu.memory_space<vmem>>) semaphore(%arg13 : memref<!tpu.dma_semaphore, #tpu.memory_space<semaphore_mem>>)
      %dma_wait3A_1124 = arith.constant 0 : i32
      %dma_wait3A_1125 = arith.constant 0 : i32
      %dma_wait3A_1126 = tpu.memref_slice %arg3[%dma_wait3A_1124, %dma_wait3A_1125] : memref<8192x1024xf32, #tpu.memory_space<hbm>> -> memref<8192x1024xf32, #tpu.memory_space<hbm>>
      tpu.wait_indirect_dma semaphore(%arg13 : memref<!tpu.dma_semaphore, #tpu.memory_space<semaphore_mem>>) src(%dma_wait3A_1126 : memref<8192x1024xf32, #tpu.memory_space<hbm>>) dst(%arg9 : memref<16x1024xf32, #tpu.memory_space<vmem>>)
      %add3A_1127 = arith.constant 0 : i32
      %add3A_1128 = arith.addi %add3A_850, %add3A_1127 : i32
      %dma_start3A_1129 = arith.constant 0 : i32
      %dma_start3A_1130 = tpu.memref_slice %arg4[%add3A_1128, %dma_start3A_1129] : memref<16384x1024xf32, #tpu.memory_space<hbm>> -> memref<16x1024xf32, #tpu.memory_space<hbm>>
      %dma_start3A_1131 = arith.constant 0 : i32
      %dma_start3A_1132 = tpu.memref_slice %arg4[%add3A_1128, %dma_start3A_1131] : memref<16384x1024xf32, #tpu.memory_space<hbm>> -> memref<16x1024xf32, #tpu.memory_space<hbm>>
      tpu.enqueue_dma source(%arg9 : memref<16x1024xf32, #tpu.memory_space<vmem>>) target(%dma_start3A_1132 : memref<16x1024xf32, #tpu.memory_space<hbm>>) target_semaphore(%arg14 : memref<!tpu.dma_semaphore, #tpu.memory_space<semaphore_mem>>)
      %dma_wait3A_1133 = arith.constant 0 : i32
      %dma_wait3A_1134 = arith.constant 0 : i32
      %dma_wait3A_1135 = tpu.memref_slice %arg4[%dma_wait3A_1133, %dma_wait3A_1134] : memref<16384x1024xf32, #tpu.memory_space<hbm>> -> memref<16x1024xf32, #tpu.memory_space<hbm>>
      %dma_wait3A_1136 = arith.constant 0 : i32
      %dma_wait3A_1137 = arith.constant 0 : i32
      %dma_wait3A_1138 = tpu.memref_slice %arg4[%dma_wait3A_1136, %dma_wait3A_1137] : memref<16384x1024xf32, #tpu.memory_space<hbm>> -> memref<16x1024xf32, #tpu.memory_space<hbm>>
      tpu.wait_dma2 semaphore(%arg14 : memref<!tpu.dma_semaphore, #tpu.memory_space<semaphore_mem>>) src(%arg9 : memref<16x1024xf32, #tpu.memory_space<vmem>>) dst(%dma_wait3A_1138 : memref<16x1024xf32, #tpu.memory_space<hbm>>)
      %get3A_1139 = arith.constant 3 : i32
      %get3A_1140 = arith.index_cast %get3A_1139 : i32 to index
      %get3A_1141 = arith.constant 80 : index
      %get3A_1142 = tpu.vector_load %arg6[%get3A_1140, %get3A_1141] {strides = array<i32>} : memref<4x128xi32, #tpu.memory_space<vmem>>, vector<16xi32>,
      %iota3A_1143 = tpu.iota {dimensions = array<i32: 0>} : vector<16xi32>
      %eq3A_1144 = arith.constant 0 : i32
      %eq3A_1145 = vector.broadcast %eq3A_1144 : i32 to vector<16xi32>
      %eq3A_1146 = arith.cmpi eq, %get3A_1142, %eq3A_1145 : vector<16xi32>
      %add3A_1147 = arith.constant 1 : i32
      %add3A_1148 = arith.addi %add3A_667, %add3A_1147 : i32
      %add3A_1149 = arith.constant 16 : i32
      %add3A_1150 = arith.addi %add3A_1148, %add3A_1149 : i32
      %add3A_1151 = vector.broadcast %add3A_1150 : i32 to vector<16xi32>
      %add3A_1152 = arith.addi %add3A_1151, %iota3A_1143 : vector<16xi32>
      %jit3A_1153 = arith.constant 0 : i32
      %broadcast_in_dim3A_1154 = vector.broadcast %jit3A_1153 : i32 to vector<16xi32>
      %select_n3A_1155 = arith.select %eq3A_1146, %broadcast_in_dim3A_1154, %add3A_1152 : vector<16xi1>, vector<16xi32>
      %swap3A_1156 = arith.constant 0 : index
      %swap3A_1157 = tpu.vector_load %arg8[%swap3A_1156] {strides = array<i32>} : memref<16xi32, #tpu.memory_space<vmem>>, vector<16xi32>,
      tpu.vector_store %arg8[%swap3A_1156], %select_n3A_1155 {strides = array<i32>} : memref<16xi32, #tpu.memory_space<vmem>>, vector<16xi32>,
      %dma_start3A_1158 = arith.constant 0 : i32
      %dma_start3A_1159 = arith.constant 0 : i32
      %dma_start3A_1160 = tpu.memref_slice %arg3[%dma_start3A_1158, %dma_start3A_1159] : memref<8192x1024xf32, #tpu.memory_space<hbm>> -> memref<8192x1024xf32, #tpu.memory_space<hbm>>
      tpu.enqueue_indirect_dma source(%dma_start3A_1160 : memref<8192x1024xf32, #tpu.memory_space<hbm>>) target(%arg9 : memref<16x1024xf32, #tpu.memory_space<vmem>>) offsets(%arg8 : memref<16xi32, #tpu.memory_space<vmem>>) semaphore(%arg13 : memref<!tpu.dma_semaphore, #tpu.memory_space<semaphore_mem>>)
      %dma_wait3A_1161 = arith.constant 0 : i32
      %dma_wait3A_1162 = arith.constant 0 : i32
      %dma_wait3A_1163 = tpu.memref_slice %arg3[%dma_wait3A_1161, %dma_wait3A_1162] : memref<8192x1024xf32, #tpu.memory_space<hbm>> -> memref<8192x1024xf32, #tpu.memory_space<hbm>>
      tpu.wait_indirect_dma semaphore(%arg13 : memref<!tpu.dma_semaphore, #tpu.memory_space<semaphore_mem>>) src(%dma_wait3A_1163 : memref<8192x1024xf32, #tpu.memory_space<hbm>>) dst(%arg9 : memref<16x1024xf32, #tpu.memory_space<vmem>>)
      %add3A_1164 = arith.constant 16 : i32
      %add3A_1165 = arith.addi %add3A_850, %add3A_1164 : i32
      %dma_start3A_1166 = arith.constant 0 : i32
      %dma_start3A_1167 = tpu.memref_slice %arg4[%add3A_1165, %dma_start3A_1166] : memref<16384x1024xf32, #tpu.memory_space<hbm>> -> memref<16x1024xf32, #tpu.memory_space<hbm>>
      %dma_start3A_1168 = arith.constant 0 : i32
      %dma_start3A_1169 = tpu.memref_slice %arg4[%add3A_1165, %dma_start3A_1168] : memref<16384x1024xf32, #tpu.memory_space<hbm>> -> memref<16x1024xf32, #tpu.memory_space<hbm>>
      tpu.enqueue_dma source(%arg9 : memref<16x1024xf32, #tpu.memory_space<vmem>>) target(%dma_start3A_1169 : memref<16x1024xf32, #tpu.memory_space<hbm>>) target_semaphore(%arg14 : memref<!tpu.dma_semaphore, #tpu.memory_space<semaphore_mem>>)
      %dma_wait3A_1170 = arith.constant 0 : i32
      %dma_wait3A_1171 = arith.constant 0 : i32
      %dma_wait3A_1172 = tpu.memref_slice %arg4[%dma_wait3A_1170, %dma_wait3A_1171] : memref<16384x1024xf32, #tpu.memory_space<hbm>> -> memref<16x1024xf32, #tpu.memory_space<hbm>>
      %dma_wait3A_1173 = arith.constant 0 : i32
      %dma_wait3A_1174 = arith.constant 0 : i32
      %dma_wait3A_1175 = tpu.memref_slice %arg4[%dma_wait3A_1173, %dma_wait3A_1174] : memref<16384x1024xf32, #tpu.memory_space<hbm>> -> memref<16x1024xf32, #tpu.memory_space<hbm>>
      tpu.wait_dma2 semaphore(%arg14 : memref<!tpu.dma_semaphore, #tpu.memory_space<semaphore_mem>>) src(%arg9 : memref<16x1024xf32, #tpu.memory_space<vmem>>) dst(%dma_wait3A_1175 : memref<16x1024xf32, #tpu.memory_space<hbm>>)
    } else {
    }
    %dma_wait3A_860 = arith.constant 0 : i32
    %dma_wait3A_861 = arith.constant 0 : i32
    %dma_wait3A_862 = arith.constant 0 : i32
    %dma_wait3A_863 = arith.constant 0 : i32
    %dma_wait3A_864 = tpu.memref_slice %arg5[%dma_wait3A_861, %dma_wait3A_862, %dma_wait3A_863] : memref<3x32x1024xf32, #tpu.memory_space<vmem>> -> memref<1x32x1024xf32, #tpu.memory_space<vmem>>
    %dma_wait3A_865 = tpu.memref_squeeze %dma_wait3A_864 : memref<1x32x1024xf32, #tpu.memory_space<vmem>> -> memref<32x1024xf32, #tpu.memory_space<vmem>>
    %dma_wait3A_866 = arith.constant 0 : i32
    %dma_wait3A_867 = tpu.memref_slice %arg7[%dma_wait3A_860, %dma_wait3A_866] : memref<3x32xi32, #tpu.memory_space<vmem>> -> memref<1x32xi32, #tpu.memory_space<vmem>>
    %dma_wait3A_868 = tpu.memref_squeeze %dma_wait3A_867 : memref<1x32xi32, #tpu.memory_space<vmem>> -> memref<32xi32, #tpu.memory_space<vmem>>
    %dma_wait3A_869 = arith.constant 0 : i32
    %dma_wait3A_870 = arith.constant 0 : i32
    %dma_wait3A_871 = tpu.memref_slice %arg3[%dma_wait3A_869, %dma_wait3A_870] : memref<8192x1024xf32, #tpu.memory_space<hbm>> -> memref<8192x1024xf32, #tpu.memory_space<hbm>>
    tpu.wait_indirect_dma semaphore(%arg10 : memref<!tpu.dma_semaphore, #tpu.memory_space<semaphore_mem>>) src(%dma_wait3A_871 : memref<8192x1024xf32, #tpu.memory_space<hbm>>) dst(%dma_wait3A_865 : memref<32x1024xf32, #tpu.memory_space<vmem>>)
    %add3A_872 = arith.constant 96 : i32
    %add3A_873 = arith.addi %mul3A_2, %add3A_872 : i32
    %get3A_874 = arith.constant 0 : i32
    %get3A_875 = arith.index_cast %get3A_874 : i32 to index
    %get3A_876 = arith.constant 96 : index
    %get3A_877 = tpu.vector_load %arg6[%get3A_875, %get3A_876] {strides = array<i32>} : memref<4x128xi32, #tpu.memory_space<vmem>>, vector<16xi32>,
    %eq3A_878 = arith.constant 0 : i32
    %eq3A_879 = vector.broadcast %eq3A_878 : i32 to vector<16xi32>
    %eq3A_880 = arith.cmpi eq, %get3A_877, %eq3A_879 : vector<16xi32>
    %jit3A_881 = arith.constant 1 : i32
    %jit3A_882 = arith.constant 0 : i32
    %broadcast_in_dim3A_883 = vector.broadcast %jit3A_881 : i32 to vector<16xi32>
    %broadcast_in_dim3A_884 = vector.broadcast %jit3A_882 : i32 to vector<16xi32>
    %select_n3A_885 = arith.select %eq3A_880, %broadcast_in_dim3A_883, %broadcast_in_dim3A_884 : vector<16xi1>, vector<16xi32>
    %reduce_sum3A_886 = arith.constant true
    %reduce_sum3A_887 = vector.broadcast %reduce_sum3A_886 : i1 to vector<16xi1>
    %reduce_sum3A_888 = tpu.scan <sum>, %select_n3A_885 masked %reduce_sum3A_887 : vector<16xi32>, vector<16xi1> -> vector<16xi32>
    %reduce_sum3A_889 = vector.extract %reduce_sum3A_888[15] : i32 from vector<16xi32>
    %add3A_890 = arith.constant 0 : i32
    %add3A_891 = arith.addi %add3A_890, %reduce_sum3A_889 : i32
    %get3A_892 = arith.constant 0 : i32
    %get3A_893 = arith.index_cast %get3A_892 : i32 to index
    %get3A_894 = arith.constant 112 : index
    %get3A_895 = tpu.vector_load %arg6[%get3A_893, %get3A_894] {strides = array<i32>} : memref<4x128xi32, #tpu.memory_space<vmem>>, vector<16xi32>,
    %eq3A_896 = arith.constant 0 : i32
    %eq3A_897 = vector.broadcast %eq3A_896 : i32 to vector<16xi32>
    %eq3A_898 = arith.cmpi eq, %get3A_895, %eq3A_897 : vector<16xi32>
    %jit3A_899 = arith.constant 1 : i32
    %jit3A_900 = arith.constant 0 : i32
    %broadcast_in_dim3A_901 = vector.broadcast %jit3A_899 : i32 to vector<16xi32>
    %broadcast_in_dim3A_902 = vector.broadcast %jit3A_900 : i32 to vector<16xi32>
    %select_n3A_903 = arith.select %eq3A_898, %broadcast_in_dim3A_901, %broadcast_in_dim3A_902 : vector<16xi1>, vector<16xi32>
    %reduce_sum3A_904 = arith.constant true
    %reduce_sum3A_905 = vector.broadcast %reduce_sum3A_904 : i1 to vector<16xi1>
    %reduce_sum3A_906 = tpu.scan <sum>, %select_n3A_903 masked %reduce_sum3A_905 : vector<16xi32>, vector<16xi1> -> vector<16xi32>
    %reduce_sum3A_907 = vector.extract %reduce_sum3A_906[15] : i32 from vector<16xi32>
    %add3A_908 = arith.addi %add3A_891, %reduce_sum3A_907 : i32
    %eq3A_909 = arith.constant 0 : i32
    %eq3A_910 = arith.cmpi eq, %add3A_908, %eq3A_909 : i32
    %add3A_911 = arith.constant 0 : i32
    %add3A_912 = arith.addi %add3A_911, %add3A_873 : i32
    %convert_element_type3A_913 = arith.extui %eq3A_910 : i1 to i32
    %cond3A_914 = arith.constant 0 : i32
    %cond3A_915 = arith.constant 0 : i32
    %cond3A_916 = arith.cmpi ne, %convert_element_type3A_913, %cond3A_915 : i32
    scf.if %cond3A_916 {
      %dma_start3A_1102 = arith.constant 0 : i32
      %dma_start3A_1103 = arith.constant 0 : i32
      %dma_start3A_1104 = tpu.memref_slice %arg5[%cond3A_914, %dma_start3A_1102, %dma_start3A_1103] : memref<3x32x1024xf32, #tpu.memory_space<vmem>> -> memref<1x32x1024xf32, #tpu.memory_space<vmem>>
      %dma_start3A_1105 = tpu.memref_squeeze %dma_start3A_1104 : memref<1x32x1024xf32, #tpu.memory_space<vmem>> -> memref<32x1024xf32, #tpu.memory_space<vmem>>
      %dma_start3A_1106 = arith.constant 0 : i32
      %dma_start3A_1107 = tpu.memref_slice %arg4[%add3A_912, %dma_start3A_1106] : memref<16384x1024xf32, #tpu.memory_space<hbm>> -> memref<32x1024xf32, #tpu.memory_space<hbm>>
      %dma_start3A_1108 = arith.constant 0 : i32
      %dma_start3A_1109 = tpu.memref_slice %arg4[%add3A_912, %dma_start3A_1108] : memref<16384x1024xf32, #tpu.memory_space<hbm>> -> memref<32x1024xf32, #tpu.memory_space<hbm>>
      %dma_start3A_1110 = arith.constant 0 : i32
      %dma_start3A_1111 = arith.constant 0 : i32
      %dma_start3A_1112 = tpu.memref_slice %arg5[%cond3A_914, %dma_start3A_1110, %dma_start3A_1111] : memref<3x32x1024xf32, #tpu.memory_space<vmem>> -> memref<1x32x1024xf32, #tpu.memory_space<vmem>>
      %dma_start3A_1113 = tpu.memref_squeeze %dma_start3A_1112 : memref<1x32x1024xf32, #tpu.memory_space<vmem>> -> memref<32x1024xf32, #tpu.memory_space<vmem>>
      tpu.enqueue_dma source(%dma_start3A_1113 : memref<32x1024xf32, #tpu.memory_space<vmem>>) target(%dma_start3A_1109 : memref<32x1024xf32, #tpu.memory_space<hbm>>) target_semaphore(%arg11 : memref<!tpu.dma_semaphore, #tpu.memory_space<semaphore_mem>>)
    } else {
    }
    %not3A_917 = arith.constant true
    %not3A_918 = arith.xori %eq3A_910, %not3A_917 : i1
    %convert_element_type3A_919 = arith.extui %not3A_918 : i1 to i32
    %cond3A_920 = arith.constant 0 : i32
    %cond3A_921 = arith.cmpi ne, %convert_element_type3A_919, %cond3A_920 : i32
    scf.if %cond3A_921 {
      %get3A_1102 = arith.constant 0 : i32
      %get3A_1103 = arith.index_cast %get3A_1102 : i32 to index
      %get3A_1104 = arith.constant 96 : index
      %get3A_1105 = tpu.vector_load %arg6[%get3A_1103, %get3A_1104] {strides = array<i32>} : memref<4x128xi32, #tpu.memory_space<vmem>>, vector<16xi32>,
      %iota3A_1106 = tpu.iota {dimensions = array<i32: 0>} : vector<16xi32>
      %eq3A_1107 = arith.constant 0 : i32
      %eq3A_1108 = vector.broadcast %eq3A_1107 : i32 to vector<16xi32>
      %eq3A_1109 = arith.cmpi eq, %get3A_1105, %eq3A_1108 : vector<16xi32>
      %add3A_1110 = arith.constant 1 : i32
      %add3A_1111 = arith.addi %add3A_873, %add3A_1110 : i32
      %add3A_1112 = arith.constant 0 : i32
      %add3A_1113 = arith.addi %add3A_1111, %add3A_1112 : i32
      %add3A_1114 = vector.broadcast %add3A_1113 : i32 to vector<16xi32>
      %add3A_1115 = arith.addi %add3A_1114, %iota3A_1106 : vector<16xi32>
      %jit3A_1116 = arith.constant 0 : i32
      %broadcast_in_dim3A_1117 = vector.broadcast %jit3A_1116 : i32 to vector<16xi32>
      %select_n3A_1118 = arith.select %eq3A_1109, %broadcast_in_dim3A_1117, %add3A_1115 : vector<16xi1>, vector<16xi32>
      %swap3A_1119 = arith.constant 0 : index
      %swap3A_1120 = tpu.vector_load %arg8[%swap3A_1119] {strides = array<i32>} : memref<16xi32, #tpu.memory_space<vmem>>, vector<16xi32>,
      tpu.vector_store %arg8[%swap3A_1119], %select_n3A_1118 {strides = array<i32>} : memref<16xi32, #tpu.memory_space<vmem>>, vector<16xi32>,
      %dma_start3A_1121 = arith.constant 0 : i32
      %dma_start3A_1122 = arith.constant 0 : i32
      %dma_start3A_1123 = tpu.memref_slice %arg3[%dma_start3A_1121, %dma_start3A_1122] : memref<8192x1024xf32, #tpu.memory_space<hbm>> -> memref<8192x1024xf32, #tpu.memory_space<hbm>>
      tpu.enqueue_indirect_dma source(%dma_start3A_1123 : memref<8192x1024xf32, #tpu.memory_space<hbm>>) target(%arg9 : memref<16x1024xf32, #tpu.memory_space<vmem>>) offsets(%arg8 : memref<16xi32, #tpu.memory_space<vmem>>) semaphore(%arg13 : memref<!tpu.dma_semaphore, #tpu.memory_space<semaphore_mem>>)
      %dma_wait3A_1124 = arith.constant 0 : i32
      %dma_wait3A_1125 = arith.constant 0 : i32
      %dma_wait3A_1126 = tpu.memref_slice %arg3[%dma_wait3A_1124, %dma_wait3A_1125] : memref<8192x1024xf32, #tpu.memory_space<hbm>> -> memref<8192x1024xf32, #tpu.memory_space<hbm>>
      tpu.wait_indirect_dma semaphore(%arg13 : memref<!tpu.dma_semaphore, #tpu.memory_space<semaphore_mem>>) src(%dma_wait3A_1126 : memref<8192x1024xf32, #tpu.memory_space<hbm>>) dst(%arg9 : memref<16x1024xf32, #tpu.memory_space<vmem>>)
      %add3A_1127 = arith.constant 0 : i32
      %add3A_1128 = arith.addi %add3A_912, %add3A_1127 : i32
      %dma_start3A_1129 = arith.constant 0 : i32
      %dma_start3A_1130 = tpu.memref_slice %arg4[%add3A_1128, %dma_start3A_1129] : memref<16384x1024xf32, #tpu.memory_space<hbm>> -> memref<16x1024xf32, #tpu.memory_space<hbm>>
      %dma_start3A_1131 = arith.constant 0 : i32
      %dma_start3A_1132 = tpu.memref_slice %arg4[%add3A_1128, %dma_start3A_1131] : memref<16384x1024xf32, #tpu.memory_space<hbm>> -> memref<16x1024xf32, #tpu.memory_space<hbm>>
      tpu.enqueue_dma source(%arg9 : memref<16x1024xf32, #tpu.memory_space<vmem>>) target(%dma_start3A_1132 : memref<16x1024xf32, #tpu.memory_space<hbm>>) target_semaphore(%arg14 : memref<!tpu.dma_semaphore, #tpu.memory_space<semaphore_mem>>)
      %dma_wait3A_1133 = arith.constant 0 : i32
      %dma_wait3A_1134 = arith.constant 0 : i32
      %dma_wait3A_1135 = tpu.memref_slice %arg4[%dma_wait3A_1133, %dma_wait3A_1134] : memref<16384x1024xf32, #tpu.memory_space<hbm>> -> memref<16x1024xf32, #tpu.memory_space<hbm>>
      %dma_wait3A_1136 = arith.constant 0 : i32
      %dma_wait3A_1137 = arith.constant 0 : i32
      %dma_wait3A_1138 = tpu.memref_slice %arg4[%dma_wait3A_1136, %dma_wait3A_1137] : memref<16384x1024xf32, #tpu.memory_space<hbm>> -> memref<16x1024xf32, #tpu.memory_space<hbm>>
      tpu.wait_dma2 semaphore(%arg14 : memref<!tpu.dma_semaphore, #tpu.memory_space<semaphore_mem>>) src(%arg9 : memref<16x1024xf32, #tpu.memory_space<vmem>>) dst(%dma_wait3A_1138 : memref<16x1024xf32, #tpu.memory_space<hbm>>)
      %get3A_1139 = arith.constant 0 : i32
      %get3A_1140 = arith.index_cast %get3A_1139 : i32 to index
      %get3A_1141 = arith.constant 112 : index
      %get3A_1142 = tpu.vector_load %arg6[%get3A_1140, %get3A_1141] {strides = array<i32>} : memref<4x128xi32, #tpu.memory_space<vmem>>, vector<16xi32>,
      %iota3A_1143 = tpu.iota {dimensions = array<i32: 0>} : vector<16xi32>
      %eq3A_1144 = arith.constant 0 : i32
      %eq3A_1145 = vector.broadcast %eq3A_1144 : i32 to vector<16xi32>
      %eq3A_1146 = arith.cmpi eq, %get3A_1142, %eq3A_1145 : vector<16xi32>
      %add3A_1147 = arith.constant 1 : i32
      %add3A_1148 = arith.addi %add3A_873, %add3A_1147 : i32
      %add3A_1149 = arith.constant 16 : i32
      %add3A_1150 = arith.addi %add3A_1148, %add3A_1149 : i32
      %add3A_1151 = vector.broadcast %add3A_1150 : i32 to vector<16xi32>
      %add3A_1152 = arith.addi %add3A_1151, %iota3A_1143 : vector<16xi32>
      %jit3A_1153 = arith.constant 0 : i32
      %broadcast_in_dim3A_1154 = vector.broadcast %jit3A_1153 : i32 to vector<16xi32>
      %select_n3A_1155 = arith.select %eq3A_1146, %broadcast_in_dim3A_1154, %add3A_1152 : vector<16xi1>, vector<16xi32>
      %swap3A_1156 = arith.constant 0 : index
      %swap3A_1157 = tpu.vector_load %arg8[%swap3A_1156] {strides = array<i32>} : memref<16xi32, #tpu.memory_space<vmem>>, vector<16xi32>,
      tpu.vector_store %arg8[%swap3A_1156], %select_n3A_1155 {strides = array<i32>} : memref<16xi32, #tpu.memory_space<vmem>>, vector<16xi32>,
      %dma_start3A_1158 = arith.constant 0 : i32
      %dma_start3A_1159 = arith.constant 0 : i32
      %dma_start3A_1160 = tpu.memref_slice %arg3[%dma_start3A_1158, %dma_start3A_1159] : memref<8192x1024xf32, #tpu.memory_space<hbm>> -> memref<8192x1024xf32, #tpu.memory_space<hbm>>
      tpu.enqueue_indirect_dma source(%dma_start3A_1160 : memref<8192x1024xf32, #tpu.memory_space<hbm>>) target(%arg9 : memref<16x1024xf32, #tpu.memory_space<vmem>>) offsets(%arg8 : memref<16xi32, #tpu.memory_space<vmem>>) semaphore(%arg13 : memref<!tpu.dma_semaphore, #tpu.memory_space<semaphore_mem>>)
      %dma_wait3A_1161 = arith.constant 0 : i32
      %dma_wait3A_1162 = arith.constant 0 : i32
      %dma_wait3A_1163 = tpu.memref_slice %arg3[%dma_wait3A_1161, %dma_wait3A_1162] : memref<8192x1024xf32, #tpu.memory_space<hbm>> -> memref<8192x1024xf32, #tpu.memory_space<hbm>>
      tpu.wait_indirect_dma semaphore(%arg13 : memref<!tpu.dma_semaphore, #tpu.memory_space<semaphore_mem>>) src(%dma_wait3A_1163 : memref<8192x1024xf32, #tpu.memory_space<hbm>>) dst(%arg9 : memref<16x1024xf32, #tpu.memory_space<vmem>>)
      %add3A_1164 = arith.constant 16 : i32
      %add3A_1165 = arith.addi %add3A_912, %add3A_1164 : i32
      %dma_start3A_1166 = arith.constant 0 : i32
      %dma_start3A_1167 = tpu.memref_slice %arg4[%add3A_1165, %dma_start3A_1166] : memref<16384x1024xf32, #tpu.memory_space<hbm>> -> memref<16x1024xf32, #tpu.memory_space<hbm>>
      %dma_start3A_1168 = arith.constant 0 : i32
      %dma_start3A_1169 = tpu.memref_slice %arg4[%add3A_1165, %dma_start3A_1168] : memref<16384x1024xf32, #tpu.memory_space<hbm>> -> memref<16x1024xf32, #tpu.memory_space<hbm>>
      tpu.enqueue_dma source(%arg9 : memref<16x1024xf32, #tpu.memory_space<vmem>>) target(%dma_start3A_1169 : memref<16x1024xf32, #tpu.memory_space<hbm>>) target_semaphore(%arg14 : memref<!tpu.dma_semaphore, #tpu.memory_space<semaphore_mem>>)
      %dma_wait3A_1170 = arith.constant 0 : i32
      %dma_wait3A_1171 = arith.constant 0 : i32
      %dma_wait3A_1172 = tpu.memref_slice %arg4[%dma_wait3A_1170, %dma_wait3A_1171] : memref<16384x1024xf32, #tpu.memory_space<hbm>> -> memref<16x1024xf32, #tpu.memory_space<hbm>>
      %dma_wait3A_1173 = arith.constant 0 : i32
      %dma_wait3A_1174 = arith.constant 0 : i32
      %dma_wait3A_1175 = tpu.memref_slice %arg4[%dma_wait3A_1173, %dma_wait3A_1174] : memref<16384x1024xf32, #tpu.memory_space<hbm>> -> memref<16x1024xf32, #tpu.memory_space<hbm>>
      tpu.wait_dma2 semaphore(%arg14 : memref<!tpu.dma_semaphore, #tpu.memory_space<semaphore_mem>>) src(%arg9 : memref<16x1024xf32, #tpu.memory_space<vmem>>) dst(%dma_wait3A_1175 : memref<16x1024xf32, #tpu.memory_space<hbm>>)
    } else {
    }
    %get3A_922 = arith.constant 1 : i32
    %get3A_923 = arith.index_cast %get3A_922 : i32 to index
    %get3A_924 = arith.constant 96 : index
    %get3A_925 = tpu.vector_load %arg6[%get3A_923, %get3A_924] {strides = array<i32>} : memref<4x128xi32, #tpu.memory_space<vmem>>, vector<16xi32>,
    %eq3A_926 = arith.constant 0 : i32
    %eq3A_927 = vector.broadcast %eq3A_926 : i32 to vector<16xi32>
    %eq3A_928 = arith.cmpi eq, %get3A_925, %eq3A_927 : vector<16xi32>
    %jit3A_929 = arith.constant 1 : i32
    %jit3A_930 = arith.constant 0 : i32
    %broadcast_in_dim3A_931 = vector.broadcast %jit3A_929 : i32 to vector<16xi32>
    %broadcast_in_dim3A_932 = vector.broadcast %jit3A_930 : i32 to vector<16xi32>
    %select_n3A_933 = arith.select %eq3A_928, %broadcast_in_dim3A_931, %broadcast_in_dim3A_932 : vector<16xi1>, vector<16xi32>
    %reduce_sum3A_934 = arith.constant true
    %reduce_sum3A_935 = vector.broadcast %reduce_sum3A_934 : i1 to vector<16xi1>
    %reduce_sum3A_936 = tpu.scan <sum>, %select_n3A_933 masked %reduce_sum3A_935 : vector<16xi32>, vector<16xi1> -> vector<16xi32>
    %reduce_sum3A_937 = vector.extract %reduce_sum3A_936[15] : i32 from vector<16xi32>
    %add3A_938 = arith.constant 0 : i32
    %add3A_939 = arith.addi %add3A_938, %reduce_sum3A_937 : i32
    %get3A_940 = arith.constant 1 : i32
    %get3A_941 = arith.index_cast %get3A_940 : i32 to index
    %get3A_942 = arith.constant 112 : index
    %get3A_943 = tpu.vector_load %arg6[%get3A_941, %get3A_942] {strides = array<i32>} : memref<4x128xi32, #tpu.memory_space<vmem>>, vector<16xi32>,
    %eq3A_944 = arith.constant 0 : i32
    %eq3A_945 = vector.broadcast %eq3A_944 : i32 to vector<16xi32>
    %eq3A_946 = arith.cmpi eq, %get3A_943, %eq3A_945 : vector<16xi32>
    %jit3A_947 = arith.constant 1 : i32
    %jit3A_948 = arith.constant 0 : i32
    %broadcast_in_dim3A_949 = vector.broadcast %jit3A_947 : i32 to vector<16xi32>
    %broadcast_in_dim3A_950 = vector.broadcast %jit3A_948 : i32 to vector<16xi32>
    %select_n3A_951 = arith.select %eq3A_946, %broadcast_in_dim3A_949, %broadcast_in_dim3A_950 : vector<16xi1>, vector<16xi32>
    %reduce_sum3A_952 = arith.constant true
    %reduce_sum3A_953 = vector.broadcast %reduce_sum3A_952 : i1 to vector<16xi1>
    %reduce_sum3A_954 = tpu.scan <sum>, %select_n3A_951 masked %reduce_sum3A_953 : vector<16xi32>, vector<16xi1> -> vector<16xi32>
    %reduce_sum3A_955 = vector.extract %reduce_sum3A_954[15] : i32 from vector<16xi32>
    %add3A_956 = arith.addi %add3A_939, %reduce_sum3A_955 : i32
    %eq3A_957 = arith.constant 0 : i32
    %eq3A_958 = arith.cmpi eq, %add3A_956, %eq3A_957 : i32
    %add3A_959 = arith.constant 4096 : i32
    %add3A_960 = arith.addi %add3A_959, %add3A_873 : i32
    %convert_element_type3A_961 = arith.extui %eq3A_958 : i1 to i32
    %cond3A_962 = arith.constant 0 : i32
    %cond3A_963 = arith.constant 0 : i32
    %cond3A_964 = arith.cmpi ne, %convert_element_type3A_961, %cond3A_963 : i32
    scf.if %cond3A_964 {
      %dma_start3A_1102 = arith.constant 0 : i32
      %dma_start3A_1103 = arith.constant 0 : i32
      %dma_start3A_1104 = tpu.memref_slice %arg5[%cond3A_962, %dma_start3A_1102, %dma_start3A_1103] : memref<3x32x1024xf32, #tpu.memory_space<vmem>> -> memref<1x32x1024xf32, #tpu.memory_space<vmem>>
      %dma_start3A_1105 = tpu.memref_squeeze %dma_start3A_1104 : memref<1x32x1024xf32, #tpu.memory_space<vmem>> -> memref<32x1024xf32, #tpu.memory_space<vmem>>
      %dma_start3A_1106 = arith.constant 0 : i32
      %dma_start3A_1107 = tpu.memref_slice %arg4[%add3A_960, %dma_start3A_1106] : memref<16384x1024xf32, #tpu.memory_space<hbm>> -> memref<32x1024xf32, #tpu.memory_space<hbm>>
      %dma_start3A_1108 = arith.constant 0 : i32
      %dma_start3A_1109 = tpu.memref_slice %arg4[%add3A_960, %dma_start3A_1108] : memref<16384x1024xf32, #tpu.memory_space<hbm>> -> memref<32x1024xf32, #tpu.memory_space<hbm>>
      %dma_start3A_1110 = arith.constant 0 : i32
      %dma_start3A_1111 = arith.constant 0 : i32
      %dma_start3A_1112 = tpu.memref_slice %arg5[%cond3A_962, %dma_start3A_1110, %dma_start3A_1111] : memref<3x32x1024xf32, #tpu.memory_space<vmem>> -> memref<1x32x1024xf32, #tpu.memory_space<vmem>>
      %dma_start3A_1113 = tpu.memref_squeeze %dma_start3A_1112 : memref<1x32x1024xf32, #tpu.memory_space<vmem>> -> memref<32x1024xf32, #tpu.memory_space<vmem>>
      tpu.enqueue_dma source(%dma_start3A_1113 : memref<32x1024xf32, #tpu.memory_space<vmem>>) target(%dma_start3A_1109 : memref<32x1024xf32, #tpu.memory_space<hbm>>) target_semaphore(%arg11 : memref<!tpu.dma_semaphore, #tpu.memory_space<semaphore_mem>>)
    } else {
    }
    %not3A_965 = arith.constant true
    %not3A_966 = arith.xori %eq3A_958, %not3A_965 : i1
    %convert_element_type3A_967 = arith.extui %not3A_966 : i1 to i32
    %cond3A_968 = arith.constant 0 : i32
    %cond3A_969 = arith.cmpi ne, %convert_element_type3A_967, %cond3A_968 : i32
    scf.if %cond3A_969 {
      %get3A_1102 = arith.constant 1 : i32
      %get3A_1103 = arith.index_cast %get3A_1102 : i32 to index
      %get3A_1104 = arith.constant 96 : index
      %get3A_1105 = tpu.vector_load %arg6[%get3A_1103, %get3A_1104] {strides = array<i32>} : memref<4x128xi32, #tpu.memory_space<vmem>>, vector<16xi32>,
      %iota3A_1106 = tpu.iota {dimensions = array<i32: 0>} : vector<16xi32>
      %eq3A_1107 = arith.constant 0 : i32
      %eq3A_1108 = vector.broadcast %eq3A_1107 : i32 to vector<16xi32>
      %eq3A_1109 = arith.cmpi eq, %get3A_1105, %eq3A_1108 : vector<16xi32>
      %add3A_1110 = arith.constant 1 : i32
      %add3A_1111 = arith.addi %add3A_873, %add3A_1110 : i32
      %add3A_1112 = arith.constant 0 : i32
      %add3A_1113 = arith.addi %add3A_1111, %add3A_1112 : i32
      %add3A_1114 = vector.broadcast %add3A_1113 : i32 to vector<16xi32>
      %add3A_1115 = arith.addi %add3A_1114, %iota3A_1106 : vector<16xi32>
      %jit3A_1116 = arith.constant 0 : i32
      %broadcast_in_dim3A_1117 = vector.broadcast %jit3A_1116 : i32 to vector<16xi32>
      %select_n3A_1118 = arith.select %eq3A_1109, %broadcast_in_dim3A_1117, %add3A_1115 : vector<16xi1>, vector<16xi32>
      %swap3A_1119 = arith.constant 0 : index
      %swap3A_1120 = tpu.vector_load %arg8[%swap3A_1119] {strides = array<i32>} : memref<16xi32, #tpu.memory_space<vmem>>, vector<16xi32>,
      tpu.vector_store %arg8[%swap3A_1119], %select_n3A_1118 {strides = array<i32>} : memref<16xi32, #tpu.memory_space<vmem>>, vector<16xi32>,
      %dma_start3A_1121 = arith.constant 0 : i32
      %dma_start3A_1122 = arith.constant 0 : i32
      %dma_start3A_1123 = tpu.memref_slice %arg3[%dma_start3A_1121, %dma_start3A_1122] : memref<8192x1024xf32, #tpu.memory_space<hbm>> -> memref<8192x1024xf32, #tpu.memory_space<hbm>>
      tpu.enqueue_indirect_dma source(%dma_start3A_1123 : memref<8192x1024xf32, #tpu.memory_space<hbm>>) target(%arg9 : memref<16x1024xf32, #tpu.memory_space<vmem>>) offsets(%arg8 : memref<16xi32, #tpu.memory_space<vmem>>) semaphore(%arg13 : memref<!tpu.dma_semaphore, #tpu.memory_space<semaphore_mem>>)
      %dma_wait3A_1124 = arith.constant 0 : i32
      %dma_wait3A_1125 = arith.constant 0 : i32
      %dma_wait3A_1126 = tpu.memref_slice %arg3[%dma_wait3A_1124, %dma_wait3A_1125] : memref<8192x1024xf32, #tpu.memory_space<hbm>> -> memref<8192x1024xf32, #tpu.memory_space<hbm>>
      tpu.wait_indirect_dma semaphore(%arg13 : memref<!tpu.dma_semaphore, #tpu.memory_space<semaphore_mem>>) src(%dma_wait3A_1126 : memref<8192x1024xf32, #tpu.memory_space<hbm>>) dst(%arg9 : memref<16x1024xf32, #tpu.memory_space<vmem>>)
      %add3A_1127 = arith.constant 0 : i32
      %add3A_1128 = arith.addi %add3A_960, %add3A_1127 : i32
      %dma_start3A_1129 = arith.constant 0 : i32
      %dma_start3A_1130 = tpu.memref_slice %arg4[%add3A_1128, %dma_start3A_1129] : memref<16384x1024xf32, #tpu.memory_space<hbm>> -> memref<16x1024xf32, #tpu.memory_space<hbm>>
      %dma_start3A_1131 = arith.constant 0 : i32
      %dma_start3A_1132 = tpu.memref_slice %arg4[%add3A_1128, %dma_start3A_1131] : memref<16384x1024xf32, #tpu.memory_space<hbm>> -> memref<16x1024xf32, #tpu.memory_space<hbm>>
      tpu.enqueue_dma source(%arg9 : memref<16x1024xf32, #tpu.memory_space<vmem>>) target(%dma_start3A_1132 : memref<16x1024xf32, #tpu.memory_space<hbm>>) target_semaphore(%arg14 : memref<!tpu.dma_semaphore, #tpu.memory_space<semaphore_mem>>)
      %dma_wait3A_1133 = arith.constant 0 : i32
      %dma_wait3A_1134 = arith.constant 0 : i32
      %dma_wait3A_1135 = tpu.memref_slice %arg4[%dma_wait3A_1133, %dma_wait3A_1134] : memref<16384x1024xf32, #tpu.memory_space<hbm>> -> memref<16x1024xf32, #tpu.memory_space<hbm>>
      %dma_wait3A_1136 = arith.constant 0 : i32
      %dma_wait3A_1137 = arith.constant 0 : i32
      %dma_wait3A_1138 = tpu.memref_slice %arg4[%dma_wait3A_1136, %dma_wait3A_1137] : memref<16384x1024xf32, #tpu.memory_space<hbm>> -> memref<16x1024xf32, #tpu.memory_space<hbm>>
      tpu.wait_dma2 semaphore(%arg14 : memref<!tpu.dma_semaphore, #tpu.memory_space<semaphore_mem>>) src(%arg9 : memref<16x1024xf32, #tpu.memory_space<vmem>>) dst(%dma_wait3A_1138 : memref<16x1024xf32, #tpu.memory_space<hbm>>)
      %get3A_1139 = arith.constant 1 : i32
      %get3A_1140 = arith.index_cast %get3A_1139 : i32 to index
      %get3A_1141 = arith.constant 112 : index
      %get3A_1142 = tpu.vector_load %arg6[%get3A_1140, %get3A_1141] {strides = array<i32>} : memref<4x128xi32, #tpu.memory_space<vmem>>, vector<16xi32>,
      %iota3A_1143 = tpu.iota {dimensions = array<i32: 0>} : vector<16xi32>
      %eq3A_1144 = arith.constant 0 : i32
      %eq3A_1145 = vector.broadcast %eq3A_1144 : i32 to vector<16xi32>
      %eq3A_1146 = arith.cmpi eq, %get3A_1142, %eq3A_1145 : vector<16xi32>
      %add3A_1147 = arith.constant 1 : i32
      %add3A_1148 = arith.addi %add3A_873, %add3A_1147 : i32
      %add3A_1149 = arith.constant 16 : i32
      %add3A_1150 = arith.addi %add3A_1148, %add3A_1149 : i32
      %add3A_1151 = vector.broadcast %add3A_1150 : i32 to vector<16xi32>
      %add3A_1152 = arith.addi %add3A_1151, %iota3A_1143 : vector<16xi32>
      %jit3A_1153 = arith.constant 0 : i32
      %broadcast_in_dim3A_1154 = vector.broadcast %jit3A_1153 : i32 to vector<16xi32>
      %select_n3A_1155 = arith.select %eq3A_1146, %broadcast_in_dim3A_1154, %add3A_1152 : vector<16xi1>, vector<16xi32>
      %swap3A_1156 = arith.constant 0 : index
      %swap3A_1157 = tpu.vector_load %arg8[%swap3A_1156] {strides = array<i32>} : memref<16xi32, #tpu.memory_space<vmem>>, vector<16xi32>,
      tpu.vector_store %arg8[%swap3A_1156], %select_n3A_1155 {strides = array<i32>} : memref<16xi32, #tpu.memory_space<vmem>>, vector<16xi32>,
      %dma_start3A_1158 = arith.constant 0 : i32
      %dma_start3A_1159 = arith.constant 0 : i32
      %dma_start3A_1160 = tpu.memref_slice %arg3[%dma_start3A_1158, %dma_start3A_1159] : memref<8192x1024xf32, #tpu.memory_space<hbm>> -> memref<8192x1024xf32, #tpu.memory_space<hbm>>
      tpu.enqueue_indirect_dma source(%dma_start3A_1160 : memref<8192x1024xf32, #tpu.memory_space<hbm>>) target(%arg9 : memref<16x1024xf32, #tpu.memory_space<vmem>>) offsets(%arg8 : memref<16xi32, #tpu.memory_space<vmem>>) semaphore(%arg13 : memref<!tpu.dma_semaphore, #tpu.memory_space<semaphore_mem>>)
      %dma_wait3A_1161 = arith.constant 0 : i32
      %dma_wait3A_1162 = arith.constant 0 : i32
      %dma_wait3A_1163 = tpu.memref_slice %arg3[%dma_wait3A_1161, %dma_wait3A_1162] : memref<8192x1024xf32, #tpu.memory_space<hbm>> -> memref<8192x1024xf32, #tpu.memory_space<hbm>>
      tpu.wait_indirect_dma semaphore(%arg13 : memref<!tpu.dma_semaphore, #tpu.memory_space<semaphore_mem>>) src(%dma_wait3A_1163 : memref<8192x1024xf32, #tpu.memory_space<hbm>>) dst(%arg9 : memref<16x1024xf32, #tpu.memory_space<vmem>>)
      %add3A_1164 = arith.constant 16 : i32
      %add3A_1165 = arith.addi %add3A_960, %add3A_1164 : i32
      %dma_start3A_1166 = arith.constant 0 : i32
      %dma_start3A_1167 = tpu.memref_slice %arg4[%add3A_1165, %dma_start3A_1166] : memref<16384x1024xf32, #tpu.memory_space<hbm>> -> memref<16x1024xf32, #tpu.memory_space<hbm>>
      %dma_start3A_1168 = arith.constant 0 : i32
      %dma_start3A_1169 = tpu.memref_slice %arg4[%add3A_1165, %dma_start3A_1168] : memref<16384x1024xf32, #tpu.memory_space<hbm>> -> memref<16x1024xf32, #tpu.memory_space<hbm>>
      tpu.enqueue_dma source(%arg9 : memref<16x1024xf32, #tpu.memory_space<vmem>>) target(%dma_start3A_1169 : memref<16x1024xf32, #tpu.memory_space<hbm>>) target_semaphore(%arg14 : memref<!tpu.dma_semaphore, #tpu.memory_space<semaphore_mem>>)
      %dma_wait3A_1170 = arith.constant 0 : i32
      %dma_wait3A_1171 = arith.constant 0 : i32
      %dma_wait3A_1172 = tpu.memref_slice %arg4[%dma_wait3A_1170, %dma_wait3A_1171] : memref<16384x1024xf32, #tpu.memory_space<hbm>> -> memref<16x1024xf32, #tpu.memory_space<hbm>>
      %dma_wait3A_1173 = arith.constant 0 : i32
      %dma_wait3A_1174 = arith.constant 0 : i32
      %dma_wait3A_1175 = tpu.memref_slice %arg4[%dma_wait3A_1173, %dma_wait3A_1174] : memref<16384x1024xf32, #tpu.memory_space<hbm>> -> memref<16x1024xf32, #tpu.memory_space<hbm>>
      tpu.wait_dma2 semaphore(%arg14 : memref<!tpu.dma_semaphore, #tpu.memory_space<semaphore_mem>>) src(%arg9 : memref<16x1024xf32, #tpu.memory_space<vmem>>) dst(%dma_wait3A_1175 : memref<16x1024xf32, #tpu.memory_space<hbm>>)
    } else {
    }
    %get3A_970 = arith.constant 2 : i32
    %get3A_971 = arith.index_cast %get3A_970 : i32 to index
    %get3A_972 = arith.constant 96 : index
    %get3A_973 = tpu.vector_load %arg6[%get3A_971, %get3A_972] {strides = array<i32>} : memref<4x128xi32, #tpu.memory_space<vmem>>, vector<16xi32>,
    %eq3A_974 = arith.constant 0 : i32
    %eq3A_975 = vector.broadcast %eq3A_974 : i32 to vector<16xi32>
    %eq3A_976 = arith.cmpi eq, %get3A_973, %eq3A_975 : vector<16xi32>
    %jit3A_977 = arith.constant 1 : i32
    %jit3A_978 = arith.constant 0 : i32
    %broadcast_in_dim3A_979 = vector.broadcast %jit3A_977 : i32 to vector<16xi32>
    %broadcast_in_dim3A_980 = vector.broadcast %jit3A_978 : i32 to vector<16xi32>
    %select_n3A_981 = arith.select %eq3A_976, %broadcast_in_dim3A_979, %broadcast_in_dim3A_980 : vector<16xi1>, vector<16xi32>
    %reduce_sum3A_982 = arith.constant true
    %reduce_sum3A_983 = vector.broadcast %reduce_sum3A_982 : i1 to vector<16xi1>
    %reduce_sum3A_984 = tpu.scan <sum>, %select_n3A_981 masked %reduce_sum3A_983 : vector<16xi32>, vector<16xi1> -> vector<16xi32>
    %reduce_sum3A_985 = vector.extract %reduce_sum3A_984[15] : i32 from vector<16xi32>
    %add3A_986 = arith.constant 0 : i32
    %add3A_987 = arith.addi %add3A_986, %reduce_sum3A_985 : i32
    %get3A_988 = arith.constant 2 : i32
    %get3A_989 = arith.index_cast %get3A_988 : i32 to index
    %get3A_990 = arith.constant 112 : index
    %get3A_991 = tpu.vector_load %arg6[%get3A_989, %get3A_990] {strides = array<i32>} : memref<4x128xi32, #tpu.memory_space<vmem>>, vector<16xi32>,
    %eq3A_992 = arith.constant 0 : i32
    %eq3A_993 = vector.broadcast %eq3A_992 : i32 to vector<16xi32>
    %eq3A_994 = arith.cmpi eq, %get3A_991, %eq3A_993 : vector<16xi32>
    %jit3A_995 = arith.constant 1 : i32
    %jit3A_996 = arith.constant 0 : i32
    %broadcast_in_dim3A_997 = vector.broadcast %jit3A_995 : i32 to vector<16xi32>
    %broadcast_in_dim3A_998 = vector.broadcast %jit3A_996 : i32 to vector<16xi32>
    %select_n3A_999 = arith.select %eq3A_994, %broadcast_in_dim3A_997, %broadcast_in_dim3A_998 : vector<16xi1>, vector<16xi32>
    %reduce_sum3A_1000 = arith.constant true
    %reduce_sum3A_1001 = vector.broadcast %reduce_sum3A_1000 : i1 to vector<16xi1>
    %reduce_sum3A_1002 = tpu.scan <sum>, %select_n3A_999 masked %reduce_sum3A_1001 : vector<16xi32>, vector<16xi1> -> vector<16xi32>
    %reduce_sum3A_1003 = vector.extract %reduce_sum3A_1002[15] : i32 from vector<16xi32>
    %add3A_1004 = arith.addi %add3A_987, %reduce_sum3A_1003 : i32
    %eq3A_1005 = arith.constant 0 : i32
    %eq3A_1006 = arith.cmpi eq, %add3A_1004, %eq3A_1005 : i32
    %add3A_1007 = arith.constant 8192 : i32
    %add3A_1008 = arith.addi %add3A_1007, %add3A_873 : i32
    %convert_element_type3A_1009 = arith.extui %eq3A_1006 : i1 to i32
    %cond3A_1010 = arith.constant 0 : i32
    %cond3A_1011 = arith.constant 0 : i32
    %cond3A_1012 = arith.cmpi ne, %convert_element_type3A_1009, %cond3A_1011 : i32
    scf.if %cond3A_1012 {
      %dma_start3A_1102 = arith.constant 0 : i32
      %dma_start3A_1103 = arith.constant 0 : i32
      %dma_start3A_1104 = tpu.memref_slice %arg5[%cond3A_1010, %dma_start3A_1102, %dma_start3A_1103] : memref<3x32x1024xf32, #tpu.memory_space<vmem>> -> memref<1x32x1024xf32, #tpu.memory_space<vmem>>
      %dma_start3A_1105 = tpu.memref_squeeze %dma_start3A_1104 : memref<1x32x1024xf32, #tpu.memory_space<vmem>> -> memref<32x1024xf32, #tpu.memory_space<vmem>>
      %dma_start3A_1106 = arith.constant 0 : i32
      %dma_start3A_1107 = tpu.memref_slice %arg4[%add3A_1008, %dma_start3A_1106] : memref<16384x1024xf32, #tpu.memory_space<hbm>> -> memref<32x1024xf32, #tpu.memory_space<hbm>>
      %dma_start3A_1108 = arith.constant 0 : i32
      %dma_start3A_1109 = tpu.memref_slice %arg4[%add3A_1008, %dma_start3A_1108] : memref<16384x1024xf32, #tpu.memory_space<hbm>> -> memref<32x1024xf32, #tpu.memory_space<hbm>>
      %dma_start3A_1110 = arith.constant 0 : i32
      %dma_start3A_1111 = arith.constant 0 : i32
      %dma_start3A_1112 = tpu.memref_slice %arg5[%cond3A_1010, %dma_start3A_1110, %dma_start3A_1111] : memref<3x32x1024xf32, #tpu.memory_space<vmem>> -> memref<1x32x1024xf32, #tpu.memory_space<vmem>>
      %dma_start3A_1113 = tpu.memref_squeeze %dma_start3A_1112 : memref<1x32x1024xf32, #tpu.memory_space<vmem>> -> memref<32x1024xf32, #tpu.memory_space<vmem>>
      tpu.enqueue_dma source(%dma_start3A_1113 : memref<32x1024xf32, #tpu.memory_space<vmem>>) target(%dma_start3A_1109 : memref<32x1024xf32, #tpu.memory_space<hbm>>) target_semaphore(%arg11 : memref<!tpu.dma_semaphore, #tpu.memory_space<semaphore_mem>>)
    } else {
    }
    %not3A_1013 = arith.constant true
    %not3A_1014 = arith.xori %eq3A_1006, %not3A_1013 : i1
    %convert_element_type3A_1015 = arith.extui %not3A_1014 : i1 to i32
    %cond3A_1016 = arith.constant 0 : i32
    %cond3A_1017 = arith.cmpi ne, %convert_element_type3A_1015, %cond3A_1016 : i32
    scf.if %cond3A_1017 {
      %get3A_1102 = arith.constant 2 : i32
      %get3A_1103 = arith.index_cast %get3A_1102 : i32 to index
      %get3A_1104 = arith.constant 96 : index
      %get3A_1105 = tpu.vector_load %arg6[%get3A_1103, %get3A_1104] {strides = array<i32>} : memref<4x128xi32, #tpu.memory_space<vmem>>, vector<16xi32>,
      %iota3A_1106 = tpu.iota {dimensions = array<i32: 0>} : vector<16xi32>
      %eq3A_1107 = arith.constant 0 : i32
      %eq3A_1108 = vector.broadcast %eq3A_1107 : i32 to vector<16xi32>
      %eq3A_1109 = arith.cmpi eq, %get3A_1105, %eq3A_1108 : vector<16xi32>
      %add3A_1110 = arith.constant 1 : i32
      %add3A_1111 = arith.addi %add3A_873, %add3A_1110 : i32
      %add3A_1112 = arith.constant 0 : i32
      %add3A_1113 = arith.addi %add3A_1111, %add3A_1112 : i32
      %add3A_1114 = vector.broadcast %add3A_1113 : i32 to vector<16xi32>
      %add3A_1115 = arith.addi %add3A_1114, %iota3A_1106 : vector<16xi32>
      %jit3A_1116 = arith.constant 0 : i32
      %broadcast_in_dim3A_1117 = vector.broadcast %jit3A_1116 : i32 to vector<16xi32>
      %select_n3A_1118 = arith.select %eq3A_1109, %broadcast_in_dim3A_1117, %add3A_1115 : vector<16xi1>, vector<16xi32>
      %swap3A_1119 = arith.constant 0 : index
      %swap3A_1120 = tpu.vector_load %arg8[%swap3A_1119] {strides = array<i32>} : memref<16xi32, #tpu.memory_space<vmem>>, vector<16xi32>,
      tpu.vector_store %arg8[%swap3A_1119], %select_n3A_1118 {strides = array<i32>} : memref<16xi32, #tpu.memory_space<vmem>>, vector<16xi32>,
      %dma_start3A_1121 = arith.constant 0 : i32
      %dma_start3A_1122 = arith.constant 0 : i32
      %dma_start3A_1123 = tpu.memref_slice %arg3[%dma_start3A_1121, %dma_start3A_1122] : memref<8192x1024xf32, #tpu.memory_space<hbm>> -> memref<8192x1024xf32, #tpu.memory_space<hbm>>
      tpu.enqueue_indirect_dma source(%dma_start3A_1123 : memref<8192x1024xf32, #tpu.memory_space<hbm>>) target(%arg9 : memref<16x1024xf32, #tpu.memory_space<vmem>>) offsets(%arg8 : memref<16xi32, #tpu.memory_space<vmem>>) semaphore(%arg13 : memref<!tpu.dma_semaphore, #tpu.memory_space<semaphore_mem>>)
      %dma_wait3A_1124 = arith.constant 0 : i32
      %dma_wait3A_1125 = arith.constant 0 : i32
      %dma_wait3A_1126 = tpu.memref_slice %arg3[%dma_wait3A_1124, %dma_wait3A_1125] : memref<8192x1024xf32, #tpu.memory_space<hbm>> -> memref<8192x1024xf32, #tpu.memory_space<hbm>>
      tpu.wait_indirect_dma semaphore(%arg13 : memref<!tpu.dma_semaphore, #tpu.memory_space<semaphore_mem>>) src(%dma_wait3A_1126 : memref<8192x1024xf32, #tpu.memory_space<hbm>>) dst(%arg9 : memref<16x1024xf32, #tpu.memory_space<vmem>>)
      %add3A_1127 = arith.constant 0 : i32
      %add3A_1128 = arith.addi %add3A_1008, %add3A_1127 : i32
      %dma_start3A_1129 = arith.constant 0 : i32
      %dma_start3A_1130 = tpu.memref_slice %arg4[%add3A_1128, %dma_start3A_1129] : memref<16384x1024xf32, #tpu.memory_space<hbm>> -> memref<16x1024xf32, #tpu.memory_space<hbm>>
      %dma_start3A_1131 = arith.constant 0 : i32
      %dma_start3A_1132 = tpu.memref_slice %arg4[%add3A_1128, %dma_start3A_1131] : memref<16384x1024xf32, #tpu.memory_space<hbm>> -> memref<16x1024xf32, #tpu.memory_space<hbm>>
      tpu.enqueue_dma source(%arg9 : memref<16x1024xf32, #tpu.memory_space<vmem>>) target(%dma_start3A_1132 : memref<16x1024xf32, #tpu.memory_space<hbm>>) target_semaphore(%arg14 : memref<!tpu.dma_semaphore, #tpu.memory_space<semaphore_mem>>)
      %dma_wait3A_1133 = arith.constant 0 : i32
      %dma_wait3A_1134 = arith.constant 0 : i32
      %dma_wait3A_1135 = tpu.memref_slice %arg4[%dma_wait3A_1133, %dma_wait3A_1134] : memref<16384x1024xf32, #tpu.memory_space<hbm>> -> memref<16x1024xf32, #tpu.memory_space<hbm>>
      %dma_wait3A_1136 = arith.constant 0 : i32
      %dma_wait3A_1137 = arith.constant 0 : i32
      %dma_wait3A_1138 = tpu.memref_slice %arg4[%dma_wait3A_1136, %dma_wait3A_1137] : memref<16384x1024xf32, #tpu.memory_space<hbm>> -> memref<16x1024xf32, #tpu.memory_space<hbm>>
      tpu.wait_dma2 semaphore(%arg14 : memref<!tpu.dma_semaphore, #tpu.memory_space<semaphore_mem>>) src(%arg9 : memref<16x1024xf32, #tpu.memory_space<vmem>>) dst(%dma_wait3A_1138 : memref<16x1024xf32, #tpu.memory_space<hbm>>)
      %get3A_1139 = arith.constant 2 : i32
      %get3A_1140 = arith.index_cast %get3A_1139 : i32 to index
      %get3A_1141 = arith.constant 112 : index
      %get3A_1142 = tpu.vector_load %arg6[%get3A_1140, %get3A_1141] {strides = array<i32>} : memref<4x128xi32, #tpu.memory_space<vmem>>, vector<16xi32>,
      %iota3A_1143 = tpu.iota {dimensions = array<i32: 0>} : vector<16xi32>
      %eq3A_1144 = arith.constant 0 : i32
      %eq3A_1145 = vector.broadcast %eq3A_1144 : i32 to vector<16xi32>
      %eq3A_1146 = arith.cmpi eq, %get3A_1142, %eq3A_1145 : vector<16xi32>
      %add3A_1147 = arith.constant 1 : i32
      %add3A_1148 = arith.addi %add3A_873, %add3A_1147 : i32
      %add3A_1149 = arith.constant 16 : i32
      %add3A_1150 = arith.addi %add3A_1148, %add3A_1149 : i32
      %add3A_1151 = vector.broadcast %add3A_1150 : i32 to vector<16xi32>
      %add3A_1152 = arith.addi %add3A_1151, %iota3A_1143 : vector<16xi32>
      %jit3A_1153 = arith.constant 0 : i32
      %broadcast_in_dim3A_1154 = vector.broadcast %jit3A_1153 : i32 to vector<16xi32>
      %select_n3A_1155 = arith.select %eq3A_1146, %broadcast_in_dim3A_1154, %add3A_1152 : vector<16xi1>, vector<16xi32>
      %swap3A_1156 = arith.constant 0 : index
      %swap3A_1157 = tpu.vector_load %arg8[%swap3A_1156] {strides = array<i32>} : memref<16xi32, #tpu.memory_space<vmem>>, vector<16xi32>,
      tpu.vector_store %arg8[%swap3A_1156], %select_n3A_1155 {strides = array<i32>} : memref<16xi32, #tpu.memory_space<vmem>>, vector<16xi32>,
      %dma_start3A_1158 = arith.constant 0 : i32
      %dma_start3A_1159 = arith.constant 0 : i32
      %dma_start3A_1160 = tpu.memref_slice %arg3[%dma_start3A_1158, %dma_start3A_1159] : memref<8192x1024xf32, #tpu.memory_space<hbm>> -> memref<8192x1024xf32, #tpu.memory_space<hbm>>
      tpu.enqueue_indirect_dma source(%dma_start3A_1160 : memref<8192x1024xf32, #tpu.memory_space<hbm>>) target(%arg9 : memref<16x1024xf32, #tpu.memory_space<vmem>>) offsets(%arg8 : memref<16xi32, #tpu.memory_space<vmem>>) semaphore(%arg13 : memref<!tpu.dma_semaphore, #tpu.memory_space<semaphore_mem>>)
      %dma_wait3A_1161 = arith.constant 0 : i32
      %dma_wait3A_1162 = arith.constant 0 : i32
      %dma_wait3A_1163 = tpu.memref_slice %arg3[%dma_wait3A_1161, %dma_wait3A_1162] : memref<8192x1024xf32, #tpu.memory_space<hbm>> -> memref<8192x1024xf32, #tpu.memory_space<hbm>>
      tpu.wait_indirect_dma semaphore(%arg13 : memref<!tpu.dma_semaphore, #tpu.memory_space<semaphore_mem>>) src(%dma_wait3A_1163 : memref<8192x1024xf32, #tpu.memory_space<hbm>>) dst(%arg9 : memref<16x1024xf32, #tpu.memory_space<vmem>>)
      %add3A_1164 = arith.constant 16 : i32
      %add3A_1165 = arith.addi %add3A_1008, %add3A_1164 : i32
      %dma_start3A_1166 = arith.constant 0 : i32
      %dma_start3A_1167 = tpu.memref_slice %arg4[%add3A_1165, %dma_start3A_1166] : memref<16384x1024xf32, #tpu.memory_space<hbm>> -> memref<16x1024xf32, #tpu.memory_space<hbm>>
      %dma_start3A_1168 = arith.constant 0 : i32
      %dma_start3A_1169 = tpu.memref_slice %arg4[%add3A_1165, %dma_start3A_1168] : memref<16384x1024xf32, #tpu.memory_space<hbm>> -> memref<16x1024xf32, #tpu.memory_space<hbm>>
      tpu.enqueue_dma source(%arg9 : memref<16x1024xf32, #tpu.memory_space<vmem>>) target(%dma_start3A_1169 : memref<16x1024xf32, #tpu.memory_space<hbm>>) target_semaphore(%arg14 : memref<!tpu.dma_semaphore, #tpu.memory_space<semaphore_mem>>)
      %dma_wait3A_1170 = arith.constant 0 : i32
      %dma_wait3A_1171 = arith.constant 0 : i32
      %dma_wait3A_1172 = tpu.memref_slice %arg4[%dma_wait3A_1170, %dma_wait3A_1171] : memref<16384x1024xf32, #tpu.memory_space<hbm>> -> memref<16x1024xf32, #tpu.memory_space<hbm>>
      %dma_wait3A_1173 = arith.constant 0 : i32
      %dma_wait3A_1174 = arith.constant 0 : i32
      %dma_wait3A_1175 = tpu.memref_slice %arg4[%dma_wait3A_1173, %dma_wait3A_1174] : memref<16384x1024xf32, #tpu.memory_space<hbm>> -> memref<16x1024xf32, #tpu.memory_space<hbm>>
      tpu.wait_dma2 semaphore(%arg14 : memref<!tpu.dma_semaphore, #tpu.memory_space<semaphore_mem>>) src(%arg9 : memref<16x1024xf32, #tpu.memory_space<vmem>>) dst(%dma_wait3A_1175 : memref<16x1024xf32, #tpu.memory_space<hbm>>)
    } else {
    }
    %get3A_1018 = arith.constant 3 : i32
    %get3A_1019 = arith.index_cast %get3A_1018 : i32 to index
    %get3A_1020 = arith.constant 96 : index
    %get3A_1021 = tpu.vector_load %arg6[%get3A_1019, %get3A_1020] {strides = array<i32>} : memref<4x128xi32, #tpu.memory_space<vmem>>, vector<16xi32>,
    %eq3A_1022 = arith.constant 0 : i32
    %eq3A_1023 = vector.broadcast %eq3A_1022 : i32 to vector<16xi32>
    %eq3A_1024 = arith.cmpi eq, %get3A_1021, %eq3A_1023 : vector<16xi32>
    %jit3A_1025 = arith.constant 1 : i32
    %jit3A_1026 = arith.constant 0 : i32
    %broadcast_in_dim3A_1027 = vector.broadcast %jit3A_1025 : i32 to vector<16xi32>
    %broadcast_in_dim3A_1028 = vector.broadcast %jit3A_1026 : i32 to vector<16xi32>
    %select_n3A_1029 = arith.select %eq3A_1024, %broadcast_in_dim3A_1027, %broadcast_in_dim3A_1028 : vector<16xi1>, vector<16xi32>
    %reduce_sum3A_1030 = arith.constant true
    %reduce_sum3A_1031 = vector.broadcast %reduce_sum3A_1030 : i1 to vector<16xi1>
    %reduce_sum3A_1032 = tpu.scan <sum>, %select_n3A_1029 masked %reduce_sum3A_1031 : vector<16xi32>, vector<16xi1> -> vector<16xi32>
    %reduce_sum3A_1033 = vector.extract %reduce_sum3A_1032[15] : i32 from vector<16xi32>
    %add3A_1034 = arith.constant 0 : i32
    %add3A_1035 = arith.addi %add3A_1034, %reduce_sum3A_1033 : i32
    %get3A_1036 = arith.constant 3 : i32
    %get3A_1037 = arith.index_cast %get3A_1036 : i32 to index
    %get3A_1038 = arith.constant 112 : index
    %get3A_1039 = tpu.vector_load %arg6[%get3A_1037, %get3A_1038] {strides = array<i32>} : memref<4x128xi32, #tpu.memory_space<vmem>>, vector<16xi32>,
    %eq3A_1040 = arith.constant 0 : i32
    %eq3A_1041 = vector.broadcast %eq3A_1040 : i32 to vector<16xi32>
    %eq3A_1042 = arith.cmpi eq, %get3A_1039, %eq3A_1041 : vector<16xi32>
    %jit3A_1043 = arith.constant 1 : i32
    %jit3A_1044 = arith.constant 0 : i32
    %broadcast_in_dim3A_1045 = vector.broadcast %jit3A_1043 : i32 to vector<16xi32>
    %broadcast_in_dim3A_1046 = vector.broadcast %jit3A_1044 : i32 to vector<16xi32>
    %select_n3A_1047 = arith.select %eq3A_1042, %broadcast_in_dim3A_1045, %broadcast_in_dim3A_1046 : vector<16xi1>, vector<16xi32>
    %reduce_sum3A_1048 = arith.constant true
    %reduce_sum3A_1049 = vector.broadcast %reduce_sum3A_1048 : i1 to vector<16xi1>
    %reduce_sum3A_1050 = tpu.scan <sum>, %select_n3A_1047 masked %reduce_sum3A_1049 : vector<16xi32>, vector<16xi1> -> vector<16xi32>
    %reduce_sum3A_1051 = vector.extract %reduce_sum3A_1050[15] : i32 from vector<16xi32>
    %add3A_1052 = arith.addi %add3A_1035, %reduce_sum3A_1051 : i32
    %eq3A_1053 = arith.constant 0 : i32
    %eq3A_1054 = arith.cmpi eq, %add3A_1052, %eq3A_1053 : i32
    %add3A_1055 = arith.constant 12288 : i32
    %add3A_1056 = arith.addi %add3A_1055, %add3A_873 : i32
    %convert_element_type3A_1057 = arith.extui %eq3A_1054 : i1 to i32
    %cond3A_1058 = arith.constant 0 : i32
    %cond3A_1059 = arith.constant 0 : i32
    %cond3A_1060 = arith.cmpi ne, %convert_element_type3A_1057, %cond3A_1059 : i32
    scf.if %cond3A_1060 {
      %dma_start3A_1102 = arith.constant 0 : i32
      %dma_start3A_1103 = arith.constant 0 : i32
      %dma_start3A_1104 = tpu.memref_slice %arg5[%cond3A_1058, %dma_start3A_1102, %dma_start3A_1103] : memref<3x32x1024xf32, #tpu.memory_space<vmem>> -> memref<1x32x1024xf32, #tpu.memory_space<vmem>>
      %dma_start3A_1105 = tpu.memref_squeeze %dma_start3A_1104 : memref<1x32x1024xf32, #tpu.memory_space<vmem>> -> memref<32x1024xf32, #tpu.memory_space<vmem>>
      %dma_start3A_1106 = arith.constant 0 : i32
      %dma_start3A_1107 = tpu.memref_slice %arg4[%add3A_1056, %dma_start3A_1106] : memref<16384x1024xf32, #tpu.memory_space<hbm>> -> memref<32x1024xf32, #tpu.memory_space<hbm>>
      %dma_start3A_1108 = arith.constant 0 : i32
      %dma_start3A_1109 = tpu.memref_slice %arg4[%add3A_1056, %dma_start3A_1108] : memref<16384x1024xf32, #tpu.memory_space<hbm>> -> memref<32x1024xf32, #tpu.memory_space<hbm>>
      %dma_start3A_1110 = arith.constant 0 : i32
      %dma_start3A_1111 = arith.constant 0 : i32
      %dma_start3A_1112 = tpu.memref_slice %arg5[%cond3A_1058, %dma_start3A_1110, %dma_start3A_1111] : memref<3x32x1024xf32, #tpu.memory_space<vmem>> -> memref<1x32x1024xf32, #tpu.memory_space<vmem>>
      %dma_start3A_1113 = tpu.memref_squeeze %dma_start3A_1112 : memref<1x32x1024xf32, #tpu.memory_space<vmem>> -> memref<32x1024xf32, #tpu.memory_space<vmem>>
      tpu.enqueue_dma source(%dma_start3A_1113 : memref<32x1024xf32, #tpu.memory_space<vmem>>) target(%dma_start3A_1109 : memref<32x1024xf32, #tpu.memory_space<hbm>>) target_semaphore(%arg11 : memref<!tpu.dma_semaphore, #tpu.memory_space<semaphore_mem>>)
    } else {
    }
    %not3A_1061 = arith.constant true
    %not3A_1062 = arith.xori %eq3A_1054, %not3A_1061 : i1
    %convert_element_type3A_1063 = arith.extui %not3A_1062 : i1 to i32
    %cond3A_1064 = arith.constant 0 : i32
    %cond3A_1065 = arith.cmpi ne, %convert_element_type3A_1063, %cond3A_1064 : i32
    scf.if %cond3A_1065 {
      %get3A_1102 = arith.constant 3 : i32
      %get3A_1103 = arith.index_cast %get3A_1102 : i32 to index
      %get3A_1104 = arith.constant 96 : index
      %get3A_1105 = tpu.vector_load %arg6[%get3A_1103, %get3A_1104] {strides = array<i32>} : memref<4x128xi32, #tpu.memory_space<vmem>>, vector<16xi32>,
      %iota3A_1106 = tpu.iota {dimensions = array<i32: 0>} : vector<16xi32>
      %eq3A_1107 = arith.constant 0 : i32
      %eq3A_1108 = vector.broadcast %eq3A_1107 : i32 to vector<16xi32>
      %eq3A_1109 = arith.cmpi eq, %get3A_1105, %eq3A_1108 : vector<16xi32>
      %add3A_1110 = arith.constant 1 : i32
      %add3A_1111 = arith.addi %add3A_873, %add3A_1110 : i32
      %add3A_1112 = arith.constant 0 : i32
      %add3A_1113 = arith.addi %add3A_1111, %add3A_1112 : i32
      %add3A_1114 = vector.broadcast %add3A_1113 : i32 to vector<16xi32>
      %add3A_1115 = arith.addi %add3A_1114, %iota3A_1106 : vector<16xi32>
      %jit3A_1116 = arith.constant 0 : i32
      %broadcast_in_dim3A_1117 = vector.broadcast %jit3A_1116 : i32 to vector<16xi32>
      %select_n3A_1118 = arith.select %eq3A_1109, %broadcast_in_dim3A_1117, %add3A_1115 : vector<16xi1>, vector<16xi32>
      %swap3A_1119 = arith.constant 0 : index
      %swap3A_1120 = tpu.vector_load %arg8[%swap3A_1119] {strides = array<i32>} : memref<16xi32, #tpu.memory_space<vmem>>, vector<16xi32>,
      tpu.vector_store %arg8[%swap3A_1119], %select_n3A_1118 {strides = array<i32>} : memref<16xi32, #tpu.memory_space<vmem>>, vector<16xi32>,
      %dma_start3A_1121 = arith.constant 0 : i32
      %dma_start3A_1122 = arith.constant 0 : i32
      %dma_start3A_1123 = tpu.memref_slice %arg3[%dma_start3A_1121, %dma_start3A_1122] : memref<8192x1024xf32, #tpu.memory_space<hbm>> -> memref<8192x1024xf32, #tpu.memory_space<hbm>>
      tpu.enqueue_indirect_dma source(%dma_start3A_1123 : memref<8192x1024xf32, #tpu.memory_space<hbm>>) target(%arg9 : memref<16x1024xf32, #tpu.memory_space<vmem>>) offsets(%arg8 : memref<16xi32, #tpu.memory_space<vmem>>) semaphore(%arg13 : memref<!tpu.dma_semaphore, #tpu.memory_space<semaphore_mem>>)
      %dma_wait3A_1124 = arith.constant 0 : i32
      %dma_wait3A_1125 = arith.constant 0 : i32
      %dma_wait3A_1126 = tpu.memref_slice %arg3[%dma_wait3A_1124, %dma_wait3A_1125] : memref<8192x1024xf32, #tpu.memory_space<hbm>> -> memref<8192x1024xf32, #tpu.memory_space<hbm>>
      tpu.wait_indirect_dma semaphore(%arg13 : memref<!tpu.dma_semaphore, #tpu.memory_space<semaphore_mem>>) src(%dma_wait3A_1126 : memref<8192x1024xf32, #tpu.memory_space<hbm>>) dst(%arg9 : memref<16x1024xf32, #tpu.memory_space<vmem>>)
      %add3A_1127 = arith.constant 0 : i32
      %add3A_1128 = arith.addi %add3A_1056, %add3A_1127 : i32
      %dma_start3A_1129 = arith.constant 0 : i32
      %dma_start3A_1130 = tpu.memref_slice %arg4[%add3A_1128, %dma_start3A_1129] : memref<16384x1024xf32, #tpu.memory_space<hbm>> -> memref<16x1024xf32, #tpu.memory_space<hbm>>
      %dma_start3A_1131 = arith.constant 0 : i32
      %dma_start3A_1132 = tpu.memref_slice %arg4[%add3A_1128, %dma_start3A_1131] : memref<16384x1024xf32, #tpu.memory_space<hbm>> -> memref<16x1024xf32, #tpu.memory_space<hbm>>
      tpu.enqueue_dma source(%arg9 : memref<16x1024xf32, #tpu.memory_space<vmem>>) target(%dma_start3A_1132 : memref<16x1024xf32, #tpu.memory_space<hbm>>) target_semaphore(%arg14 : memref<!tpu.dma_semaphore, #tpu.memory_space<semaphore_mem>>)
      %dma_wait3A_1133 = arith.constant 0 : i32
      %dma_wait3A_1134 = arith.constant 0 : i32
      %dma_wait3A_1135 = tpu.memref_slice %arg4[%dma_wait3A_1133, %dma_wait3A_1134] : memref<16384x1024xf32, #tpu.memory_space<hbm>> -> memref<16x1024xf32, #tpu.memory_space<hbm>>
      %dma_wait3A_1136 = arith.constant 0 : i32
      %dma_wait3A_1137 = arith.constant 0 : i32
      %dma_wait3A_1138 = tpu.memref_slice %arg4[%dma_wait3A_1136, %dma_wait3A_1137] : memref<16384x1024xf32, #tpu.memory_space<hbm>> -> memref<16x1024xf32, #tpu.memory_space<hbm>>
      tpu.wait_dma2 semaphore(%arg14 : memref<!tpu.dma_semaphore, #tpu.memory_space<semaphore_mem>>) src(%arg9 : memref<16x1024xf32, #tpu.memory_space<vmem>>) dst(%dma_wait3A_1138 : memref<16x1024xf32, #tpu.memory_space<hbm>>)
      %get3A_1139 = arith.constant 3 : i32
      %get3A_1140 = arith.index_cast %get3A_1139 : i32 to index
      %get3A_1141 = arith.constant 112 : index
      %get3A_1142 = tpu.vector_load %arg6[%get3A_1140, %get3A_1141] {strides = array<i32>} : memref<4x128xi32, #tpu.memory_space<vmem>>, vector<16xi32>,
      %iota3A_1143 = tpu.iota {dimensions = array<i32: 0>} : vector<16xi32>
      %eq3A_1144 = arith.constant 0 : i32
      %eq3A_1145 = vector.broadcast %eq3A_1144 : i32 to vector<16xi32>
      %eq3A_1146 = arith.cmpi eq, %get3A_1142, %eq3A_1145 : vector<16xi32>
      %add3A_1147 = arith.constant 1 : i32
      %add3A_1148 = arith.addi %add3A_873, %add3A_1147 : i32
      %add3A_1149 = arith.constant 16 : i32
      %add3A_1150 = arith.addi %add3A_1148, %add3A_1149 : i32
      %add3A_1151 = vector.broadcast %add3A_1150 : i32 to vector<16xi32>
      %add3A_1152 = arith.addi %add3A_1151, %iota3A_1143 : vector<16xi32>
      %jit3A_1153 = arith.constant 0 : i32
      %broadcast_in_dim3A_1154 = vector.broadcast %jit3A_1153 : i32 to vector<16xi32>
      %select_n3A_1155 = arith.select %eq3A_1146, %broadcast_in_dim3A_1154, %add3A_1152 : vector<16xi1>, vector<16xi32>
      %swap3A_1156 = arith.constant 0 : index
      %swap3A_1157 = tpu.vector_load %arg8[%swap3A_1156] {strides = array<i32>} : memref<16xi32, #tpu.memory_space<vmem>>, vector<16xi32>,
      tpu.vector_store %arg8[%swap3A_1156], %select_n3A_1155 {strides = array<i32>} : memref<16xi32, #tpu.memory_space<vmem>>, vector<16xi32>,
      %dma_start3A_1158 = arith.constant 0 : i32
      %dma_start3A_1159 = arith.constant 0 : i32
      %dma_start3A_1160 = tpu.memref_slice %arg3[%dma_start3A_1158, %dma_start3A_1159] : memref<8192x1024xf32, #tpu.memory_space<hbm>> -> memref<8192x1024xf32, #tpu.memory_space<hbm>>
      tpu.enqueue_indirect_dma source(%dma_start3A_1160 : memref<8192x1024xf32, #tpu.memory_space<hbm>>) target(%arg9 : memref<16x1024xf32, #tpu.memory_space<vmem>>) offsets(%arg8 : memref<16xi32, #tpu.memory_space<vmem>>) semaphore(%arg13 : memref<!tpu.dma_semaphore, #tpu.memory_space<semaphore_mem>>)
      %dma_wait3A_1161 = arith.constant 0 : i32
      %dma_wait3A_1162 = arith.constant 0 : i32
      %dma_wait3A_1163 = tpu.memref_slice %arg3[%dma_wait3A_1161, %dma_wait3A_1162] : memref<8192x1024xf32, #tpu.memory_space<hbm>> -> memref<8192x1024xf32, #tpu.memory_space<hbm>>
      tpu.wait_indirect_dma semaphore(%arg13 : memref<!tpu.dma_semaphore, #tpu.memory_space<semaphore_mem>>) src(%dma_wait3A_1163 : memref<8192x1024xf32, #tpu.memory_space<hbm>>) dst(%arg9 : memref<16x1024xf32, #tpu.memory_space<vmem>>)
      %add3A_1164 = arith.constant 16 : i32
      %add3A_1165 = arith.addi %add3A_1056, %add3A_1164 : i32
      %dma_start3A_1166 = arith.constant 0 : i32
      %dma_start3A_1167 = tpu.memref_slice %arg4[%add3A_1165, %dma_start3A_1166] : memref<16384x1024xf32, #tpu.memory_space<hbm>> -> memref<16x1024xf32, #tpu.memory_space<hbm>>
      %dma_start3A_1168 = arith.constant 0 : i32
      %dma_start3A_1169 = tpu.memref_slice %arg4[%add3A_1165, %dma_start3A_1168] : memref<16384x1024xf32, #tpu.memory_space<hbm>> -> memref<16x1024xf32, #tpu.memory_space<hbm>>
      tpu.enqueue_dma source(%arg9 : memref<16x1024xf32, #tpu.memory_space<vmem>>) target(%dma_start3A_1169 : memref<16x1024xf32, #tpu.memory_space<hbm>>) target_semaphore(%arg14 : memref<!tpu.dma_semaphore, #tpu.memory_space<semaphore_mem>>)
      %dma_wait3A_1170 = arith.constant 0 : i32
      %dma_wait3A_1171 = arith.constant 0 : i32
      %dma_wait3A_1172 = tpu.memref_slice %arg4[%dma_wait3A_1170, %dma_wait3A_1171] : memref<16384x1024xf32, #tpu.memory_space<hbm>> -> memref<16x1024xf32, #tpu.memory_space<hbm>>
      %dma_wait3A_1173 = arith.constant 0 : i32
      %dma_wait3A_1174 = arith.constant 0 : i32
      %dma_wait3A_1175 = tpu.memref_slice %arg4[%dma_wait3A_1173, %dma_wait3A_1174] : memref<16384x1024xf32, #tpu.memory_space<hbm>> -> memref<16x1024xf32, #tpu.memory_space<hbm>>
      tpu.wait_dma2 semaphore(%arg14 : memref<!tpu.dma_semaphore, #tpu.memory_space<semaphore_mem>>) src(%arg9 : memref<16x1024xf32, #tpu.memory_space<vmem>>) dst(%dma_wait3A_1175 : memref<16x1024xf32, #tpu.memory_space<hbm>>)
    } else {
    }
    %convert_element_type3A_1066 = arith.extui %eq3A_448 : i1 to i32
    %cond3A_1067 = arith.constant 0 : i32
    %cond3A_1068 = arith.cmpi ne, %convert_element_type3A_1066, %cond3A_1067 : i32
    scf.if %cond3A_1068 {
      %dma_wait3A_1102 = arith.constant 1 : i32
      %dma_wait3A_1103 = arith.constant 0 : i32
      %dma_wait3A_1104 = arith.constant 0 : i32
      %dma_wait3A_1105 = tpu.memref_slice %arg5[%dma_wait3A_1102, %dma_wait3A_1103, %dma_wait3A_1104] : memref<3x32x1024xf32, #tpu.memory_space<vmem>> -> memref<1x32x1024xf32, #tpu.memory_space<vmem>>
      %dma_wait3A_1106 = tpu.memref_squeeze %dma_wait3A_1105 : memref<1x32x1024xf32, #tpu.memory_space<vmem>> -> memref<32x1024xf32, #tpu.memory_space<vmem>>
      %dma_wait3A_1107 = arith.constant 0 : i32
      %dma_wait3A_1108 = arith.constant 0 : i32
      %dma_wait3A_1109 = tpu.memref_slice %arg4[%dma_wait3A_1107, %dma_wait3A_1108] : memref<16384x1024xf32, #tpu.memory_space<hbm>> -> memref<32x1024xf32, #tpu.memory_space<hbm>>
      %dma_wait3A_1110 = arith.constant 0 : i32
      %dma_wait3A_1111 = arith.constant 0 : i32
      %dma_wait3A_1112 = tpu.memref_slice %arg4[%dma_wait3A_1110, %dma_wait3A_1111] : memref<16384x1024xf32, #tpu.memory_space<hbm>> -> memref<32x1024xf32, #tpu.memory_space<hbm>>
      %dma_wait3A_1113 = arith.constant 0 : i32
      %dma_wait3A_1114 = arith.constant 0 : i32
      %dma_wait3A_1115 = tpu.memref_slice %arg5[%dma_wait3A_1102, %dma_wait3A_1113, %dma_wait3A_1114] : memref<3x32x1024xf32, #tpu.memory_space<vmem>> -> memref<1x32x1024xf32, #tpu.memory_space<vmem>>
      %dma_wait3A_1116 = tpu.memref_squeeze %dma_wait3A_1115 : memref<1x32x1024xf32, #tpu.memory_space<vmem>> -> memref<32x1024xf32, #tpu.memory_space<vmem>>
      tpu.wait_dma2 semaphore(%arg11 : memref<!tpu.dma_semaphore, #tpu.memory_space<semaphore_mem>>) src(%dma_wait3A_1116 : memref<32x1024xf32, #tpu.memory_space<vmem>>) dst(%dma_wait3A_1112 : memref<32x1024xf32, #tpu.memory_space<hbm>>)
    } else {
    }
    %convert_element_type3A_1069 = arith.extui %eq3A_496 : i1 to i32
    %cond3A_1070 = arith.constant 0 : i32
    %cond3A_1071 = arith.cmpi ne, %convert_element_type3A_1069, %cond3A_1070 : i32
    scf.if %cond3A_1071 {
      %dma_wait3A_1102 = arith.constant 1 : i32
      %dma_wait3A_1103 = arith.constant 0 : i32
      %dma_wait3A_1104 = arith.constant 0 : i32
      %dma_wait3A_1105 = tpu.memref_slice %arg5[%dma_wait3A_1102, %dma_wait3A_1103, %dma_wait3A_1104] : memref<3x32x1024xf32, #tpu.memory_space<vmem>> -> memref<1x32x1024xf32, #tpu.memory_space<vmem>>
      %dma_wait3A_1106 = tpu.memref_squeeze %dma_wait3A_1105 : memref<1x32x1024xf32, #tpu.memory_space<vmem>> -> memref<32x1024xf32, #tpu.memory_space<vmem>>
      %dma_wait3A_1107 = arith.constant 0 : i32
      %dma_wait3A_1108 = arith.constant 0 : i32
      %dma_wait3A_1109 = tpu.memref_slice %arg4[%dma_wait3A_1107, %dma_wait3A_1108] : memref<16384x1024xf32, #tpu.memory_space<hbm>> -> memref<32x1024xf32, #tpu.memory_space<hbm>>
      %dma_wait3A_1110 = arith.constant 0 : i32
      %dma_wait3A_1111 = arith.constant 0 : i32
      %dma_wait3A_1112 = tpu.memref_slice %arg4[%dma_wait3A_1110, %dma_wait3A_1111] : memref<16384x1024xf32, #tpu.memory_space<hbm>> -> memref<32x1024xf32, #tpu.memory_space<hbm>>
      %dma_wait3A_1113 = arith.constant 0 : i32
      %dma_wait3A_1114 = arith.constant 0 : i32
      %dma_wait3A_1115 = tpu.memref_slice %arg5[%dma_wait3A_1102, %dma_wait3A_1113, %dma_wait3A_1114] : memref<3x32x1024xf32, #tpu.memory_space<vmem>> -> memref<1x32x1024xf32, #tpu.memory_space<vmem>>
      %dma_wait3A_1116 = tpu.memref_squeeze %dma_wait3A_1115 : memref<1x32x1024xf32, #tpu.memory_space<vmem>> -> memref<32x1024xf32, #tpu.memory_space<vmem>>
      tpu.wait_dma2 semaphore(%arg11 : memref<!tpu.dma_semaphore, #tpu.memory_space<semaphore_mem>>) src(%dma_wait3A_1116 : memref<32x1024xf32, #tpu.memory_space<vmem>>) dst(%dma_wait3A_1112 : memref<32x1024xf32, #tpu.memory_space<hbm>>)
    } else {
    }
    %convert_element_type3A_1072 = arith.extui %eq3A_544 : i1 to i32
    %cond3A_1073 = arith.constant 0 : i32
    %cond3A_1074 = arith.cmpi ne, %convert_element_type3A_1072, %cond3A_1073 : i32
    scf.if %cond3A_1074 {
      %dma_wait3A_1102 = arith.constant 1 : i32
      %dma_wait3A_1103 = arith.constant 0 : i32
      %dma_wait3A_1104 = arith.constant 0 : i32
      %dma_wait3A_1105 = tpu.memref_slice %arg5[%dma_wait3A_1102, %dma_wait3A_1103, %dma_wait3A_1104] : memref<3x32x1024xf32, #tpu.memory_space<vmem>> -> memref<1x32x1024xf32, #tpu.memory_space<vmem>>
      %dma_wait3A_1106 = tpu.memref_squeeze %dma_wait3A_1105 : memref<1x32x1024xf32, #tpu.memory_space<vmem>> -> memref<32x1024xf32, #tpu.memory_space<vmem>>
      %dma_wait3A_1107 = arith.constant 0 : i32
      %dma_wait3A_1108 = arith.constant 0 : i32
      %dma_wait3A_1109 = tpu.memref_slice %arg4[%dma_wait3A_1107, %dma_wait3A_1108] : memref<16384x1024xf32, #tpu.memory_space<hbm>> -> memref<32x1024xf32, #tpu.memory_space<hbm>>
      %dma_wait3A_1110 = arith.constant 0 : i32
      %dma_wait3A_1111 = arith.constant 0 : i32
      %dma_wait3A_1112 = tpu.memref_slice %arg4[%dma_wait3A_1110, %dma_wait3A_1111] : memref<16384x1024xf32, #tpu.memory_space<hbm>> -> memref<32x1024xf32, #tpu.memory_space<hbm>>
      %dma_wait3A_1113 = arith.constant 0 : i32
      %dma_wait3A_1114 = arith.constant 0 : i32
      %dma_wait3A_1115 = tpu.memref_slice %arg5[%dma_wait3A_1102, %dma_wait3A_1113, %dma_wait3A_1114] : memref<3x32x1024xf32, #tpu.memory_space<vmem>> -> memref<1x32x1024xf32, #tpu.memory_space<vmem>>
      %dma_wait3A_1116 = tpu.memref_squeeze %dma_wait3A_1115 : memref<1x32x1024xf32, #tpu.memory_space<vmem>> -> memref<32x1024xf32, #tpu.memory_space<vmem>>
      tpu.wait_dma2 semaphore(%arg11 : memref<!tpu.dma_semaphore, #tpu.memory_space<semaphore_mem>>) src(%dma_wait3A_1116 : memref<32x1024xf32, #tpu.memory_space<vmem>>) dst(%dma_wait3A_1112 : memref<32x1024xf32, #tpu.memory_space<hbm>>)
    } else {
    }
    %convert_element_type3A_1075 = arith.extui %eq3A_592 : i1 to i32
    %cond3A_1076 = arith.constant 0 : i32
    %cond3A_1077 = arith.cmpi ne, %convert_element_type3A_1075, %cond3A_1076 : i32
    scf.if %cond3A_1077 {
      %dma_wait3A_1102 = arith.constant 1 : i32
      %dma_wait3A_1103 = arith.constant 0 : i32
      %dma_wait3A_1104 = arith.constant 0 : i32
      %dma_wait3A_1105 = tpu.memref_slice %arg5[%dma_wait3A_1102, %dma_wait3A_1103, %dma_wait3A_1104] : memref<3x32x1024xf32, #tpu.memory_space<vmem>> -> memref<1x32x1024xf32, #tpu.memory_space<vmem>>
      %dma_wait3A_1106 = tpu.memref_squeeze %dma_wait3A_1105 : memref<1x32x1024xf32, #tpu.memory_space<vmem>> -> memref<32x1024xf32, #tpu.memory_space<vmem>>
      %dma_wait3A_1107 = arith.constant 0 : i32
      %dma_wait3A_1108 = arith.constant 0 : i32
      %dma_wait3A_1109 = tpu.memref_slice %arg4[%dma_wait3A_1107, %dma_wait3A_1108] : memref<16384x1024xf32, #tpu.memory_space<hbm>> -> memref<32x1024xf32, #tpu.memory_space<hbm>>
      %dma_wait3A_1110 = arith.constant 0 : i32
      %dma_wait3A_1111 = arith.constant 0 : i32
      %dma_wait3A_1112 = tpu.memref_slice %arg4[%dma_wait3A_1110, %dma_wait3A_1111] : memref<16384x1024xf32, #tpu.memory_space<hbm>> -> memref<32x1024xf32, #tpu.memory_space<hbm>>
      %dma_wait3A_1113 = arith.constant 0 : i32
      %dma_wait3A_1114 = arith.constant 0 : i32
      %dma_wait3A_1115 = tpu.memref_slice %arg5[%dma_wait3A_1102, %dma_wait3A_1113, %dma_wait3A_1114] : memref<3x32x1024xf32, #tpu.memory_space<vmem>> -> memref<1x32x1024xf32, #tpu.memory_space<vmem>>
      %dma_wait3A_1116 = tpu.memref_squeeze %dma_wait3A_1115 : memref<1x32x1024xf32, #tpu.memory_space<vmem>> -> memref<32x1024xf32, #tpu.memory_space<vmem>>
      tpu.wait_dma2 semaphore(%arg11 : memref<!tpu.dma_semaphore, #tpu.memory_space<semaphore_mem>>) src(%dma_wait3A_1116 : memref<32x1024xf32, #tpu.memory_space<vmem>>) dst(%dma_wait3A_1112 : memref<32x1024xf32, #tpu.memory_space<hbm>>)
    } else {
    }
    %convert_element_type3A_1078 = arith.extui %eq3A_704 : i1 to i32
    %cond3A_1079 = arith.constant 0 : i32
    %cond3A_1080 = arith.cmpi ne, %convert_element_type3A_1078, %cond3A_1079 : i32
    scf.if %cond3A_1080 {
      %dma_wait3A_1102 = arith.constant 2 : i32
      %dma_wait3A_1103 = arith.constant 0 : i32
      %dma_wait3A_1104 = arith.constant 0 : i32
      %dma_wait3A_1105 = tpu.memref_slice %arg5[%dma_wait3A_1102, %dma_wait3A_1103, %dma_wait3A_1104] : memref<3x32x1024xf32, #tpu.memory_space<vmem>> -> memref<1x32x1024xf32, #tpu.memory_space<vmem>>
      %dma_wait3A_1106 = tpu.memref_squeeze %dma_wait3A_1105 : memref<1x32x1024xf32, #tpu.memory_space<vmem>> -> memref<32x1024xf32, #tpu.memory_space<vmem>>
      %dma_wait3A_1107 = arith.constant 0 : i32
      %dma_wait3A_1108 = arith.constant 0 : i32
      %dma_wait3A_1109 = tpu.memref_slice %arg4[%dma_wait3A_1107, %dma_wait3A_1108] : memref<16384x1024xf32, #tpu.memory_space<hbm>> -> memref<32x1024xf32, #tpu.memory_space<hbm>>
      %dma_wait3A_1110 = arith.constant 0 : i32
      %dma_wait3A_1111 = arith.constant 0 : i32
      %dma_wait3A_1112 = tpu.memref_slice %arg4[%dma_wait3A_1110, %dma_wait3A_1111] : memref<16384x1024xf32, #tpu.memory_space<hbm>> -> memref<32x1024xf32, #tpu.memory_space<hbm>>
      %dma_wait3A_1113 = arith.constant 0 : i32
      %dma_wait3A_1114 = arith.constant 0 : i32
      %dma_wait3A_1115 = tpu.memref_slice %arg5[%dma_wait3A_1102, %dma_wait3A_1113, %dma_wait3A_1114] : memref<3x32x1024xf32, #tpu.memory_space<vmem>> -> memref<1x32x1024xf32, #tpu.memory_space<vmem>>
      %dma_wait3A_1116 = tpu.memref_squeeze %dma_wait3A_1115 : memref<1x32x1024xf32, #tpu.memory_space<vmem>> -> memref<32x1024xf32, #tpu.memory_space<vmem>>
      tpu.wait_dma2 semaphore(%arg11 : memref<!tpu.dma_semaphore, #tpu.memory_space<semaphore_mem>>) src(%dma_wait3A_1116 : memref<32x1024xf32, #tpu.memory_space<vmem>>) dst(%dma_wait3A_1112 : memref<32x1024xf32, #tpu.memory_space<hbm>>)
    } else {
    }
    %convert_element_type3A_1081 = arith.extui %eq3A_752 : i1 to i32
    %cond3A_1082 = arith.constant 0 : i32
    %cond3A_1083 = arith.cmpi ne, %convert_element_type3A_1081, %cond3A_1082 : i32
    scf.if %cond3A_1083 {
      %dma_wait3A_1102 = arith.constant 2 : i32
      %dma_wait3A_1103 = arith.constant 0 : i32
      %dma_wait3A_1104 = arith.constant 0 : i32
      %dma_wait3A_1105 = tpu.memref_slice %arg5[%dma_wait3A_1102, %dma_wait3A_1103, %dma_wait3A_1104] : memref<3x32x1024xf32, #tpu.memory_space<vmem>> -> memref<1x32x1024xf32, #tpu.memory_space<vmem>>
      %dma_wait3A_1106 = tpu.memref_squeeze %dma_wait3A_1105 : memref<1x32x1024xf32, #tpu.memory_space<vmem>> -> memref<32x1024xf32, #tpu.memory_space<vmem>>
      %dma_wait3A_1107 = arith.constant 0 : i32
      %dma_wait3A_1108 = arith.constant 0 : i32
      %dma_wait3A_1109 = tpu.memref_slice %arg4[%dma_wait3A_1107, %dma_wait3A_1108] : memref<16384x1024xf32, #tpu.memory_space<hbm>> -> memref<32x1024xf32, #tpu.memory_space<hbm>>
      %dma_wait3A_1110 = arith.constant 0 : i32
      %dma_wait3A_1111 = arith.constant 0 : i32
      %dma_wait3A_1112 = tpu.memref_slice %arg4[%dma_wait3A_1110, %dma_wait3A_1111] : memref<16384x1024xf32, #tpu.memory_space<hbm>> -> memref<32x1024xf32, #tpu.memory_space<hbm>>
      %dma_wait3A_1113 = arith.constant 0 : i32
      %dma_wait3A_1114 = arith.constant 0 : i32
      %dma_wait3A_1115 = tpu.memref_slice %arg5[%dma_wait3A_1102, %dma_wait3A_1113, %dma_wait3A_1114] : memref<3x32x1024xf32, #tpu.memory_space<vmem>> -> memref<1x32x1024xf32, #tpu.memory_space<vmem>>
      %dma_wait3A_1116 = tpu.memref_squeeze %dma_wait3A_1115 : memref<1x32x1024xf32, #tpu.memory_space<vmem>> -> memref<32x1024xf32, #tpu.memory_space<vmem>>
      tpu.wait_dma2 semaphore(%arg11 : memref<!tpu.dma_semaphore, #tpu.memory_space<semaphore_mem>>) src(%dma_wait3A_1116 : memref<32x1024xf32, #tpu.memory_space<vmem>>) dst(%dma_wait3A_1112 : memref<32x1024xf32, #tpu.memory_space<hbm>>)
    } else {
    }
    %convert_element_type3A_1084 = arith.extui %eq3A_800 : i1 to i32
    %cond3A_1085 = arith.constant 0 : i32
    %cond3A_1086 = arith.cmpi ne, %convert_element_type3A_1084, %cond3A_1085 : i32
    scf.if %cond3A_1086 {
      %dma_wait3A_1102 = arith.constant 2 : i32
      %dma_wait3A_1103 = arith.constant 0 : i32
      %dma_wait3A_1104 = arith.constant 0 : i32
      %dma_wait3A_1105 = tpu.memref_slice %arg5[%dma_wait3A_1102, %dma_wait3A_1103, %dma_wait3A_1104] : memref<3x32x1024xf32, #tpu.memory_space<vmem>> -> memref<1x32x1024xf32, #tpu.memory_space<vmem>>
      %dma_wait3A_1106 = tpu.memref_squeeze %dma_wait3A_1105 : memref<1x32x1024xf32, #tpu.memory_space<vmem>> -> memref<32x1024xf32, #tpu.memory_space<vmem>>
      %dma_wait3A_1107 = arith.constant 0 : i32
      %dma_wait3A_1108 = arith.constant 0 : i32
      %dma_wait3A_1109 = tpu.memref_slice %arg4[%dma_wait3A_1107, %dma_wait3A_1108] : memref<16384x1024xf32, #tpu.memory_space<hbm>> -> memref<32x1024xf32, #tpu.memory_space<hbm>>
      %dma_wait3A_1110 = arith.constant 0 : i32
      %dma_wait3A_1111 = arith.constant 0 : i32
      %dma_wait3A_1112 = tpu.memref_slice %arg4[%dma_wait3A_1110, %dma_wait3A_1111] : memref<16384x1024xf32, #tpu.memory_space<hbm>> -> memref<32x1024xf32, #tpu.memory_space<hbm>>
      %dma_wait3A_1113 = arith.constant 0 : i32
      %dma_wait3A_1114 = arith.constant 0 : i32
      %dma_wait3A_1115 = tpu.memref_slice %arg5[%dma_wait3A_1102, %dma_wait3A_1113, %dma_wait3A_1114] : memref<3x32x1024xf32, #tpu.memory_space<vmem>> -> memref<1x32x1024xf32, #tpu.memory_space<vmem>>
      %dma_wait3A_1116 = tpu.memref_squeeze %dma_wait3A_1115 : memref<1x32x1024xf32, #tpu.memory_space<vmem>> -> memref<32x1024xf32, #tpu.memory_space<vmem>>
      tpu.wait_dma2 semaphore(%arg11 : memref<!tpu.dma_semaphore, #tpu.memory_space<semaphore_mem>>) src(%dma_wait3A_1116 : memref<32x1024xf32, #tpu.memory_space<vmem>>) dst(%dma_wait3A_1112 : memref<32x1024xf32, #tpu.memory_space<hbm>>)
    } else {
    }
    %convert_element_type3A_1087 = arith.extui %eq3A_848 : i1 to i32
    %cond3A_1088 = arith.constant 0 : i32
    %cond3A_1089 = arith.cmpi ne, %convert_element_type3A_1087, %cond3A_1088 : i32
    scf.if %cond3A_1089 {
      %dma_wait3A_1102 = arith.constant 2 : i32
      %dma_wait3A_1103 = arith.constant 0 : i32
      %dma_wait3A_1104 = arith.constant 0 : i32
      %dma_wait3A_1105 = tpu.memref_slice %arg5[%dma_wait3A_1102, %dma_wait3A_1103, %dma_wait3A_1104] : memref<3x32x1024xf32, #tpu.memory_space<vmem>> -> memref<1x32x1024xf32, #tpu.memory_space<vmem>>
      %dma_wait3A_1106 = tpu.memref_squeeze %dma_wait3A_1105 : memref<1x32x1024xf32, #tpu.memory_space<vmem>> -> memref<32x1024xf32, #tpu.memory_space<vmem>>
      %dma_wait3A_1107 = arith.constant 0 : i32
      %dma_wait3A_1108 = arith.constant 0 : i32
      %dma_wait3A_1109 = tpu.memref_slice %arg4[%dma_wait3A_1107, %dma_wait3A_1108] : memref<16384x1024xf32, #tpu.memory_space<hbm>> -> memref<32x1024xf32, #tpu.memory_space<hbm>>
      %dma_wait3A_1110 = arith.constant 0 : i32
      %dma_wait3A_1111 = arith.constant 0 : i32
      %dma_wait3A_1112 = tpu.memref_slice %arg4[%dma_wait3A_1110, %dma_wait3A_1111] : memref<16384x1024xf32, #tpu.memory_space<hbm>> -> memref<32x1024xf32, #tpu.memory_space<hbm>>
      %dma_wait3A_1113 = arith.constant 0 : i32
      %dma_wait3A_1114 = arith.constant 0 : i32
      %dma_wait3A_1115 = tpu.memref_slice %arg5[%dma_wait3A_1102, %dma_wait3A_1113, %dma_wait3A_1114] : memref<3x32x1024xf32, #tpu.memory_space<vmem>> -> memref<1x32x1024xf32, #tpu.memory_space<vmem>>
      %dma_wait3A_1116 = tpu.memref_squeeze %dma_wait3A_1115 : memref<1x32x1024xf32, #tpu.memory_space<vmem>> -> memref<32x1024xf32, #tpu.memory_space<vmem>>
      tpu.wait_dma2 semaphore(%arg11 : memref<!tpu.dma_semaphore, #tpu.memory_space<semaphore_mem>>) src(%dma_wait3A_1116 : memref<32x1024xf32, #tpu.memory_space<vmem>>) dst(%dma_wait3A_1112 : memref<32x1024xf32, #tpu.memory_space<hbm>>)
    } else {
    }
    %convert_element_type3A_1090 = arith.extui %eq3A_910 : i1 to i32
    %cond3A_1091 = arith.constant 0 : i32
    %cond3A_1092 = arith.cmpi ne, %convert_element_type3A_1090, %cond3A_1091 : i32
    scf.if %cond3A_1092 {
      %dma_wait3A_1102 = arith.constant 0 : i32
      %dma_wait3A_1103 = arith.constant 0 : i32
      %dma_wait3A_1104 = arith.constant 0 : i32
      %dma_wait3A_1105 = tpu.memref_slice %arg5[%dma_wait3A_1102, %dma_wait3A_1103, %dma_wait3A_1104] : memref<3x32x1024xf32, #tpu.memory_space<vmem>> -> memref<1x32x1024xf32, #tpu.memory_space<vmem>>
      %dma_wait3A_1106 = tpu.memref_squeeze %dma_wait3A_1105 : memref<1x32x1024xf32, #tpu.memory_space<vmem>> -> memref<32x1024xf32, #tpu.memory_space<vmem>>
      %dma_wait3A_1107 = arith.constant 0 : i32
      %dma_wait3A_1108 = arith.constant 0 : i32
      %dma_wait3A_1109 = tpu.memref_slice %arg4[%dma_wait3A_1107, %dma_wait3A_1108] : memref<16384x1024xf32, #tpu.memory_space<hbm>> -> memref<32x1024xf32, #tpu.memory_space<hbm>>
      %dma_wait3A_1110 = arith.constant 0 : i32
      %dma_wait3A_1111 = arith.constant 0 : i32
      %dma_wait3A_1112 = tpu.memref_slice %arg4[%dma_wait3A_1110, %dma_wait3A_1111] : memref<16384x1024xf32, #tpu.memory_space<hbm>> -> memref<32x1024xf32, #tpu.memory_space<hbm>>
      %dma_wait3A_1113 = arith.constant 0 : i32
      %dma_wait3A_1114 = arith.constant 0 : i32
      %dma_wait3A_1115 = tpu.memref_slice %arg5[%dma_wait3A_1102, %dma_wait3A_1113, %dma_wait3A_1114] : memref<3x32x1024xf32, #tpu.memory_space<vmem>> -> memref<1x32x1024xf32, #tpu.memory_space<vmem>>
      %dma_wait3A_1116 = tpu.memref_squeeze %dma_wait3A_1115 : memref<1x32x1024xf32, #tpu.memory_space<vmem>> -> memref<32x1024xf32, #tpu.memory_space<vmem>>
      tpu.wait_dma2 semaphore(%arg11 : memref<!tpu.dma_semaphore, #tpu.memory_space<semaphore_mem>>) src(%dma_wait3A_1116 : memref<32x1024xf32, #tpu.memory_space<vmem>>) dst(%dma_wait3A_1112 : memref<32x1024xf32, #tpu.memory_space<hbm>>)
    } else {
    }
    %convert_element_type3A_1093 = arith.extui %eq3A_958 : i1 to i32
    %cond3A_1094 = arith.constant 0 : i32
    %cond3A_1095 = arith.cmpi ne, %convert_element_type3A_1093, %cond3A_1094 : i32
    scf.if %cond3A_1095 {
      %dma_wait3A_1102 = arith.constant 0 : i32
      %dma_wait3A_1103 = arith.constant 0 : i32
      %dma_wait3A_1104 = arith.constant 0 : i32
      %dma_wait3A_1105 = tpu.memref_slice %arg5[%dma_wait3A_1102, %dma_wait3A_1103, %dma_wait3A_1104] : memref<3x32x1024xf32, #tpu.memory_space<vmem>> -> memref<1x32x1024xf32, #tpu.memory_space<vmem>>
      %dma_wait3A_1106 = tpu.memref_squeeze %dma_wait3A_1105 : memref<1x32x1024xf32, #tpu.memory_space<vmem>> -> memref<32x1024xf32, #tpu.memory_space<vmem>>
      %dma_wait3A_1107 = arith.constant 0 : i32
      %dma_wait3A_1108 = arith.constant 0 : i32
      %dma_wait3A_1109 = tpu.memref_slice %arg4[%dma_wait3A_1107, %dma_wait3A_1108] : memref<16384x1024xf32, #tpu.memory_space<hbm>> -> memref<32x1024xf32, #tpu.memory_space<hbm>>
      %dma_wait3A_1110 = arith.constant 0 : i32
      %dma_wait3A_1111 = arith.constant 0 : i32
      %dma_wait3A_1112 = tpu.memref_slice %arg4[%dma_wait3A_1110, %dma_wait3A_1111] : memref<16384x1024xf32, #tpu.memory_space<hbm>> -> memref<32x1024xf32, #tpu.memory_space<hbm>>
      %dma_wait3A_1113 = arith.constant 0 : i32
      %dma_wait3A_1114 = arith.constant 0 : i32
      %dma_wait3A_1115 = tpu.memref_slice %arg5[%dma_wait3A_1102, %dma_wait3A_1113, %dma_wait3A_1114] : memref<3x32x1024xf32, #tpu.memory_space<vmem>> -> memref<1x32x1024xf32, #tpu.memory_space<vmem>>
      %dma_wait3A_1116 = tpu.memref_squeeze %dma_wait3A_1115 : memref<1x32x1024xf32, #tpu.memory_space<vmem>> -> memref<32x1024xf32, #tpu.memory_space<vmem>>
      tpu.wait_dma2 semaphore(%arg11 : memref<!tpu.dma_semaphore, #tpu.memory_space<semaphore_mem>>) src(%dma_wait3A_1116 : memref<32x1024xf32, #tpu.memory_space<vmem>>) dst(%dma_wait3A_1112 : memref<32x1024xf32, #tpu.memory_space<hbm>>)
    } else {
    }
    %convert_element_type3A_1096 = arith.extui %eq3A_1006 : i1 to i32
    %cond3A_1097 = arith.constant 0 : i32
    %cond3A_1098 = arith.cmpi ne, %convert_element_type3A_1096, %cond3A_1097 : i32
    scf.if %cond3A_1098 {
      %dma_wait3A_1102 = arith.constant 0 : i32
      %dma_wait3A_1103 = arith.constant 0 : i32
      %dma_wait3A_1104 = arith.constant 0 : i32
      %dma_wait3A_1105 = tpu.memref_slice %arg5[%dma_wait3A_1102, %dma_wait3A_1103, %dma_wait3A_1104] : memref<3x32x1024xf32, #tpu.memory_space<vmem>> -> memref<1x32x1024xf32, #tpu.memory_space<vmem>>
      %dma_wait3A_1106 = tpu.memref_squeeze %dma_wait3A_1105 : memref<1x32x1024xf32, #tpu.memory_space<vmem>> -> memref<32x1024xf32, #tpu.memory_space<vmem>>
      %dma_wait3A_1107 = arith.constant 0 : i32
      %dma_wait3A_1108 = arith.constant 0 : i32
      %dma_wait3A_1109 = tpu.memref_slice %arg4[%dma_wait3A_1107, %dma_wait3A_1108] : memref<16384x1024xf32, #tpu.memory_space<hbm>> -> memref<32x1024xf32, #tpu.memory_space<hbm>>
      %dma_wait3A_1110 = arith.constant 0 : i32
      %dma_wait3A_1111 = arith.constant 0 : i32
      %dma_wait3A_1112 = tpu.memref_slice %arg4[%dma_wait3A_1110, %dma_wait3A_1111] : memref<16384x1024xf32, #tpu.memory_space<hbm>> -> memref<32x1024xf32, #tpu.memory_space<hbm>>
      %dma_wait3A_1113 = arith.constant 0 : i32
      %dma_wait3A_1114 = arith.constant 0 : i32
      %dma_wait3A_1115 = tpu.memref_slice %arg5[%dma_wait3A_1102, %dma_wait3A_1113, %dma_wait3A_1114] : memref<3x32x1024xf32, #tpu.memory_space<vmem>> -> memref<1x32x1024xf32, #tpu.memory_space<vmem>>
      %dma_wait3A_1116 = tpu.memref_squeeze %dma_wait3A_1115 : memref<1x32x1024xf32, #tpu.memory_space<vmem>> -> memref<32x1024xf32, #tpu.memory_space<vmem>>
      tpu.wait_dma2 semaphore(%arg11 : memref<!tpu.dma_semaphore, #tpu.memory_space<semaphore_mem>>) src(%dma_wait3A_1116 : memref<32x1024xf32, #tpu.memory_space<vmem>>) dst(%dma_wait3A_1112 : memref<32x1024xf32, #tpu.memory_space<hbm>>)
    } else {
    }
    %convert_element_type3A_1099 = arith.extui %eq3A_1054 : i1 to i32
    %cond3A_1100 = arith.constant 0 : i32
    %cond3A_1101 = arith.cmpi ne, %convert_element_type3A_1099, %cond3A_1100 : i32
    scf.if %cond3A_1101 {
      %dma_wait3A_1102 = arith.constant 0 : i32
      %dma_wait3A_1103 = arith.constant 0 : i32
      %dma_wait3A_1104 = arith.constant 0 : i32
      %dma_wait3A_1105 = tpu.memref_slice %arg5[%dma_wait3A_1102, %dma_wait3A_1103, %dma_wait3A_1104] : memref<3x32x1024xf32, #tpu.memory_space<vmem>> -> memref<1x32x1024xf32, #tpu.memory_space<vmem>>
      %dma_wait3A_1106 = tpu.memref_squeeze %dma_wait3A_1105 : memref<1x32x1024xf32, #tpu.memory_space<vmem>> -> memref<32x1024xf32, #tpu.memory_space<vmem>>
      %dma_wait3A_1107 = arith.constant 0 : i32
      %dma_wait3A_1108 = arith.constant 0 : i32
      %dma_wait3A_1109 = tpu.memref_slice %arg4[%dma_wait3A_1107, %dma_wait3A_1108] : memref<16384x1024xf32, #tpu.memory_space<hbm>> -> memref<32x1024xf32, #tpu.memory_space<hbm>>
      %dma_wait3A_1110 = arith.constant 0 : i32
      %dma_wait3A_1111 = arith.constant 0 : i32
      %dma_wait3A_1112 = tpu.memref_slice %arg4[%dma_wait3A_1110, %dma_wait3A_1111] : memref<16384x1024xf32, #tpu.memory_space<hbm>> -> memref<32x1024xf32, #tpu.memory_space<hbm>>
      %dma_wait3A_1113 = arith.constant 0 : i32
      %dma_wait3A_1114 = arith.constant 0 : i32
      %dma_wait3A_1115 = tpu.memref_slice %arg5[%dma_wait3A_1102, %dma_wait3A_1113, %dma_wait3A_1114] : memref<3x32x1024xf32, #tpu.memory_space<vmem>> -> memref<1x32x1024xf32, #tpu.memory_space<vmem>>
      %dma_wait3A_1116 = tpu.memref_squeeze %dma_wait3A_1115 : memref<1x32x1024xf32, #tpu.memory_space<vmem>> -> memref<32x1024xf32, #tpu.memory_space<vmem>>
      tpu.wait_dma2 semaphore(%arg11 : memref<!tpu.dma_semaphore, #tpu.memory_space<semaphore_mem>>) src(%dma_wait3A_1116 : memref<32x1024xf32, #tpu.memory_space<vmem>>) dst(%dma_wait3A_1112 : memref<32x1024xf32, #tpu.memory_space<hbm>>)
    } else {
    }
    return
  }
}

</mosaic_0001>

<sc_bundles>
// kernel: _sc_embed.3.cloned.1.call-start
scs
__scs_entry_jumppad:
0x0: {  	(pc) =	sbr.rel $0x88, $3  }
0x1: {  	(tag) =	ssettag $0x0;
	lr =	simm.s32 $0x1  }
0x2: {  	[smem:$0x3F9F] =	sst lr;
	_ =	strace $0xD0000000  }
0x3: {  	_ = 	snop  }
0x4: {  	_ = 	snop  }
0x5: {  	_ = 	snop  }
0x6: {  	_ = 	snop  }
0x7: {  	_ = 	snop  }
__scs_overlays_trampoline_lowered:
0x8: {  	[smem:$0x3FAE] =	sst s0  }
0x9: {  	[smem:$0x3FAF] =	sst s1  }
0xa: {  	[smem:$0x3FB0] =	sst s2  }
0xb: {  	[smem:$0x3FB1] =	sst s3  }
0xc: {  	[smem:$0x3FB2] =	sst s4  }
0xd: {  	[smem:$0x3FB3] =	sst s5  }
0xe: {  	[smem:$0x3FB4] =	sst s6  }
0xf: {  	[smem:$0x3FB5] =	sst s7  }
0x10: {  	[smem:$0x3FB6] =	sst s8  }
0x11: {  	[smem:$0x3FB7] =	sst s9;
	s0 =	simm.s32 @!p0 $0x0  }
0x12: {  	s1 =	sld [smem:$0x3F9D];
	s0 =	simm.s32 @p0 $0x1  }
0x13: {  	[smem:$0x3FB8] =	sst s0;
	s0 =	simm.s32 @!p1 $0x0  }
0x14: {  	s2 =	sld [smem:$0x3F9C];
	s0 =	simm.s32 @p1 $0x1  }
0x15: {  	[smem:$0x3FB9] =	sst s0;
	s0 =	simm.s32 @!p2 $0x0  }
0x16: {  	s3 =	sld [smem:$0x3FDB];
	s0 =	simm.s32 @p2 $0x1  }
0x17: {  	s4 =	simm.s32 $0x1BF5;
	[smem:$0x3FBB] =	sst s0  }
0x18: {  	s0 =	sld [smem:$0x3F9E];
	_ =	swait.ge [sflag:s4], $0x0  }
0x19: {  	s7 =	sld [smem:$0x3F9F]  }
0x1a: {  	s8 =	sadd.s32 $0xFFFFE003, lr  }
0x1b: {  	s9 =	sadd.s32 $0xFFFFFEF7, lr;
	s5 =	simm.s32 $0xFFFFFFFF;
	p2 =	slt.u32 s8, $0xFFFFF086  }
0x1c: {  	p1 =	slt.u32 s9, $0xF7A;
	s5 =	simm.s32 @!p2 $0x0  }
0x1d: {  	s5 =	simm.s32 @p1 $0x1;
	p0 =	seq.s32 s7, s2  }
0x1e: {  	s7 =	smul.u32 @!p0 $0xF7A, s2;
	p2 =	seq.s32 @!p0 s5, $0x0  }
0x1f: {  	s9 =	smul.u32 $0xF7A, s1;
	s8 =	simm.s32 @!p0 $0x1BF5;
	p2 =	por !p2, p0  }
0x20: {  	[sflag:s8] =	ssyncset.s32 @!p0 $0xFFFFF086;
	s6 =	sadd.s32 @!p0 s3, s7;
	s7 =	simm.s32 @!p0 $0x108  }
0x21: {  	s3 =	sadd.s32 s3, s9;
	s6 =	sadd.s32 @!p0 $0x88, s6;
	s7 =	simm.s32 @p2 $0x1082  }
0x22: {  	[simem:s7], [sflag:s8] =	dma.local @!p0 [hbm:s6], $0xF7A  }
0x23: {  	s9 =	sor.u32 $0xD0000000, s2;
	s6 =	simm.s32 $0x108;
	_ =	swait.ge @!p0 [sflag:s8], $0x0  }
0x24: {  	s3 =	sadd.s32 $0x88, s3;
	s6 =	simm.s32 @!p1 $0x1082;
	[sflag:s4] =	ssyncset.s32 $0xFFFFF086  }
0x25: {  	[simem:s6], [sflag:s4] =	dma.local [hbm:s3], $0xF7A  }
0x26: {  	[smem:$0x3F9F] =	sst s1;
	(tag) =	ssettag s2;
	_ =	strace s9  }
0x27: {  	s1 =	sld [smem:$0x3FAF]  }
0x28: {  	s2 =	sld [smem:$0x3FB0]  }
0x29: {  	s4 =	sld [smem:$0x3FB2]  }
0x2a: {  	p0 =	seq.s32 s5, $0x0;
	s5 =	sld [smem:$0x3FB3]  }
0x2b: {  	s6 =	sld [smem:$0x3FB4]  }
0x2c: {  	s7 =	sld [smem:$0x3FB5]  }
0x2d: {  	s3 =	simm.s32 $0x108;
	s8 =	sld [smem:$0x3FB6]  }
0x2e: {  	s3 =	simm.s32 @!p0 $0x1082;
	s9 =	sld [smem:$0x3FB7]  }
0x2f: {  	lr =	sadd.s32 s0, s3;
	s0 =	sld [smem:$0x3FAE]  }
0x30: {  	s3 =	sld [smem:$0x3FB1]  }
0x31: {  	[smem:$0x3FBA] =	sst s10  }
0x32: {  	s10 =	sld [smem:$0x3FB8];
	_ =	sdelay $0x3  }
0x33: {  	p0 =	seq.s32 s10, $0x1;
	s10 =	sld [smem:$0x3FBA];
	_ =	sdelay $0x3  }
0x34: {  	[smem:$0x3FBA] =	sst s10  }
0x35: {  	s10 =	sld [smem:$0x3FB9];
	_ =	sdelay $0x3  }
0x36: {  	p1 =	seq.s32 s10, $0x1;
	s10 =	sld [smem:$0x3FBA];
	_ =	sdelay $0x3  }
0x37: {  	[smem:$0x3FBA] =	sst s10  }
0x38: {  	s10 =	sld [smem:$0x3FBB]  }
0x39: {  	_ = 	snop;
	(pc) =	sbr.ind lr, $3  }
0x3a: {  	_ = 	snop  }
0x3b: {  	_ = 	snop  }
0x3c: {  	p2 =	seq.s32 s10, $0x1;
	s10 =	sld [smem:$0x3FBA]  }
0x3d: {  	_ =	shalt  }
0x3e: {  	_ =	shalt  }
0x3f: {  	_ =	shalt  }
0x40: {  	_ =	shalt  }
0x41: {  	_ =	shalt  }
0x42: {  	_ =	shalt  }
0x43: {  	_ =	shalt  }
0x44: {  	_ =	shalt  }
0x45: {  	_ =	shalt  }
0x46: {  	_ =	shalt  }
0x47: {  	_ =	shalt  }
0x48: {  	_ =	shalt  }
0x49: {  	_ =	shalt  }
0x4a: {  	_ =	shalt  }
0x4b: {  	_ =	shalt  }
0x4c: {  	_ =	shalt  }
0x4d: {  	_ =	shalt  }
0x4e: {  	_ =	shalt  }
0x4f: {  	_ =	shalt  }
0x50: {  	_ =	shalt  }
0x51: {  	_ =	shalt  }
0x52: {  	_ =	shalt  }
0x53: {  	_ =	shalt  }
0x54: {  	_ =	shalt  }
0x55: {  	_ =	shalt  }
0x56: {  	_ =	shalt  }
0x57: {  	_ =	shalt  }
0x58: {  	_ =	shalt  }
0x59: {  	_ =	shalt  }
0x5a: {  	_ =	shalt  }
0x5b: {  	_ =	shalt  }
0x5c: {  	_ =	shalt  }
0x5d: {  	_ =	shalt  }
0x5e: {  	_ =	shalt  }
0x5f: {  	_ =	shalt  }
0x60: {  	_ =	shalt  }
0x61: {  	_ =	shalt  }
0x62: {  	_ =	shalt  }
0x63: {  	_ =	shalt  }
0x64: {  	_ =	shalt  }
0x65: {  	_ =	shalt  }
0x66: {  	_ =	shalt  }
0x67: {  	_ =	shalt  }
0x68: {  	_ =	shalt  }
0x69: {  	_ =	shalt  }
0x6a: {  	_ =	shalt  }
0x6b: {  	_ =	shalt  }
0x6c: {  	_ =	shalt  }
0x6d: {  	_ =	shalt  }
0x6e: {  	_ =	shalt  }
0x6f: {  	_ =	shalt  }
0x70: {  	_ =	shalt  }
0x71: {  	_ =	shalt  }
0x72: {  	_ =	shalt  }
0x73: {  	_ =	shalt  }
0x74: {  	_ =	shalt  }
0x75: {  	_ =	shalt  }
0x76: {  	_ =	shalt  }
0x77: {  	_ =	shalt  }
0x78: {  	_ =	shalt  }
0x79: {  	_ =	shalt  }
0x7a: {  	_ =	shalt  }
0x7b: {  	_ =	shalt  }
0x7c: {  	_ =	shalt  }
0x7d: {  	_ =	shalt  }
0x7e: {  	_ =	shalt  }
0x7f: {  	_ =	shalt  }
0x80: {  	_ =	shalt  }
0x81: {  	_ =	shalt  }
0x82: {  	_ =	shalt  }
0x83: {  	_ =	shalt  }
0x84: {  	_ =	shalt  }
0x85: {  	_ =	shalt  }
0x86: {  	_ =	shalt  }
0x87: {  	_ =	shalt  }
.Lfunc_end0:
.L_simem_size_0:
called_computation_lowered:
.L_overlay_start_0:
0x88: {  	s2 =	sld [smem:$0x3FD9]  }
0x89: {  	s3 =	sld [smem:$0x3FFE];
	_ =	sdelay $0x1  }
0x8a: {  	s1 =	srdreg.scid  }
0x8b: {  	s0 =	sand.u32 $0x1, s1  }
0x8c: {  	s18 =	sshll.u32 s0, $0xA;
	s2 =	sadd.s32 s3, s2  }
0x8d: {  	s2 =	sadd.s32 s2, s18  }
0x8e: {  	[smem:$0x3FC6] =	sst s2  }
0x8f: {  	_ = 	snop  }
0x90: {  	s2 =	sld [smem:$0x3FC9]  }
0x91: {  	s19 =	sld [smem:$0x3FC8]  }
0x92: {  	s4 =	sld [smem:$0x3FD0];
	(tm) =	ssettm $0x1  }
0x93: {  	s5 =	sld [smem:$0x3FFB];
	_ =	sdelay $0x3  }
0x94: {  	_ =	strace s5  }
0x95: {  	s5 =	sld [smem:$0x3FFC];
	_ =	sdelay $0x3  }
0x96: {  	_ =	strace s5  }
0x97: {  	s5 =	sld [smem:$0x3FFD];
	_ =	sdelay $0x3  }
0x98: {  	_ =	strace s5  }
0x99: {  	_ =	strace $0x8FFFFFFF  }
0x9a: {  	s20 =	sld [smem:$0x3FDB];
	_ =	sdelay $0x1  }
0x9b: {  	s6 =	simm.s32 $_scs_section_size  }
0x9c: {  	s7 =	simm.s32 $_size__tile_overlayer_lowered;
	s8 =	simm.s32 $_tile_overlayer_lowered  }
0x9d: {  	s23 =	simm.s32 $0x1BFF;
	s22 =	sshll.u32 s8, $0x1;
	s5 =	sadd.s32 s6, s20  }
0x9e: {  	s9 =	simm.s32 $0x0;
	s21 =	sshll.u32 s7, $0x1;
	s7 =	sadd.s32 s22, s5  }
0x9f: {  	[timem:s9], [sflag:s23] =	dma.local [hbm:s7], s21  }
0xa0: {  	_ =	swait.ge [sflag:s23], s21  }
0xa1: {  	s6 =	ssub.s32 $0x0, s21;
	[sflag:s23] =	ssyncset.done $0x0  }
0xa2: {  	[sflag:s23] =	ssyncadd.s32 s6;
	_ =	sdelay $0x1  }
0xa3: {  	s24 =	simm.s32 $0x1B8B  }
0xa4: {  	_ =	swait.ge [sflag:s24], $0x1  }
0xa5: {  	[sflag:s24] =	ssyncset.done $0x0  }
0xa6: {  	s25 =	simm.s32 $0x1B8E;
	[sflag:s24] =	ssyncadd.s32 $0xFFFFFFFF  }
0xa7: {  	s26 =	simm.s32 $execute0_lowered;
	[smem:$0x3FD2] =	sst s25  }
0xa8: {  	s6 =	sshll.u32 s26, $0x1;
	_ =	strace $0x80000046;
	[dreg:$0x1] =	wrdreg $0xFFFFFFFF  }
0xa9: {  	s28 =	simm.s32 $_size_execute0_lowered;
	s5 =	sadd.s32 s5, s6;
	[dreg:$0x0] =	wrdreg $0x0  }
0xaa: {  	s6 =	sshll.u32 s28, $0x1;
	[dreg:$0x2] =	wrdreg s5  }
0xab: {  	[dreg:$0x3] =	wrdreg s6  }
0xac: {  	[dreg:$0x4] =	wrdreg $0xC0  }
0xad: {  	_ =	task [dreg:s9], $0x5FFFF  }
0xae: {  	[dreg:$0x1] =	wrdreg $0xFFFFFFFF  }
0xaf: {  	[dreg:$0x0] =	wrdreg $0x60  }
0xb0: {  	[dreg:$0x2] =	wrdreg s2  }
0xb1: {  	[dreg:$0x3] =	wrdreg s19  }
0xb2: {  	[dreg:$0x4] =	wrdreg s4  }
0xb3: {  	[dreg:$0x5] =	wrdreg $0x9  }
0xb4: {  	_ =	task.clear_ibuf [dreg:s9], $0x6FFFF;
	_ =	strace $0x90000046  }
0xb5: {  	s29 =	simm.s32 $0x9;
	_ =	strace $0x80000048  }
0xb6: {  	_ =	swait.ge [sflag:s29], $0x1  }
0xb7: {  	[sflag:s29] =	ssyncadd.s32 $0xFFFFFFFF  }
0xb8: {  	_ =	strace $0x90000048  }
0xb9: {  	_ =	sfence  }
0xba: {  	s30 =	sld [smem:$0x0];
	_ =	sdelay $0x2  }
0xbb: {  	s31 =	sshll.u32 s1, $0xD;
	s1 =	sshrl.u32 s1, $0x2  }
0xbc: {  	s3 =	sand.u32 $0x4000, s31;
	s1 =	sadd.s32 s1, s30  }
0xbd: {  	s0 =	sor.u32 s3, s0;
	s1 =	sshll.u32 s1, $0x11  }
0xbe: {  	s0 =	sor.u32 s1, s0  }
0xbf: {  	s0 =	sadd.s32 $0x8F2B, s0  }
0xc0: {  	[sflag:s0] =	ssyncadd.remote.s32 $0x1  }
0xc1: {  	_ =	sfence.sel $0xFFFF  }
0xc2: {  	[dreg:$0x0] =	wrdreg $0xFFFFFFFF;
	(pc) =	sbr.abs _section_cstart, $3  }
0xc3: {  	[dreg:$0x1] =	wrdreg $0xFFFFFFFF  }
0xc4: {  	_ =	task.clear_ibuf [dreg:s9], $0x2FFFF;
	_ =	strace $0x9FFFFFFF  }
0xc5: {  	(tm) =	ssettm $0x7FFFFFFF  }
tec
execute0_lowered:
.L_overlay_start_1:
0x0: {  	(tag) =	ssettag $0x1  }
0x1: {  	s0 =	rddreg [dreg:$0x0]  }
0x2: {  	s2 =	rddreg [dreg:$0x1]  }
0x3: {  	s1 =	srdreg.scid;
	s7 =	rddreg [dreg:$0x2]  }
0x4: {  	s3 =	stileid.u32;
	s28 =	simm.s32 $0x18480;
	s29 =	simm.s32 $0x18C80  }
0x5: {  	s31 =	simm.s32 $0x1A480;
	s1 =	sand.u32 $0x1, s1;
	s4 =	sshll.u32 s3, $0x8  }
0x6: {  	s3 =	simm.s32 $0x0;
	s8 =	sadd.s32 $0x100, s2;
	s9 =	sadd.s32 $0x200, s2  }
0x7: {  	s10 =	sadd.s32 $0x300, s2;
	s5 =	sshll.u32 s1, $0x7;
	s1 =	ssub.s32 $0x2, s1  }
0x8: {  	[smem:$0x7FF] =	sst s3;
	s12 =	sor.u32 s5, s4;
	s15 =	sshrl.u32 s1, $0x1  }
0x9: {  	_ =	strace $0x80000047;
	s5 =	sshrl.u32 s12, $0x3;
	s13 =	ssub.s32 s1, s15  }
0xa: {  	s17 =	sor.u32 $0x1000, s12;
	s14 =	sor.u32 $0x2000, s12;
	s15 =	sor.u32 $0x3000, s12  }
0xb: {  	s21 =	sshll.u32 s12, $0x7;
	s16 =	sadd.s32 s0, s5;
	s18 =	sshrl.u32 s17, $0x3  }
0xc: {  	s19 =	sshrl.u32 s14, $0x3;
	[dreg:$0x4] =	wrdreg s16;
	s4 =	sadd.s32 s0, s18  }
0xd: {  	s6 =	sshrl.u32 s15, $0x3;
	s20 =	sadd.s32 s0, s19;
	[dreg:$0x5] =	wrdreg s4  }
0xe: {  	s11 =	sadd.s32 s7, s21;
	s0 =	sadd.s32 s0, s6;
	[dreg:$0x6] =	wrdreg s20  }
0xf: {  	s1 =	sor.u32 $0x71, s12;
	s23 =	sadd.s32 $0x800, s11;
	[dreg:$0x7] =	wrdreg s0  }
0x10: {  	s22 =	sshll.u32 s17, $0x7;
	s24 =	sadd.s32 $0x80800, s11;
	[dreg:$0x8] =	wrdreg s23  }
0x11: {  	s17 =	smax.u32 s13, $0x1;
	s13 =	sadd.s32 $0x180800, s11;
	[dreg:$0xa] =	wrdreg s24  }
0x12: {  	s26 =	sshll.u32 s15, $0x7;
	s15 =	sadd.s32 $0x1000, s11;
	[dreg:$0xe] =	wrdreg s13  }
0x13: {  	s5 =	sor.u32 $0x1, s12;
	s16 =	sadd.s32 $0x1800, s11;
	[dreg:$0xf] =	wrdreg s15  }
0x14: {  	s25 =	sshll.u32 s14, $0x7;
	s19 =	sadd.s32 $0x81000, s11;
	[dreg:$0x10] =	wrdreg s16  }
0x15: {  	s14 =	sor.u32 $0x51, s12;
	s0 =	sadd.s32 s7, s22;
	[dreg:$0x11] =	wrdreg s19  }
0x16: {  	s21 =	sor.u32 $0x61, s12;
	s20 =	sadd.s32 $0x81800, s11;
	[dreg:$0x9] =	wrdreg s0  }
0x17: {  	s6 =	sor.u32 $0x21, s12;
	s22 =	sadd.s32 $0x101000, s11;
	[dreg:$0x12] =	wrdreg s20  }
0x18: {  	s18 =	sor.u32 $0x31, s12;
	s23 =	sadd.s32 $0x101800, s11;
	[dreg:$0x13] =	wrdreg s22  }
0x19: {  	v10 =	vlaneseq.u32;
	s30 =	sadd.s32 $0x103000, s11;
	s24 =	sadd.s32 $0x181000, s11;
	[dreg:$0x14] =	wrdreg s23  }
0x1a: {  	v6 =	vadd.s32 s21, v10;
	s21 =	simm.s32 $0x3;
	s13 =	sadd.s32 $0x82000, s11;
	[dreg:$0x15] =	wrdreg s24  }
0x1b: {  	v0 =	vadd.s32 s5, v10;
	s5 =	simm.s32 $0x1AC80;
	s15 =	sadd.s32 $0x82800, s11;
	[dreg:$0x19] =	wrdreg s13  }
0x1c: {  	v5 =	vadd.s32 s14, v10;
	s14 =	simm.s32 $0x5;
	s16 =	sadd.s32 $0x102000, s11;
	[dreg:$0x1a] =	wrdreg s15  }
0x1d: {  	vm0 =	vmmov $0xffff;
	s4 =	sor.u32 $0x11, s12;
	s19 =	sadd.s32 $0x102800, s11;
	[dreg:$0x1b] =	wrdreg s16  }
0x1e: {  	v9 =	vor.u32 $0x8, v10;
	v3 =	vadd.s32 s18, v10;
	s18 =	simm.s32 $0x8000;
	v7 =	vshll.u32 v0, $0x3;
	s0 =	sadd.s32 s7, s25;
	[dreg:$0x1c] =	wrdreg s19  }
0x1f: {  	v2 =	vadd.s32 s6, v10;
	v8 =	vand.u32 $0x7, v0;
	s6 =	simm.s32 $0x1B480;
	s7 =	sadd.s32 s7, s26;
	v7 =	vand.u32 $0x7FFFFFC0, v7;
	[dreg:$0xb] =	wrdreg s0  }
0x20: {  	s25 =	sadd.s32 $0x181800, s11;
	s26 =	sadd.s32 $0x2000, s11;
	[dreg:$0xc] =	wrdreg s7;
	v11 =	vor.u32 v8, v7;
	v7 =	vand.u32 $0x7, v10;
	v8 =	vshrl.u32 v10, $0x3  }
0x21: {  	s20 =	sadd.s32 $0x182000, s11;
	s22 =	sadd.s32 $0x182800, s11;
	v1 =	vadd.s32 s4, v10;
	[dreg:$0x16] =	wrdreg s25;
	v12 =	vperm.xlane v11, v7;
	v8 =	vmul.u32 $0x8, v8  }
0x22: {  	s19 =	sadd.s32 $0x3000, s11;
	v14 =	vshll.u32 v2, $0x3;
	v15 =	vand.u32 $0x7, v2;
	s7 =	sor.u32 $0x41, s12;
	[dreg:$0x17] =	wrdreg s26;
	v13 =	vperm.xlane v11, v9  }
0x23: {  	s23 =	sadd.s32 $0x3800, s11;
	s24 =	sadd.s32 $0x83800, s11;
	[dreg:$0x1d] =	wrdreg s20;
	v14 =	vand.u32 $0x7FFFFFC0, v14;
	v4 =	vadd.s32 s7, v10;
	v11 =	vadd.s32 v8, v12  }
0x24: {  	s16 =	simm.s32 $0x6000;
	s4 =	simm.s32 $0x19C80;
	[dreg:$0x1e] =	wrdreg s22;
	v12 =	vadd.s32 v8, v13;
	v13 =	vor.u32 v15, v14;
	v14 =	vshll.u32 v4, $0x3  }
0x25: {  	v16 =	vshll.u32 v6, $0x3;
	s12 =	sadd.s32 $0x100800, s11;
	[dreg:$0x1f] =	wrdreg s23;
	s23 =	sadd.s32 $0x83000, s11;
	v15 =	vand.u32 $0x7, v4;
	v14 =	vand.u32 $0x7FFFFFC0, v14  }
0x26: {  	v16 =	vand.u32 $0x7FFFFFC0, v16;
	[smem:$0x7FB] =	sst s24;
	s25 =	sadd.s32 $0x103800, s11;
	s0 =	sadd.s32 $0x183000, s11;
	v14 =	vor.u32 v15, v14;
	v15 =	vand.u32 $0x7, v6  }
.Ltmp0:
0x27: {  	s26 =	sadd.s32 $0x183800, s11;
	[dreg:$0xd] =	wrdreg s12;
	v17 =	vperm.xlane v13, v9;
	v15 =	vor.u32 v15, v16;
	v16 =	vperm.xlane v13, v7;
	(pc) =	sbr.rel .LBB2_1-.Ltmp0, $4  }
0x28: {  	s20 =	simm.s32 $0x6800;
	s22 =	simm.s32 $0x7000;
	[smem:$0x7FC] =	sst s25;
	v10 =	vadd.s32 s1, v10;
	v18 =	vperm.xlane v14, v7;
	v19 =	vperm.xlane v14, v9  }
0x29: {  	s24 =	simm.s32 $0x7800;
	s12 =	sadd.s32 $0x2800, s11;
	[smem:$0x7FD] =	sst s26;
	v14 =	vadd.s32 v8, v17;
	v20 =	vperm.xlane v15, v7;
	v21 =	vperm.xlane v15, v9  }
0x2a: {  	s26 =	simm.s32 $0x1;
	s25 =	simm.s32 $0x10000;
	s1 =	simm.s32 $0x1BC80;
	v15 =	vimm.s32 $0x0;
	v13 =	vadd.s32 v8, v16;
	v16 =	vadd.s32 v8, v18  }
0x2b: {  	s7 =	simm.s32 $0x4;
	[dreg:$0x18] =	wrdreg s12;
	s12 =	simm.s32 $0x19480;
	v17 =	vadd.s32 v8, v19;
	v18 =	vadd.s32 v8, v20;
	v19 =	vadd.s32 v8, v21  }
.LBB2_48:
0x2c: {  	v20 =	vsel vm1, $0x0, v6  }
0x2d: {  	v21 =	vshll.u32 v20, $0x3  }
0x2e: {  	v22 =	vand.u32 $0x7, v20;
	v21 =	vand.u32 $0xFFFFFFC0, v21  }
0x2f: {  	v21 =	vor.u32 v22, v21  }
0x30: {  	v22 =	vperm.xlane v21, v7;
	_ =	sdelay $0x1  }
0x31: {  	v22 =	vadd.s32 v8, v22;
	_ =	sdelay $0x3  }
0x32: {  	[tilespmem:$0x18400] =	vst v20  }
0x33: {  	[tilespmem:s28], [sflag:$0x4] =	stream.indirect_vreg.gather [hbm4b:s2+s3], $0x80, v22, vm0, $0xb8;
	[tilespmem:$0x1C480] =	vst v63  }
0x34: {  	v20 =	vperm.xlane v21, v9  }
0x35: {  	[tilespmem:s29], [sflag:$0x4] =	stream.indirect_vreg.gather [hbm4b:s8+s3], $0x80, v22, vm0, $0xb8;
	[tilespmem:$0x1C480] =	vst v63  }
0x36: {  	v20 =	vadd.s32 v8, v20  }
0x37: {  	[tilespmem:s12], [sflag:$0x4] =	stream.indirect_vreg.gather [hbm4b:s9+s3], $0x80, v22, vm0, $0xb8;
	[tilespmem:$0x1C480] =	vst v63  }
0x38: {  	_ = 	snop  }
0x39: {  	[tilespmem:s4], [sflag:$0x4] =	stream.indirect_vreg.gather [hbm4b:s10+s3], $0x80, v22, vm0, $0xb8;
	[tilespmem:$0x1C480] =	vst v63  }
0x3a: {  	_ = 	snop  }
0x3b: {  	[tilespmem:s31], [sflag:$0x4] =	stream.indirect_vreg.gather [hbm4b:s2+s3], $0x80, v20, vm0, $0xb8;
	[tilespmem:$0x1C480] =	vst v63  }
0x3c: {  	_ = 	snop  }
0x3d: {  	[tilespmem:s5], [sflag:$0x4] =	stream.indirect_vreg.gather [hbm4b:s8+s3], $0x80, v20, vm0, $0xb8;
	[tilespmem:$0x1C480] =	vst v63  }
0x3e: {  	_ = 	snop  }
0x3f: {  	[tilespmem:s6], [sflag:$0x4] =	stream.indirect_vreg.gather [hbm4b:s9+s3], $0x80, v20, vm0, $0xb8;
	[tilespmem:$0x1C480] =	vst v63  }
0x40: {  	_ = 	snop  }
0x41: {  	[tilespmem:s1], [sflag:$0x4] =	stream.indirect_vreg.gather [hbm4b:s10+s3], $0x80, v20, vm0, $0xb8;
	[tilespmem:$0x1C480] =	vst v63  }
0x42: {  	_ =	swait.ge [sflag:s7], $0x4000  }
0x43: {  	[sflag:s7] =	ssyncset.done $0x0  }
0x44: {  	[sflag:s7] =	ssyncadd.s32 $0xFFFFC000  }
0x45: {  	[hbm4b:s0+s3] =	stream.linear.scatter [tilespmem:s28], [sflag:$0x5], $0x4000, $0x38;
	[tilespmem:$0x1C480] =	vst v63  }
0x46: {  	_ =	swait.ge [sflag:s14], $0x4000  }
0x47: {  	[sflag:s14] =	ssyncset.done $0x0  }
0x48: {  	[sflag:s14] =	ssyncadd.s32 $0xFFFFC000  }
0x49: {  	v20 =	vld [tilespmem:$0x181F0];
	_ =	sdelay $0x4  }
0x4a: {  	vm1 =	veq.s32 v20, $0x0  }
0x4b: {  	v20 =	vsel vm1, $0x0, v10  }
0x4c: {  	v62 =	vshll.u32 v20, $0x3  }
0x4d: {  	v63 =	vand.u32 $0x7, v20;
	v21 =	vand.u32 $0xFFFFFFC0, v62  }
0x4e: {  	v21 =	vor.u32 v63, v21  }
0x4f: {  	v22 =	vperm.xlane v21, v7;
	_ =	sdelay $0x1  }
0x50: {  	v22 =	vadd.s32 v8, v22;
	_ =	sdelay $0x3  }
0x51: {  	[tilespmem:$0x18400] =	vst v20  }
0x52: {  	[tilespmem:s28], [sflag:$0x4] =	stream.indirect_vreg.gather [hbm4b:s2+s3], $0x80, v22, vm0, $0xb8;
	[tilespmem:$0x1C480] =	vst v63  }
0x53: {  	v20 =	vperm.xlane v21, v9  }
0x54: {  	[tilespmem:s29], [sflag:$0x4] =	stream.indirect_vreg.gather [hbm4b:s8+s3], $0x80, v22, vm0, $0xb8;
	[tilespmem:$0x1C480] =	vst v63  }
0x55: {  	v20 =	vadd.s32 v8, v20  }
0x56: {  	[tilespmem:s12], [sflag:$0x4] =	stream.indirect_vreg.gather [hbm4b:s9+s3], $0x80, v22, vm0, $0xb8;
	[tilespmem:$0x1C480] =	vst v63  }
0x57: {  	_ = 	snop  }
0x58: {  	[tilespmem:s4], [sflag:$0x4] =	stream.indirect_vreg.gather [hbm4b:s10+s3], $0x80, v22, vm0, $0xb8;
	[tilespmem:$0x1C480] =	vst v63  }
0x59: {  	_ = 	snop  }
0x5a: {  	[tilespmem:s31], [sflag:$0x4] =	stream.indirect_vreg.gather [hbm4b:s2+s3], $0x80, v20, vm0, $0xb8;
	[tilespmem:$0x1C480] =	vst v63  }
0x5b: {  	_ = 	snop  }
0x5c: {  	[tilespmem:s5], [sflag:$0x4] =	stream.indirect_vreg.gather [hbm4b:s8+s3], $0x80, v20, vm0, $0xb8;
	[tilespmem:$0x1C480] =	vst v63  }
0x5d: {  	_ = 	snop  }
0x5e: {  	[tilespmem:s6], [sflag:$0x4] =	stream.indirect_vreg.gather [hbm4b:s9+s3], $0x80, v20, vm0, $0xb8;
	[tilespmem:$0x1C480] =	vst v63  }
0x5f: {  	_ = 	snop  }
0x60: {  	[tilespmem:s1], [sflag:$0x4] =	stream.indirect_vreg.gather [hbm4b:s10+s3], $0x80, v20, vm0, $0xb8;
	[tilespmem:$0x1C480] =	vst v63  }
0x61: {  	_ =	swait.ge [sflag:s7], $0x4000  }
0x62: {  	s13 =	sld [smem:$0x7FD]  }
0x63: {  	[sflag:s7] =	ssyncset.done $0x0  }
0x64: {  	[sflag:s7] =	ssyncadd.s32 $0xFFFFC000  }
0x65: {  	[hbm4b:s13+s3] =	stream.linear.scatter [tilespmem:s28], [sflag:$0x5], $0x4000, $0x38;
	[tilespmem:$0x1C480] =	vst v63  }
0x66: {  	_ =	swait.ge [sflag:s14], $0x4000  }
0x67: {  	[sflag:s14] =	ssyncset.done $0x0  }
0x68: {  	[sflag:s14] =	ssyncadd.s32 $0xFFFFC000  }
.LBB2_49:
0x69: {  	s13 =	sld [smem:$0x7FA];
	_ =	sdelay $0x2  }
0x6a: {  	p5 =	seq.s32 s13, $0x1  }
0x6b: {  	s13 =	simm.s32 @!p5 $0x2  }
0x6c: {  	_ =	swait.ge @!p5 [sflag:s13], $0x8000  }
0x6d: {  	s15 =	sld [smem:$0x7F9];
	_ =	sdelay $0x1  }
0x6e: {  	[sflag:s13] =	ssyncset.done @!p5 $0x0  }
0x6f: {  	[sflag:s13] =	ssyncadd.s32 @!p5 $0xFFFF8000;
	p5 =	seq.s32 s15, $0x1  }
0x70: {  	s13 =	simm.s32 @!p5 $0x2  }
0x71: {  	_ =	swait.ge @!p5 [sflag:s13], $0x8000  }
0x72: {  	s15 =	sld [smem:$0x7F8];
	_ =	sdelay $0x1  }
0x73: {  	[sflag:s13] =	ssyncset.done @!p5 $0x0  }
0x74: {  	[sflag:s13] =	ssyncadd.s32 @!p5 $0xFFFF8000;
	p5 =	seq.s32 s15, $0x1  }
0x75: {  	s13 =	simm.s32 @!p5 $0x2  }
0x76: {  	_ =	swait.ge @!p5 [sflag:s13], $0x8000  }
0x77: {  	s15 =	sld [smem:$0x7F7];
	_ =	sdelay $0x1  }
0x78: {  	[sflag:s13] =	ssyncset.done @!p5 $0x0  }
0x79: {  	[sflag:s13] =	ssyncadd.s32 @!p5 $0xFFFF8000;
	p5 =	seq.s32 s15, $0x1  }
0x7a: {  	s13 =	simm.s32 @!p5 $0x2  }
0x7b: {  	_ =	swait.ge @!p5 [sflag:s13], $0x8000  }
0x7c: {  	s15 =	sld [smem:$0x7F6];
	_ =	sdelay $0x1  }
0x7d: {  	[sflag:s13] =	ssyncset.done @!p5 $0x0  }
0x7e: {  	[sflag:s13] =	ssyncadd.s32 @!p5 $0xFFFF8000;
	p5 =	seq.s32 s15, $0x1  }
0x7f: {  	s13 =	simm.s32 @!p5 $0x2  }
0x80: {  	_ =	swait.ge @!p5 [sflag:s13], $0x8000  }
0x81: {  	s15 =	sld [smem:$0x7F5];
	_ =	sdelay $0x1  }
0x82: {  	[sflag:s13] =	ssyncset.done @!p5 $0x0  }
0x83: {  	[sflag:s13] =	ssyncadd.s32 @!p5 $0xFFFF8000;
	p5 =	seq.s32 s15, $0x1  }
0x84: {  	s13 =	simm.s32 @!p5 $0x2  }
0x85: {  	_ =	swait.ge @!p5 [sflag:s13], $0x8000  }
0x86: {  	[sflag:s13] =	ssyncset.done @!p5 $0x0  }
0x87: {  	[sflag:s13] =	ssyncadd.s32 @!p5 $0xFFFF8000;
	s13 =	simm.s32 @!p6 $0x2  }
0x88: {  	_ =	swait.ge @!p6 [sflag:s13], $0x8000  }
0x89: {  	[sflag:s13] =	ssyncset.done @!p6 $0x0  }
0x8a: {  	[sflag:s13] =	ssyncadd.s32 @!p6 $0xFFFF8000;
	s13 =	simm.s32 @!p0 $0x2  }
0x8b: {  	_ =	swait.ge @!p0 [sflag:s13], $0x8000  }
0x8c: {  	[sflag:s13] =	ssyncset.done @!p0 $0x0  }
0x8d: {  	[sflag:s13] =	ssyncadd.s32 @!p0 $0xFFFF8000;
	s13 =	simm.s32 @!p1 $0x2  }
0x8e: {  	_ =	swait.ge @!p1 [sflag:s13], $0x8000  }
0x8f: {  	[sflag:s13] =	ssyncset.done @!p1 $0x0  }
0x90: {  	[sflag:s13] =	ssyncadd.s32 @!p1 $0xFFFF8000;
	s13 =	simm.s32 @!p2 $0x2  }
0x91: {  	_ =	swait.ge @!p2 [sflag:s13], $0x8000  }
0x92: {  	[sflag:s13] =	ssyncset.done @!p2 $0x0  }
0x93: {  	s17 =	sadd.s32 $0xFFFFFFFF, s17;
	[sflag:s13] =	ssyncadd.s32 @!p2 $0xFFFF8000;
	s13 =	simm.s32 @!p3 $0x2  }
0x94: {  	p0 =	sne.s32 s17, $0x0;
	_ =	swait.ge @!p3 [sflag:s13], $0x8000  }
.Ltmp1:
0x95: {  	[sflag:s13] =	ssyncset.done @!p3 $0x0;
	(pc) =	sbr.rel @!p0 .LBB2_50-.Ltmp1, $4  }
0x96: {  	[sflag:s13] =	ssyncadd.s32 @!p3 $0xFFFF8000;
	s13 =	simm.s32 @!p4 $0x2  }
0x97: {  	_ =	swait.ge @!p4 [sflag:s13], $0x8000  }
0x98: {  	[sflag:s13] =	ssyncset.done @!p4 $0x0  }
0x99: {  	[sflag:s13] =	ssyncadd.s32 @!p4 $0xFFFF8000  }
.LBB2_1:
0x9a: {  	s13 =	rddreg [dreg:$0x4];
	s15 =	simm.s32 $0x18000  }
0x9b: {  	[tilespmem:s15], [sflag:$0x3] =	stream.linear.gather [hbm4b:s13+s3], $0x80, $0x38;
	[tilespmem:$0x1C480] =	vst v63  }
0x9c: {  	s13 =	rddreg [dreg:$0x5];
	s15 =	simm.s32 $0x18080  }
0x9d: {  	[tilespmem:s15], [sflag:$0x3] =	stream.linear.gather [hbm4b:s13+s3], $0x80, $0x38;
	[tilespmem:$0x1C480] =	vst v63  }
0x9e: {  	s13 =	rddreg [dreg:$0x6];
	s15 =	simm.s32 $0x18100  }
0x9f: {  	[tilespmem:s15], [sflag:$0x3] =	stream.linear.gather [hbm4b:s13+s3], $0x80, $0x38;
	[tilespmem:$0x1C480] =	vst v63  }
0xa0: {  	s13 =	rddreg [dreg:$0x7];
	s15 =	simm.s32 $0x18180  }
0xa1: {  	[tilespmem:s15], [sflag:$0x3] =	stream.linear.gather [hbm4b:s13+s3], $0x80, $0x38;
	[tilespmem:$0x1C480] =	vst v63  }
0xa2: {  	[tilespmem:$0x18200] =	vst v0  }
0xa3: {  	[tilespmem:$0x18210] =	vst v1  }
0xa4: {  	[tilespmem:s3], [sflag:$0x1] =	stream.indirect_vreg.gather [hbm4b:s2+s3], $0x80, v11, vm0, $0xb8;
	[tilespmem:$0x1C480] =	vst v63  }
0xa5: {  	s15 =	simm.s32 $0x800  }
0xa6: {  	[tilespmem:s15], [sflag:$0x1] =	stream.indirect_vreg.gather [hbm4b:s8+s3], $0x80, v11, vm0, $0xb8;
	[tilespmem:$0x1C480] =	vst v63  }
0xa7: {  	s15 =	simm.s32 $0x1000  }
0xa8: {  	[tilespmem:s15], [sflag:$0x1] =	stream.indirect_vreg.gather [hbm4b:s9+s3], $0x80, v11, vm0, $0xb8;
	[tilespmem:$0x1C480] =	vst v63  }
0xa9: {  	s15 =	simm.s32 $0x1800  }
0xaa: {  	[tilespmem:s15], [sflag:$0x1] =	stream.indirect_vreg.gather [hbm4b:s10+s3], $0x80, v11, vm0, $0xb8;
	[tilespmem:$0x1C480] =	vst v63  }
0xab: {  	s15 =	simm.s32 $0x2000  }
0xac: {  	[tilespmem:s15], [sflag:$0x1] =	stream.indirect_vreg.gather [hbm4b:s2+s3], $0x80, v12, vm0, $0xb8;
	[tilespmem:$0x1C480] =	vst v63  }
0xad: {  	s15 =	simm.s32 $0x2800  }
0xae: {  	[tilespmem:s15], [sflag:$0x1] =	stream.indirect_vreg.gather [hbm4b:s8+s3], $0x80, v12, vm0, $0xb8;
	[tilespmem:$0x1C480] =	vst v63  }
0xaf: {  	s15 =	simm.s32 $0x3000  }
0xb0: {  	[tilespmem:s15], [sflag:$0x1] =	stream.indirect_vreg.gather [hbm4b:s9+s3], $0x80, v12, vm0, $0xb8;
	[tilespmem:$0x1C480] =	vst v63  }
0xb1: {  	s15 =	simm.s32 $0x3800  }
0xb2: {  	[tilespmem:s15], [sflag:$0x1] =	stream.indirect_vreg.gather [hbm4b:s10+s3], $0x80, v12, vm0, $0xb8;
	[tilespmem:$0x1C480] =	vst v63  }
0xb3: {  	v20 =	vld [tilespmem:$0x18210];
	_ =	sdelay $0x4  }
0xb4: {  	v21 =	vshll.u32 v20, $0x3  }
0xb5: {  	v20 =	vand.u32 $0x7, v20;
	v21 =	vand.u32 $0xFFFFFFC0, v21  }
0xb6: {  	v20 =	vor.u32 v20, v21  }
0xb7: {  	v21 =	vperm.xlane v20, v7;
	_ =	sdelay $0x1  }
0xb8: {  	v21 =	vadd.s32 v8, v21;
	_ =	sdelay $0x3  }
0xb9: {  	s15 =	simm.s32 $0x4000  }
0xba: {  	[tilespmem:s15], [sflag:$0x1] =	stream.indirect_vreg.gather [hbm4b:s2+s3], $0x80, v21, vm0, $0xb8;
	[tilespmem:$0x1C480] =	vst v63  }
0xbb: {  	v20 =	vperm.xlane v20, v9;
	s15 =	simm.s32 $0x4800  }
0xbc: {  	[tilespmem:s15], [sflag:$0x1] =	stream.indirect_vreg.gather [hbm4b:s8+s3], $0x80, v21, vm0, $0xb8;
	[tilespmem:$0x1C480] =	vst v63  }
0xbd: {  	v20 =	vadd.s32 v8, v20;
	s15 =	simm.s32 $0x5000  }
0xbe: {  	[tilespmem:s15], [sflag:$0x1] =	stream.indirect_vreg.gather [hbm4b:s9+s3], $0x80, v21, vm0, $0xb8;
	[tilespmem:$0x1C480] =	vst v63  }
0xbf: {  	s15 =	simm.s32 $0x5800  }
0xc0: {  	[tilespmem:s15], [sflag:$0x1] =	stream.indirect_vreg.gather [hbm4b:s10+s3], $0x80, v21, vm0, $0xb8;
	[tilespmem:$0x1C480] =	vst v63  }
0xc1: {  	_ = 	snop  }
0xc2: {  	[tilespmem:s16], [sflag:$0x1] =	stream.indirect_vreg.gather [hbm4b:s2+s3], $0x80, v20, vm0, $0xb8;
	[tilespmem:$0x1C480] =	vst v63  }
0xc3: {  	_ = 	snop  }
0xc4: {  	[tilespmem:s20], [sflag:$0x1] =	stream.indirect_vreg.gather [hbm4b:s8+s3], $0x80, v20, vm0, $0xb8;
	[tilespmem:$0x1C480] =	vst v63  }
0xc5: {  	_ = 	snop  }
0xc6: {  	[tilespmem:s22], [sflag:$0x1] =	stream.indirect_vreg.gather [hbm4b:s9+s3], $0x80, v20, vm0, $0xb8;
	[tilespmem:$0x1C480] =	vst v63  }
0xc7: {  	_ = 	snop  }
0xc8: {  	[tilespmem:s24], [sflag:$0x1] =	stream.indirect_vreg.gather [hbm4b:s10+s3], $0x80, v20, vm0, $0xb8;
	[tilespmem:$0x1C480] =	vst v63  }
0xc9: {  	[tilespmem:$0x18280] =	vst v2  }
0xca: {  	[tilespmem:$0x18290] =	vst v3  }
0xcb: {  	[tilespmem:s18], [sflag:$0x1] =	stream.indirect_vreg.gather [hbm4b:s2+s3], $0x80, v13, vm0, $0xb8;
	[tilespmem:$0x1C480] =	vst v63  }
0xcc: {  	s15 =	simm.s32 $0x8800  }
0xcd: {  	[tilespmem:s15], [sflag:$0x1] =	stream.indirect_vreg.gather [hbm4b:s8+s3], $0x80, v13, vm0, $0xb8;
	[tilespmem:$0x1C480] =	vst v63  }
0xce: {  	s15 =	simm.s32 $0x9000  }
0xcf: {  	[tilespmem:s15], [sflag:$0x1] =	stream.indirect_vreg.gather [hbm4b:s9+s3], $0x80, v13, vm0, $0xb8;
	[tilespmem:$0x1C480] =	vst v63  }
0xd0: {  	s15 =	simm.s32 $0x9800  }
0xd1: {  	[tilespmem:s15], [sflag:$0x1] =	stream.indirect_vreg.gather [hbm4b:s10+s3], $0x80, v13, vm0, $0xb8;
	[tilespmem:$0x1C480] =	vst v63  }
0xd2: {  	s15 =	simm.s32 $0xA000  }
0xd3: {  	[tilespmem:s15], [sflag:$0x1] =	stream.indirect_vreg.gather [hbm4b:s2+s3], $0x80, v14, vm0, $0xb8;
	[tilespmem:$0x1C480] =	vst v63  }
0xd4: {  	s15 =	simm.s32 $0xA800  }
0xd5: {  	[tilespmem:s15], [sflag:$0x1] =	stream.indirect_vreg.gather [hbm4b:s8+s3], $0x80, v14, vm0, $0xb8;
	[tilespmem:$0x1C480] =	vst v63  }
0xd6: {  	s15 =	simm.s32 $0xB000  }
0xd7: {  	[tilespmem:s15], [sflag:$0x1] =	stream.indirect_vreg.gather [hbm4b:s9+s3], $0x80, v14, vm0, $0xb8;
	[tilespmem:$0x1C480] =	vst v63  }
0xd8: {  	s15 =	simm.s32 $0xB800  }
0xd9: {  	[tilespmem:s15], [sflag:$0x1] =	stream.indirect_vreg.gather [hbm4b:s10+s3], $0x80, v14, vm0, $0xb8;
	[tilespmem:$0x1C480] =	vst v63  }
0xda: {  	v20 =	vld [tilespmem:$0x18290];
	_ =	sdelay $0x4  }
0xdb: {  	v62 =	vshll.u32 v20, $0x3  }
0xdc: {  	v20 =	vand.u32 $0x7, v20;
	v21 =	vand.u32 $0xFFFFFFC0, v62  }
0xdd: {  	v20 =	vor.u32 v20, v21  }
0xde: {  	v21 =	vperm.xlane v20, v7;
	_ =	sdelay $0x1  }
0xdf: {  	v21 =	vadd.s32 v8, v21;
	_ =	sdelay $0x3  }
0xe0: {  	s15 =	simm.s32 $0xC000  }
0xe1: {  	[tilespmem:s15], [sflag:$0x1] =	stream.indirect_vreg.gather [hbm4b:s2+s3], $0x80, v21, vm0, $0xb8;
	[tilespmem:$0x1C480] =	vst v63  }
0xe2: {  	v20 =	vperm.xlane v20, v9;
	s15 =	simm.s32 $0xC800  }
0xe3: {  	[tilespmem:s15], [sflag:$0x1] =	stream.indirect_vreg.gather [hbm4b:s8+s3], $0x80, v21, vm0, $0xb8;
	[tilespmem:$0x1C480] =	vst v63  }
0xe4: {  	v20 =	vadd.s32 v8, v20;
	s15 =	simm.s32 $0xD000  }
0xe5: {  	[tilespmem:s15], [sflag:$0x1] =	stream.indirect_vreg.gather [hbm4b:s9+s3], $0x80, v21, vm0, $0xb8;
	[tilespmem:$0x1C480] =	vst v63  }
0xe6: {  	s15 =	simm.s32 $0xD800  }
0xe7: {  	[tilespmem:s15], [sflag:$0x1] =	stream.indirect_vreg.gather [hbm4b:s10+s3], $0x80, v21, vm0, $0xb8;
	[tilespmem:$0x1C480] =	vst v63  }
0xe8: {  	s15 =	simm.s32 $0xE000  }
0xe9: {  	[tilespmem:s15], [sflag:$0x1] =	stream.indirect_vreg.gather [hbm4b:s2+s3], $0x80, v20, vm0, $0xb8;
	[tilespmem:$0x1C480] =	vst v63  }
0xea: {  	s15 =	simm.s32 $0xE800  }
0xeb: {  	[tilespmem:s15], [sflag:$0x1] =	stream.indirect_vreg.gather [hbm4b:s8+s3], $0x80, v20, vm0, $0xb8;
	[tilespmem:$0x1C480] =	vst v63  }
0xec: {  	s15 =	simm.s32 $0xF000  }
0xed: {  	[tilespmem:s15], [sflag:$0x1] =	stream.indirect_vreg.gather [hbm4b:s9+s3], $0x80, v20, vm0, $0xb8;
	[tilespmem:$0x1C480] =	vst v63  }
0xee: {  	s15 =	simm.s32 $0xF800  }
0xef: {  	[tilespmem:s15], [sflag:$0x1] =	stream.indirect_vreg.gather [hbm4b:s10+s3], $0x80, v20, vm0, $0xb8;
	[tilespmem:$0x1C480] =	vst v63  }
0xf0: {  	_ =	swait.ge [sflag:s21], $0x80  }
0xf1: {  	[sflag:s21] =	ssyncset.done $0x0  }
0xf2: {  	[sflag:s21] =	ssyncadd.s32 $0xFFFFFF80  }
0xf3: {  	_ =	swait.ge [sflag:s21], $0x80  }
0xf4: {  	[sflag:s21] =	ssyncset.done $0x0  }
0xf5: {  	[sflag:s21] =	ssyncadd.s32 $0xFFFFFF80  }
0xf6: {  	_ =	swait.ge [sflag:s21], $0x80  }
0xf7: {  	[sflag:s21] =	ssyncset.done $0x0  }
0xf8: {  	[sflag:s21] =	ssyncadd.s32 $0xFFFFFF80  }
0xf9: {  	_ =	swait.ge [sflag:s21], $0x80  }
0xfa: {  	[sflag:s21] =	ssyncset.done $0x0  }
0xfb: {  	[sflag:s21] =	ssyncadd.s32 $0xFFFFFF80  }
0xfc: {  	_ =	swait.ge [sflag:s26], $0x8000  }
0xfd: {  	[sflag:s26] =	ssyncset.done $0x0  }
0xfe: {  	[sflag:s26] =	ssyncadd.s32 $0xFFFF8000  }
0xff: {  	v20 =	vld [tilespmem:$0x18000]  }
0x100: {  	v63 =	vld [tilespmem:$0x18010];
	_ =	sdelay $0x3  }
0x101: {  	vm1 =	veq.s32 v20, $0x0  }
0x102: {  	vm2 =	veq.s32 v63, $0x0;
	v20 =	vsel vm1, $0x1, v15  }
0x103: {  	(xrf0) =	vadd.scan.msk.s32 $0xffff, v20;
	v20 =	vsel vm2, $0x1, v15  }
0x104: {  	(xrf0) =	vadd.scan.msk.s32 $0xffff, v20;
	_ =	sdelay $0x4  }
0x105: {  	v20, _, _ =	vpop (xrf0)  }
0x106: {  	(v2sf) =	vpush v20, $0xF;
	v20, _, _ =	vpop (xrf0)  }
0x107: {  	(v2sf) =	vpush v20, $0xF;
	_ =	sdelay $0xd  }
0x108: {  	s13 =	spop (v2sf)  }
0x109: {  	s15 =	spop (v2sf)  }
0x10a: {  	s15 =	ssub.s32 $0x0, s15  }
0x10b: {  	p4 =	sne.s32 s13, s15  }
.Ltmp2:
0x10c: {  	_ = 	snop;
	(pc) =	sbr.rel @p4 .LBB2_3-.Ltmp2, $1  }
0x10d: {  	_ =	sdelay $0x3  }
.Ltmp3:
0x10e: {  	(pc) =	sbr.rel .LBB2_4-.Ltmp3, $2  }
0x10f: {  	_ =	sdelay $0x2  }
0x110: {  	[hbm4b:s11+s3] =	stream.linear.scatter [tilespmem:s3], [sflag:$0x2], $0x8000, $0x38;
	[tilespmem:$0x1C480] =	vst v63  }
.LBB2_3:
0x111: {  	v20 =	vsel vm1, $0x0, v0  }
0x112: {  	v21 =	vshll.u32 v20, $0x3  }
0x113: {  	v22 =	vand.u32 $0x7, v20;
	v21 =	vand.u32 $0xFFFFFFC0, v21  }
0x114: {  	v21 =	vor.u32 v22, v21  }
0x115: {  	v22 =	vperm.xlane v21, v7;
	_ =	sdelay $0x1  }
0x116: {  	v22 =	vadd.s32 v8, v22;
	_ =	sdelay $0x3  }
0x117: {  	[tilespmem:$0x18400] =	vst v20  }
0x118: {  	[tilespmem:s28], [sflag:$0x4] =	stream.indirect_vreg.gather [hbm4b:s2+s3], $0x80, v22, vm0, $0xb8;
	[tilespmem:$0x1C480] =	vst v63  }
0x119: {  	v20 =	vperm.xlane v21, v9  }
0x11a: {  	[tilespmem:s29], [sflag:$0x4] =	stream.indirect_vreg.gather [hbm4b:s8+s3], $0x80, v22, vm0, $0xb8;
	[tilespmem:$0x1C480] =	vst v63  }
0x11b: {  	v20 =	vadd.s32 v8, v20  }
0x11c: {  	[tilespmem:s12], [sflag:$0x4] =	stream.indirect_vreg.gather [hbm4b:s9+s3], $0x80, v22, vm0, $0xb8;
	[tilespmem:$0x1C480] =	vst v63  }
0x11d: {  	_ = 	snop  }
0x11e: {  	[tilespmem:s4], [sflag:$0x4] =	stream.indirect_vreg.gather [hbm4b:s10+s3], $0x80, v22, vm0, $0xb8;
	[tilespmem:$0x1C480] =	vst v63  }
0x11f: {  	_ = 	snop  }
0x120: {  	[tilespmem:s31], [sflag:$0x4] =	stream.indirect_vreg.gather [hbm4b:s2+s3], $0x80, v20, vm0, $0xb8;
	[tilespmem:$0x1C480] =	vst v63  }
0x121: {  	_ = 	snop  }
0x122: {  	[tilespmem:s5], [sflag:$0x4] =	stream.indirect_vreg.gather [hbm4b:s8+s3], $0x80, v20, vm0, $0xb8;
	[tilespmem:$0x1C480] =	vst v63  }
0x123: {  	_ = 	snop  }
0x124: {  	[tilespmem:s6], [sflag:$0x4] =	stream.indirect_vreg.gather [hbm4b:s9+s3], $0x80, v20, vm0, $0xb8;
	[tilespmem:$0x1C480] =	vst v63  }
0x125: {  	_ = 	snop  }
0x126: {  	[tilespmem:s1], [sflag:$0x4] =	stream.indirect_vreg.gather [hbm4b:s10+s3], $0x80, v20, vm0, $0xb8;
	[tilespmem:$0x1C480] =	vst v63  }
0x127: {  	_ =	swait.ge [sflag:s7], $0x4000  }
0x128: {  	[sflag:s7] =	ssyncset.done $0x0  }
0x129: {  	[sflag:s7] =	ssyncadd.s32 $0xFFFFC000  }
0x12a: {  	[hbm4b:s11+s3] =	stream.linear.scatter [tilespmem:s28], [sflag:$0x5], $0x4000, $0x38;
	[tilespmem:$0x1C480] =	vst v63  }
0x12b: {  	_ =	swait.ge [sflag:s14], $0x4000  }
0x12c: {  	[sflag:s14] =	ssyncset.done $0x0  }
0x12d: {  	[sflag:s14] =	ssyncadd.s32 $0xFFFFC000  }
0x12e: {  	v20 =	vld [tilespmem:$0x18010];
	_ =	sdelay $0x4  }
0x12f: {  	vm1 =	veq.s32 v20, $0x0  }
0x130: {  	v20 =	vsel vm1, $0x0, v1  }
0x131: {  	v62 =	vshll.u32 v20, $0x3  }
0x132: {  	v63 =	vand.u32 $0x7, v20;
	v21 =	vand.u32 $0xFFFFFFC0, v62  }
0x133: {  	v21 =	vor.u32 v63, v21  }
0x134: {  	v22 =	vperm.xlane v21, v7;
	_ =	sdelay $0x1  }
0x135: {  	v22 =	vadd.s32 v8, v22;
	_ =	sdelay $0x3  }
0x136: {  	[tilespmem:$0x18400] =	vst v20  }
0x137: {  	[tilespmem:s28], [sflag:$0x4] =	stream.indirect_vreg.gather [hbm4b:s2+s3], $0x80, v22, vm0, $0xb8;
	[tilespmem:$0x1C480] =	vst v63  }
0x138: {  	v20 =	vperm.xlane v21, v9  }
0x139: {  	[tilespmem:s29], [sflag:$0x4] =	stream.indirect_vreg.gather [hbm4b:s8+s3], $0x80, v22, vm0, $0xb8;
	[tilespmem:$0x1C480] =	vst v63  }
0x13a: {  	v20 =	vadd.s32 v8, v20  }
0x13b: {  	[tilespmem:s12], [sflag:$0x4] =	stream.indirect_vreg.gather [hbm4b:s9+s3], $0x80, v22, vm0, $0xb8;
	[tilespmem:$0x1C480] =	vst v63  }
0x13c: {  	_ = 	snop  }
0x13d: {  	[tilespmem:s4], [sflag:$0x4] =	stream.indirect_vreg.gather [hbm4b:s10+s3], $0x80, v22, vm0, $0xb8;
	[tilespmem:$0x1C480] =	vst v63  }
0x13e: {  	_ = 	snop  }
0x13f: {  	[tilespmem:s31], [sflag:$0x4] =	stream.indirect_vreg.gather [hbm4b:s2+s3], $0x80, v20, vm0, $0xb8;
	[tilespmem:$0x1C480] =	vst v63  }
0x140: {  	_ = 	snop  }
0x141: {  	[tilespmem:s5], [sflag:$0x4] =	stream.indirect_vreg.gather [hbm4b:s8+s3], $0x80, v20, vm0, $0xb8;
	[tilespmem:$0x1C480] =	vst v63  }
0x142: {  	_ = 	snop  }
0x143: {  	[tilespmem:s6], [sflag:$0x4] =	stream.indirect_vreg.gather [hbm4b:s9+s3], $0x80, v20, vm0, $0xb8;
	[tilespmem:$0x1C480] =	vst v63  }
0x144: {  	_ = 	snop  }
0x145: {  	[tilespmem:s1], [sflag:$0x4] =	stream.indirect_vreg.gather [hbm4b:s10+s3], $0x80, v20, vm0, $0xb8;
	[tilespmem:$0x1C480] =	vst v63  }
0x146: {  	_ =	swait.ge [sflag:s7], $0x4000  }
0x147: {  	[sflag:s7] =	ssyncset.done $0x0  }
0x148: {  	s13 =	rddreg [dreg:$0x8];
	[sflag:s7] =	ssyncadd.s32 $0xFFFFC000  }
0x149: {  	[hbm4b:s13+s3] =	stream.linear.scatter [tilespmem:s28], [sflag:$0x5], $0x4000, $0x38;
	[tilespmem:$0x1C480] =	vst v63  }
0x14a: {  	_ =	swait.ge [sflag:s14], $0x4000  }
0x14b: {  	[sflag:s14] =	ssyncset.done $0x0  }
0x14c: {  	[sflag:s14] =	ssyncadd.s32 $0xFFFFC000  }
.LBB2_4:
0x14d: {  	v20 =	vld [tilespmem:$0x18080]  }
0x14e: {  	v21 =	vld [tilespmem:$0x18090];
	_ =	sdelay $0x3  }
0x14f: {  	vm1 =	veq.s32 v20, $0x0  }
0x150: {  	vm2 =	veq.s32 v21, $0x0;
	v20 =	vsel vm1, $0x1, v15  }
0x151: {  	(xrf0) =	vadd.scan.msk.s32 $0xffff, v20;
	v20 =	vsel vm2, $0x1, v15  }
0x152: {  	(xrf0) =	vadd.scan.msk.s32 $0xffff, v20;
	_ =	sdelay $0x4  }
0x153: {  	v20, _, _ =	vpop (xrf0)  }
0x154: {  	(v2sf) =	vpush v20, $0xF;
	v20, _, _ =	vpop (xrf0)  }
0x155: {  	(v2sf) =	vpush v20, $0xF;
	_ =	sdelay $0xd  }
0x156: {  	s13 =	spop (v2sf)  }
0x157: {  	s15 =	spop (v2sf)  }
0x158: {  	s15 =	ssub.s32 $0x0, s15  }
0x159: {  	p5 =	sne.s32 s13, s15  }
.Ltmp4:
0x15a: {  	_ = 	snop;
	(pc) =	sbr.rel @p5 .LBB2_6-.Ltmp4, $1  }
0x15b: {  	_ =	sdelay $0x3  }
.Ltmp5:
0x15c: {  	(pc) =	sbr.rel .LBB2_7-.Ltmp5, $3  }
0x15d: {  	_ =	sdelay $0x1  }
0x15e: {  	s13 =	rddreg [dreg:$0x9]  }
0x15f: {  	[hbm4b:s13+s3] =	stream.linear.scatter [tilespmem:s3], [sflag:$0x2], $0x8000, $0x38;
	[tilespmem:$0x1C480] =	vst v63  }
.LBB2_6:
0x160: {  	v20 =	vsel vm1, $0x0, v0  }
0x161: {  	v21 =	vshll.u32 v20, $0x3  }
0x162: {  	v22 =	vand.u32 $0x7, v20;
	v21 =	vand.u32 $0xFFFFFFC0, v21  }
0x163: {  	v21 =	vor.u32 v22, v21  }
0x164: {  	v22 =	vperm.xlane v21, v7;
	_ =	sdelay $0x1  }
0x165: {  	v22 =	vadd.s32 v8, v22;
	_ =	sdelay $0x3  }
0x166: {  	[tilespmem:$0x18400] =	vst v20  }
0x167: {  	[tilespmem:s28], [sflag:$0x4] =	stream.indirect_vreg.gather [hbm4b:s2+s3], $0x80, v22, vm0, $0xb8;
	[tilespmem:$0x1C480] =	vst v63  }
0x168: {  	v20 =	vperm.xlane v21, v9  }
0x169: {  	[tilespmem:s29], [sflag:$0x4] =	stream.indirect_vreg.gather [hbm4b:s8+s3], $0x80, v22, vm0, $0xb8;
	[tilespmem:$0x1C480] =	vst v63  }
0x16a: {  	v20 =	vadd.s32 v8, v20  }
0x16b: {  	[tilespmem:s12], [sflag:$0x4] =	stream.indirect_vreg.gather [hbm4b:s9+s3], $0x80, v22, vm0, $0xb8;
	[tilespmem:$0x1C480] =	vst v63  }
0x16c: {  	_ = 	snop  }
0x16d: {  	[tilespmem:s4], [sflag:$0x4] =	stream.indirect_vreg.gather [hbm4b:s10+s3], $0x80, v22, vm0, $0xb8;
	[tilespmem:$0x1C480] =	vst v63  }
0x16e: {  	_ = 	snop  }
0x16f: {  	[tilespmem:s31], [sflag:$0x4] =	stream.indirect_vreg.gather [hbm4b:s2+s3], $0x80, v20, vm0, $0xb8;
	[tilespmem:$0x1C480] =	vst v63  }
0x170: {  	_ = 	snop  }
0x171: {  	[tilespmem:s5], [sflag:$0x4] =	stream.indirect_vreg.gather [hbm4b:s8+s3], $0x80, v20, vm0, $0xb8;
	[tilespmem:$0x1C480] =	vst v63  }
0x172: {  	_ = 	snop  }
0x173: {  	[tilespmem:s6], [sflag:$0x4] =	stream.indirect_vreg.gather [hbm4b:s9+s3], $0x80, v20, vm0, $0xb8;
	[tilespmem:$0x1C480] =	vst v63  }
0x174: {  	_ = 	snop  }
0x175: {  	[tilespmem:s1], [sflag:$0x4] =	stream.indirect_vreg.gather [hbm4b:s10+s3], $0x80, v20, vm0, $0xb8;
	[tilespmem:$0x1C480] =	vst v63  }
0x176: {  	_ =	swait.ge [sflag:s7], $0x4000  }
0x177: {  	[sflag:s7] =	ssyncset.done $0x0  }
0x178: {  	s13 =	rddreg [dreg:$0x9];
	[sflag:s7] =	ssyncadd.s32 $0xFFFFC000  }
0x179: {  	[hbm4b:s13+s3] =	stream.linear.scatter [tilespmem:s28], [sflag:$0x5], $0x4000, $0x38;
	[tilespmem:$0x1C480] =	vst v63  }
0x17a: {  	_ =	swait.ge [sflag:s14], $0x4000  }
0x17b: {  	[sflag:s14] =	ssyncset.done $0x0  }
0x17c: {  	[sflag:s14] =	ssyncadd.s32 $0xFFFFC000  }
0x17d: {  	v20 =	vld [tilespmem:$0x18090];
	_ =	sdelay $0x4  }
0x17e: {  	vm1 =	veq.s32 v20, $0x0  }
0x17f: {  	v20 =	vsel vm1, $0x0, v1  }
0x180: {  	v62 =	vshll.u32 v20, $0x3  }
0x181: {  	v63 =	vand.u32 $0x7, v20;
	v21 =	vand.u32 $0xFFFFFFC0, v62  }
0x182: {  	v21 =	vor.u32 v63, v21  }
0x183: {  	v22 =	vperm.xlane v21, v7;
	_ =	sdelay $0x1  }
0x184: {  	v22 =	vadd.s32 v8, v22;
	_ =	sdelay $0x3  }
0x185: {  	[tilespmem:$0x18400] =	vst v20  }
0x186: {  	[tilespmem:s28], [sflag:$0x4] =	stream.indirect_vreg.gather [hbm4b:s2+s3], $0x80, v22, vm0, $0xb8;
	[tilespmem:$0x1C480] =	vst v63  }
0x187: {  	v20 =	vperm.xlane v21, v9  }
0x188: {  	[tilespmem:s29], [sflag:$0x4] =	stream.indirect_vreg.gather [hbm4b:s8+s3], $0x80, v22, vm0, $0xb8;
	[tilespmem:$0x1C480] =	vst v63  }
0x189: {  	v20 =	vadd.s32 v8, v20  }
0x18a: {  	[tilespmem:s12], [sflag:$0x4] =	stream.indirect_vreg.gather [hbm4b:s9+s3], $0x80, v22, vm0, $0xb8;
	[tilespmem:$0x1C480] =	vst v63  }
0x18b: {  	_ = 	snop  }
0x18c: {  	[tilespmem:s4], [sflag:$0x4] =	stream.indirect_vreg.gather [hbm4b:s10+s3], $0x80, v22, vm0, $0xb8;
	[tilespmem:$0x1C480] =	vst v63  }
0x18d: {  	_ = 	snop  }
0x18e: {  	[tilespmem:s31], [sflag:$0x4] =	stream.indirect_vreg.gather [hbm4b:s2+s3], $0x80, v20, vm0, $0xb8;
	[tilespmem:$0x1C480] =	vst v63  }
0x18f: {  	_ = 	snop  }
0x190: {  	[tilespmem:s5], [sflag:$0x4] =	stream.indirect_vreg.gather [hbm4b:s8+s3], $0x80, v20, vm0, $0xb8;
	[tilespmem:$0x1C480] =	vst v63  }
0x191: {  	_ = 	snop  }
0x192: {  	[tilespmem:s6], [sflag:$0x4] =	stream.indirect_vreg.gather [hbm4b:s9+s3], $0x80, v20, vm0, $0xb8;
	[tilespmem:$0x1C480] =	vst v63  }
0x193: {  	_ = 	snop  }
0x194: {  	[tilespmem:s1], [sflag:$0x4] =	stream.indirect_vreg.gather [hbm4b:s10+s3], $0x80, v20, vm0, $0xb8;
	[tilespmem:$0x1C480] =	vst v63  }
0x195: {  	_ =	swait.ge [sflag:s7], $0x4000  }
0x196: {  	[sflag:s7] =	ssyncset.done $0x0  }
0x197: {  	s15 =	rddreg [dreg:$0xa];
	[sflag:s7] =	ssyncadd.s32 $0xFFFFC000  }
0x198: {  	[hbm4b:s15+s3] =	stream.linear.scatter [tilespmem:s28], [sflag:$0x5], $0x4000, $0x38;
	[tilespmem:$0x1C480] =	vst v63  }
0x199: {  	_ =	swait.ge [sflag:s14], $0x4000  }
0x19a: {  	[sflag:s14] =	ssyncset.done $0x0  }
0x19b: {  	[sflag:s14] =	ssyncadd.s32 $0xFFFFC000  }
.LBB2_7:
0x19c: {  	v20 =	vld [tilespmem:$0x18100]  }
0x19d: {  	v21 =	vld [tilespmem:$0x18110];
	_ =	sdelay $0x3  }
0x19e: {  	vm1 =	veq.s32 v20, $0x0  }
0x19f: {  	vm2 =	veq.s32 v21, $0x0;
	v20 =	vsel vm1, $0x1, v15  }
0x1a0: {  	(xrf0) =	vadd.scan.msk.s32 $0xffff, v20;
	v20 =	vsel vm2, $0x1, v15  }
0x1a1: {  	(xrf0) =	vadd.scan.msk.s32 $0xffff, v20;
	_ =	sdelay $0x4  }
0x1a2: {  	v20, _, _ =	vpop (xrf0)  }
0x1a3: {  	(v2sf) =	vpush v20, $0xF;
	v20, _, _ =	vpop (xrf0)  }
0x1a4: {  	(v2sf) =	vpush v20, $0xF;
	_ =	sdelay $0xd  }
0x1a5: {  	s13 =	spop (v2sf)  }
0x1a6: {  	s15 =	spop (v2sf)  }
0x1a7: {  	s15 =	ssub.s32 $0x0, s15  }
0x1a8: {  	p6 =	sne.s32 s13, s15  }
.Ltmp6:
0x1a9: {  	_ = 	snop;
	(pc) =	sbr.rel @p6 .LBB2_9-.Ltmp6, $1  }
0x1aa: {  	_ =	sdelay $0x3  }
.Ltmp7:
0x1ab: {  	(pc) =	sbr.rel .LBB2_10-.Ltmp7, $3  }
0x1ac: {  	_ =	sdelay $0x1  }
0x1ad: {  	s13 =	rddreg [dreg:$0xb]  }
0x1ae: {  	[hbm4b:s13+s3] =	stream.linear.scatter [tilespmem:s3], [sflag:$0x2], $0x8000, $0x38;
	[tilespmem:$0x1C480] =	vst v63  }
.LBB2_9:
0x1af: {  	v20 =	vsel vm1, $0x0, v0  }
0x1b0: {  	v21 =	vshll.u32 v20, $0x3  }
0x1b1: {  	v22 =	vand.u32 $0x7, v20;
	v21 =	vand.u32 $0xFFFFFFC0, v21  }
0x1b2: {  	v21 =	vor.u32 v22, v21  }
0x1b3: {  	v22 =	vperm.xlane v21, v7;
	_ =	sdelay $0x1  }
0x1b4: {  	v22 =	vadd.s32 v8, v22;
	_ =	sdelay $0x3  }
0x1b5: {  	[tilespmem:$0x18400] =	vst v20  }
0x1b6: {  	[tilespmem:s28], [sflag:$0x4] =	stream.indirect_vreg.gather [hbm4b:s2+s3], $0x80, v22, vm0, $0xb8;
	[tilespmem:$0x1C480] =	vst v63  }
0x1b7: {  	v20 =	vperm.xlane v21, v9  }
0x1b8: {  	[tilespmem:s29], [sflag:$0x4] =	stream.indirect_vreg.gather [hbm4b:s8+s3], $0x80, v22, vm0, $0xb8;
	[tilespmem:$0x1C480] =	vst v63  }
0x1b9: {  	v20 =	vadd.s32 v8, v20  }
0x1ba: {  	[tilespmem:s12], [sflag:$0x4] =	stream.indirect_vreg.gather [hbm4b:s9+s3], $0x80, v22, vm0, $0xb8;
	[tilespmem:$0x1C480] =	vst v63  }
0x1bb: {  	_ = 	snop  }
0x1bc: {  	[tilespmem:s4], [sflag:$0x4] =	stream.indirect_vreg.gather [hbm4b:s10+s3], $0x80, v22, vm0, $0xb8;
	[tilespmem:$0x1C480] =	vst v63  }
0x1bd: {  	_ = 	snop  }
0x1be: {  	[tilespmem:s31], [sflag:$0x4] =	stream.indirect_vreg.gather [hbm4b:s2+s3], $0x80, v20, vm0, $0xb8;
	[tilespmem:$0x1C480] =	vst v63  }
0x1bf: {  	_ = 	snop  }
0x1c0: {  	[tilespmem:s5], [sflag:$0x4] =	stream.indirect_vreg.gather [hbm4b:s8+s3], $0x80, v20, vm0, $0xb8;
	[tilespmem:$0x1C480] =	vst v63  }
0x1c1: {  	_ = 	snop  }
0x1c2: {  	[tilespmem:s6], [sflag:$0x4] =	stream.indirect_vreg.gather [hbm4b:s9+s3], $0x80, v20, vm0, $0xb8;
	[tilespmem:$0x1C480] =	vst v63  }
0x1c3: {  	_ = 	snop  }
0x1c4: {  	[tilespmem:s1], [sflag:$0x4] =	stream.indirect_vreg.gather [hbm4b:s10+s3], $0x80, v20, vm0, $0xb8;
	[tilespmem:$0x1C480] =	vst v63  }
0x1c5: {  	_ =	swait.ge [sflag:s7], $0x4000  }
0x1c6: {  	[sflag:s7] =	ssyncset.done $0x0  }
0x1c7: {  	s13 =	rddreg [dreg:$0xb];
	[sflag:s7] =	ssyncadd.s32 $0xFFFFC000  }
0x1c8: {  	[hbm4b:s13+s3] =	stream.linear.scatter [tilespmem:s28], [sflag:$0x5], $0x4000, $0x38;
	[tilespmem:$0x1C480] =	vst v63  }
0x1c9: {  	_ =	swait.ge [sflag:s14], $0x4000  }
0x1ca: {  	[sflag:s14] =	ssyncset.done $0x0  }
0x1cb: {  	[sflag:s14] =	ssyncadd.s32 $0xFFFFC000  }
0x1cc: {  	v20 =	vld [tilespmem:$0x18110];
	_ =	sdelay $0x4  }
0x1cd: {  	vm1 =	veq.s32 v20, $0x0  }
0x1ce: {  	v20 =	vsel vm1, $0x0, v1  }
0x1cf: {  	v62 =	vshll.u32 v20, $0x3  }
0x1d0: {  	v63 =	vand.u32 $0x7, v20;
	v21 =	vand.u32 $0xFFFFFFC0, v62  }
0x1d1: {  	v21 =	vor.u32 v63, v21  }
0x1d2: {  	v22 =	vperm.xlane v21, v7;
	_ =	sdelay $0x1  }
0x1d3: {  	v22 =	vadd.s32 v8, v22;
	_ =	sdelay $0x3  }
0x1d4: {  	[tilespmem:$0x18400] =	vst v20  }
0x1d5: {  	[tilespmem:s28], [sflag:$0x4] =	stream.indirect_vreg.gather [hbm4b:s2+s3], $0x80, v22, vm0, $0xb8;
	[tilespmem:$0x1C480] =	vst v63  }
0x1d6: {  	v20 =	vperm.xlane v21, v9  }
0x1d7: {  	[tilespmem:s29], [sflag:$0x4] =	stream.indirect_vreg.gather [hbm4b:s8+s3], $0x80, v22, vm0, $0xb8;
	[tilespmem:$0x1C480] =	vst v63  }
0x1d8: {  	v20 =	vadd.s32 v8, v20  }
0x1d9: {  	[tilespmem:s12], [sflag:$0x4] =	stream.indirect_vreg.gather [hbm4b:s9+s3], $0x80, v22, vm0, $0xb8;
	[tilespmem:$0x1C480] =	vst v63  }
0x1da: {  	_ = 	snop  }
0x1db: {  	[tilespmem:s4], [sflag:$0x4] =	stream.indirect_vreg.gather [hbm4b:s10+s3], $0x80, v22, vm0, $0xb8;
	[tilespmem:$0x1C480] =	vst v63  }
0x1dc: {  	_ = 	snop  }
0x1dd: {  	[tilespmem:s31], [sflag:$0x4] =	stream.indirect_vreg.gather [hbm4b:s2+s3], $0x80, v20, vm0, $0xb8;
	[tilespmem:$0x1C480] =	vst v63  }
0x1de: {  	_ = 	snop  }
0x1df: {  	[tilespmem:s5], [sflag:$0x4] =	stream.indirect_vreg.gather [hbm4b:s8+s3], $0x80, v20, vm0, $0xb8;
	[tilespmem:$0x1C480] =	vst v63  }
0x1e0: {  	_ = 	snop  }
0x1e1: {  	[tilespmem:s6], [sflag:$0x4] =	stream.indirect_vreg.gather [hbm4b:s9+s3], $0x80, v20, vm0, $0xb8;
	[tilespmem:$0x1C480] =	vst v63  }
0x1e2: {  	_ = 	snop  }
0x1e3: {  	[tilespmem:s1], [sflag:$0x4] =	stream.indirect_vreg.gather [hbm4b:s10+s3], $0x80, v20, vm0, $0xb8;
	[tilespmem:$0x1C480] =	vst v63  }
0x1e4: {  	_ =	swait.ge [sflag:s7], $0x4000  }
0x1e5: {  	[sflag:s7] =	ssyncset.done $0x0  }
0x1e6: {  	s15 =	rddreg [dreg:$0xd];
	[sflag:s7] =	ssyncadd.s32 $0xFFFFC000  }
0x1e7: {  	[hbm4b:s15+s3] =	stream.linear.scatter [tilespmem:s28], [sflag:$0x5], $0x4000, $0x38;
	[tilespmem:$0x1C480] =	vst v63  }
0x1e8: {  	_ =	swait.ge [sflag:s14], $0x4000  }
0x1e9: {  	[sflag:s14] =	ssyncset.done $0x0  }
0x1ea: {  	[sflag:s14] =	ssyncadd.s32 $0xFFFFC000  }
.LBB2_10:
0x1eb: {  	v20 =	vld [tilespmem:$0x18180]  }
0x1ec: {  	v21 =	vld [tilespmem:$0x18190];
	_ =	sdelay $0x3  }
0x1ed: {  	vm1 =	veq.s32 v20, $0x0  }
0x1ee: {  	vm2 =	veq.s32 v21, $0x0;
	v20 =	vsel vm1, $0x1, v15  }
0x1ef: {  	(xrf0) =	vadd.scan.msk.s32 $0xffff, v20;
	v20 =	vsel vm2, $0x1, v15  }
0x1f0: {  	(xrf0) =	vadd.scan.msk.s32 $0xffff, v20;
	_ =	sdelay $0x4  }
0x1f1: {  	v20, _, _ =	vpop (xrf0)  }
0x1f2: {  	(v2sf) =	vpush v20, $0xF;
	v20, _, _ =	vpop (xrf0)  }
0x1f3: {  	(v2sf) =	vpush v20, $0xF;
	_ =	sdelay $0xd  }
0x1f4: {  	s13 =	spop (v2sf)  }
0x1f5: {  	s15 =	spop (v2sf)  }
0x1f6: {  	s15 =	ssub.s32 $0x0, s15  }
0x1f7: {  	p0 =	sne.s32 s13, s15  }
.Ltmp8:
0x1f8: {  	_ = 	snop;
	(pc) =	sbr.rel @p0 .LBB2_12-.Ltmp8, $1  }
0x1f9: {  	_ =	sdelay $0x3  }
.Ltmp9:
0x1fa: {  	(pc) =	sbr.rel .LBB2_13-.Ltmp9, $3  }
0x1fb: {  	_ =	sdelay $0x1  }
0x1fc: {  	s13 =	rddreg [dreg:$0xc]  }
0x1fd: {  	[hbm4b:s13+s3] =	stream.linear.scatter [tilespmem:s3], [sflag:$0x2], $0x8000, $0x38;
	[tilespmem:$0x1C480] =	vst v63  }
.LBB2_12:
0x1fe: {  	v20 =	vsel vm1, $0x0, v0  }
0x1ff: {  	v21 =	vshll.u32 v20, $0x3  }
0x200: {  	v22 =	vand.u32 $0x7, v20;
	v21 =	vand.u32 $0xFFFFFFC0, v21  }
0x201: {  	v21 =	vor.u32 v22, v21  }
0x202: {  	v22 =	vperm.xlane v21, v7;
	_ =	sdelay $0x1  }
0x203: {  	v22 =	vadd.s32 v8, v22;
	_ =	sdelay $0x3  }
0x204: {  	[tilespmem:$0x18400] =	vst v20  }
0x205: {  	[tilespmem:s28], [sflag:$0x4] =	stream.indirect_vreg.gather [hbm4b:s2+s3], $0x80, v22, vm0, $0xb8;
	[tilespmem:$0x1C480] =	vst v63  }
0x206: {  	v20 =	vperm.xlane v21, v9  }
0x207: {  	[tilespmem:s29], [sflag:$0x4] =	stream.indirect_vreg.gather [hbm4b:s8+s3], $0x80, v22, vm0, $0xb8;
	[tilespmem:$0x1C480] =	vst v63  }
0x208: {  	v20 =	vadd.s32 v8, v20  }
0x209: {  	[tilespmem:s12], [sflag:$0x4] =	stream.indirect_vreg.gather [hbm4b:s9+s3], $0x80, v22, vm0, $0xb8;
	[tilespmem:$0x1C480] =	vst v63  }
0x20a: {  	_ = 	snop  }
0x20b: {  	[tilespmem:s4], [sflag:$0x4] =	stream.indirect_vreg.gather [hbm4b:s10+s3], $0x80, v22, vm0, $0xb8;
	[tilespmem:$0x1C480] =	vst v63  }
0x20c: {  	_ = 	snop  }
0x20d: {  	[tilespmem:s31], [sflag:$0x4] =	stream.indirect_vreg.gather [hbm4b:s2+s3], $0x80, v20, vm0, $0xb8;
	[tilespmem:$0x1C480] =	vst v63  }
0x20e: {  	_ = 	snop  }
0x20f: {  	[tilespmem:s5], [sflag:$0x4] =	stream.indirect_vreg.gather [hbm4b:s8+s3], $0x80, v20, vm0, $0xb8;
	[tilespmem:$0x1C480] =	vst v63  }
0x210: {  	_ = 	snop  }
0x211: {  	[tilespmem:s6], [sflag:$0x4] =	stream.indirect_vreg.gather [hbm4b:s9+s3], $0x80, v20, vm0, $0xb8;
	[tilespmem:$0x1C480] =	vst v63  }
0x212: {  	_ = 	snop  }
0x213: {  	[tilespmem:s1], [sflag:$0x4] =	stream.indirect_vreg.gather [hbm4b:s10+s3], $0x80, v20, vm0, $0xb8;
	[tilespmem:$0x1C480] =	vst v63  }
0x214: {  	_ =	swait.ge [sflag:s7], $0x4000  }
0x215: {  	[sflag:s7] =	ssyncset.done $0x0  }
0x216: {  	s13 =	rddreg [dreg:$0xc];
	[sflag:s7] =	ssyncadd.s32 $0xFFFFC000  }
0x217: {  	[hbm4b:s13+s3] =	stream.linear.scatter [tilespmem:s28], [sflag:$0x5], $0x4000, $0x38;
	[tilespmem:$0x1C480] =	vst v63  }
0x218: {  	_ =	swait.ge [sflag:s14], $0x4000  }
0x219: {  	[sflag:s14] =	ssyncset.done $0x0  }
0x21a: {  	[sflag:s14] =	ssyncadd.s32 $0xFFFFC000  }
0x21b: {  	v20 =	vld [tilespmem:$0x18190];
	_ =	sdelay $0x4  }
0x21c: {  	vm1 =	veq.s32 v20, $0x0  }
0x21d: {  	v20 =	vsel vm1, $0x0, v1  }
0x21e: {  	v62 =	vshll.u32 v20, $0x3  }
0x21f: {  	v63 =	vand.u32 $0x7, v20;
	v21 =	vand.u32 $0xFFFFFFC0, v62  }
0x220: {  	v21 =	vor.u32 v63, v21  }
0x221: {  	v22 =	vperm.xlane v21, v7;
	_ =	sdelay $0x1  }
0x222: {  	v22 =	vadd.s32 v8, v22;
	_ =	sdelay $0x3  }
0x223: {  	[tilespmem:$0x18400] =	vst v20  }
0x224: {  	[tilespmem:s28], [sflag:$0x4] =	stream.indirect_vreg.gather [hbm4b:s2+s3], $0x80, v22, vm0, $0xb8;
	[tilespmem:$0x1C480] =	vst v63  }
0x225: {  	v20 =	vperm.xlane v21, v9  }
0x226: {  	[tilespmem:s29], [sflag:$0x4] =	stream.indirect_vreg.gather [hbm4b:s8+s3], $0x80, v22, vm0, $0xb8;
	[tilespmem:$0x1C480] =	vst v63  }
0x227: {  	v20 =	vadd.s32 v8, v20  }
0x228: {  	[tilespmem:s12], [sflag:$0x4] =	stream.indirect_vreg.gather [hbm4b:s9+s3], $0x80, v22, vm0, $0xb8;
	[tilespmem:$0x1C480] =	vst v63  }
0x229: {  	_ = 	snop  }
0x22a: {  	[tilespmem:s4], [sflag:$0x4] =	stream.indirect_vreg.gather [hbm4b:s10+s3], $0x80, v22, vm0, $0xb8;
	[tilespmem:$0x1C480] =	vst v63  }
0x22b: {  	_ = 	snop  }
0x22c: {  	[tilespmem:s31], [sflag:$0x4] =	stream.indirect_vreg.gather [hbm4b:s2+s3], $0x80, v20, vm0, $0xb8;
	[tilespmem:$0x1C480] =	vst v63  }
0x22d: {  	_ = 	snop  }
0x22e: {  	[tilespmem:s5], [sflag:$0x4] =	stream.indirect_vreg.gather [hbm4b:s8+s3], $0x80, v20, vm0, $0xb8;
	[tilespmem:$0x1C480] =	vst v63  }
0x22f: {  	_ = 	snop  }
0x230: {  	[tilespmem:s6], [sflag:$0x4] =	stream.indirect_vreg.gather [hbm4b:s9+s3], $0x80, v20, vm0, $0xb8;
	[tilespmem:$0x1C480] =	vst v63  }
0x231: {  	_ = 	snop  }
0x232: {  	[tilespmem:s1], [sflag:$0x4] =	stream.indirect_vreg.gather [hbm4b:s10+s3], $0x80, v20, vm0, $0xb8;
	[tilespmem:$0x1C480] =	vst v63  }
0x233: {  	_ =	swait.ge [sflag:s7], $0x4000  }
0x234: {  	[sflag:s7] =	ssyncset.done $0x0  }
0x235: {  	s15 =	rddreg [dreg:$0xe];
	[sflag:s7] =	ssyncadd.s32 $0xFFFFC000  }
0x236: {  	[hbm4b:s15+s3] =	stream.linear.scatter [tilespmem:s28], [sflag:$0x5], $0x4000, $0x38;
	[tilespmem:$0x1C480] =	vst v63  }
0x237: {  	_ =	swait.ge [sflag:s14], $0x4000  }
0x238: {  	[sflag:s14] =	ssyncset.done $0x0  }
0x239: {  	[sflag:s14] =	ssyncadd.s32 $0xFFFFC000  }
.LBB2_13:
0x23a: {  	_ =	sdelay $0x1  }
0x23b: {  	[tilespmem:$0x18300] =	vst v4  }
0x23c: {  	[tilespmem:$0x18310] =	vst v5  }
0x23d: {  	[tilespmem:s25], [sflag:$0x1] =	stream.indirect_vreg.gather [hbm4b:s2+s3], $0x80, v16, vm0, $0xb8;
	[tilespmem:$0x1C480] =	vst v63  }
0x23e: {  	s13 =	simm.s32 $0x10800  }
0x23f: {  	[tilespmem:s13], [sflag:$0x1] =	stream.indirect_vreg.gather [hbm4b:s8+s3], $0x80, v16, vm0, $0xb8;
	[tilespmem:$0x1C480] =	vst v63  }
0x240: {  	s15 =	simm.s32 $0x11000  }
0x241: {  	[tilespmem:s15], [sflag:$0x1] =	stream.indirect_vreg.gather [hbm4b:s9+s3], $0x80, v16, vm0, $0xb8;
	[tilespmem:$0x1C480] =	vst v63  }
0x242: {  	s15 =	simm.s32 $0x11800  }
0x243: {  	[tilespmem:s15], [sflag:$0x1] =	stream.indirect_vreg.gather [hbm4b:s10+s3], $0x80, v16, vm0, $0xb8;
	[tilespmem:$0x1C480] =	vst v63  }
0x244: {  	s15 =	simm.s32 $0x12000  }
0x245: {  	[tilespmem:s15], [sflag:$0x1] =	stream.indirect_vreg.gather [hbm4b:s2+s3], $0x80, v17, vm0, $0xb8;
	[tilespmem:$0x1C480] =	vst v63  }
0x246: {  	s15 =	simm.s32 $0x12800  }
0x247: {  	[tilespmem:s15], [sflag:$0x1] =	stream.indirect_vreg.gather [hbm4b:s8+s3], $0x80, v17, vm0, $0xb8;
	[tilespmem:$0x1C480] =	vst v63  }
0x248: {  	s15 =	simm.s32 $0x13000  }
0x249: {  	[tilespmem:s15], [sflag:$0x1] =	stream.indirect_vreg.gather [hbm4b:s9+s3], $0x80, v17, vm0, $0xb8;
	[tilespmem:$0x1C480] =	vst v63  }
0x24a: {  	s15 =	simm.s32 $0x13800  }
0x24b: {  	[tilespmem:s15], [sflag:$0x1] =	stream.indirect_vreg.gather [hbm4b:s10+s3], $0x80, v17, vm0, $0xb8;
	[tilespmem:$0x1C480] =	vst v63  }
0x24c: {  	v20 =	vld [tilespmem:$0x18310];
	_ =	sdelay $0x4  }
0x24d: {  	v21 =	vshll.u32 v20, $0x3  }
0x24e: {  	v20 =	vand.u32 $0x7, v20;
	v21 =	vand.u32 $0xFFFFFFC0, v21  }
0x24f: {  	v20 =	vor.u32 v20, v21  }
0x250: {  	v21 =	vperm.xlane v20, v7;
	_ =	sdelay $0x1  }
0x251: {  	v21 =	vadd.s32 v8, v21;
	_ =	sdelay $0x3  }
0x252: {  	s15 =	simm.s32 $0x14000  }
0x253: {  	[tilespmem:s15], [sflag:$0x1] =	stream.indirect_vreg.gather [hbm4b:s2+s3], $0x80, v21, vm0, $0xb8;
	[tilespmem:$0x1C480] =	vst v63  }
0x254: {  	v20 =	vperm.xlane v20, v9;
	s15 =	simm.s32 $0x14800  }
0x255: {  	[tilespmem:s15], [sflag:$0x1] =	stream.indirect_vreg.gather [hbm4b:s8+s3], $0x80, v21, vm0, $0xb8;
	[tilespmem:$0x1C480] =	vst v63  }
0x256: {  	v20 =	vadd.s32 v8, v20;
	s15 =	simm.s32 $0x15000  }
0x257: {  	[tilespmem:s15], [sflag:$0x1] =	stream.indirect_vreg.gather [hbm4b:s9+s3], $0x80, v21, vm0, $0xb8;
	[tilespmem:$0x1C480] =	vst v63  }
0x258: {  	s15 =	simm.s32 $0x15800  }
0x259: {  	[tilespmem:s15], [sflag:$0x1] =	stream.indirect_vreg.gather [hbm4b:s10+s3], $0x80, v21, vm0, $0xb8;
	[tilespmem:$0x1C480] =	vst v63  }
0x25a: {  	s15 =	simm.s32 $0x16000  }
0x25b: {  	[tilespmem:s15], [sflag:$0x1] =	stream.indirect_vreg.gather [hbm4b:s2+s3], $0x80, v20, vm0, $0xb8;
	[tilespmem:$0x1C480] =	vst v63  }
0x25c: {  	s15 =	simm.s32 $0x16800  }
0x25d: {  	[tilespmem:s15], [sflag:$0x1] =	stream.indirect_vreg.gather [hbm4b:s8+s3], $0x80, v20, vm0, $0xb8;
	[tilespmem:$0x1C480] =	vst v63  }
0x25e: {  	s15 =	simm.s32 $0x17000  }
0x25f: {  	[tilespmem:s15], [sflag:$0x1] =	stream.indirect_vreg.gather [hbm4b:s9+s3], $0x80, v20, vm0, $0xb8;
	[tilespmem:$0x1C480] =	vst v63  }
0x260: {  	s15 =	simm.s32 $0x17800  }
0x261: {  	[tilespmem:s15], [sflag:$0x1] =	stream.indirect_vreg.gather [hbm4b:s10+s3], $0x80, v20, vm0, $0xb8;
	[tilespmem:$0x1C480] =	vst v63  }
0x262: {  	_ =	swait.ge [sflag:s26], $0x8000  }
0x263: {  	[sflag:s26] =	ssyncset.done $0x0  }
0x264: {  	[sflag:s26] =	ssyncadd.s32 $0xFFFF8000  }
0x265: {  	v20 =	vld [tilespmem:$0x18020]  }
0x266: {  	v63 =	vld [tilespmem:$0x18030];
	_ =	sdelay $0x3  }
0x267: {  	vm1 =	veq.s32 v20, $0x0  }
0x268: {  	vm2 =	veq.s32 v63, $0x0;
	v20 =	vsel vm1, $0x1, v15  }
0x269: {  	(xrf0) =	vadd.scan.msk.s32 $0xffff, v20;
	v20 =	vsel vm2, $0x1, v15  }
0x26a: {  	(xrf0) =	vadd.scan.msk.s32 $0xffff, v20;
	_ =	sdelay $0x4  }
0x26b: {  	v20, _, _ =	vpop (xrf0)  }
0x26c: {  	(v2sf) =	vpush v20, $0xF;
	v20, _, _ =	vpop (xrf0)  }
0x26d: {  	(v2sf) =	vpush v20, $0xF;
	_ =	sdelay $0xd  }
0x26e: {  	s13 =	spop (v2sf)  }
0x26f: {  	s15 =	spop (v2sf)  }
0x270: {  	s15 =	ssub.s32 $0x0, s15  }
0x271: {  	p1 =	sne.s32 s13, s15  }
.Ltmp10:
0x272: {  	_ = 	snop;
	(pc) =	sbr.rel @p1 .LBB2_15-.Ltmp10, $4  }
0x273: {  	_ = 	snop  }
0x274: {  	s13 =	simm.s32 @!p1 $0x0  }
0x275: {  	s13 =	simm.s32 @p1 $0x1  }
0x276: {  	[smem:$0x7FA] =	sst s13  }
.Ltmp11:
0x277: {  	(pc) =	sbr.rel .LBB2_16-.Ltmp11, $3  }
0x278: {  	_ =	sdelay $0x1  }
0x279: {  	s13 =	rddreg [dreg:$0xf]  }
0x27a: {  	[hbm4b:s13+s3] =	stream.linear.scatter [tilespmem:s18], [sflag:$0x2], $0x8000, $0x38;
	[tilespmem:$0x1C480] =	vst v63  }
.LBB2_15:
0x27b: {  	v20 =	vsel vm1, $0x0, v2  }
0x27c: {  	v21 =	vshll.u32 v20, $0x3  }
0x27d: {  	v22 =	vand.u32 $0x7, v20;
	v21 =	vand.u32 $0xFFFFFFC0, v21  }
0x27e: {  	v21 =	vor.u32 v22, v21  }
0x27f: {  	v22 =	vperm.xlane v21, v7;
	_ =	sdelay $0x1  }
0x280: {  	v22 =	vadd.s32 v8, v22;
	_ =	sdelay $0x3  }
0x281: {  	[tilespmem:$0x18400] =	vst v20  }
0x282: {  	[tilespmem:s28], [sflag:$0x4] =	stream.indirect_vreg.gather [hbm4b:s2+s3], $0x80, v22, vm0, $0xb8;
	[tilespmem:$0x1C480] =	vst v63  }
0x283: {  	v20 =	vperm.xlane v21, v9  }
0x284: {  	[tilespmem:s29], [sflag:$0x4] =	stream.indirect_vreg.gather [hbm4b:s8+s3], $0x80, v22, vm0, $0xb8;
	[tilespmem:$0x1C480] =	vst v63  }
0x285: {  	v20 =	vadd.s32 v8, v20  }
0x286: {  	[tilespmem:s12], [sflag:$0x4] =	stream.indirect_vreg.gather [hbm4b:s9+s3], $0x80, v22, vm0, $0xb8;
	[tilespmem:$0x1C480] =	vst v63  }
0x287: {  	_ = 	snop  }
0x288: {  	[tilespmem:s4], [sflag:$0x4] =	stream.indirect_vreg.gather [hbm4b:s10+s3], $0x80, v22, vm0, $0xb8;
	[tilespmem:$0x1C480] =	vst v63  }
0x289: {  	_ = 	snop  }
0x28a: {  	[tilespmem:s31], [sflag:$0x4] =	stream.indirect_vreg.gather [hbm4b:s2+s3], $0x80, v20, vm0, $0xb8;
	[tilespmem:$0x1C480] =	vst v63  }
0x28b: {  	_ = 	snop  }
0x28c: {  	[tilespmem:s5], [sflag:$0x4] =	stream.indirect_vreg.gather [hbm4b:s8+s3], $0x80, v20, vm0, $0xb8;
	[tilespmem:$0x1C480] =	vst v63  }
0x28d: {  	_ = 	snop  }
0x28e: {  	[tilespmem:s6], [sflag:$0x4] =	stream.indirect_vreg.gather [hbm4b:s9+s3], $0x80, v20, vm0, $0xb8;
	[tilespmem:$0x1C480] =	vst v63  }
0x28f: {  	_ = 	snop  }
0x290: {  	[tilespmem:s1], [sflag:$0x4] =	stream.indirect_vreg.gather [hbm4b:s10+s3], $0x80, v20, vm0, $0xb8;
	[tilespmem:$0x1C480] =	vst v63  }
0x291: {  	_ =	swait.ge [sflag:s7], $0x4000  }
0x292: {  	[sflag:s7] =	ssyncset.done $0x0  }
0x293: {  	s13 =	rddreg [dreg:$0xf];
	[sflag:s7] =	ssyncadd.s32 $0xFFFFC000  }
0x294: {  	[hbm4b:s13+s3] =	stream.linear.scatter [tilespmem:s28], [sflag:$0x5], $0x4000, $0x38;
	[tilespmem:$0x1C480] =	vst v63  }
0x295: {  	_ =	swait.ge [sflag:s14], $0x4000  }
0x296: {  	[sflag:s14] =	ssyncset.done $0x0  }
0x297: {  	[sflag:s14] =	ssyncadd.s32 $0xFFFFC000  }
0x298: {  	v20 =	vld [tilespmem:$0x18030];
	_ =	sdelay $0x4  }
0x299: {  	vm1 =	veq.s32 v20, $0x0  }
0x29a: {  	v20 =	vsel vm1, $0x0, v3  }
0x29b: {  	v62 =	vshll.u32 v20, $0x3  }
0x29c: {  	v63 =	vand.u32 $0x7, v20;
	v21 =	vand.u32 $0xFFFFFFC0, v62  }
0x29d: {  	v21 =	vor.u32 v63, v21  }
0x29e: {  	v22 =	vperm.xlane v21, v7;
	_ =	sdelay $0x1  }
0x29f: {  	v22 =	vadd.s32 v8, v22;
	_ =	sdelay $0x3  }
0x2a0: {  	[tilespmem:$0x18400] =	vst v20  }
0x2a1: {  	[tilespmem:s28], [sflag:$0x4] =	stream.indirect_vreg.gather [hbm4b:s2+s3], $0x80, v22, vm0, $0xb8;
	[tilespmem:$0x1C480] =	vst v63  }
0x2a2: {  	v20 =	vperm.xlane v21, v9  }
0x2a3: {  	[tilespmem:s29], [sflag:$0x4] =	stream.indirect_vreg.gather [hbm4b:s8+s3], $0x80, v22, vm0, $0xb8;
	[tilespmem:$0x1C480] =	vst v63  }
0x2a4: {  	v20 =	vadd.s32 v8, v20  }
0x2a5: {  	[tilespmem:s12], [sflag:$0x4] =	stream.indirect_vreg.gather [hbm4b:s9+s3], $0x80, v22, vm0, $0xb8;
	[tilespmem:$0x1C480] =	vst v63  }
0x2a6: {  	_ = 	snop  }
0x2a7: {  	[tilespmem:s4], [sflag:$0x4] =	stream.indirect_vreg.gather [hbm4b:s10+s3], $0x80, v22, vm0, $0xb8;
	[tilespmem:$0x1C480] =	vst v63  }
0x2a8: {  	_ = 	snop  }
0x2a9: {  	[tilespmem:s31], [sflag:$0x4] =	stream.indirect_vreg.gather [hbm4b:s2+s3], $0x80, v20, vm0, $0xb8;
	[tilespmem:$0x1C480] =	vst v63  }
0x2aa: {  	_ = 	snop  }
0x2ab: {  	[tilespmem:s5], [sflag:$0x4] =	stream.indirect_vreg.gather [hbm4b:s8+s3], $0x80, v20, vm0, $0xb8;
	[tilespmem:$0x1C480] =	vst v63  }
0x2ac: {  	_ = 	snop  }
0x2ad: {  	[tilespmem:s6], [sflag:$0x4] =	stream.indirect_vreg.gather [hbm4b:s9+s3], $0x80, v20, vm0, $0xb8;
	[tilespmem:$0x1C480] =	vst v63  }
0x2ae: {  	_ = 	snop  }
0x2af: {  	[tilespmem:s1], [sflag:$0x4] =	stream.indirect_vreg.gather [hbm4b:s10+s3], $0x80, v20, vm0, $0xb8;
	[tilespmem:$0x1C480] =	vst v63  }
0x2b0: {  	_ =	swait.ge [sflag:s7], $0x4000  }
0x2b1: {  	[sflag:s7] =	ssyncset.done $0x0  }
0x2b2: {  	s15 =	rddreg [dreg:$0x10];
	[sflag:s7] =	ssyncadd.s32 $0xFFFFC000  }
0x2b3: {  	[hbm4b:s15+s3] =	stream.linear.scatter [tilespmem:s28], [sflag:$0x5], $0x4000, $0x38;
	[tilespmem:$0x1C480] =	vst v63  }
0x2b4: {  	_ =	swait.ge [sflag:s14], $0x4000  }
0x2b5: {  	[sflag:s14] =	ssyncset.done $0x0  }
0x2b6: {  	[sflag:s14] =	ssyncadd.s32 $0xFFFFC000  }
.LBB2_16:
0x2b7: {  	v20 =	vld [tilespmem:$0x180A0]  }
0x2b8: {  	v21 =	vld [tilespmem:$0x180B0];
	_ =	sdelay $0x3  }
0x2b9: {  	vm1 =	veq.s32 v20, $0x0  }
0x2ba: {  	vm2 =	veq.s32 v21, $0x0;
	v20 =	vsel vm1, $0x1, v15  }
0x2bb: {  	(xrf0) =	vadd.scan.msk.s32 $0xffff, v20;
	v20 =	vsel vm2, $0x1, v15  }
0x2bc: {  	(xrf0) =	vadd.scan.msk.s32 $0xffff, v20;
	_ =	sdelay $0x4  }
0x2bd: {  	v20, _, _ =	vpop (xrf0)  }
0x2be: {  	(v2sf) =	vpush v20, $0xF;
	v20, _, _ =	vpop (xrf0)  }
0x2bf: {  	(v2sf) =	vpush v20, $0xF;
	_ =	sdelay $0xd  }
0x2c0: {  	s13 =	spop (v2sf)  }
0x2c1: {  	s15 =	spop (v2sf)  }
0x2c2: {  	s15 =	ssub.s32 $0x0, s15  }
0x2c3: {  	p1 =	sne.s32 s13, s15  }
.Ltmp12:
0x2c4: {  	_ = 	snop;
	(pc) =	sbr.rel @p1 .LBB2_18-.Ltmp12, $4  }
0x2c5: {  	_ = 	snop  }
0x2c6: {  	s13 =	simm.s32 @!p1 $0x0  }
0x2c7: {  	s13 =	simm.s32 @p1 $0x1  }
0x2c8: {  	[smem:$0x7F9] =	sst s13  }
.Ltmp13:
0x2c9: {  	(pc) =	sbr.rel .LBB2_19-.Ltmp13, $3  }
0x2ca: {  	_ =	sdelay $0x1  }
0x2cb: {  	s13 =	rddreg [dreg:$0x11]  }
0x2cc: {  	[hbm4b:s13+s3] =	stream.linear.scatter [tilespmem:s18], [sflag:$0x2], $0x8000, $0x38;
	[tilespmem:$0x1C480] =	vst v63  }
.LBB2_18:
0x2cd: {  	v20 =	vsel vm1, $0x0, v2  }
0x2ce: {  	v21 =	vshll.u32 v20, $0x3  }
0x2cf: {  	v22 =	vand.u32 $0x7, v20;
	v21 =	vand.u32 $0xFFFFFFC0, v21  }
0x2d0: {  	v21 =	vor.u32 v22, v21  }
0x2d1: {  	v22 =	vperm.xlane v21, v7;
	_ =	sdelay $0x1  }
0x2d2: {  	v22 =	vadd.s32 v8, v22;
	_ =	sdelay $0x3  }
0x2d3: {  	[tilespmem:$0x18400] =	vst v20  }
0x2d4: {  	[tilespmem:s28], [sflag:$0x4] =	stream.indirect_vreg.gather [hbm4b:s2+s3], $0x80, v22, vm0, $0xb8;
	[tilespmem:$0x1C480] =	vst v63  }
0x2d5: {  	v20 =	vperm.xlane v21, v9  }
0x2d6: {  	[tilespmem:s29], [sflag:$0x4] =	stream.indirect_vreg.gather [hbm4b:s8+s3], $0x80, v22, vm0, $0xb8;
	[tilespmem:$0x1C480] =	vst v63  }
0x2d7: {  	v20 =	vadd.s32 v8, v20  }
0x2d8: {  	[tilespmem:s12], [sflag:$0x4] =	stream.indirect_vreg.gather [hbm4b:s9+s3], $0x80, v22, vm0, $0xb8;
	[tilespmem:$0x1C480] =	vst v63  }
0x2d9: {  	_ = 	snop  }
0x2da: {  	[tilespmem:s4], [sflag:$0x4] =	stream.indirect_vreg.gather [hbm4b:s10+s3], $0x80, v22, vm0, $0xb8;
	[tilespmem:$0x1C480] =	vst v63  }
0x2db: {  	_ = 	snop  }
0x2dc: {  	[tilespmem:s31], [sflag:$0x4] =	stream.indirect_vreg.gather [hbm4b:s2+s3], $0x80, v20, vm0, $0xb8;
	[tilespmem:$0x1C480] =	vst v63  }
0x2dd: {  	_ = 	snop  }
0x2de: {  	[tilespmem:s5], [sflag:$0x4] =	stream.indirect_vreg.gather [hbm4b:s8+s3], $0x80, v20, vm0, $0xb8;
	[tilespmem:$0x1C480] =	vst v63  }
0x2df: {  	_ = 	snop  }
0x2e0: {  	[tilespmem:s6], [sflag:$0x4] =	stream.indirect_vreg.gather [hbm4b:s9+s3], $0x80, v20, vm0, $0xb8;
	[tilespmem:$0x1C480] =	vst v63  }
0x2e1: {  	_ = 	snop  }
0x2e2: {  	[tilespmem:s1], [sflag:$0x4] =	stream.indirect_vreg.gather [hbm4b:s10+s3], $0x80, v20, vm0, $0xb8;
	[tilespmem:$0x1C480] =	vst v63  }
0x2e3: {  	_ =	swait.ge [sflag:s7], $0x4000  }
0x2e4: {  	[sflag:s7] =	ssyncset.done $0x0  }
0x2e5: {  	s13 =	rddreg [dreg:$0x11];
	[sflag:s7] =	ssyncadd.s32 $0xFFFFC000  }
0x2e6: {  	[hbm4b:s13+s3] =	stream.linear.scatter [tilespmem:s28], [sflag:$0x5], $0x4000, $0x38;
	[tilespmem:$0x1C480] =	vst v63  }
0x2e7: {  	_ =	swait.ge [sflag:s14], $0x4000  }
0x2e8: {  	[sflag:s14] =	ssyncset.done $0x0  }
0x2e9: {  	[sflag:s14] =	ssyncadd.s32 $0xFFFFC000  }
0x2ea: {  	v20 =	vld [tilespmem:$0x180B0];
	_ =	sdelay $0x4  }
0x2eb: {  	vm1 =	veq.s32 v20, $0x0  }
0x2ec: {  	v20 =	vsel vm1, $0x0, v3  }
0x2ed: {  	v62 =	vshll.u32 v20, $0x3  }
0x2ee: {  	v63 =	vand.u32 $0x7, v20;
	v21 =	vand.u32 $0xFFFFFFC0, v62  }
0x2ef: {  	v21 =	vor.u32 v63, v21  }
0x2f0: {  	v22 =	vperm.xlane v21, v7;
	_ =	sdelay $0x1  }
0x2f1: {  	v22 =	vadd.s32 v8, v22;
	_ =	sdelay $0x3  }
0x2f2: {  	[tilespmem:$0x18400] =	vst v20  }
0x2f3: {  	[tilespmem:s28], [sflag:$0x4] =	stream.indirect_vreg.gather [hbm4b:s2+s3], $0x80, v22, vm0, $0xb8;
	[tilespmem:$0x1C480] =	vst v63  }
0x2f4: {  	v20 =	vperm.xlane v21, v9  }
0x2f5: {  	[tilespmem:s29], [sflag:$0x4] =	stream.indirect_vreg.gather [hbm4b:s8+s3], $0x80, v22, vm0, $0xb8;
	[tilespmem:$0x1C480] =	vst v63  }
0x2f6: {  	v20 =	vadd.s32 v8, v20  }
0x2f7: {  	[tilespmem:s12], [sflag:$0x4] =	stream.indirect_vreg.gather [hbm4b:s9+s3], $0x80, v22, vm0, $0xb8;
	[tilespmem:$0x1C480] =	vst v63  }
0x2f8: {  	_ = 	snop  }
0x2f9: {  	[tilespmem:s4], [sflag:$0x4] =	stream.indirect_vreg.gather [hbm4b:s10+s3], $0x80, v22, vm0, $0xb8;
	[tilespmem:$0x1C480] =	vst v63  }
0x2fa: {  	_ = 	snop  }
0x2fb: {  	[tilespmem:s31], [sflag:$0x4] =	stream.indirect_vreg.gather [hbm4b:s2+s3], $0x80, v20, vm0, $0xb8;
	[tilespmem:$0x1C480] =	vst v63  }
0x2fc: {  	_ = 	snop  }
0x2fd: {  	[tilespmem:s5], [sflag:$0x4] =	stream.indirect_vreg.gather [hbm4b:s8+s3], $0x80, v20, vm0, $0xb8;
	[tilespmem:$0x1C480] =	vst v63  }
0x2fe: {  	_ = 	snop  }
0x2ff: {  	[tilespmem:s6], [sflag:$0x4] =	stream.indirect_vreg.gather [hbm4b:s9+s3], $0x80, v20, vm0, $0xb8;
	[tilespmem:$0x1C480] =	vst v63  }
0x300: {  	_ = 	snop  }
0x301: {  	[tilespmem:s1], [sflag:$0x4] =	stream.indirect_vreg.gather [hbm4b:s10+s3], $0x80, v20, vm0, $0xb8;
	[tilespmem:$0x1C480] =	vst v63  }
0x302: {  	_ =	swait.ge [sflag:s7], $0x4000  }
0x303: {  	[sflag:s7] =	ssyncset.done $0x0  }
0x304: {  	s15 =	rddreg [dreg:$0x12];
	[sflag:s7] =	ssyncadd.s32 $0xFFFFC000  }
0x305: {  	[hbm4b:s15+s3] =	stream.linear.scatter [tilespmem:s28], [sflag:$0x5], $0x4000, $0x38;
	[tilespmem:$0x1C480] =	vst v63  }
0x306: {  	_ =	swait.ge [sflag:s14], $0x4000  }
0x307: {  	[sflag:s14] =	ssyncset.done $0x0  }
0x308: {  	[sflag:s14] =	ssyncadd.s32 $0xFFFFC000  }
.LBB2_19:
0x309: {  	v20 =	vld [tilespmem:$0x18120]  }
0x30a: {  	v21 =	vld [tilespmem:$0x18130];
	_ =	sdelay $0x3  }
0x30b: {  	vm1 =	veq.s32 v20, $0x0  }
0x30c: {  	vm2 =	veq.s32 v21, $0x0;
	v20 =	vsel vm1, $0x1, v15  }
0x30d: {  	(xrf0) =	vadd.scan.msk.s32 $0xffff, v20;
	v20 =	vsel vm2, $0x1, v15  }
0x30e: {  	(xrf0) =	vadd.scan.msk.s32 $0xffff, v20;
	_ =	sdelay $0x4  }
0x30f: {  	v20, _, _ =	vpop (xrf0)  }
0x310: {  	(v2sf) =	vpush v20, $0xF;
	v20, _, _ =	vpop (xrf0)  }
0x311: {  	(v2sf) =	vpush v20, $0xF;
	_ =	sdelay $0xd  }
0x312: {  	s13 =	spop (v2sf)  }
0x313: {  	s15 =	spop (v2sf)  }
0x314: {  	s15 =	ssub.s32 $0x0, s15  }
0x315: {  	p1 =	sne.s32 s13, s15  }
.Ltmp14:
0x316: {  	_ = 	snop;
	(pc) =	sbr.rel @p1 .LBB2_21-.Ltmp14, $4  }
0x317: {  	_ = 	snop  }
0x318: {  	s13 =	simm.s32 @!p1 $0x0  }
0x319: {  	s13 =	simm.s32 @p1 $0x1  }
0x31a: {  	[smem:$0x7F8] =	sst s13  }
.Ltmp15:
0x31b: {  	(pc) =	sbr.rel .LBB2_22-.Ltmp15, $3  }
0x31c: {  	_ =	sdelay $0x1  }
0x31d: {  	s13 =	rddreg [dreg:$0x13]  }
0x31e: {  	[hbm4b:s13+s3] =	stream.linear.scatter [tilespmem:s18], [sflag:$0x2], $0x8000, $0x38;
	[tilespmem:$0x1C480] =	vst v63  }
.LBB2_21:
0x31f: {  	v20 =	vsel vm1, $0x0, v2  }
0x320: {  	v21 =	vshll.u32 v20, $0x3  }
0x321: {  	v22 =	vand.u32 $0x7, v20;
	v21 =	vand.u32 $0xFFFFFFC0, v21  }
0x322: {  	v21 =	vor.u32 v22, v21  }
0x323: {  	v22 =	vperm.xlane v21, v7;
	_ =	sdelay $0x1  }
0x324: {  	v22 =	vadd.s32 v8, v22;
	_ =	sdelay $0x3  }
0x325: {  	[tilespmem:$0x18400] =	vst v20  }
0x326: {  	[tilespmem:s28], [sflag:$0x4] =	stream.indirect_vreg.gather [hbm4b:s2+s3], $0x80, v22, vm0, $0xb8;
	[tilespmem:$0x1C480] =	vst v63  }
0x327: {  	v20 =	vperm.xlane v21, v9  }
0x328: {  	[tilespmem:s29], [sflag:$0x4] =	stream.indirect_vreg.gather [hbm4b:s8+s3], $0x80, v22, vm0, $0xb8;
	[tilespmem:$0x1C480] =	vst v63  }
0x329: {  	v20 =	vadd.s32 v8, v20  }
0x32a: {  	[tilespmem:s12], [sflag:$0x4] =	stream.indirect_vreg.gather [hbm4b:s9+s3], $0x80, v22, vm0, $0xb8;
	[tilespmem:$0x1C480] =	vst v63  }
0x32b: {  	_ = 	snop  }
0x32c: {  	[tilespmem:s4], [sflag:$0x4] =	stream.indirect_vreg.gather [hbm4b:s10+s3], $0x80, v22, vm0, $0xb8;
	[tilespmem:$0x1C480] =	vst v63  }
0x32d: {  	_ = 	snop  }
0x32e: {  	[tilespmem:s31], [sflag:$0x4] =	stream.indirect_vreg.gather [hbm4b:s2+s3], $0x80, v20, vm0, $0xb8;
	[tilespmem:$0x1C480] =	vst v63  }
0x32f: {  	_ = 	snop  }
0x330: {  	[tilespmem:s5], [sflag:$0x4] =	stream.indirect_vreg.gather [hbm4b:s8+s3], $0x80, v20, vm0, $0xb8;
	[tilespmem:$0x1C480] =	vst v63  }
0x331: {  	_ = 	snop  }
0x332: {  	[tilespmem:s6], [sflag:$0x4] =	stream.indirect_vreg.gather [hbm4b:s9+s3], $0x80, v20, vm0, $0xb8;
	[tilespmem:$0x1C480] =	vst v63  }
0x333: {  	_ = 	snop  }
0x334: {  	[tilespmem:s1], [sflag:$0x4] =	stream.indirect_vreg.gather [hbm4b:s10+s3], $0x80, v20, vm0, $0xb8;
	[tilespmem:$0x1C480] =	vst v63  }
0x335: {  	_ =	swait.ge [sflag:s7], $0x4000  }
0x336: {  	[sflag:s7] =	ssyncset.done $0x0  }
0x337: {  	s13 =	rddreg [dreg:$0x13];
	[sflag:s7] =	ssyncadd.s32 $0xFFFFC000  }
0x338: {  	[hbm4b:s13+s3] =	stream.linear.scatter [tilespmem:s28], [sflag:$0x5], $0x4000, $0x38;
	[tilespmem:$0x1C480] =	vst v63  }
0x339: {  	_ =	swait.ge [sflag:s14], $0x4000  }
0x33a: {  	[sflag:s14] =	ssyncset.done $0x0  }
0x33b: {  	[sflag:s14] =	ssyncadd.s32 $0xFFFFC000  }
0x33c: {  	v20 =	vld [tilespmem:$0x18130];
	_ =	sdelay $0x4  }
0x33d: {  	vm1 =	veq.s32 v20, $0x0  }
0x33e: {  	v20 =	vsel vm1, $0x0, v3  }
0x33f: {  	v62 =	vshll.u32 v20, $0x3  }
0x340: {  	v63 =	vand.u32 $0x7, v20;
	v21 =	vand.u32 $0xFFFFFFC0, v62  }
0x341: {  	v21 =	vor.u32 v63, v21  }
0x342: {  	v22 =	vperm.xlane v21, v7;
	_ =	sdelay $0x1  }
0x343: {  	v22 =	vadd.s32 v8, v22;
	_ =	sdelay $0x3  }
0x344: {  	[tilespmem:$0x18400] =	vst v20  }
0x345: {  	[tilespmem:s28], [sflag:$0x4] =	stream.indirect_vreg.gather [hbm4b:s2+s3], $0x80, v22, vm0, $0xb8;
	[tilespmem:$0x1C480] =	vst v63  }
0x346: {  	v20 =	vperm.xlane v21, v9  }
0x347: {  	[tilespmem:s29], [sflag:$0x4] =	stream.indirect_vreg.gather [hbm4b:s8+s3], $0x80, v22, vm0, $0xb8;
	[tilespmem:$0x1C480] =	vst v63  }
0x348: {  	v20 =	vadd.s32 v8, v20  }
0x349: {  	[tilespmem:s12], [sflag:$0x4] =	stream.indirect_vreg.gather [hbm4b:s9+s3], $0x80, v22, vm0, $0xb8;
	[tilespmem:$0x1C480] =	vst v63  }
0x34a: {  	_ = 	snop  }
0x34b: {  	[tilespmem:s4], [sflag:$0x4] =	stream.indirect_vreg.gather [hbm4b:s10+s3], $0x80, v22, vm0, $0xb8;
	[tilespmem:$0x1C480] =	vst v63  }
0x34c: {  	_ = 	snop  }
0x34d: {  	[tilespmem:s31], [sflag:$0x4] =	stream.indirect_vreg.gather [hbm4b:s2+s3], $0x80, v20, vm0, $0xb8;
	[tilespmem:$0x1C480] =	vst v63  }
0x34e: {  	_ = 	snop  }
0x34f: {  	[tilespmem:s5], [sflag:$0x4] =	stream.indirect_vreg.gather [hbm4b:s8+s3], $0x80, v20, vm0, $0xb8;
	[tilespmem:$0x1C480] =	vst v63  }
0x350: {  	_ = 	snop  }
0x351: {  	[tilespmem:s6], [sflag:$0x4] =	stream.indirect_vreg.gather [hbm4b:s9+s3], $0x80, v20, vm0, $0xb8;
	[tilespmem:$0x1C480] =	vst v63  }
0x352: {  	_ = 	snop  }
0x353: {  	[tilespmem:s1], [sflag:$0x4] =	stream.indirect_vreg.gather [hbm4b:s10+s3], $0x80, v20, vm0, $0xb8;
	[tilespmem:$0x1C480] =	vst v63  }
0x354: {  	_ =	swait.ge [sflag:s7], $0x4000  }
0x355: {  	[sflag:s7] =	ssyncset.done $0x0  }
0x356: {  	s15 =	rddreg [dreg:$0x14];
	[sflag:s7] =	ssyncadd.s32 $0xFFFFC000  }
0x357: {  	[hbm4b:s15+s3] =	stream.linear.scatter [tilespmem:s28], [sflag:$0x5], $0x4000, $0x38;
	[tilespmem:$0x1C480] =	vst v63  }
0x358: {  	_ =	swait.ge [sflag:s14], $0x4000  }
0x359: {  	[sflag:s14] =	ssyncset.done $0x0  }
0x35a: {  	[sflag:s14] =	ssyncadd.s32 $0xFFFFC000  }
.LBB2_22:
0x35b: {  	v20 =	vld [tilespmem:$0x181A0]  }
0x35c: {  	v21 =	vld [tilespmem:$0x181B0];
	_ =	sdelay $0x3  }
0x35d: {  	vm1 =	veq.s32 v20, $0x0  }
0x35e: {  	vm2 =	veq.s32 v21, $0x0;
	v20 =	vsel vm1, $0x1, v15  }
0x35f: {  	(xrf0) =	vadd.scan.msk.s32 $0xffff, v20;
	v20 =	vsel vm2, $0x1, v15  }
0x360: {  	(xrf0) =	vadd.scan.msk.s32 $0xffff, v20;
	_ =	sdelay $0x4  }
0x361: {  	v20, _, _ =	vpop (xrf0)  }
0x362: {  	(v2sf) =	vpush v20, $0xF;
	v20, _, _ =	vpop (xrf0)  }
0x363: {  	(v2sf) =	vpush v20, $0xF;
	_ =	sdelay $0xd  }
0x364: {  	s13 =	spop (v2sf)  }
0x365: {  	s15 =	spop (v2sf)  }
0x366: {  	s15 =	ssub.s32 $0x0, s15  }
0x367: {  	p1 =	sne.s32 s13, s15  }
.Ltmp16:
0x368: {  	_ = 	snop;
	(pc) =	sbr.rel @p1 .LBB2_24-.Ltmp16, $4  }
0x369: {  	_ = 	snop  }
0x36a: {  	s13 =	simm.s32 @!p1 $0x0  }
0x36b: {  	s13 =	simm.s32 @p1 $0x1  }
0x36c: {  	[smem:$0x7F7] =	sst s13  }
.Ltmp17:
0x36d: {  	(pc) =	sbr.rel .LBB2_25-.Ltmp17, $3  }
0x36e: {  	_ =	sdelay $0x1  }
0x36f: {  	s13 =	rddreg [dreg:$0x15]  }
0x370: {  	[hbm4b:s13+s3] =	stream.linear.scatter [tilespmem:s18], [sflag:$0x2], $0x8000, $0x38;
	[tilespmem:$0x1C480] =	vst v63  }
.LBB2_24:
0x371: {  	v20 =	vsel vm1, $0x0, v2  }
0x372: {  	v21 =	vshll.u32 v20, $0x3  }
0x373: {  	v22 =	vand.u32 $0x7, v20;
	v21 =	vand.u32 $0xFFFFFFC0, v21  }
0x374: {  	v21 =	vor.u32 v22, v21  }
0x375: {  	v22 =	vperm.xlane v21, v7;
	_ =	sdelay $0x1  }
0x376: {  	v22 =	vadd.s32 v8, v22;
	_ =	sdelay $0x3  }
0x377: {  	[tilespmem:$0x18400] =	vst v20  }
0x378: {  	[tilespmem:s28], [sflag:$0x4] =	stream.indirect_vreg.gather [hbm4b:s2+s3], $0x80, v22, vm0, $0xb8;
	[tilespmem:$0x1C480] =	vst v63  }
0x379: {  	v20 =	vperm.xlane v21, v9  }
0x37a: {  	[tilespmem:s29], [sflag:$0x4] =	stream.indirect_vreg.gather [hbm4b:s8+s3], $0x80, v22, vm0, $0xb8;
	[tilespmem:$0x1C480] =	vst v63  }
0x37b: {  	v20 =	vadd.s32 v8, v20  }
0x37c: {  	[tilespmem:s12], [sflag:$0x4] =	stream.indirect_vreg.gather [hbm4b:s9+s3], $0x80, v22, vm0, $0xb8;
	[tilespmem:$0x1C480] =	vst v63  }
0x37d: {  	_ = 	snop  }
0x37e: {  	[tilespmem:s4], [sflag:$0x4] =	stream.indirect_vreg.gather [hbm4b:s10+s3], $0x80, v22, vm0, $0xb8;
	[tilespmem:$0x1C480] =	vst v63  }
0x37f: {  	_ = 	snop  }
0x380: {  	[tilespmem:s31], [sflag:$0x4] =	stream.indirect_vreg.gather [hbm4b:s2+s3], $0x80, v20, vm0, $0xb8;
	[tilespmem:$0x1C480] =	vst v63  }
0x381: {  	_ = 	snop  }
0x382: {  	[tilespmem:s5], [sflag:$0x4] =	stream.indirect_vreg.gather [hbm4b:s8+s3], $0x80, v20, vm0, $0xb8;
	[tilespmem:$0x1C480] =	vst v63  }
0x383: {  	_ = 	snop  }
0x384: {  	[tilespmem:s6], [sflag:$0x4] =	stream.indirect_vreg.gather [hbm4b:s9+s3], $0x80, v20, vm0, $0xb8;
	[tilespmem:$0x1C480] =	vst v63  }
0x385: {  	_ = 	snop  }
0x386: {  	[tilespmem:s1], [sflag:$0x4] =	stream.indirect_vreg.gather [hbm4b:s10+s3], $0x80, v20, vm0, $0xb8;
	[tilespmem:$0x1C480] =	vst v63  }
0x387: {  	_ =	swait.ge [sflag:s7], $0x4000  }
0x388: {  	[sflag:s7] =	ssyncset.done $0x0  }
0x389: {  	s13 =	rddreg [dreg:$0x15];
	[sflag:s7] =	ssyncadd.s32 $0xFFFFC000  }
0x38a: {  	[hbm4b:s13+s3] =	stream.linear.scatter [tilespmem:s28], [sflag:$0x5], $0x4000, $0x38;
	[tilespmem:$0x1C480] =	vst v63  }
0x38b: {  	_ =	swait.ge [sflag:s14], $0x4000  }
0x38c: {  	[sflag:s14] =	ssyncset.done $0x0  }
0x38d: {  	[sflag:s14] =	ssyncadd.s32 $0xFFFFC000  }
0x38e: {  	v20 =	vld [tilespmem:$0x181B0];
	_ =	sdelay $0x4  }
0x38f: {  	vm1 =	veq.s32 v20, $0x0  }
0x390: {  	v20 =	vsel vm1, $0x0, v3  }
0x391: {  	v62 =	vshll.u32 v20, $0x3  }
0x392: {  	v63 =	vand.u32 $0x7, v20;
	v21 =	vand.u32 $0xFFFFFFC0, v62  }
0x393: {  	v21 =	vor.u32 v63, v21  }
0x394: {  	v22 =	vperm.xlane v21, v7;
	_ =	sdelay $0x1  }
0x395: {  	v22 =	vadd.s32 v8, v22;
	_ =	sdelay $0x3  }
0x396: {  	[tilespmem:$0x18400] =	vst v20  }
0x397: {  	[tilespmem:s28], [sflag:$0x4] =	stream.indirect_vreg.gather [hbm4b:s2+s3], $0x80, v22, vm0, $0xb8;
	[tilespmem:$0x1C480] =	vst v63  }
0x398: {  	v20 =	vperm.xlane v21, v9  }
0x399: {  	[tilespmem:s29], [sflag:$0x4] =	stream.indirect_vreg.gather [hbm4b:s8+s3], $0x80, v22, vm0, $0xb8;
	[tilespmem:$0x1C480] =	vst v63  }
0x39a: {  	v20 =	vadd.s32 v8, v20  }
0x39b: {  	[tilespmem:s12], [sflag:$0x4] =	stream.indirect_vreg.gather [hbm4b:s9+s3], $0x80, v22, vm0, $0xb8;
	[tilespmem:$0x1C480] =	vst v63  }
0x39c: {  	_ = 	snop  }
0x39d: {  	[tilespmem:s4], [sflag:$0x4] =	stream.indirect_vreg.gather [hbm4b:s10+s3], $0x80, v22, vm0, $0xb8;
	[tilespmem:$0x1C480] =	vst v63  }
0x39e: {  	_ = 	snop  }
0x39f: {  	[tilespmem:s31], [sflag:$0x4] =	stream.indirect_vreg.gather [hbm4b:s2+s3], $0x80, v20, vm0, $0xb8;
	[tilespmem:$0x1C480] =	vst v63  }
0x3a0: {  	_ = 	snop  }
0x3a1: {  	[tilespmem:s5], [sflag:$0x4] =	stream.indirect_vreg.gather [hbm4b:s8+s3], $0x80, v20, vm0, $0xb8;
	[tilespmem:$0x1C480] =	vst v63  }
0x3a2: {  	_ = 	snop  }
0x3a3: {  	[tilespmem:s6], [sflag:$0x4] =	stream.indirect_vreg.gather [hbm4b:s9+s3], $0x80, v20, vm0, $0xb8;
	[tilespmem:$0x1C480] =	vst v63  }
0x3a4: {  	_ = 	snop  }
0x3a5: {  	[tilespmem:s1], [sflag:$0x4] =	stream.indirect_vreg.gather [hbm4b:s10+s3], $0x80, v20, vm0, $0xb8;
	[tilespmem:$0x1C480] =	vst v63  }
0x3a6: {  	_ =	swait.ge [sflag:s7], $0x4000  }
0x3a7: {  	[sflag:s7] =	ssyncset.done $0x0  }
0x3a8: {  	s15 =	rddreg [dreg:$0x16];
	[sflag:s7] =	ssyncadd.s32 $0xFFFFC000  }
0x3a9: {  	[hbm4b:s15+s3] =	stream.linear.scatter [tilespmem:s28], [sflag:$0x5], $0x4000, $0x38;
	[tilespmem:$0x1C480] =	vst v63  }
0x3aa: {  	_ =	swait.ge [sflag:s14], $0x4000  }
0x3ab: {  	[sflag:s14] =	ssyncset.done $0x0  }
0x3ac: {  	[sflag:s14] =	ssyncadd.s32 $0xFFFFC000  }
.LBB2_25:
0x3ad: {  	s13 =	simm.s32 @!p4 $0x2  }
0x3ae: {  	_ =	swait.ge @!p4 [sflag:s13], $0x8000  }
0x3af: {  	[sflag:s13] =	ssyncset.done @!p4 $0x0  }
0x3b0: {  	[sflag:s13] =	ssyncadd.s32 @!p4 $0xFFFF8000;
	s13 =	simm.s32 @!p5 $0x2  }
0x3b1: {  	_ =	swait.ge @!p5 [sflag:s13], $0x8000  }
0x3b2: {  	[sflag:s13] =	ssyncset.done @!p5 $0x0  }
0x3b3: {  	[sflag:s13] =	ssyncadd.s32 @!p5 $0xFFFF8000;
	s13 =	simm.s32 @!p6 $0x2  }
0x3b4: {  	_ =	swait.ge @!p6 [sflag:s13], $0x8000  }
0x3b5: {  	[sflag:s13] =	ssyncset.done @!p6 $0x0  }
0x3b6: {  	[sflag:s13] =	ssyncadd.s32 @!p6 $0xFFFF8000;
	s13 =	simm.s32 @!p0 $0x2  }
0x3b7: {  	_ =	swait.ge @!p0 [sflag:s13], $0x8000  }
0x3b8: {  	[sflag:s13] =	ssyncset.done @!p0 $0x0  }
0x3b9: {  	[sflag:s13] =	ssyncadd.s32 @!p0 $0xFFFF8000  }
0x3ba: {  	[tilespmem:$0x18200] =	vst v6  }
0x3bb: {  	[tilespmem:$0x18210] =	vst v10  }
0x3bc: {  	[tilespmem:s3], [sflag:$0x1] =	stream.indirect_vreg.gather [hbm4b:s2+s3], $0x80, v18, vm0, $0xb8;
	[tilespmem:$0x1C480] =	vst v63  }
0x3bd: {  	s15 =	simm.s32 $0x800  }
0x3be: {  	[tilespmem:s15], [sflag:$0x1] =	stream.indirect_vreg.gather [hbm4b:s8+s3], $0x80, v18, vm0, $0xb8;
	[tilespmem:$0x1C480] =	vst v63  }
0x3bf: {  	s15 =	simm.s32 $0x1000  }
0x3c0: {  	[tilespmem:s15], [sflag:$0x1] =	stream.indirect_vreg.gather [hbm4b:s9+s3], $0x80, v18, vm0, $0xb8;
	[tilespmem:$0x1C480] =	vst v63  }
0x3c1: {  	s15 =	simm.s32 $0x1800  }
0x3c2: {  	[tilespmem:s15], [sflag:$0x1] =	stream.indirect_vreg.gather [hbm4b:s10+s3], $0x80, v18, vm0, $0xb8;
	[tilespmem:$0x1C480] =	vst v63  }
0x3c3: {  	s15 =	simm.s32 $0x2000  }
0x3c4: {  	[tilespmem:s15], [sflag:$0x1] =	stream.indirect_vreg.gather [hbm4b:s2+s3], $0x80, v19, vm0, $0xb8;
	[tilespmem:$0x1C480] =	vst v63  }
0x3c5: {  	s15 =	simm.s32 $0x2800  }
0x3c6: {  	[tilespmem:s15], [sflag:$0x1] =	stream.indirect_vreg.gather [hbm4b:s8+s3], $0x80, v19, vm0, $0xb8;
	[tilespmem:$0x1C480] =	vst v63  }
0x3c7: {  	s15 =	simm.s32 $0x3000  }
0x3c8: {  	[tilespmem:s15], [sflag:$0x1] =	stream.indirect_vreg.gather [hbm4b:s9+s3], $0x80, v19, vm0, $0xb8;
	[tilespmem:$0x1C480] =	vst v63  }
0x3c9: {  	s15 =	simm.s32 $0x3800  }
0x3ca: {  	[tilespmem:s15], [sflag:$0x1] =	stream.indirect_vreg.gather [hbm4b:s10+s3], $0x80, v19, vm0, $0xb8;
	[tilespmem:$0x1C480] =	vst v63  }
0x3cb: {  	v20 =	vld [tilespmem:$0x18210];
	_ =	sdelay $0x4  }
0x3cc: {  	v21 =	vshll.u32 v20, $0x3  }
0x3cd: {  	v20 =	vand.u32 $0x7, v20;
	v21 =	vand.u32 $0xFFFFFFC0, v21  }
0x3ce: {  	v20 =	vor.u32 v20, v21  }
0x3cf: {  	v21 =	vperm.xlane v20, v7;
	_ =	sdelay $0x1  }
0x3d0: {  	v21 =	vadd.s32 v8, v21;
	_ =	sdelay $0x3  }
0x3d1: {  	s15 =	simm.s32 $0x4000  }
0x3d2: {  	[tilespmem:s15], [sflag:$0x1] =	stream.indirect_vreg.gather [hbm4b:s2+s3], $0x80, v21, vm0, $0xb8;
	[tilespmem:$0x1C480] =	vst v63  }
0x3d3: {  	v20 =	vperm.xlane v20, v9;
	s15 =	simm.s32 $0x4800  }
0x3d4: {  	[tilespmem:s15], [sflag:$0x1] =	stream.indirect_vreg.gather [hbm4b:s8+s3], $0x80, v21, vm0, $0xb8;
	[tilespmem:$0x1C480] =	vst v63  }
0x3d5: {  	v20 =	vadd.s32 v8, v20;
	s15 =	simm.s32 $0x5000  }
0x3d6: {  	[tilespmem:s15], [sflag:$0x1] =	stream.indirect_vreg.gather [hbm4b:s9+s3], $0x80, v21, vm0, $0xb8;
	[tilespmem:$0x1C480] =	vst v63  }
0x3d7: {  	s15 =	simm.s32 $0x5800  }
0x3d8: {  	[tilespmem:s15], [sflag:$0x1] =	stream.indirect_vreg.gather [hbm4b:s10+s3], $0x80, v21, vm0, $0xb8;
	[tilespmem:$0x1C480] =	vst v63  }
0x3d9: {  	_ = 	snop  }
0x3da: {  	[tilespmem:s16], [sflag:$0x1] =	stream.indirect_vreg.gather [hbm4b:s2+s3], $0x80, v20, vm0, $0xb8;
	[tilespmem:$0x1C480] =	vst v63  }
0x3db: {  	_ = 	snop  }
0x3dc: {  	[tilespmem:s20], [sflag:$0x1] =	stream.indirect_vreg.gather [hbm4b:s8+s3], $0x80, v20, vm0, $0xb8;
	[tilespmem:$0x1C480] =	vst v63  }
0x3dd: {  	_ = 	snop  }
0x3de: {  	[tilespmem:s22], [sflag:$0x1] =	stream.indirect_vreg.gather [hbm4b:s9+s3], $0x80, v20, vm0, $0xb8;
	[tilespmem:$0x1C480] =	vst v63  }
0x3df: {  	_ = 	snop  }
0x3e0: {  	[tilespmem:s24], [sflag:$0x1] =	stream.indirect_vreg.gather [hbm4b:s10+s3], $0x80, v20, vm0, $0xb8;
	[tilespmem:$0x1C480] =	vst v63  }
0x3e1: {  	_ =	swait.ge [sflag:s26], $0x8000  }
0x3e2: {  	[sflag:s26] =	ssyncset.done $0x0  }
0x3e3: {  	[sflag:s26] =	ssyncadd.s32 $0xFFFF8000  }
0x3e4: {  	v20 =	vld [tilespmem:$0x18040]  }
0x3e5: {  	v63 =	vld [tilespmem:$0x18050];
	_ =	sdelay $0x3  }
0x3e6: {  	vm1 =	veq.s32 v20, $0x0  }
0x3e7: {  	vm2 =	veq.s32 v63, $0x0;
	v20 =	vsel vm1, $0x1, v15  }
0x3e8: {  	(xrf0) =	vadd.scan.msk.s32 $0xffff, v20;
	v20 =	vsel vm2, $0x1, v15  }
0x3e9: {  	(xrf0) =	vadd.scan.msk.s32 $0xffff, v20;
	_ =	sdelay $0x4  }
0x3ea: {  	v20, _, _ =	vpop (xrf0)  }
0x3eb: {  	(v2sf) =	vpush v20, $0xF;
	v20, _, _ =	vpop (xrf0)  }
0x3ec: {  	(v2sf) =	vpush v20, $0xF;
	_ =	sdelay $0xd  }
0x3ed: {  	s13 =	spop (v2sf)  }
0x3ee: {  	s15 =	spop (v2sf)  }
0x3ef: {  	s15 =	ssub.s32 $0x0, s15  }
0x3f0: {  	p0 =	sne.s32 s13, s15  }
.Ltmp18:
0x3f1: {  	_ = 	snop;
	(pc) =	sbr.rel @p0 .LBB2_27-.Ltmp18, $4  }
0x3f2: {  	_ = 	snop  }
0x3f3: {  	s13 =	simm.s32 @!p0 $0x0  }
0x3f4: {  	s13 =	simm.s32 @p0 $0x1  }
0x3f5: {  	[smem:$0x7F6] =	sst s13  }
.Ltmp19:
0x3f6: {  	(pc) =	sbr.rel .LBB2_28-.Ltmp19, $3  }
0x3f7: {  	_ =	sdelay $0x1  }
0x3f8: {  	s13 =	rddreg [dreg:$0x17]  }
0x3f9: {  	[hbm4b:s13+s3] =	stream.linear.scatter [tilespmem:s25], [sflag:$0x2], $0x8000, $0x38;
	[tilespmem:$0x1C480] =	vst v63  }
.LBB2_27:
0x3fa: {  	v20 =	vsel vm1, $0x0, v4  }
0x3fb: {  	v21 =	vshll.u32 v20, $0x3  }
0x3fc: {  	v22 =	vand.u32 $0x7, v20;
	v21 =	vand.u32 $0xFFFFFFC0, v21  }
0x3fd: {  	v21 =	vor.u32 v22, v21  }
0x3fe: {  	v22 =	vperm.xlane v21, v7;
	_ =	sdelay $0x1  }
0x3ff: {  	v22 =	vadd.s32 v8, v22;
	_ =	sdelay $0x3  }
0x400: {  	[tilespmem:$0x18400] =	vst v20  }
0x401: {  	[tilespmem:s28], [sflag:$0x4] =	stream.indirect_vreg.gather [hbm4b:s2+s3], $0x80, v22, vm0, $0xb8;
	[tilespmem:$0x1C480] =	vst v63  }
0x402: {  	v20 =	vperm.xlane v21, v9  }
0x403: {  	[tilespmem:s29], [sflag:$0x4] =	stream.indirect_vreg.gather [hbm4b:s8+s3], $0x80, v22, vm0, $0xb8;
	[tilespmem:$0x1C480] =	vst v63  }
0x404: {  	v20 =	vadd.s32 v8, v20  }
0x405: {  	[tilespmem:s12], [sflag:$0x4] =	stream.indirect_vreg.gather [hbm4b:s9+s3], $0x80, v22, vm0, $0xb8;
	[tilespmem:$0x1C480] =	vst v63  }
0x406: {  	_ = 	snop  }
0x407: {  	[tilespmem:s4], [sflag:$0x4] =	stream.indirect_vreg.gather [hbm4b:s10+s3], $0x80, v22, vm0, $0xb8;
	[tilespmem:$0x1C480] =	vst v63  }
0x408: {  	_ = 	snop  }
0x409: {  	[tilespmem:s31], [sflag:$0x4] =	stream.indirect_vreg.gather [hbm4b:s2+s3], $0x80, v20, vm0, $0xb8;
	[tilespmem:$0x1C480] =	vst v63  }
0x40a: {  	_ = 	snop  }
0x40b: {  	[tilespmem:s5], [sflag:$0x4] =	stream.indirect_vreg.gather [hbm4b:s8+s3], $0x80, v20, vm0, $0xb8;
	[tilespmem:$0x1C480] =	vst v63  }
0x40c: {  	_ = 	snop  }
0x40d: {  	[tilespmem:s6], [sflag:$0x4] =	stream.indirect_vreg.gather [hbm4b:s9+s3], $0x80, v20, vm0, $0xb8;
	[tilespmem:$0x1C480] =	vst v63  }
0x40e: {  	_ = 	snop  }
0x40f: {  	[tilespmem:s1], [sflag:$0x4] =	stream.indirect_vreg.gather [hbm4b:s10+s3], $0x80, v20, vm0, $0xb8;
	[tilespmem:$0x1C480] =	vst v63  }
0x410: {  	_ =	swait.ge [sflag:s7], $0x4000  }
0x411: {  	[sflag:s7] =	ssyncset.done $0x0  }
0x412: {  	s13 =	rddreg [dreg:$0x17];
	[sflag:s7] =	ssyncadd.s32 $0xFFFFC000  }
0x413: {  	[hbm4b:s13+s3] =	stream.linear.scatter [tilespmem:s28], [sflag:$0x5], $0x4000, $0x38;
	[tilespmem:$0x1C480] =	vst v63  }
0x414: {  	_ =	swait.ge [sflag:s14], $0x4000  }
0x415: {  	[sflag:s14] =	ssyncset.done $0x0  }
0x416: {  	[sflag:s14] =	ssyncadd.s32 $0xFFFFC000  }
0x417: {  	v20 =	vld [tilespmem:$0x18050];
	_ =	sdelay $0x4  }
0x418: {  	vm1 =	veq.s32 v20, $0x0  }
0x419: {  	v20 =	vsel vm1, $0x0, v5  }
0x41a: {  	v62 =	vshll.u32 v20, $0x3  }
0x41b: {  	v63 =	vand.u32 $0x7, v20;
	v21 =	vand.u32 $0xFFFFFFC0, v62  }
0x41c: {  	v21 =	vor.u32 v63, v21  }
0x41d: {  	v22 =	vperm.xlane v21, v7;
	_ =	sdelay $0x1  }
0x41e: {  	v22 =	vadd.s32 v8, v22;
	_ =	sdelay $0x3  }
0x41f: {  	[tilespmem:$0x18400] =	vst v20  }
0x420: {  	[tilespmem:s28], [sflag:$0x4] =	stream.indirect_vreg.gather [hbm4b:s2+s3], $0x80, v22, vm0, $0xb8;
	[tilespmem:$0x1C480] =	vst v63  }
0x421: {  	v20 =	vperm.xlane v21, v9  }
0x422: {  	[tilespmem:s29], [sflag:$0x4] =	stream.indirect_vreg.gather [hbm4b:s8+s3], $0x80, v22, vm0, $0xb8;
	[tilespmem:$0x1C480] =	vst v63  }
0x423: {  	v20 =	vadd.s32 v8, v20  }
0x424: {  	[tilespmem:s12], [sflag:$0x4] =	stream.indirect_vreg.gather [hbm4b:s9+s3], $0x80, v22, vm0, $0xb8;
	[tilespmem:$0x1C480] =	vst v63  }
0x425: {  	_ = 	snop  }
0x426: {  	[tilespmem:s4], [sflag:$0x4] =	stream.indirect_vreg.gather [hbm4b:s10+s3], $0x80, v22, vm0, $0xb8;
	[tilespmem:$0x1C480] =	vst v63  }
0x427: {  	_ = 	snop  }
0x428: {  	[tilespmem:s31], [sflag:$0x4] =	stream.indirect_vreg.gather [hbm4b:s2+s3], $0x80, v20, vm0, $0xb8;
	[tilespmem:$0x1C480] =	vst v63  }
0x429: {  	_ = 	snop  }
0x42a: {  	[tilespmem:s5], [sflag:$0x4] =	stream.indirect_vreg.gather [hbm4b:s8+s3], $0x80, v20, vm0, $0xb8;
	[tilespmem:$0x1C480] =	vst v63  }
0x42b: {  	_ = 	snop  }
0x42c: {  	[tilespmem:s6], [sflag:$0x4] =	stream.indirect_vreg.gather [hbm4b:s9+s3], $0x80, v20, vm0, $0xb8;
	[tilespmem:$0x1C480] =	vst v63  }
0x42d: {  	_ = 	snop  }
0x42e: {  	[tilespmem:s1], [sflag:$0x4] =	stream.indirect_vreg.gather [hbm4b:s10+s3], $0x80, v20, vm0, $0xb8;
	[tilespmem:$0x1C480] =	vst v63  }
0x42f: {  	_ =	swait.ge [sflag:s7], $0x4000  }
0x430: {  	[sflag:s7] =	ssyncset.done $0x0  }
0x431: {  	s15 =	rddreg [dreg:$0x18];
	[sflag:s7] =	ssyncadd.s32 $0xFFFFC000  }
0x432: {  	[hbm4b:s15+s3] =	stream.linear.scatter [tilespmem:s28], [sflag:$0x5], $0x4000, $0x38;
	[tilespmem:$0x1C480] =	vst v63  }
0x433: {  	_ =	swait.ge [sflag:s14], $0x4000  }
0x434: {  	[sflag:s14] =	ssyncset.done $0x0  }
0x435: {  	[sflag:s14] =	ssyncadd.s32 $0xFFFFC000  }
.LBB2_28:
0x436: {  	v20 =	vld [tilespmem:$0x180C0]  }
0x437: {  	v21 =	vld [tilespmem:$0x180D0];
	_ =	sdelay $0x3  }
0x438: {  	vm1 =	veq.s32 v20, $0x0  }
0x439: {  	vm2 =	veq.s32 v21, $0x0;
	v20 =	vsel vm1, $0x1, v15  }
0x43a: {  	(xrf0) =	vadd.scan.msk.s32 $0xffff, v20;
	v20 =	vsel vm2, $0x1, v15  }
0x43b: {  	(xrf0) =	vadd.scan.msk.s32 $0xffff, v20;
	_ =	sdelay $0x4  }
0x43c: {  	v20, _, _ =	vpop (xrf0)  }
0x43d: {  	(v2sf) =	vpush v20, $0xF;
	v20, _, _ =	vpop (xrf0)  }
0x43e: {  	(v2sf) =	vpush v20, $0xF;
	_ =	sdelay $0xd  }
0x43f: {  	s13 =	spop (v2sf)  }
0x440: {  	s15 =	spop (v2sf)  }
0x441: {  	s15 =	ssub.s32 $0x0, s15  }
0x442: {  	p0 =	sne.s32 s13, s15  }
.Ltmp20:
0x443: {  	_ = 	snop;
	(pc) =	sbr.rel @p0 .LBB2_30-.Ltmp20, $4  }
0x444: {  	_ = 	snop  }
0x445: {  	s13 =	simm.s32 @!p0 $0x0  }
0x446: {  	s13 =	simm.s32 @p0 $0x1  }
0x447: {  	[smem:$0x7F5] =	sst s13  }
.Ltmp21:
0x448: {  	(pc) =	sbr.rel .LBB2_31-.Ltmp21, $3  }
0x449: {  	_ =	sdelay $0x1  }
0x44a: {  	s13 =	rddreg [dreg:$0x19]  }
0x44b: {  	[hbm4b:s13+s3] =	stream.linear.scatter [tilespmem:s25], [sflag:$0x2], $0x8000, $0x38;
	[tilespmem:$0x1C480] =	vst v63  }
.LBB2_30:
0x44c: {  	v20 =	vsel vm1, $0x0, v4  }
0x44d: {  	v21 =	vshll.u32 v20, $0x3  }
0x44e: {  	v22 =	vand.u32 $0x7, v20;
	v21 =	vand.u32 $0xFFFFFFC0, v21  }
0x44f: {  	v21 =	vor.u32 v22, v21  }
0x450: {  	v22 =	vperm.xlane v21, v7;
	_ =	sdelay $0x1  }
0x451: {  	v22 =	vadd.s32 v8, v22;
	_ =	sdelay $0x3  }
0x452: {  	[tilespmem:$0x18400] =	vst v20  }
0x453: {  	[tilespmem:s28], [sflag:$0x4] =	stream.indirect_vreg.gather [hbm4b:s2+s3], $0x80, v22, vm0, $0xb8;
	[tilespmem:$0x1C480] =	vst v63  }
0x454: {  	v20 =	vperm.xlane v21, v9  }
0x455: {  	[tilespmem:s29], [sflag:$0x4] =	stream.indirect_vreg.gather [hbm4b:s8+s3], $0x80, v22, vm0, $0xb8;
	[tilespmem:$0x1C480] =	vst v63  }
0x456: {  	v20 =	vadd.s32 v8, v20  }
0x457: {  	[tilespmem:s12], [sflag:$0x4] =	stream.indirect_vreg.gather [hbm4b:s9+s3], $0x80, v22, vm0, $0xb8;
	[tilespmem:$0x1C480] =	vst v63  }
0x458: {  	_ = 	snop  }
0x459: {  	[tilespmem:s4], [sflag:$0x4] =	stream.indirect_vreg.gather [hbm4b:s10+s3], $0x80, v22, vm0, $0xb8;
	[tilespmem:$0x1C480] =	vst v63  }
0x45a: {  	_ = 	snop  }
0x45b: {  	[tilespmem:s31], [sflag:$0x4] =	stream.indirect_vreg.gather [hbm4b:s2+s3], $0x80, v20, vm0, $0xb8;
	[tilespmem:$0x1C480] =	vst v63  }
0x45c: {  	_ = 	snop  }
0x45d: {  	[tilespmem:s5], [sflag:$0x4] =	stream.indirect_vreg.gather [hbm4b:s8+s3], $0x80, v20, vm0, $0xb8;
	[tilespmem:$0x1C480] =	vst v63  }
0x45e: {  	_ = 	snop  }
0x45f: {  	[tilespmem:s6], [sflag:$0x4] =	stream.indirect_vreg.gather [hbm4b:s9+s3], $0x80, v20, vm0, $0xb8;
	[tilespmem:$0x1C480] =	vst v63  }
0x460: {  	_ = 	snop  }
0x461: {  	[tilespmem:s1], [sflag:$0x4] =	stream.indirect_vreg.gather [hbm4b:s10+s3], $0x80, v20, vm0, $0xb8;
	[tilespmem:$0x1C480] =	vst v63  }
0x462: {  	_ =	swait.ge [sflag:s7], $0x4000  }
0x463: {  	[sflag:s7] =	ssyncset.done $0x0  }
0x464: {  	s13 =	rddreg [dreg:$0x19];
	[sflag:s7] =	ssyncadd.s32 $0xFFFFC000  }
0x465: {  	[hbm4b:s13+s3] =	stream.linear.scatter [tilespmem:s28], [sflag:$0x5], $0x4000, $0x38;
	[tilespmem:$0x1C480] =	vst v63  }
0x466: {  	_ =	swait.ge [sflag:s14], $0x4000  }
0x467: {  	[sflag:s14] =	ssyncset.done $0x0  }
0x468: {  	[sflag:s14] =	ssyncadd.s32 $0xFFFFC000  }
0x469: {  	v20 =	vld [tilespmem:$0x180D0];
	_ =	sdelay $0x4  }
0x46a: {  	vm1 =	veq.s32 v20, $0x0  }
0x46b: {  	v20 =	vsel vm1, $0x0, v5  }
0x46c: {  	v62 =	vshll.u32 v20, $0x3  }
0x46d: {  	v63 =	vand.u32 $0x7, v20;
	v21 =	vand.u32 $0xFFFFFFC0, v62  }
0x46e: {  	v21 =	vor.u32 v63, v21  }
0x46f: {  	v22 =	vperm.xlane v21, v7;
	_ =	sdelay $0x1  }
0x470: {  	v22 =	vadd.s32 v8, v22;
	_ =	sdelay $0x3  }
0x471: {  	[tilespmem:$0x18400] =	vst v20  }
0x472: {  	[tilespmem:s28], [sflag:$0x4] =	stream.indirect_vreg.gather [hbm4b:s2+s3], $0x80, v22, vm0, $0xb8;
	[tilespmem:$0x1C480] =	vst v63  }
0x473: {  	v20 =	vperm.xlane v21, v9  }
0x474: {  	[tilespmem:s29], [sflag:$0x4] =	stream.indirect_vreg.gather [hbm4b:s8+s3], $0x80, v22, vm0, $0xb8;
	[tilespmem:$0x1C480] =	vst v63  }
0x475: {  	v20 =	vadd.s32 v8, v20  }
0x476: {  	[tilespmem:s12], [sflag:$0x4] =	stream.indirect_vreg.gather [hbm4b:s9+s3], $0x80, v22, vm0, $0xb8;
	[tilespmem:$0x1C480] =	vst v63  }
0x477: {  	_ = 	snop  }
0x478: {  	[tilespmem:s4], [sflag:$0x4] =	stream.indirect_vreg.gather [hbm4b:s10+s3], $0x80, v22, vm0, $0xb8;
	[tilespmem:$0x1C480] =	vst v63  }
0x479: {  	_ = 	snop  }
0x47a: {  	[tilespmem:s31], [sflag:$0x4] =	stream.indirect_vreg.gather [hbm4b:s2+s3], $0x80, v20, vm0, $0xb8;
	[tilespmem:$0x1C480] =	vst v63  }
0x47b: {  	_ = 	snop  }
0x47c: {  	[tilespmem:s5], [sflag:$0x4] =	stream.indirect_vreg.gather [hbm4b:s8+s3], $0x80, v20, vm0, $0xb8;
	[tilespmem:$0x1C480] =	vst v63  }
0x47d: {  	_ = 	snop  }
0x47e: {  	[tilespmem:s6], [sflag:$0x4] =	stream.indirect_vreg.gather [hbm4b:s9+s3], $0x80, v20, vm0, $0xb8;
	[tilespmem:$0x1C480] =	vst v63  }
0x47f: {  	_ = 	snop  }
0x480: {  	[tilespmem:s1], [sflag:$0x4] =	stream.indirect_vreg.gather [hbm4b:s10+s3], $0x80, v20, vm0, $0xb8;
	[tilespmem:$0x1C480] =	vst v63  }
0x481: {  	_ =	swait.ge [sflag:s7], $0x4000  }
0x482: {  	[sflag:s7] =	ssyncset.done $0x0  }
0x483: {  	s15 =	rddreg [dreg:$0x1a];
	[sflag:s7] =	ssyncadd.s32 $0xFFFFC000  }
0x484: {  	[hbm4b:s15+s3] =	stream.linear.scatter [tilespmem:s28], [sflag:$0x5], $0x4000, $0x38;
	[tilespmem:$0x1C480] =	vst v63  }
0x485: {  	_ =	swait.ge [sflag:s14], $0x4000  }
0x486: {  	[sflag:s14] =	ssyncset.done $0x0  }
0x487: {  	[sflag:s14] =	ssyncadd.s32 $0xFFFFC000  }
.LBB2_31:
0x488: {  	v20 =	vld [tilespmem:$0x18140]  }
0x489: {  	v21 =	vld [tilespmem:$0x18150];
	_ =	sdelay $0x3  }
0x48a: {  	vm1 =	veq.s32 v20, $0x0  }
0x48b: {  	vm2 =	veq.s32 v21, $0x0;
	v20 =	vsel vm1, $0x1, v15  }
0x48c: {  	(xrf0) =	vadd.scan.msk.s32 $0xffff, v20;
	v20 =	vsel vm2, $0x1, v15  }
0x48d: {  	(xrf0) =	vadd.scan.msk.s32 $0xffff, v20;
	_ =	sdelay $0x4  }
0x48e: {  	v20, _, _ =	vpop (xrf0)  }
0x48f: {  	(v2sf) =	vpush v20, $0xF;
	v20, _, _ =	vpop (xrf0)  }
0x490: {  	(v2sf) =	vpush v20, $0xF;
	_ =	sdelay $0xd  }
0x491: {  	s13 =	spop (v2sf)  }
0x492: {  	s15 =	spop (v2sf)  }
0x493: {  	s15 =	ssub.s32 $0x0, s15  }
0x494: {  	p6 =	sne.s32 s13, s15  }
.Ltmp22:
0x495: {  	_ = 	snop;
	(pc) =	sbr.rel @p6 .LBB2_33-.Ltmp22, $1  }
0x496: {  	_ =	sdelay $0x3  }
.Ltmp23:
0x497: {  	(pc) =	sbr.rel .LBB2_34-.Ltmp23, $3  }
0x498: {  	_ =	sdelay $0x1  }
0x499: {  	s13 =	rddreg [dreg:$0x1b]  }
0x49a: {  	[hbm4b:s13+s3] =	stream.linear.scatter [tilespmem:s25], [sflag:$0x2], $0x8000, $0x38;
	[tilespmem:$0x1C480] =	vst v63  }
.LBB2_33:
0x49b: {  	v20 =	vsel vm1, $0x0, v4  }
0x49c: {  	v21 =	vshll.u32 v20, $0x3  }
0x49d: {  	v22 =	vand.u32 $0x7, v20;
	v21 =	vand.u32 $0xFFFFFFC0, v21  }
0x49e: {  	v21 =	vor.u32 v22, v21  }
0x49f: {  	v22 =	vperm.xlane v21, v7;
	_ =	sdelay $0x1  }
0x4a0: {  	v22 =	vadd.s32 v8, v22;
	_ =	sdelay $0x3  }
0x4a1: {  	[tilespmem:$0x18400] =	vst v20  }
0x4a2: {  	[tilespmem:s28], [sflag:$0x4] =	stream.indirect_vreg.gather [hbm4b:s2+s3], $0x80, v22, vm0, $0xb8;
	[tilespmem:$0x1C480] =	vst v63  }
0x4a3: {  	v20 =	vperm.xlane v21, v9  }
0x4a4: {  	[tilespmem:s29], [sflag:$0x4] =	stream.indirect_vreg.gather [hbm4b:s8+s3], $0x80, v22, vm0, $0xb8;
	[tilespmem:$0x1C480] =	vst v63  }
0x4a5: {  	v20 =	vadd.s32 v8, v20  }
0x4a6: {  	[tilespmem:s12], [sflag:$0x4] =	stream.indirect_vreg.gather [hbm4b:s9+s3], $0x80, v22, vm0, $0xb8;
	[tilespmem:$0x1C480] =	vst v63  }
0x4a7: {  	_ = 	snop  }
0x4a8: {  	[tilespmem:s4], [sflag:$0x4] =	stream.indirect_vreg.gather [hbm4b:s10+s3], $0x80, v22, vm0, $0xb8;
	[tilespmem:$0x1C480] =	vst v63  }
0x4a9: {  	_ = 	snop  }
0x4aa: {  	[tilespmem:s31], [sflag:$0x4] =	stream.indirect_vreg.gather [hbm4b:s2+s3], $0x80, v20, vm0, $0xb8;
	[tilespmem:$0x1C480] =	vst v63  }
0x4ab: {  	_ = 	snop  }
0x4ac: {  	[tilespmem:s5], [sflag:$0x4] =	stream.indirect_vreg.gather [hbm4b:s8+s3], $0x80, v20, vm0, $0xb8;
	[tilespmem:$0x1C480] =	vst v63  }
0x4ad: {  	_ = 	snop  }
0x4ae: {  	[tilespmem:s6], [sflag:$0x4] =	stream.indirect_vreg.gather [hbm4b:s9+s3], $0x80, v20, vm0, $0xb8;
	[tilespmem:$0x1C480] =	vst v63  }
0x4af: {  	_ = 	snop  }
0x4b0: {  	[tilespmem:s1], [sflag:$0x4] =	stream.indirect_vreg.gather [hbm4b:s10+s3], $0x80, v20, vm0, $0xb8;
	[tilespmem:$0x1C480] =	vst v63  }
0x4b1: {  	_ =	swait.ge [sflag:s7], $0x4000  }
0x4b2: {  	[sflag:s7] =	ssyncset.done $0x0  }
0x4b3: {  	s13 =	rddreg [dreg:$0x1b];
	[sflag:s7] =	ssyncadd.s32 $0xFFFFC000  }
0x4b4: {  	[hbm4b:s13+s3] =	stream.linear.scatter [tilespmem:s28], [sflag:$0x5], $0x4000, $0x38;
	[tilespmem:$0x1C480] =	vst v63  }
0x4b5: {  	_ =	swait.ge [sflag:s14], $0x4000  }
0x4b6: {  	[sflag:s14] =	ssyncset.done $0x0  }
0x4b7: {  	[sflag:s14] =	ssyncadd.s32 $0xFFFFC000  }
0x4b8: {  	v20 =	vld [tilespmem:$0x18150];
	_ =	sdelay $0x4  }
0x4b9: {  	vm1 =	veq.s32 v20, $0x0  }
0x4ba: {  	v20 =	vsel vm1, $0x0, v5  }
0x4bb: {  	v62 =	vshll.u32 v20, $0x3  }
0x4bc: {  	v63 =	vand.u32 $0x7, v20;
	v21 =	vand.u32 $0xFFFFFFC0, v62  }
0x4bd: {  	v21 =	vor.u32 v63, v21  }
0x4be: {  	v22 =	vperm.xlane v21, v7;
	_ =	sdelay $0x1  }
0x4bf: {  	v22 =	vadd.s32 v8, v22;
	_ =	sdelay $0x3  }
0x4c0: {  	[tilespmem:$0x18400] =	vst v20  }
0x4c1: {  	[tilespmem:s28], [sflag:$0x4] =	stream.indirect_vreg.gather [hbm4b:s2+s3], $0x80, v22, vm0, $0xb8;
	[tilespmem:$0x1C480] =	vst v63  }
0x4c2: {  	v20 =	vperm.xlane v21, v9  }
0x4c3: {  	[tilespmem:s29], [sflag:$0x4] =	stream.indirect_vreg.gather [hbm4b:s8+s3], $0x80, v22, vm0, $0xb8;
	[tilespmem:$0x1C480] =	vst v63  }
0x4c4: {  	v20 =	vadd.s32 v8, v20  }
0x4c5: {  	[tilespmem:s12], [sflag:$0x4] =	stream.indirect_vreg.gather [hbm4b:s9+s3], $0x80, v22, vm0, $0xb8;
	[tilespmem:$0x1C480] =	vst v63  }
0x4c6: {  	_ = 	snop  }
0x4c7: {  	[tilespmem:s4], [sflag:$0x4] =	stream.indirect_vreg.gather [hbm4b:s10+s3], $0x80, v22, vm0, $0xb8;
	[tilespmem:$0x1C480] =	vst v63  }
0x4c8: {  	_ = 	snop  }
0x4c9: {  	[tilespmem:s31], [sflag:$0x4] =	stream.indirect_vreg.gather [hbm4b:s2+s3], $0x80, v20, vm0, $0xb8;
	[tilespmem:$0x1C480] =	vst v63  }
0x4ca: {  	_ = 	snop  }
0x4cb: {  	[tilespmem:s5], [sflag:$0x4] =	stream.indirect_vreg.gather [hbm4b:s8+s3], $0x80, v20, vm0, $0xb8;
	[tilespmem:$0x1C480] =	vst v63  }
0x4cc: {  	_ = 	snop  }
0x4cd: {  	[tilespmem:s6], [sflag:$0x4] =	stream.indirect_vreg.gather [hbm4b:s9+s3], $0x80, v20, vm0, $0xb8;
	[tilespmem:$0x1C480] =	vst v63  }
0x4ce: {  	_ = 	snop  }
0x4cf: {  	[tilespmem:s1], [sflag:$0x4] =	stream.indirect_vreg.gather [hbm4b:s10+s3], $0x80, v20, vm0, $0xb8;
	[tilespmem:$0x1C480] =	vst v63  }
0x4d0: {  	_ =	swait.ge [sflag:s7], $0x4000  }
0x4d1: {  	[sflag:s7] =	ssyncset.done $0x0  }
0x4d2: {  	s15 =	rddreg [dreg:$0x1c];
	[sflag:s7] =	ssyncadd.s32 $0xFFFFC000  }
0x4d3: {  	[hbm4b:s15+s3] =	stream.linear.scatter [tilespmem:s28], [sflag:$0x5], $0x4000, $0x38;
	[tilespmem:$0x1C480] =	vst v63  }
0x4d4: {  	_ =	swait.ge [sflag:s14], $0x4000  }
0x4d5: {  	[sflag:s14] =	ssyncset.done $0x0  }
0x4d6: {  	[sflag:s14] =	ssyncadd.s32 $0xFFFFC000  }
.LBB2_34:
0x4d7: {  	v20 =	vld [tilespmem:$0x181C0]  }
0x4d8: {  	v21 =	vld [tilespmem:$0x181D0];
	_ =	sdelay $0x3  }
0x4d9: {  	vm1 =	veq.s32 v20, $0x0  }
0x4da: {  	vm2 =	veq.s32 v21, $0x0;
	v20 =	vsel vm1, $0x1, v15  }
0x4db: {  	(xrf0) =	vadd.scan.msk.s32 $0xffff, v20;
	v20 =	vsel vm2, $0x1, v15  }
0x4dc: {  	(xrf0) =	vadd.scan.msk.s32 $0xffff, v20;
	_ =	sdelay $0x4  }
0x4dd: {  	v20, _, _ =	vpop (xrf0)  }
0x4de: {  	(v2sf) =	vpush v20, $0xF;
	v20, _, _ =	vpop (xrf0)  }
0x4df: {  	(v2sf) =	vpush v20, $0xF;
	_ =	sdelay $0xd  }
0x4e0: {  	s13 =	spop (v2sf)  }
0x4e1: {  	s15 =	spop (v2sf)  }
0x4e2: {  	s15 =	ssub.s32 $0x0, s15  }
0x4e3: {  	p0 =	sne.s32 s13, s15  }
.Ltmp24:
0x4e4: {  	_ = 	snop;
	(pc) =	sbr.rel @p0 .LBB2_36-.Ltmp24, $1  }
0x4e5: {  	_ =	sdelay $0x3  }
.Ltmp25:
0x4e6: {  	(pc) =	sbr.rel .LBB2_37-.Ltmp25, $3  }
0x4e7: {  	_ =	sdelay $0x1  }
0x4e8: {  	s13 =	rddreg [dreg:$0x1d]  }
0x4e9: {  	[hbm4b:s13+s3] =	stream.linear.scatter [tilespmem:s25], [sflag:$0x2], $0x8000, $0x38;
	[tilespmem:$0x1C480] =	vst v63  }
.LBB2_36:
0x4ea: {  	v20 =	vsel vm1, $0x0, v4  }
0x4eb: {  	v21 =	vshll.u32 v20, $0x3  }
0x4ec: {  	v22 =	vand.u32 $0x7, v20;
	v21 =	vand.u32 $0xFFFFFFC0, v21  }
0x4ed: {  	v21 =	vor.u32 v22, v21  }
0x4ee: {  	v22 =	vperm.xlane v21, v7;
	_ =	sdelay $0x1  }
0x4ef: {  	v22 =	vadd.s32 v8, v22;
	_ =	sdelay $0x3  }
0x4f0: {  	[tilespmem:$0x18400] =	vst v20  }
0x4f1: {  	[tilespmem:s28], [sflag:$0x4] =	stream.indirect_vreg.gather [hbm4b:s2+s3], $0x80, v22, vm0, $0xb8;
	[tilespmem:$0x1C480] =	vst v63  }
0x4f2: {  	v20 =	vperm.xlane v21, v9  }
0x4f3: {  	[tilespmem:s29], [sflag:$0x4] =	stream.indirect_vreg.gather [hbm4b:s8+s3], $0x80, v22, vm0, $0xb8;
	[tilespmem:$0x1C480] =	vst v63  }
0x4f4: {  	v20 =	vadd.s32 v8, v20  }
0x4f5: {  	[tilespmem:s12], [sflag:$0x4] =	stream.indirect_vreg.gather [hbm4b:s9+s3], $0x80, v22, vm0, $0xb8;
	[tilespmem:$0x1C480] =	vst v63  }
0x4f6: {  	_ = 	snop  }
0x4f7: {  	[tilespmem:s4], [sflag:$0x4] =	stream.indirect_vreg.gather [hbm4b:s10+s3], $0x80, v22, vm0, $0xb8;
	[tilespmem:$0x1C480] =	vst v63  }
0x4f8: {  	_ = 	snop  }
0x4f9: {  	[tilespmem:s31], [sflag:$0x4] =	stream.indirect_vreg.gather [hbm4b:s2+s3], $0x80, v20, vm0, $0xb8;
	[tilespmem:$0x1C480] =	vst v63  }
0x4fa: {  	_ = 	snop  }
0x4fb: {  	[tilespmem:s5], [sflag:$0x4] =	stream.indirect_vreg.gather [hbm4b:s8+s3], $0x80, v20, vm0, $0xb8;
	[tilespmem:$0x1C480] =	vst v63  }
0x4fc: {  	_ = 	snop  }
0x4fd: {  	[tilespmem:s6], [sflag:$0x4] =	stream.indirect_vreg.gather [hbm4b:s9+s3], $0x80, v20, vm0, $0xb8;
	[tilespmem:$0x1C480] =	vst v63  }
0x4fe: {  	_ = 	snop  }
0x4ff: {  	[tilespmem:s1], [sflag:$0x4] =	stream.indirect_vreg.gather [hbm4b:s10+s3], $0x80, v20, vm0, $0xb8;
	[tilespmem:$0x1C480] =	vst v63  }
0x500: {  	_ =	swait.ge [sflag:s7], $0x4000  }
0x501: {  	[sflag:s7] =	ssyncset.done $0x0  }
0x502: {  	s13 =	rddreg [dreg:$0x1d];
	[sflag:s7] =	ssyncadd.s32 $0xFFFFC000  }
0x503: {  	[hbm4b:s13+s3] =	stream.linear.scatter [tilespmem:s28], [sflag:$0x5], $0x4000, $0x38;
	[tilespmem:$0x1C480] =	vst v63  }
0x504: {  	_ =	swait.ge [sflag:s14], $0x4000  }
0x505: {  	[sflag:s14] =	ssyncset.done $0x0  }
0x506: {  	[sflag:s14] =	ssyncadd.s32 $0xFFFFC000  }
0x507: {  	v20 =	vld [tilespmem:$0x181D0];
	_ =	sdelay $0x4  }
0x508: {  	vm1 =	veq.s32 v20, $0x0  }
0x509: {  	v20 =	vsel vm1, $0x0, v5  }
0x50a: {  	v62 =	vshll.u32 v20, $0x3  }
0x50b: {  	v63 =	vand.u32 $0x7, v20;
	v21 =	vand.u32 $0xFFFFFFC0, v62  }
0x50c: {  	v21 =	vor.u32 v63, v21  }
0x50d: {  	v22 =	vperm.xlane v21, v7;
	_ =	sdelay $0x1  }
0x50e: {  	v22 =	vadd.s32 v8, v22;
	_ =	sdelay $0x3  }
0x50f: {  	[tilespmem:$0x18400] =	vst v20  }
0x510: {  	[tilespmem:s28], [sflag:$0x4] =	stream.indirect_vreg.gather [hbm4b:s2+s3], $0x80, v22, vm0, $0xb8;
	[tilespmem:$0x1C480] =	vst v63  }
0x511: {  	v20 =	vperm.xlane v21, v9  }
0x512: {  	[tilespmem:s29], [sflag:$0x4] =	stream.indirect_vreg.gather [hbm4b:s8+s3], $0x80, v22, vm0, $0xb8;
	[tilespmem:$0x1C480] =	vst v63  }
0x513: {  	v20 =	vadd.s32 v8, v20  }
0x514: {  	[tilespmem:s12], [sflag:$0x4] =	stream.indirect_vreg.gather [hbm4b:s9+s3], $0x80, v22, vm0, $0xb8;
	[tilespmem:$0x1C480] =	vst v63  }
0x515: {  	_ = 	snop  }
0x516: {  	[tilespmem:s4], [sflag:$0x4] =	stream.indirect_vreg.gather [hbm4b:s10+s3], $0x80, v22, vm0, $0xb8;
	[tilespmem:$0x1C480] =	vst v63  }
0x517: {  	_ = 	snop  }
0x518: {  	[tilespmem:s31], [sflag:$0x4] =	stream.indirect_vreg.gather [hbm4b:s2+s3], $0x80, v20, vm0, $0xb8;
	[tilespmem:$0x1C480] =	vst v63  }
0x519: {  	_ = 	snop  }
0x51a: {  	[tilespmem:s5], [sflag:$0x4] =	stream.indirect_vreg.gather [hbm4b:s8+s3], $0x80, v20, vm0, $0xb8;
	[tilespmem:$0x1C480] =	vst v63  }
0x51b: {  	_ = 	snop  }
0x51c: {  	[tilespmem:s6], [sflag:$0x4] =	stream.indirect_vreg.gather [hbm4b:s9+s3], $0x80, v20, vm0, $0xb8;
	[tilespmem:$0x1C480] =	vst v63  }
0x51d: {  	_ = 	snop  }
0x51e: {  	[tilespmem:s1], [sflag:$0x4] =	stream.indirect_vreg.gather [hbm4b:s10+s3], $0x80, v20, vm0, $0xb8;
	[tilespmem:$0x1C480] =	vst v63  }
0x51f: {  	_ =	swait.ge [sflag:s7], $0x4000  }
0x520: {  	[sflag:s7] =	ssyncset.done $0x0  }
0x521: {  	s15 =	rddreg [dreg:$0x1e];
	[sflag:s7] =	ssyncadd.s32 $0xFFFFC000  }
0x522: {  	[hbm4b:s15+s3] =	stream.linear.scatter [tilespmem:s28], [sflag:$0x5], $0x4000, $0x38;
	[tilespmem:$0x1C480] =	vst v63  }
0x523: {  	_ =	swait.ge [sflag:s14], $0x4000  }
0x524: {  	[sflag:s14] =	ssyncset.done $0x0  }
0x525: {  	[sflag:s14] =	ssyncadd.s32 $0xFFFFC000  }
.LBB2_37:
0x526: {  	_ =	swait.ge [sflag:s26], $0x8000  }
0x527: {  	[sflag:s26] =	ssyncset.done $0x0  }
0x528: {  	[sflag:s26] =	ssyncadd.s32 $0xFFFF8000  }
0x529: {  	v20 =	vld [tilespmem:$0x18060]  }
0x52a: {  	v21 =	vld [tilespmem:$0x18070];
	_ =	sdelay $0x3  }
0x52b: {  	vm1 =	veq.s32 v20, $0x0  }
0x52c: {  	vm2 =	veq.s32 v21, $0x0;
	v20 =	vsel vm1, $0x1, v15  }
0x52d: {  	(xrf0) =	vadd.scan.msk.s32 $0xffff, v20;
	v20 =	vsel vm2, $0x1, v15  }
0x52e: {  	(xrf0) =	vadd.scan.msk.s32 $0xffff, v20;
	_ =	sdelay $0x4  }
0x52f: {  	v20, _, _ =	vpop (xrf0)  }
0x530: {  	(v2sf) =	vpush v20, $0xF;
	v20, _, _ =	vpop (xrf0)  }
0x531: {  	(v2sf) =	vpush v20, $0xF;
	_ =	sdelay $0xd  }
0x532: {  	s13 =	spop (v2sf)  }
0x533: {  	s15 =	spop (v2sf)  }
0x534: {  	s15 =	ssub.s32 $0x0, s15  }
0x535: {  	p1 =	sne.s32 s13, s15  }
.Ltmp26:
0x536: {  	_ = 	snop;
	(pc) =	sbr.rel @p1 .LBB2_39-.Ltmp26, $1  }
0x537: {  	_ =	sdelay $0x3  }
.Ltmp27:
0x538: {  	(pc) =	sbr.rel .LBB2_40-.Ltmp27, $2  }
0x539: {  	_ =	sdelay $0x2  }
0x53a: {  	[hbm4b:s19+s3] =	stream.linear.scatter [tilespmem:s3], [sflag:$0x2], $0x8000, $0x38;
	[tilespmem:$0x1C480] =	vst v63  }
.LBB2_39:
0x53b: {  	v20 =	vsel vm1, $0x0, v6  }
0x53c: {  	v21 =	vshll.u32 v20, $0x3  }
0x53d: {  	v22 =	vand.u32 $0x7, v20;
	v21 =	vand.u32 $0xFFFFFFC0, v21  }
0x53e: {  	v21 =	vor.u32 v22, v21  }
0x53f: {  	v22 =	vperm.xlane v21, v7;
	_ =	sdelay $0x1  }
0x540: {  	v22 =	vadd.s32 v8, v22;
	_ =	sdelay $0x3  }
0x541: {  	[tilespmem:$0x18400] =	vst v20  }
0x542: {  	[tilespmem:s28], [sflag:$0x4] =	stream.indirect_vreg.gather [hbm4b:s2+s3], $0x80, v22, vm0, $0xb8;
	[tilespmem:$0x1C480] =	vst v63  }
0x543: {  	v20 =	vperm.xlane v21, v9  }
0x544: {  	[tilespmem:s29], [sflag:$0x4] =	stream.indirect_vreg.gather [hbm4b:s8+s3], $0x80, v22, vm0, $0xb8;
	[tilespmem:$0x1C480] =	vst v63  }
0x545: {  	v20 =	vadd.s32 v8, v20  }
0x546: {  	[tilespmem:s12], [sflag:$0x4] =	stream.indirect_vreg.gather [hbm4b:s9+s3], $0x80, v22, vm0, $0xb8;
	[tilespmem:$0x1C480] =	vst v63  }
0x547: {  	_ = 	snop  }
0x548: {  	[tilespmem:s4], [sflag:$0x4] =	stream.indirect_vreg.gather [hbm4b:s10+s3], $0x80, v22, vm0, $0xb8;
	[tilespmem:$0x1C480] =	vst v63  }
0x549: {  	_ = 	snop  }
0x54a: {  	[tilespmem:s31], [sflag:$0x4] =	stream.indirect_vreg.gather [hbm4b:s2+s3], $0x80, v20, vm0, $0xb8;
	[tilespmem:$0x1C480] =	vst v63  }
0x54b: {  	_ = 	snop  }
0x54c: {  	[tilespmem:s5], [sflag:$0x4] =	stream.indirect_vreg.gather [hbm4b:s8+s3], $0x80, v20, vm0, $0xb8;
	[tilespmem:$0x1C480] =	vst v63  }
0x54d: {  	_ = 	snop  }
0x54e: {  	[tilespmem:s6], [sflag:$0x4] =	stream.indirect_vreg.gather [hbm4b:s9+s3], $0x80, v20, vm0, $0xb8;
	[tilespmem:$0x1C480] =	vst v63  }
0x54f: {  	_ = 	snop  }
0x550: {  	[tilespmem:s1], [sflag:$0x4] =	stream.indirect_vreg.gather [hbm4b:s10+s3], $0x80, v20, vm0, $0xb8;
	[tilespmem:$0x1C480] =	vst v63  }
0x551: {  	_ =	swait.ge [sflag:s7], $0x4000  }
0x552: {  	[sflag:s7] =	ssyncset.done $0x0  }
0x553: {  	[sflag:s7] =	ssyncadd.s32 $0xFFFFC000  }
0x554: {  	[hbm4b:s19+s3] =	stream.linear.scatter [tilespmem:s28], [sflag:$0x5], $0x4000, $0x38;
	[tilespmem:$0x1C480] =	vst v63  }
0x555: {  	_ =	swait.ge [sflag:s14], $0x4000  }
0x556: {  	[sflag:s14] =	ssyncset.done $0x0  }
0x557: {  	[sflag:s14] =	ssyncadd.s32 $0xFFFFC000  }
0x558: {  	v20 =	vld [tilespmem:$0x18070];
	_ =	sdelay $0x4  }
0x559: {  	vm1 =	veq.s32 v20, $0x0  }
0x55a: {  	v20 =	vsel vm1, $0x0, v10  }
0x55b: {  	v62 =	vshll.u32 v20, $0x3  }
0x55c: {  	v63 =	vand.u32 $0x7, v20;
	v21 =	vand.u32 $0xFFFFFFC0, v62  }
0x55d: {  	v21 =	vor.u32 v63, v21  }
0x55e: {  	v22 =	vperm.xlane v21, v7;
	_ =	sdelay $0x1  }
0x55f: {  	v22 =	vadd.s32 v8, v22;
	_ =	sdelay $0x3  }
0x560: {  	[tilespmem:$0x18400] =	vst v20  }
0x561: {  	[tilespmem:s28], [sflag:$0x4] =	stream.indirect_vreg.gather [hbm4b:s2+s3], $0x80, v22, vm0, $0xb8;
	[tilespmem:$0x1C480] =	vst v63  }
0x562: {  	v20 =	vperm.xlane v21, v9  }
0x563: {  	[tilespmem:s29], [sflag:$0x4] =	stream.indirect_vreg.gather [hbm4b:s8+s3], $0x80, v22, vm0, $0xb8;
	[tilespmem:$0x1C480] =	vst v63  }
0x564: {  	v20 =	vadd.s32 v8, v20  }
0x565: {  	[tilespmem:s12], [sflag:$0x4] =	stream.indirect_vreg.gather [hbm4b:s9+s3], $0x80, v22, vm0, $0xb8;
	[tilespmem:$0x1C480] =	vst v63  }
0x566: {  	_ = 	snop  }
0x567: {  	[tilespmem:s4], [sflag:$0x4] =	stream.indirect_vreg.gather [hbm4b:s10+s3], $0x80, v22, vm0, $0xb8;
	[tilespmem:$0x1C480] =	vst v63  }
0x568: {  	_ = 	snop  }
0x569: {  	[tilespmem:s31], [sflag:$0x4] =	stream.indirect_vreg.gather [hbm4b:s2+s3], $0x80, v20, vm0, $0xb8;
	[tilespmem:$0x1C480] =	vst v63  }
0x56a: {  	_ = 	snop  }
0x56b: {  	[tilespmem:s5], [sflag:$0x4] =	stream.indirect_vreg.gather [hbm4b:s8+s3], $0x80, v20, vm0, $0xb8;
	[tilespmem:$0x1C480] =	vst v63  }
0x56c: {  	_ = 	snop  }
0x56d: {  	[tilespmem:s6], [sflag:$0x4] =	stream.indirect_vreg.gather [hbm4b:s9+s3], $0x80, v20, vm0, $0xb8;
	[tilespmem:$0x1C480] =	vst v63  }
0x56e: {  	_ = 	snop  }
0x56f: {  	[tilespmem:s1], [sflag:$0x4] =	stream.indirect_vreg.gather [hbm4b:s10+s3], $0x80, v20, vm0, $0xb8;
	[tilespmem:$0x1C480] =	vst v63  }
0x570: {  	_ =	swait.ge [sflag:s7], $0x4000  }
0x571: {  	[sflag:s7] =	ssyncset.done $0x0  }
0x572: {  	s13 =	rddreg [dreg:$0x1f];
	[sflag:s7] =	ssyncadd.s32 $0xFFFFC000  }
0x573: {  	[hbm4b:s13+s3] =	stream.linear.scatter [tilespmem:s28], [sflag:$0x5], $0x4000, $0x38;
	[tilespmem:$0x1C480] =	vst v63  }
0x574: {  	_ =	swait.ge [sflag:s14], $0x4000  }
0x575: {  	[sflag:s14] =	ssyncset.done $0x0  }
0x576: {  	[sflag:s14] =	ssyncadd.s32 $0xFFFFC000  }
.LBB2_40:
0x577: {  	v20 =	vld [tilespmem:$0x180E0]  }
0x578: {  	v21 =	vld [tilespmem:$0x180F0];
	_ =	sdelay $0x3  }
0x579: {  	vm1 =	veq.s32 v20, $0x0  }
0x57a: {  	vm2 =	veq.s32 v21, $0x0;
	v20 =	vsel vm1, $0x1, v15  }
0x57b: {  	(xrf0) =	vadd.scan.msk.s32 $0xffff, v20;
	v20 =	vsel vm2, $0x1, v15  }
0x57c: {  	(xrf0) =	vadd.scan.msk.s32 $0xffff, v20;
	_ =	sdelay $0x4  }
0x57d: {  	v20, _, _ =	vpop (xrf0)  }
0x57e: {  	(v2sf) =	vpush v20, $0xF;
	v20, _, _ =	vpop (xrf0)  }
0x57f: {  	(v2sf) =	vpush v20, $0xF;
	_ =	sdelay $0xd  }
0x580: {  	s13 =	spop (v2sf)  }
0x581: {  	s15 =	spop (v2sf)  }
0x582: {  	s15 =	ssub.s32 $0x0, s15  }
0x583: {  	p2 =	sne.s32 s13, s15  }
.Ltmp28:
0x584: {  	_ = 	snop;
	(pc) =	sbr.rel @p2 .LBB2_42-.Ltmp28, $1  }
0x585: {  	_ =	sdelay $0x3  }
.Ltmp29:
0x586: {  	(pc) =	sbr.rel .LBB2_43-.Ltmp29, $2  }
0x587: {  	_ =	sdelay $0x2  }
0x588: {  	[hbm4b:s23+s3] =	stream.linear.scatter [tilespmem:s3], [sflag:$0x2], $0x8000, $0x38;
	[tilespmem:$0x1C480] =	vst v63  }
.LBB2_42:
0x589: {  	v20 =	vsel vm1, $0x0, v6  }
0x58a: {  	v21 =	vshll.u32 v20, $0x3  }
0x58b: {  	v22 =	vand.u32 $0x7, v20;
	v21 =	vand.u32 $0xFFFFFFC0, v21  }
0x58c: {  	v21 =	vor.u32 v22, v21  }
0x58d: {  	v22 =	vperm.xlane v21, v7;
	_ =	sdelay $0x1  }
0x58e: {  	v22 =	vadd.s32 v8, v22;
	_ =	sdelay $0x3  }
0x58f: {  	[tilespmem:$0x18400] =	vst v20  }
0x590: {  	[tilespmem:s28], [sflag:$0x4] =	stream.indirect_vreg.gather [hbm4b:s2+s3], $0x80, v22, vm0, $0xb8;
	[tilespmem:$0x1C480] =	vst v63  }
0x591: {  	v20 =	vperm.xlane v21, v9  }
0x592: {  	[tilespmem:s29], [sflag:$0x4] =	stream.indirect_vreg.gather [hbm4b:s8+s3], $0x80, v22, vm0, $0xb8;
	[tilespmem:$0x1C480] =	vst v63  }
0x593: {  	v20 =	vadd.s32 v8, v20  }
0x594: {  	[tilespmem:s12], [sflag:$0x4] =	stream.indirect_vreg.gather [hbm4b:s9+s3], $0x80, v22, vm0, $0xb8;
	[tilespmem:$0x1C480] =	vst v63  }
0x595: {  	_ = 	snop  }
0x596: {  	[tilespmem:s4], [sflag:$0x4] =	stream.indirect_vreg.gather [hbm4b:s10+s3], $0x80, v22, vm0, $0xb8;
	[tilespmem:$0x1C480] =	vst v63  }
0x597: {  	_ = 	snop  }
0x598: {  	[tilespmem:s31], [sflag:$0x4] =	stream.indirect_vreg.gather [hbm4b:s2+s3], $0x80, v20, vm0, $0xb8;
	[tilespmem:$0x1C480] =	vst v63  }
0x599: {  	_ = 	snop  }
0x59a: {  	[tilespmem:s5], [sflag:$0x4] =	stream.indirect_vreg.gather [hbm4b:s8+s3], $0x80, v20, vm0, $0xb8;
	[tilespmem:$0x1C480] =	vst v63  }
0x59b: {  	_ = 	snop  }
0x59c: {  	[tilespmem:s6], [sflag:$0x4] =	stream.indirect_vreg.gather [hbm4b:s9+s3], $0x80, v20, vm0, $0xb8;
	[tilespmem:$0x1C480] =	vst v63  }
0x59d: {  	_ = 	snop  }
0x59e: {  	[tilespmem:s1], [sflag:$0x4] =	stream.indirect_vreg.gather [hbm4b:s10+s3], $0x80, v20, vm0, $0xb8;
	[tilespmem:$0x1C480] =	vst v63  }
0x59f: {  	_ =	swait.ge [sflag:s7], $0x4000  }
0x5a0: {  	[sflag:s7] =	ssyncset.done $0x0  }
0x5a1: {  	[sflag:s7] =	ssyncadd.s32 $0xFFFFC000  }
0x5a2: {  	[hbm4b:s23+s3] =	stream.linear.scatter [tilespmem:s28], [sflag:$0x5], $0x4000, $0x38;
	[tilespmem:$0x1C480] =	vst v63  }
0x5a3: {  	_ =	swait.ge [sflag:s14], $0x4000  }
0x5a4: {  	[sflag:s14] =	ssyncset.done $0x0  }
0x5a5: {  	[sflag:s14] =	ssyncadd.s32 $0xFFFFC000  }
0x5a6: {  	v20 =	vld [tilespmem:$0x180F0];
	_ =	sdelay $0x4  }
0x5a7: {  	vm1 =	veq.s32 v20, $0x0  }
0x5a8: {  	v20 =	vsel vm1, $0x0, v10  }
0x5a9: {  	v62 =	vshll.u32 v20, $0x3  }
0x5aa: {  	v63 =	vand.u32 $0x7, v20;
	v21 =	vand.u32 $0xFFFFFFC0, v62  }
0x5ab: {  	v21 =	vor.u32 v63, v21  }
0x5ac: {  	v22 =	vperm.xlane v21, v7;
	_ =	sdelay $0x1  }
0x5ad: {  	v22 =	vadd.s32 v8, v22;
	_ =	sdelay $0x3  }
0x5ae: {  	[tilespmem:$0x18400] =	vst v20  }
0x5af: {  	[tilespmem:s28], [sflag:$0x4] =	stream.indirect_vreg.gather [hbm4b:s2+s3], $0x80, v22, vm0, $0xb8;
	[tilespmem:$0x1C480] =	vst v63  }
0x5b0: {  	v20 =	vperm.xlane v21, v9  }
0x5b1: {  	[tilespmem:s29], [sflag:$0x4] =	stream.indirect_vreg.gather [hbm4b:s8+s3], $0x80, v22, vm0, $0xb8;
	[tilespmem:$0x1C480] =	vst v63  }
0x5b2: {  	v20 =	vadd.s32 v8, v20  }
0x5b3: {  	[tilespmem:s12], [sflag:$0x4] =	stream.indirect_vreg.gather [hbm4b:s9+s3], $0x80, v22, vm0, $0xb8;
	[tilespmem:$0x1C480] =	vst v63  }
0x5b4: {  	_ = 	snop  }
0x5b5: {  	[tilespmem:s4], [sflag:$0x4] =	stream.indirect_vreg.gather [hbm4b:s10+s3], $0x80, v22, vm0, $0xb8;
	[tilespmem:$0x1C480] =	vst v63  }
0x5b6: {  	_ = 	snop  }
0x5b7: {  	[tilespmem:s31], [sflag:$0x4] =	stream.indirect_vreg.gather [hbm4b:s2+s3], $0x80, v20, vm0, $0xb8;
	[tilespmem:$0x1C480] =	vst v63  }
0x5b8: {  	_ = 	snop  }
0x5b9: {  	[tilespmem:s5], [sflag:$0x4] =	stream.indirect_vreg.gather [hbm4b:s8+s3], $0x80, v20, vm0, $0xb8;
	[tilespmem:$0x1C480] =	vst v63  }
0x5ba: {  	_ = 	snop  }
0x5bb: {  	[tilespmem:s6], [sflag:$0x4] =	stream.indirect_vreg.gather [hbm4b:s9+s3], $0x80, v20, vm0, $0xb8;
	[tilespmem:$0x1C480] =	vst v63  }
0x5bc: {  	_ = 	snop  }
0x5bd: {  	[tilespmem:s1], [sflag:$0x4] =	stream.indirect_vreg.gather [hbm4b:s10+s3], $0x80, v20, vm0, $0xb8;
	[tilespmem:$0x1C480] =	vst v63  }
0x5be: {  	_ =	swait.ge [sflag:s7], $0x4000  }
0x5bf: {  	s13 =	sld [smem:$0x7FB]  }
0x5c0: {  	[sflag:s7] =	ssyncset.done $0x0  }
0x5c1: {  	[sflag:s7] =	ssyncadd.s32 $0xFFFFC000  }
0x5c2: {  	[hbm4b:s13+s3] =	stream.linear.scatter [tilespmem:s28], [sflag:$0x5], $0x4000, $0x38;
	[tilespmem:$0x1C480] =	vst v63  }
0x5c3: {  	_ =	swait.ge [sflag:s14], $0x4000  }
0x5c4: {  	[sflag:s14] =	ssyncset.done $0x0  }
0x5c5: {  	[sflag:s14] =	ssyncadd.s32 $0xFFFFC000  }
.LBB2_43:
0x5c6: {  	v20 =	vld [tilespmem:$0x18160]  }
0x5c7: {  	v21 =	vld [tilespmem:$0x18170];
	_ =	sdelay $0x3  }
0x5c8: {  	vm1 =	veq.s32 v20, $0x0  }
0x5c9: {  	vm2 =	veq.s32 v21, $0x0;
	v20 =	vsel vm1, $0x1, v15  }
0x5ca: {  	(xrf0) =	vadd.scan.msk.s32 $0xffff, v20;
	v20 =	vsel vm2, $0x1, v15  }
0x5cb: {  	(xrf0) =	vadd.scan.msk.s32 $0xffff, v20;
	_ =	sdelay $0x4  }
0x5cc: {  	v20, _, _ =	vpop (xrf0)  }
0x5cd: {  	(v2sf) =	vpush v20, $0xF;
	v20, _, _ =	vpop (xrf0)  }
0x5ce: {  	(v2sf) =	vpush v20, $0xF;
	_ =	sdelay $0xd  }
0x5cf: {  	s13 =	spop (v2sf)  }
0x5d0: {  	s15 =	spop (v2sf)  }
0x5d1: {  	s15 =	ssub.s32 $0x0, s15  }
0x5d2: {  	p3 =	sne.s32 s13, s15  }
.Ltmp30:
0x5d3: {  	_ = 	snop;
	(pc) =	sbr.rel @p3 .LBB2_45-.Ltmp30, $1  }
0x5d4: {  	_ =	sdelay $0x3  }
.Ltmp31:
0x5d5: {  	(pc) =	sbr.rel .LBB2_46-.Ltmp31, $2  }
0x5d6: {  	_ =	sdelay $0x2  }
0x5d7: {  	[hbm4b:s30+s3] =	stream.linear.scatter [tilespmem:s3], [sflag:$0x2], $0x8000, $0x38;
	[tilespmem:$0x1C480] =	vst v63  }
.LBB2_45:
0x5d8: {  	v20 =	vsel vm1, $0x0, v6  }
0x5d9: {  	v21 =	vshll.u32 v20, $0x3  }
0x5da: {  	v22 =	vand.u32 $0x7, v20;
	v21 =	vand.u32 $0xFFFFFFC0, v21  }
0x5db: {  	v21 =	vor.u32 v22, v21  }
0x5dc: {  	v22 =	vperm.xlane v21, v7;
	_ =	sdelay $0x1  }
0x5dd: {  	v22 =	vadd.s32 v8, v22;
	_ =	sdelay $0x3  }
0x5de: {  	[tilespmem:$0x18400] =	vst v20  }
0x5df: {  	[tilespmem:s28], [sflag:$0x4] =	stream.indirect_vreg.gather [hbm4b:s2+s3], $0x80, v22, vm0, $0xb8;
	[tilespmem:$0x1C480] =	vst v63  }
0x5e0: {  	v20 =	vperm.xlane v21, v9  }
0x5e1: {  	[tilespmem:s29], [sflag:$0x4] =	stream.indirect_vreg.gather [hbm4b:s8+s3], $0x80, v22, vm0, $0xb8;
	[tilespmem:$0x1C480] =	vst v63  }
0x5e2: {  	v20 =	vadd.s32 v8, v20  }
0x5e3: {  	[tilespmem:s12], [sflag:$0x4] =	stream.indirect_vreg.gather [hbm4b:s9+s3], $0x80, v22, vm0, $0xb8;
	[tilespmem:$0x1C480] =	vst v63  }
0x5e4: {  	_ = 	snop  }
0x5e5: {  	[tilespmem:s4], [sflag:$0x4] =	stream.indirect_vreg.gather [hbm4b:s10+s3], $0x80, v22, vm0, $0xb8;
	[tilespmem:$0x1C480] =	vst v63  }
0x5e6: {  	_ = 	snop  }
0x5e7: {  	[tilespmem:s31], [sflag:$0x4] =	stream.indirect_vreg.gather [hbm4b:s2+s3], $0x80, v20, vm0, $0xb8;
	[tilespmem:$0x1C480] =	vst v63  }
0x5e8: {  	_ = 	snop  }
0x5e9: {  	[tilespmem:s5], [sflag:$0x4] =	stream.indirect_vreg.gather [hbm4b:s8+s3], $0x80, v20, vm0, $0xb8;
	[tilespmem:$0x1C480] =	vst v63  }
0x5ea: {  	_ = 	snop  }
0x5eb: {  	[tilespmem:s6], [sflag:$0x4] =	stream.indirect_vreg.gather [hbm4b:s9+s3], $0x80, v20, vm0, $0xb8;
	[tilespmem:$0x1C480] =	vst v63  }
0x5ec: {  	_ = 	snop  }
0x5ed: {  	[tilespmem:s1], [sflag:$0x4] =	stream.indirect_vreg.gather [hbm4b:s10+s3], $0x80, v20, vm0, $0xb8;
	[tilespmem:$0x1C480] =	vst v63  }
0x5ee: {  	_ =	swait.ge [sflag:s7], $0x4000  }
0x5ef: {  	[sflag:s7] =	ssyncset.done $0x0  }
0x5f0: {  	[sflag:s7] =	ssyncadd.s32 $0xFFFFC000  }
0x5f1: {  	[hbm4b:s30+s3] =	stream.linear.scatter [tilespmem:s28], [sflag:$0x5], $0x4000, $0x38;
	[tilespmem:$0x1C480] =	vst v63  }
0x5f2: {  	_ =	swait.ge [sflag:s14], $0x4000  }
0x5f3: {  	[sflag:s14] =	ssyncset.done $0x0  }
0x5f4: {  	[sflag:s14] =	ssyncadd.s32 $0xFFFFC000  }
0x5f5: {  	v20 =	vld [tilespmem:$0x18170];
	_ =	sdelay $0x4  }
0x5f6: {  	vm1 =	veq.s32 v20, $0x0  }
0x5f7: {  	v20 =	vsel vm1, $0x0, v10  }
0x5f8: {  	v62 =	vshll.u32 v20, $0x3  }
0x5f9: {  	v63 =	vand.u32 $0x7, v20;
	v21 =	vand.u32 $0xFFFFFFC0, v62  }
0x5fa: {  	v21 =	vor.u32 v63, v21  }
0x5fb: {  	v22 =	vperm.xlane v21, v7;
	_ =	sdelay $0x1  }
0x5fc: {  	v22 =	vadd.s32 v8, v22;
	_ =	sdelay $0x3  }
0x5fd: {  	[tilespmem:$0x18400] =	vst v20  }
0x5fe: {  	[tilespmem:s28], [sflag:$0x4] =	stream.indirect_vreg.gather [hbm4b:s2+s3], $0x80, v22, vm0, $0xb8;
	[tilespmem:$0x1C480] =	vst v63  }
0x5ff: {  	v20 =	vperm.xlane v21, v9  }
0x600: {  	[tilespmem:s29], [sflag:$0x4] =	stream.indirect_vreg.gather [hbm4b:s8+s3], $0x80, v22, vm0, $0xb8;
	[tilespmem:$0x1C480] =	vst v63  }
0x601: {  	v20 =	vadd.s32 v8, v20  }
0x602: {  	[tilespmem:s12], [sflag:$0x4] =	stream.indirect_vreg.gather [hbm4b:s9+s3], $0x80, v22, vm0, $0xb8;
	[tilespmem:$0x1C480] =	vst v63  }
0x603: {  	_ = 	snop  }
0x604: {  	[tilespmem:s4], [sflag:$0x4] =	stream.indirect_vreg.gather [hbm4b:s10+s3], $0x80, v22, vm0, $0xb8;
	[tilespmem:$0x1C480] =	vst v63  }
0x605: {  	_ = 	snop  }
0x606: {  	[tilespmem:s31], [sflag:$0x4] =	stream.indirect_vreg.gather [hbm4b:s2+s3], $0x80, v20, vm0, $0xb8;
	[tilespmem:$0x1C480] =	vst v63  }
0x607: {  	_ = 	snop  }
0x608: {  	[tilespmem:s5], [sflag:$0x4] =	stream.indirect_vreg.gather [hbm4b:s8+s3], $0x80, v20, vm0, $0xb8;
	[tilespmem:$0x1C480] =	vst v63  }
0x609: {  	_ = 	snop  }
0x60a: {  	[tilespmem:s6], [sflag:$0x4] =	stream.indirect_vreg.gather [hbm4b:s9+s3], $0x80, v20, vm0, $0xb8;
	[tilespmem:$0x1C480] =	vst v63  }
0x60b: {  	_ = 	snop  }
0x60c: {  	[tilespmem:s1], [sflag:$0x4] =	stream.indirect_vreg.gather [hbm4b:s10+s3], $0x80, v20, vm0, $0xb8;
	[tilespmem:$0x1C480] =	vst v63  }
0x60d: {  	_ =	swait.ge [sflag:s7], $0x4000  }
0x60e: {  	s13 =	sld [smem:$0x7FC]  }
0x60f: {  	[sflag:s7] =	ssyncset.done $0x0  }
0x610: {  	[sflag:s7] =	ssyncadd.s32 $0xFFFFC000  }
0x611: {  	[hbm4b:s13+s3] =	stream.linear.scatter [tilespmem:s28], [sflag:$0x5], $0x4000, $0x38;
	[tilespmem:$0x1C480] =	vst v63  }
0x612: {  	_ =	swait.ge [sflag:s14], $0x4000  }
0x613: {  	[sflag:s14] =	ssyncset.done $0x0  }
0x614: {  	[sflag:s14] =	ssyncadd.s32 $0xFFFFC000  }
.LBB2_46:
0x615: {  	v20 =	vld [tilespmem:$0x181E0]  }
0x616: {  	v21 =	vld [tilespmem:$0x181F0];
	_ =	sdelay $0x3  }
0x617: {  	vm1 =	veq.s32 v20, $0x0  }
0x618: {  	vm2 =	veq.s32 v21, $0x0;
	v20 =	vsel vm1, $0x1, v15  }
0x619: {  	(xrf0) =	vadd.scan.msk.s32 $0xffff, v20;
	v20 =	vsel vm2, $0x1, v15  }
0x61a: {  	(xrf0) =	vadd.scan.msk.s32 $0xffff, v20;
	_ =	sdelay $0x4  }
0x61b: {  	v20, _, _ =	vpop (xrf0)  }
0x61c: {  	(v2sf) =	vpush v20, $0xF;
	v20, _, _ =	vpop (xrf0)  }
0x61d: {  	(v2sf) =	vpush v20, $0xF;
	_ =	sdelay $0xd  }
0x61e: {  	s13 =	spop (v2sf)  }
0x61f: {  	s15 =	spop (v2sf)  }
0x620: {  	s15 =	ssub.s32 $0x0, s15  }
0x621: {  	p4 =	sne.s32 s13, s15  }
.Ltmp32:
0x622: {  	_ = 	snop;
	(pc) =	sbr.rel @p4 .LBB2_48-.Ltmp32, $1  }
0x623: {  	_ =	sdelay $0x3  }
.Ltmp33:
0x624: {  	(pc) =	sbr.rel .LBB2_49-.Ltmp33, $2  }
0x625: {  	_ =	sdelay $0x2  }
0x626: {  	[hbm4b:s0+s3] =	stream.linear.scatter [tilespmem:s3], [sflag:$0x2], $0x8000, $0x38;
	[tilespmem:$0x1C480] =	vst v63  }
.LBB2_50:
0x627: {  	_ =	sfence.sel $0x180000  }
0x628: {  	[bflag:$0x0] =	sbarrier.arrive $0xFFFF  }
0x629: {  	_ =	strace $0x90000047  }
0x62a: {  	s0 =	stileid.u32;
	[bflag:$0x2] =	sbarrier.arrive $0xFFFF  }
0x62b: {  	p0 =	sne.s32 s0, $0x0;
	s0 =	rddreg [dreg:$0x3]  }
0x62c: {  	s0 =	sadd.s32 @!p0 $0x100000, s0  }
0x62d: {  	[sflag:s0] =	ssyncadd.tile.s32 @!p0 $0x1;
	_ =	shalt  }
.Lfunc_end2:
_tile_overlayer_lowered:
.L_overlay_start_2:
0x62e: {  	(tag) =	ssettag $0x2  }
0x62f: {  	s0 =	rddreg [dreg:$0x0];
	s2 =	stileid.u32  }
0x630: {  	s1 =	rddreg [dreg:$0x1];
	p0 =	sne.s32 s2, $0x0  }
0x631: {  	s3 =	rddreg [dreg:$0x2];
	[bflag:$0x3] =	sbarrier.arrive $0xFFFF;
	s2 =	simm.s32 @!p0 $0x1C06  }
0x632: {  	[timem:s3], [sflag:s2] =	dma.local @!p0 [hbm:s0], s1  }
0x633: {  	s0 =	simm.s32 @!p0 $0x6  }
0x634: {  	_ =	swait.ge @!p0 [sflag:s0], s1  }
0x635: {  	s1 =	ssub.s32 @!p0 $0x0, s1;
	[sflag:s0] =	ssyncset.done @!p0 $0x0  }
0x636: {  	[sflag:s0] =	ssyncadd.s32 @!p0 s1  }
0x637: {  	[bflag:$0x3] =	sbarrier.arrive $0xFFFF  }
0x638: {  	_ =	shalt  }

</sc_bundles>
